<compile_context>
chip_gen: v7x
topology: tpu7x:2x2x1
jax: 0.10.2.dev20260603
libtpu: 0.0.44.dev20260713+nightly
codegen_flags: <defaults>
</compile_context>

<pallas_src>
import functools

import jax
import jax.numpy as jnp
from jax import lax
from jax.experimental import pallas as pl
from jax.experimental.pallas import tpu as pltpu
from jax.experimental.pallas import tpu_sc as plsc

N = 50000
E = 800000
F = 8
NC = 2
NS = 16
NW = NC * NS
N_PAD = 51200
ROWS_PER_TILE = N_PAD // NS
EB = 100
E_BLOCKS = E // EB
BLOCKS_PER_TILE = E_BLOCKS // NW
G = 10
STEPS = BLOCKS_PER_TILE // G
WR = N_PAD * F // 128
RBW = 320
WB = WR // RBW
XB = 5120
CR = N_PAD // 128


def _seg8_body(table, edges, zrow, out, src_v, dst_v, rows_v, acc, gsem, ssem):
    cid = lax.axis_index("c")
    sid = lax.axis_index("s")
    wid = cid * NS + sid

    def zacc(k, carry):
        pltpu.sync_copy(
            zrow, acc.at[pl.ds(sid * ROWS_PER_TILE + k * 400, 400)])
        return carry

    lax.fori_loop(0, ROWS_PER_TILE // 400, zacc, 0)
    plsc.subcore_barrier()

    def load_idx(slot, g):
        base = wid * BLOCKS_PER_TILE + g * G
        pltpu.sync_copy(edges.at[0, pl.ds(base, G)], src_v.at[slot])
        pltpu.sync_copy(edges.at[1, pl.ds(base, G)], dst_v.at[slot])

    def fire_gathers(slot):
        return [
            pltpu.async_copy(
                table.at[src_v.at[slot].at[j]],
                rows_v.at[slot].at[pl.ds(j * EB, EB)], gsem)
            for j in range(G)
        ]

    def drain_gathers(slot):
        for j in range(G):
            pltpu.make_async_copy(
                table.at[src_v.at[slot].at[j]],
                rows_v.at[slot].at[pl.ds(j * EB, EB)], gsem).wait()

    def fire_scatters(slot):
        return [
            pltpu.async_copy(
                rows_v.at[slot].at[pl.ds(j * EB, EB)],
                acc.at[dst_v.at[slot].at[j]], ssem, add=True)
            for j in range(G)
        ]

    def drain_scatters(slot):
        for j in range(G):
            pltpu.make_async_copy(
                rows_v.at[slot].at[pl.ds(j * EB, EB)],
                acc.at[dst_v.at[slot].at[j]], ssem).wait()

    load_idx(0, 0)
    fire_gathers(0)

    def step(g, carry):
        s = lax.rem(g, 2)
        n = 1 - s

        @pl.when(g + 1 < STEPS)
        def _prefetch():
            load_idx(n, g + 1)

        drain_gathers(s)

        @pl.when(g >= 1)
        def _drain_prev():
            drain_scatters(n)

        fire_scatters(s)

        @pl.when(g + 1 < STEPS)
        def _fire_next():
            fire_gathers(n)

        return carry

    lax.fori_loop(0, STEPS, step, 0)
    drain_scatters((STEPS - 1) % 2)
    plsc.subcore_barrier()
    pltpu.sync_copy(
        acc.at[pl.ds(sid * ROWS_PER_TILE, ROWS_PER_TILE)],
        out.at[cid, pl.ds(sid * ROWS_PER_TILE, ROWS_PER_TILE)],
    )


def _seg8(table, edges, zrow):
    run = functools.partial(
        pl.kernel,
        mesh=plsc.VectorSubcoreMesh(core_axis_name="c", subcore_axis_name="s"),
        out_type=jax.ShapeDtypeStruct((NC, N_PAD, F), jnp.float32),
        compiler_params=pltpu.CompilerParams(use_tc_tiling_on_sc=False),
        scratch_types=[
            pltpu.VMEM((2, G, EB), jnp.int32),
            pltpu.VMEM((2, G, EB), jnp.int32),
            pltpu.VMEM((2, G * EB, F), jnp.float32),
            pltpu.VMEM_SHARED((N_PAD, F), jnp.float32),
            pltpu.SemaphoreType.DMA,
            pltpu.SemaphoreType.DMA,
        ],
    )(_seg8_body)
    return run(table, edges, zrow)


def _tab_body(t2_ref, xw_ref, out_ref):
    out_ref[...] = jnp.dot(xw_ref[...], t2_ref[...],
                           preferred_element_type=jnp.float32)


def _u_body(bm_ref, cc_ref, tab_ref, p1a_ref, p1b_ref, out_ref):
    s = p1a_ref[0] + p1b_ref[0]
    bc = bm_ref[0]
    b0 = bm_ref[1]
    b3 = bm_ref[2]
    c1 = cc_ref[0:1, 0:1]
    c = jnp.dot(s, bc, preferred_element_type=jnp.float32)
    inv = 1.0 / jnp.maximum(c, 1.0)
    has = (c >= 0.5).astype(jnp.float32)
    g1 = jnp.dot(s, b0, preferred_element_type=jnp.float32)
    d1 = jnp.dot(tab_ref[...], b3, preferred_element_type=jnp.float32)
    out_ref[...] = has * d1 + inv * g1 + c1


def _out_body(bm_ref, cc_ref, mf_ref, pj_ref, tab_ref, p1a_ref, p1b_ref,
              p2a_ref, p2b_ref, out_ref):
    s = p1a_ref[0] + p1b_ref[0]
    p2 = p2a_ref[0] + p2b_ref[0]
    bc = bm_ref[0]
    b0 = bm_ref[1]
    b1 = bm_ref[3]
    b4 = bm_ref[4]
    c0 = cc_ref[0:1, 1:2]
    bo = cc_ref[0:1, 2:3]
    c = jnp.dot(s, bc, preferred_element_type=jnp.float32)
    inv = 1.0 / jnp.maximum(c, 1.0)
    has = (c >= 0.5).astype(jnp.float32)
    g2 = jnp.dot(s, b1, preferred_element_type=jnp.float32)
    d2 = jnp.dot(tab_ref[...], b4, preferred_element_type=jnp.float32)
    w = jnp.dot(p2, b0, preferred_element_type=jnp.float32)
    val = has * d2 + inv * g2 + has * c0 + inv * w + bo
    acc = jnp.zeros((RBW // 8, 128), jnp.float32)
    for j in range(8):
        acc = acc + jnp.dot(
            pj_ref[j],
            jnp.dot(val, mf_ref[j], preferred_element_type=jnp.float32),
            preferred_element_type=jnp.float32)
    out_ref[...] = acc


_WIDE = jax.ShapeDtypeStruct((WR, 128), jnp.float32)


def _tab_stage(t2, xw2):
    return pl.pallas_call(
        _tab_body,
        grid=(WB,),
        in_specs=[pl.BlockSpec((256, 128), lambda i: (0, 0)),
                  pl.BlockSpec((RBW, 256), lambda i: (i, 0))],
        out_specs=pl.BlockSpec((RBW, 128), lambda i: (i, 0)),
        out_shape=_WIDE,
    )(t2, xw2)


def _u_stage(bm, cc, tab_w, p1w):
    rows = pl.BlockSpec((RBW, 128), lambda i: (i, 0))
    return pl.pallas_call(
        _u_body,
        grid=(WB,),
        in_specs=[pl.BlockSpec((5, 128, 128), lambda i: (0, 0, 0)),
                  pl.BlockSpec((1, 128), lambda i: (0, 0)),
                  rows,
                  pl.BlockSpec((1, RBW, 128), lambda i: (0, i, 0)),
                  pl.BlockSpec((1, RBW, 128), lambda i: (1, i, 0))],
        out_specs=rows,
        out_shape=_WIDE,
    )(bm, cc, tab_w, p1w, p1w)


def _out_stage(bm, cc, mf, pj, tab_w, p1w, p2w):
    rows = pl.BlockSpec((RBW, 128), lambda i: (i, 0))
    part0 = pl.BlockSpec((1, RBW, 128), lambda i: (0, i, 0))
    part1 = pl.BlockSpec((1, RBW, 128), lambda i: (1, i, 0))
    return pl.pallas_call(
        _out_body,
        grid=(WB,),
        in_specs=[pl.BlockSpec((5, 128, 128), lambda i: (0, 0, 0)),
                  pl.BlockSpec((1, 128), lambda i: (0, 0)),
                  pl.BlockSpec((8, 128, 128), lambda i: (0, 0, 0)),
                  pl.BlockSpec((8, RBW // 8, RBW), lambda i: (0, 0, 0)),
                  rows, part0, part1, part0, part1],
        out_specs=pl.BlockSpec((RBW // 8, 128), lambda i: (i, 0)),
        out_shape=jax.ShapeDtypeStruct((CR, 128), jnp.float32),
    )(bm, cc, mf, pj, tab_w, p1w, p1w, p2w, p2w)


def kernel(x, edge_index, W_x, b_x, W_y, b_y, W_th, b_th, W_v, b_v,
           W_e1, b_e1, W_x2, b_x2, W_e2, b_e2, W_out, b_out):
    f32 = jnp.float32

    M = jnp.concatenate(
        [W_x @ W_v[0:64], W_y @ W_v[64:128], W_th @ W_v[128:192]], axis=0)
    m0 = b_x @ W_v[0:64] + b_y @ W_v[64:128] + b_th @ W_v[128:192] + b_v
    A = W_e1[0:64]
    B = W_e1[64:128]
    C = W_e1[128:130]
    D = W_e1[130:132]
    p = (W_e2[0:64] @ W_out)[:, 0]
    q = (W_e2[64:128] @ W_out)[:, 0]
    rp = W_x2 @ p
    rq = W_x2 @ q

    def fold(r):
        ar = A @ r
        br = B @ r
        zeros5 = jnp.zeros((5,), f32)
        dst_c = jnp.concatenate([M @ ar, C @ r, (m0 @ ar + b_e1 @ r)[None], zeros5])
        src_c = jnp.concatenate([M @ br, D @ r, (m0 @ br)[None], zeros5])
        return dst_c, src_c

    a1e, a4e = fold(rp)
    b1e, b4e = fold(rq)
    c0 = b_x2 @ p + (b_e2 @ W_out)[0]
    c1 = b_x2 @ q
    bo = b_out[0]

    ones16 = jnp.zeros((16,), f32).at[10].set(1.0)
    cf8 = jnp.stack([b4e, a4e, ones16, b1e, a1e,
                     jnp.zeros(16, f32), jnp.zeros(16, f32),
                     jnp.zeros(16, f32)], axis=1)
    a_idx = jnp.arange(256)
    b_idx = jnp.arange(128)
    same_node = (a_idx[:, None] // 16) == (b_idx[None, :] // F)
    t2 = jnp.where(same_node, cf8[a_idx % 16][:, b_idx % F], 0.0)

    same_grp = (b_idx[:, None] // F) == (b_idx[None, :] // F)
    bms = jnp.stack([
        jnp.where(same_grp & ((b_idx[:, None] % F) == f), 1.0, 0.0)
        for f in (2, 0, 3, 1, 4)], axis=0)
    cc = jnp.zeros((1, 128), f32).at[0, 0].set(c1).at[0, 1].set(c0) \
        .at[0, 2].set(bo)

    mf = jnp.stack([
        jnp.where((b_idx[None, :] // 16 == j)
                  & (b_idx[:, None] == 8 * (b_idx[None, :] % 16)), 1.0, 0.0)
        for j in range(8)], axis=0)
    r_idx = jnp.arange(RBW)
    c_idx = jnp.arange(RBW // 8)
    pj = jnp.stack([
        jnp.where(r_idx[None, :] == 8 * c_idx[:, None] + j, 1.0, 0.0)
        for j in range(8)], axis=0)

    edges = edge_index.astype(jnp.int32).reshape(2, E_BLOCKS, EB)
    zrow = jnp.zeros((400, F), f32)

    xa16 = jnp.pad(jnp.concatenate([x, jnp.ones((N, 1), f32)], axis=1),
                   ((0, N_PAD - N), (0, 5)))
    xw2 = jnp.reshape(xa16, (WR, 256))
    tab_w = _tab_stage(t2, xw2)
    tab8 = jnp.reshape(tab_w, (N_PAD, F))

    p1 = _seg8(tab8, edges, zrow)
    p1w = jnp.reshape(p1, (NC, WR, 128))

    u_w = _u_stage(bms, cc, tab_w, p1w)
    u8 = jnp.reshape(u_w, (N_PAD, F))

    p2 = _seg8(u8, edges, zrow)
    p2w = jnp.reshape(p2, (NC, WR, 128))

    o_c = _out_stage(bms, cc, mf, pj, tab_w, p1w, p2w)
    return jnp.reshape(o_c, (1, N_PAD))[:, :N]

# --- scband reference (transcript-rebuilt; emitter-appended) ---
"""Pipeline reference for scband-net-55207509623321 (READ-ONLY COPY).

The authoritative reference and input builder live on the scoring server;
editing this copy changes nothing except your own understanding.
"""

import jax, jax.numpy as jnp
import numpy as np

N = 50000
E = 800000


def _lin_params(k, fan_in, fan_out):
    kw, kb = jax.random.split(k)
    lim = 1.0 / np.sqrt(fan_in)
    W = jax.random.uniform(kw, (fan_in, fan_out), minval=-lim, maxval=lim, dtype=jnp.float32)
    b = jax.random.uniform(kb, (fan_out,), minval=-lim, maxval=lim, dtype=jnp.float32)
    return W, b


def setup_inputs(seed: int = 0) -> dict:
    key = jax.random.key(seed)
    ks = jax.random.split(key, 12)
    x = jax.random.normal(ks[0], (N, 10), dtype=jnp.float32)
    edge_index = jax.random.randint(ks[1], (2, E), 0, N, dtype=jnp.int64)
    # FirstGraphNet params
    W_x, b_x = _lin_params(ks[2], 2, 64)
    W_y, b_y = _lin_params(ks[3], 2, 64)
    W_th, b_th = _lin_params(ks[4], 4, 64)
    W_v, b_v = _lin_params(ks[5], 192, 64)
    W_e1, b_e1 = _lin_params(ks[6], 132, 128)
    # FinalGraphNet params
    W_x2, b_x2 = _lin_params(ks[7], 128, 64)
    W_e2, b_e2 = _lin_params(ks[8], 128, 64)
    W_out, b_out = _lin_params(ks[9], 64, 1)
    return {
        'x': x, 'edge_index': edge_index,
        'W_x': W_x, 'b_x': b_x, 'W_y': W_y, 'b_y': b_y,
        'W_th': W_th, 'b_th': b_th, 'W_v': W_v, 'b_v': b_v,
        'W_e1': W_e1, 'b_e1': b_e1, 'W_x2': W_x2, 'b_x2': b_x2,
        'W_e2': W_e2, 'b_e2': b_e2, 'W_out': W_out, 'b_out': b_out,
    }


def _mean_aggregate(msg, dst, n_nodes):
    sums = jax.ops.segment_sum(msg, dst, num_segments=n_nodes)
    counts = jax.ops.segment_sum(jnp.ones((msg.shape[0],), dtype=msg.dtype), dst, num_segments=n_nodes)
    denom = jnp.maximum(counts, 1.0)[:, None]
    return sums / denom


def reference(x, edge_index, W_x, b_x, W_y, b_y, W_th, b_th, W_v, b_v,
              W_e1, b_e1, W_x2, b_x2, W_e2, b_e2, W_out, b_out):
    src = edge_index[0]
    dst = edge_index[1]
    n_nodes = x.shape[0]

    # ---- FirstGraphNet ----
    x_val = x[:, 0:2] @ W_x + b_x
    y_val = x[:, 2:4] @ W_y + b_y
    th_val = x[:, 4:8] @ W_th + b_th
    xyth = jnp.concatenate((x_val, y_val, th_val), axis=-1)
    f_detector = xyth @ W_v + b_v
    col = x[:, 8:10]
    # message: cat(x_i, x_j, col_i, col_j); flow source_to_target => i=dst, j=src
    edge_in1 = jnp.concatenate((f_detector[dst], f_detector[src], col[dst], col[src]), axis=-1)
    msg1 = edge_in1 @ W_e1 + b_e1
    first_output = _mean_aggregate(msg1, dst, n_nodes)  # update is identity

    # ---- FinalGraphNet ----
    x2 = first_output @ W_x2 + b_x2
    edge_in2 = jnp.concatenate((x2[dst], x2[src]), axis=-1)
    msg2 = edge_in2 @ W_e2 + b_e2
    aggr2 = _mean_aggregate(msg2, dst, n_nodes)
    out = aggr2 @ W_out + b_out  # [N, 1]

    final_output = jnp.reshape(out, (1, n_nodes))
    return final_output

if __name__ == "__main__":
    import jax
    _d = setup_inputs()
    print(jax.jit(kernel)(*tuple(_d.values())))

</pallas_src>

<mosaic_0001>
#map = affine_map<(d0, d1) -> (0, 0)>
#map1 = affine_map<(d0, d1) -> (0, 0, 0)>
module attributes {stable_mosaic.version = 14 : i64} {
  func.func @_seg8_body(%arg0: i32, %arg1: i32, %arg2: memref<51200x8xf32, #tpu.memory_space<hbm>>, %arg3: memref<2x8000x100xi32, #tpu.memory_space<hbm>>, %arg4: memref<400x8xf32, #tpu.memory_space<hbm>>, %arg5: memref<2x51200x8xf32, #tpu.memory_space<hbm>>, %arg6: memref<2x10x100xi32, #tpu.memory_space<vmem>>, %arg7: memref<2x10x100xi32, #tpu.memory_space<vmem>>, %arg8: memref<2x1000x8xf32, #tpu.memory_space<vmem>>, %arg9: memref<51200x8xf32, #tpu.memory_space<vmem_shared>>, %arg10: memref<!tpu.dma_semaphore, #tpu.memory_space<semaphore_mem>>, %arg11: memref<!tpu.dma_semaphore, #tpu.memory_space<semaphore_mem>>) attributes {dimension_semantics = [#tpu.dimension_semantics<core_parallel>, #tpu.dimension_semantics<subcore_parallel>], iteration_bounds = array<i64: 2, 16>, scalar_prefetch = 0 : i64, scratch_operands = 6 : i64, tpu.core_type = #tpu.core_type<sc_vector_subcore>, window_params = [{transform_indices = #map}, {transform_indices = #map1}, {transform_indices = #map}, {transform_indices = #map1}]} {
    %mul3A = arith.constant 16 : i32
    %mul3A_0 = arith.muli %arg0, %mul3A : i32
    %add3A = arith.addi %mul3A_0, %arg1 : i32
    %scan3A = arith.constant 0 : i32
    %scan3A_1 = arith.constant 0 : i32
    %scan3A_2 = arith.constant 8 : i32
    %scan3A_3 = arith.addi %scan3A_1, %scan3A_2 : i32
    %scan3A_4 = arith.constant 1 : i32
    scf.for %scan3A_422 = %scan3A_1 to %scan3A_3 step %scan3A_4  : i32 {
      %mul3A_423 = arith.constant 3200 : i32
      %mul3A_424 = arith.muli %arg1, %mul3A_423 : i32
      %mul3A_425 = arith.constant 400 : i32
      %mul3A_426 = arith.muli %scan3A_422, %mul3A_425 : i32
      %add3A_427 = arith.addi %mul3A_424, %mul3A_426 : i32
      "tpu.region"() ({
        %run_scoped3A_428 = tpu.sem_alloc : memref<!tpu.dma_semaphore, #tpu.memory_space<semaphore_mem>>
        %dma_start3A_429 = arith.constant 0 : i32
        %dma_start3A_430 = tpu.memref_slice %arg9[%add3A_427, %dma_start3A_429] : memref<51200x8xf32, #tpu.memory_space<vmem_shared>> -> memref<400x8xf32, #tpu.memory_space<vmem_shared>>
        tpu.enqueue_dma source(%arg4 : memref<400x8xf32, #tpu.memory_space<hbm>>) target(%dma_start3A_430 : memref<400x8xf32, #tpu.memory_space<vmem_shared>>) target_semaphore(%run_scoped3A_428 : memref<!tpu.dma_semaphore, #tpu.memory_space<semaphore_mem>>)
        %dma_wait3A_431 = arith.constant 0 : i32
        %dma_wait3A_432 = tpu.memref_slice %arg9[%add3A_427, %dma_wait3A_431] : memref<51200x8xf32, #tpu.memory_space<vmem_shared>> -> memref<400x8xf32, #tpu.memory_space<vmem_shared>>
        tpu.wait_dma2 semaphore(%run_scoped3A_428 : memref<!tpu.dma_semaphore, #tpu.memory_space<semaphore_mem>>) src(%arg4 : memref<400x8xf32, #tpu.memory_space<hbm>>) dst(%dma_wait3A_432 : memref<400x8xf32, #tpu.memory_space<vmem_shared>>)
        tpu.yield
      }) : () -> ()
    }
    %scan3A_5 = arith.constant 8 : i32
    %barrier3A = arith.constant 0 : index
    tpu.barrier barrier_id(%barrier3A)
    %mul3A_6 = arith.constant 250 : i32
    %mul3A_7 = arith.muli %add3A, %mul3A_6 : i32
    %add3A_8 = arith.constant 0 : i32
    %add3A_9 = arith.addi %mul3A_7, %add3A_8 : i32
    %run_scoped3A = arith.constant 0 : i32
    %run_scoped3A_10 = arith.constant 0 : i32
    "tpu.region"() ({
      %run_scoped3A_422 = tpu.sem_alloc : memref<!tpu.dma_semaphore, #tpu.memory_space<semaphore_mem>>
      %dma_start3A_423 = arith.constant 0 : i32
      %dma_start3A_424 = arith.constant 0 : i32
      %dma_start3A_425 = tpu.memref_slice %arg6[%run_scoped3A_10, %dma_start3A_423, %dma_start3A_424] : memref<2x10x100xi32, #tpu.memory_space<vmem>> -> memref<1x10x100xi32, #tpu.memory_space<vmem>>
      %dma_start3A_426 = tpu.memref_squeeze %dma_start3A_425 : memref<1x10x100xi32, #tpu.memory_space<vmem>> -> memref<10x100xi32, #tpu.memory_space<vmem>>
      %dma_start3A_427 = arith.constant 0 : i32
      %dma_start3A_428 = tpu.memref_slice %arg3[%run_scoped3A, %add3A_9, %dma_start3A_427] : memref<2x8000x100xi32, #tpu.memory_space<hbm>> -> memref<1x10x100xi32, #tpu.memory_space<hbm>>
      %dma_start3A_429 = tpu.memref_squeeze %dma_start3A_428 : memref<1x10x100xi32, #tpu.memory_space<hbm>> -> memref<10x100xi32, #tpu.memory_space<hbm>>
      %dma_start3A_430 = arith.constant 0 : i32
      %dma_start3A_431 = arith.constant 0 : i32
      %dma_start3A_432 = tpu.memref_slice %arg6[%run_scoped3A_10, %dma_start3A_430, %dma_start3A_431] : memref<2x10x100xi32, #tpu.memory_space<vmem>> -> memref<1x10x100xi32, #tpu.memory_space<vmem>>
      %dma_start3A_433 = tpu.memref_squeeze %dma_start3A_432 : memref<1x10x100xi32, #tpu.memory_space<vmem>> -> memref<10x100xi32, #tpu.memory_space<vmem>>
      %dma_start3A_434 = arith.constant 0 : i32
      %dma_start3A_435 = tpu.memref_slice %arg3[%run_scoped3A, %add3A_9, %dma_start3A_434] : memref<2x8000x100xi32, #tpu.memory_space<hbm>> -> memref<1x10x100xi32, #tpu.memory_space<hbm>>
      %dma_start3A_436 = tpu.memref_squeeze %dma_start3A_435 : memref<1x10x100xi32, #tpu.memory_space<hbm>> -> memref<10x100xi32, #tpu.memory_space<hbm>>
      tpu.enqueue_dma source(%dma_start3A_436 : memref<10x100xi32, #tpu.memory_space<hbm>>) target(%dma_start3A_433 : memref<10x100xi32, #tpu.memory_space<vmem>>) target_semaphore(%run_scoped3A_422 : memref<!tpu.dma_semaphore, #tpu.memory_space<semaphore_mem>>)
      %dma_wait3A_437 = arith.constant 0 : i32
      %dma_wait3A_438 = arith.constant 0 : i32
      %dma_wait3A_439 = tpu.memref_slice %arg6[%run_scoped3A_10, %dma_wait3A_437, %dma_wait3A_438] : memref<2x10x100xi32, #tpu.memory_space<vmem>> -> memref<1x10x100xi32, #tpu.memory_space<vmem>>
      %dma_wait3A_440 = tpu.memref_squeeze %dma_wait3A_439 : memref<1x10x100xi32, #tpu.memory_space<vmem>> -> memref<10x100xi32, #tpu.memory_space<vmem>>
      %dma_wait3A_441 = arith.constant 0 : i32
      %dma_wait3A_442 = tpu.memref_slice %arg3[%run_scoped3A, %add3A_9, %dma_wait3A_441] : memref<2x8000x100xi32, #tpu.memory_space<hbm>> -> memref<1x10x100xi32, #tpu.memory_space<hbm>>
      %dma_wait3A_443 = tpu.memref_squeeze %dma_wait3A_442 : memref<1x10x100xi32, #tpu.memory_space<hbm>> -> memref<10x100xi32, #tpu.memory_space<hbm>>
      %dma_wait3A_444 = arith.constant 0 : i32
      %dma_wait3A_445 = arith.constant 0 : i32
      %dma_wait3A_446 = tpu.memref_slice %arg6[%run_scoped3A_10, %dma_wait3A_444, %dma_wait3A_445] : memref<2x10x100xi32, #tpu.memory_space<vmem>> -> memref<1x10x100xi32, #tpu.memory_space<vmem>>
      %dma_wait3A_447 = tpu.memref_squeeze %dma_wait3A_446 : memref<1x10x100xi32, #tpu.memory_space<vmem>> -> memref<10x100xi32, #tpu.memory_space<vmem>>
      %dma_wait3A_448 = arith.constant 0 : i32
      %dma_wait3A_449 = tpu.memref_slice %arg3[%run_scoped3A, %add3A_9, %dma_wait3A_448] : memref<2x8000x100xi32, #tpu.memory_space<hbm>> -> memref<1x10x100xi32, #tpu.memory_space<hbm>>
      %dma_wait3A_450 = tpu.memref_squeeze %dma_wait3A_449 : memref<1x10x100xi32, #tpu.memory_space<hbm>> -> memref<10x100xi32, #tpu.memory_space<hbm>>
      tpu.wait_dma2 semaphore(%run_scoped3A_422 : memref<!tpu.dma_semaphore, #tpu.memory_space<semaphore_mem>>) src(%dma_wait3A_450 : memref<10x100xi32, #tpu.memory_space<hbm>>) dst(%dma_wait3A_447 : memref<10x100xi32, #tpu.memory_space<vmem>>)
      tpu.yield
    }) : () -> ()
    %run_scoped3A_11 = arith.constant 1 : i32
    %run_scoped3A_12 = arith.constant 0 : i32
    "tpu.region"() ({
      %run_scoped3A_422 = tpu.sem_alloc : memref<!tpu.dma_semaphore, #tpu.memory_space<semaphore_mem>>
      %dma_start3A_423 = arith.constant 0 : i32
      %dma_start3A_424 = arith.constant 0 : i32
      %dma_start3A_425 = tpu.memref_slice %arg7[%run_scoped3A_12, %dma_start3A_423, %dma_start3A_424] : memref<2x10x100xi32, #tpu.memory_space<vmem>> -> memref<1x10x100xi32, #tpu.memory_space<vmem>>
      %dma_start3A_426 = tpu.memref_squeeze %dma_start3A_425 : memref<1x10x100xi32, #tpu.memory_space<vmem>> -> memref<10x100xi32, #tpu.memory_space<vmem>>
      %dma_start3A_427 = arith.constant 0 : i32
      %dma_start3A_428 = tpu.memref_slice %arg3[%run_scoped3A_11, %add3A_9, %dma_start3A_427] : memref<2x8000x100xi32, #tpu.memory_space<hbm>> -> memref<1x10x100xi32, #tpu.memory_space<hbm>>
      %dma_start3A_429 = tpu.memref_squeeze %dma_start3A_428 : memref<1x10x100xi32, #tpu.memory_space<hbm>> -> memref<10x100xi32, #tpu.memory_space<hbm>>
      %dma_start3A_430 = arith.constant 0 : i32
      %dma_start3A_431 = arith.constant 0 : i32
      %dma_start3A_432 = tpu.memref_slice %arg7[%run_scoped3A_12, %dma_start3A_430, %dma_start3A_431] : memref<2x10x100xi32, #tpu.memory_space<vmem>> -> memref<1x10x100xi32, #tpu.memory_space<vmem>>
      %dma_start3A_433 = tpu.memref_squeeze %dma_start3A_432 : memref<1x10x100xi32, #tpu.memory_space<vmem>> -> memref<10x100xi32, #tpu.memory_space<vmem>>
      %dma_start3A_434 = arith.constant 0 : i32
      %dma_start3A_435 = tpu.memref_slice %arg3[%run_scoped3A_11, %add3A_9, %dma_start3A_434] : memref<2x8000x100xi32, #tpu.memory_space<hbm>> -> memref<1x10x100xi32, #tpu.memory_space<hbm>>
      %dma_start3A_436 = tpu.memref_squeeze %dma_start3A_435 : memref<1x10x100xi32, #tpu.memory_space<hbm>> -> memref<10x100xi32, #tpu.memory_space<hbm>>
      tpu.enqueue_dma source(%dma_start3A_436 : memref<10x100xi32, #tpu.memory_space<hbm>>) target(%dma_start3A_433 : memref<10x100xi32, #tpu.memory_space<vmem>>) target_semaphore(%run_scoped3A_422 : memref<!tpu.dma_semaphore, #tpu.memory_space<semaphore_mem>>)
      %dma_wait3A_437 = arith.constant 0 : i32
      %dma_wait3A_438 = arith.constant 0 : i32
      %dma_wait3A_439 = tpu.memref_slice %arg7[%run_scoped3A_12, %dma_wait3A_437, %dma_wait3A_438] : memref<2x10x100xi32, #tpu.memory_space<vmem>> -> memref<1x10x100xi32, #tpu.memory_space<vmem>>
      %dma_wait3A_440 = tpu.memref_squeeze %dma_wait3A_439 : memref<1x10x100xi32, #tpu.memory_space<vmem>> -> memref<10x100xi32, #tpu.memory_space<vmem>>
      %dma_wait3A_441 = arith.constant 0 : i32
      %dma_wait3A_442 = tpu.memref_slice %arg3[%run_scoped3A_11, %add3A_9, %dma_wait3A_441] : memref<2x8000x100xi32, #tpu.memory_space<hbm>> -> memref<1x10x100xi32, #tpu.memory_space<hbm>>
      %dma_wait3A_443 = tpu.memref_squeeze %dma_wait3A_442 : memref<1x10x100xi32, #tpu.memory_space<hbm>> -> memref<10x100xi32, #tpu.memory_space<hbm>>
      %dma_wait3A_444 = arith.constant 0 : i32
      %dma_wait3A_445 = arith.constant 0 : i32
      %dma_wait3A_446 = tpu.memref_slice %arg7[%run_scoped3A_12, %dma_wait3A_444, %dma_wait3A_445] : memref<2x10x100xi32, #tpu.memory_space<vmem>> -> memref<1x10x100xi32, #tpu.memory_space<vmem>>
      %dma_wait3A_447 = tpu.memref_squeeze %dma_wait3A_446 : memref<1x10x100xi32, #tpu.memory_space<vmem>> -> memref<10x100xi32, #tpu.memory_space<vmem>>
      %dma_wait3A_448 = arith.constant 0 : i32
      %dma_wait3A_449 = tpu.memref_slice %arg3[%run_scoped3A_11, %add3A_9, %dma_wait3A_448] : memref<2x8000x100xi32, #tpu.memory_space<hbm>> -> memref<1x10x100xi32, #tpu.memory_space<hbm>>
      %dma_wait3A_450 = tpu.memref_squeeze %dma_wait3A_449 : memref<1x10x100xi32, #tpu.memory_space<hbm>> -> memref<10x100xi32, #tpu.memory_space<hbm>>
      tpu.wait_dma2 semaphore(%run_scoped3A_422 : memref<!tpu.dma_semaphore, #tpu.memory_space<semaphore_mem>>) src(%dma_wait3A_450 : memref<10x100xi32, #tpu.memory_space<hbm>>) dst(%dma_wait3A_447 : memref<10x100xi32, #tpu.memory_space<vmem>>)
      tpu.yield
    }) : () -> ()
    %dma_start3A = arith.constant 0 : i32
    %dma_start3A_13 = arith.constant 0 : i32
    %dma_start3A_14 = arith.constant 0 : i32
    %dma_start3A_15 = arith.constant 0 : i32
    %dma_start3A_16 = arith.constant 0 : i32
    %dma_start3A_17 = tpu.memref_slice %arg8[%dma_start3A_14, %dma_start3A_15, %dma_start3A_16] : memref<2x1000x8xf32, #tpu.memory_space<vmem>> -> memref<1x1000x8xf32, #tpu.memory_space<vmem>>
    %dma_start3A_18 = tpu.memref_squeeze %dma_start3A_17 : memref<1x1000x8xf32, #tpu.memory_space<vmem>> -> memref<1000x8xf32, #tpu.memory_space<vmem>>
    %dma_start3A_19 = arith.constant 0 : i32
    %dma_start3A_20 = arith.constant 0 : i32
    %dma_start3A_21 = tpu.memref_slice %dma_start3A_18[%dma_start3A_19, %dma_start3A_20] : memref<1000x8xf32, #tpu.memory_space<vmem>> -> memref<100x8xf32, #tpu.memory_space<vmem>>
    %dma_start3A_22 = arith.constant 0 : i32
    %dma_start3A_23 = arith.constant 0 : i32
    %dma_start3A_24 = tpu.memref_slice %arg6[%dma_start3A, %dma_start3A_22, %dma_start3A_23] : memref<2x10x100xi32, #tpu.memory_space<vmem>> -> memref<1x10x100xi32, #tpu.memory_space<vmem>>
    %dma_start3A_25 = tpu.memref_squeeze %dma_start3A_24 : memref<1x10x100xi32, #tpu.memory_space<vmem>> -> memref<10x100xi32, #tpu.memory_space<vmem>>
    %dma_start3A_26 = arith.constant 0 : i32
    %dma_start3A_27 = tpu.memref_slice %dma_start3A_25[%dma_start3A_13, %dma_start3A_26] : memref<10x100xi32, #tpu.memory_space<vmem>> -> memref<1x100xi32, #tpu.memory_space<vmem>>
    %dma_start3A_28 = tpu.memref_squeeze %dma_start3A_27 : memref<1x100xi32, #tpu.memory_space<vmem>> -> memref<100xi32, #tpu.memory_space<vmem>>
    %dma_start3A_29 = arith.constant 0 : i32
    %dma_start3A_30 = arith.constant 0 : i32
    %dma_start3A_31 = tpu.memref_slice %arg2[%dma_start3A_29, %dma_start3A_30] : memref<51200x8xf32, #tpu.memory_space<hbm>> -> memref<51200x8xf32, #tpu.memory_space<hbm>>
    tpu.enqueue_indirect_dma source(%dma_start3A_31 : memref<51200x8xf32, #tpu.memory_space<hbm>>) target(%dma_start3A_21 : memref<100x8xf32, #tpu.memory_space<vmem>>) offsets(%dma_start3A_28 : memref<100xi32, #tpu.memory_space<vmem>>) semaphore(%arg10 : memref<!tpu.dma_semaphore, #tpu.memory_space<semaphore_mem>>)
    %dma_start3A_32 = arith.constant 0 : i32
    %dma_start3A_33 = arith.constant 1 : i32
    %dma_start3A_34 = arith.constant 0 : i32
    %dma_start3A_35 = arith.constant 0 : i32
    %dma_start3A_36 = arith.constant 0 : i32
    %dma_start3A_37 = tpu.memref_slice %arg8[%dma_start3A_34, %dma_start3A_35, %dma_start3A_36] : memref<2x1000x8xf32, #tpu.memory_space<vmem>> -> memref<1x1000x8xf32, #tpu.memory_space<vmem>>
    %dma_start3A_38 = tpu.memref_squeeze %dma_start3A_37 : memref<1x1000x8xf32, #tpu.memory_space<vmem>> -> memref<1000x8xf32, #tpu.memory_space<vmem>>
    %dma_start3A_39 = arith.constant 100 : i32
    %dma_start3A_40 = arith.constant 0 : i32
    %dma_start3A_41 = tpu.memref_slice %dma_start3A_38[%dma_start3A_39, %dma_start3A_40] : memref<1000x8xf32, #tpu.memory_space<vmem>> -> memref<100x8xf32, #tpu.memory_space<vmem>>
    %dma_start3A_42 = arith.constant 0 : i32
    %dma_start3A_43 = arith.constant 0 : i32
    %dma_start3A_44 = tpu.memref_slice %arg6[%dma_start3A_32, %dma_start3A_42, %dma_start3A_43] : memref<2x10x100xi32, #tpu.memory_space<vmem>> -> memref<1x10x100xi32, #tpu.memory_space<vmem>>
    %dma_start3A_45 = tpu.memref_squeeze %dma_start3A_44 : memref<1x10x100xi32, #tpu.memory_space<vmem>> -> memref<10x100xi32, #tpu.memory_space<vmem>>
    %dma_start3A_46 = arith.constant 0 : i32
    %dma_start3A_47 = tpu.memref_slice %dma_start3A_45[%dma_start3A_33, %dma_start3A_46] : memref<10x100xi32, #tpu.memory_space<vmem>> -> memref<1x100xi32, #tpu.memory_space<vmem>>
    %dma_start3A_48 = tpu.memref_squeeze %dma_start3A_47 : memref<1x100xi32, #tpu.memory_space<vmem>> -> memref<100xi32, #tpu.memory_space<vmem>>
    %dma_start3A_49 = arith.constant 0 : i32
    %dma_start3A_50 = arith.constant 0 : i32
    %dma_start3A_51 = tpu.memref_slice %arg2[%dma_start3A_49, %dma_start3A_50] : memref<51200x8xf32, #tpu.memory_space<hbm>> -> memref<51200x8xf32, #tpu.memory_space<hbm>>
    tpu.enqueue_indirect_dma source(%dma_start3A_51 : memref<51200x8xf32, #tpu.memory_space<hbm>>) target(%dma_start3A_41 : memref<100x8xf32, #tpu.memory_space<vmem>>) offsets(%dma_start3A_48 : memref<100xi32, #tpu.memory_space<vmem>>) semaphore(%arg10 : memref<!tpu.dma_semaphore, #tpu.memory_space<semaphore_mem>>)
    %dma_start3A_52 = arith.constant 0 : i32
    %dma_start3A_53 = arith.constant 2 : i32
    %dma_start3A_54 = arith.constant 0 : i32
    %dma_start3A_55 = arith.constant 0 : i32
    %dma_start3A_56 = arith.constant 0 : i32
    %dma_start3A_57 = tpu.memref_slice %arg8[%dma_start3A_54, %dma_start3A_55, %dma_start3A_56] : memref<2x1000x8xf32, #tpu.memory_space<vmem>> -> memref<1x1000x8xf32, #tpu.memory_space<vmem>>
    %dma_start3A_58 = tpu.memref_squeeze %dma_start3A_57 : memref<1x1000x8xf32, #tpu.memory_space<vmem>> -> memref<1000x8xf32, #tpu.memory_space<vmem>>
    %dma_start3A_59 = arith.constant 200 : i32
    %dma_start3A_60 = arith.constant 0 : i32
    %dma_start3A_61 = tpu.memref_slice %dma_start3A_58[%dma_start3A_59, %dma_start3A_60] : memref<1000x8xf32, #tpu.memory_space<vmem>> -> memref<100x8xf32, #tpu.memory_space<vmem>>
    %dma_start3A_62 = arith.constant 0 : i32
    %dma_start3A_63 = arith.constant 0 : i32
    %dma_start3A_64 = tpu.memref_slice %arg6[%dma_start3A_52, %dma_start3A_62, %dma_start3A_63] : memref<2x10x100xi32, #tpu.memory_space<vmem>> -> memref<1x10x100xi32, #tpu.memory_space<vmem>>
    %dma_start3A_65 = tpu.memref_squeeze %dma_start3A_64 : memref<1x10x100xi32, #tpu.memory_space<vmem>> -> memref<10x100xi32, #tpu.memory_space<vmem>>
    %dma_start3A_66 = arith.constant 0 : i32
    %dma_start3A_67 = tpu.memref_slice %dma_start3A_65[%dma_start3A_53, %dma_start3A_66] : memref<10x100xi32, #tpu.memory_space<vmem>> -> memref<1x100xi32, #tpu.memory_space<vmem>>
    %dma_start3A_68 = tpu.memref_squeeze %dma_start3A_67 : memref<1x100xi32, #tpu.memory_space<vmem>> -> memref<100xi32, #tpu.memory_space<vmem>>
    %dma_start3A_69 = arith.constant 0 : i32
    %dma_start3A_70 = arith.constant 0 : i32
    %dma_start3A_71 = tpu.memref_slice %arg2[%dma_start3A_69, %dma_start3A_70] : memref<51200x8xf32, #tpu.memory_space<hbm>> -> memref<51200x8xf32, #tpu.memory_space<hbm>>
    tpu.enqueue_indirect_dma source(%dma_start3A_71 : memref<51200x8xf32, #tpu.memory_space<hbm>>) target(%dma_start3A_61 : memref<100x8xf32, #tpu.memory_space<vmem>>) offsets(%dma_start3A_68 : memref<100xi32, #tpu.memory_space<vmem>>) semaphore(%arg10 : memref<!tpu.dma_semaphore, #tpu.memory_space<semaphore_mem>>)
    %dma_start3A_72 = arith.constant 0 : i32
    %dma_start3A_73 = arith.constant 3 : i32
    %dma_start3A_74 = arith.constant 0 : i32
    %dma_start3A_75 = arith.constant 0 : i32
    %dma_start3A_76 = arith.constant 0 : i32
    %dma_start3A_77 = tpu.memref_slice %arg8[%dma_start3A_74, %dma_start3A_75, %dma_start3A_76] : memref<2x1000x8xf32, #tpu.memory_space<vmem>> -> memref<1x1000x8xf32, #tpu.memory_space<vmem>>
    %dma_start3A_78 = tpu.memref_squeeze %dma_start3A_77 : memref<1x1000x8xf32, #tpu.memory_space<vmem>> -> memref<1000x8xf32, #tpu.memory_space<vmem>>
    %dma_start3A_79 = arith.constant 300 : i32
    %dma_start3A_80 = arith.constant 0 : i32
    %dma_start3A_81 = tpu.memref_slice %dma_start3A_78[%dma_start3A_79, %dma_start3A_80] : memref<1000x8xf32, #tpu.memory_space<vmem>> -> memref<100x8xf32, #tpu.memory_space<vmem>>
    %dma_start3A_82 = arith.constant 0 : i32
    %dma_start3A_83 = arith.constant 0 : i32
    %dma_start3A_84 = tpu.memref_slice %arg6[%dma_start3A_72, %dma_start3A_82, %dma_start3A_83] : memref<2x10x100xi32, #tpu.memory_space<vmem>> -> memref<1x10x100xi32, #tpu.memory_space<vmem>>
    %dma_start3A_85 = tpu.memref_squeeze %dma_start3A_84 : memref<1x10x100xi32, #tpu.memory_space<vmem>> -> memref<10x100xi32, #tpu.memory_space<vmem>>
    %dma_start3A_86 = arith.constant 0 : i32
    %dma_start3A_87 = tpu.memref_slice %dma_start3A_85[%dma_start3A_73, %dma_start3A_86] : memref<10x100xi32, #tpu.memory_space<vmem>> -> memref<1x100xi32, #tpu.memory_space<vmem>>
    %dma_start3A_88 = tpu.memref_squeeze %dma_start3A_87 : memref<1x100xi32, #tpu.memory_space<vmem>> -> memref<100xi32, #tpu.memory_space<vmem>>
    %dma_start3A_89 = arith.constant 0 : i32
    %dma_start3A_90 = arith.constant 0 : i32
    %dma_start3A_91 = tpu.memref_slice %arg2[%dma_start3A_89, %dma_start3A_90] : memref<51200x8xf32, #tpu.memory_space<hbm>> -> memref<51200x8xf32, #tpu.memory_space<hbm>>
    tpu.enqueue_indirect_dma source(%dma_start3A_91 : memref<51200x8xf32, #tpu.memory_space<hbm>>) target(%dma_start3A_81 : memref<100x8xf32, #tpu.memory_space<vmem>>) offsets(%dma_start3A_88 : memref<100xi32, #tpu.memory_space<vmem>>) semaphore(%arg10 : memref<!tpu.dma_semaphore, #tpu.memory_space<semaphore_mem>>)
    %dma_start3A_92 = arith.constant 0 : i32
    %dma_start3A_93 = arith.constant 4 : i32
    %dma_start3A_94 = arith.constant 0 : i32
    %dma_start3A_95 = arith.constant 0 : i32
    %dma_start3A_96 = arith.constant 0 : i32
    %dma_start3A_97 = tpu.memref_slice %arg8[%dma_start3A_94, %dma_start3A_95, %dma_start3A_96] : memref<2x1000x8xf32, #tpu.memory_space<vmem>> -> memref<1x1000x8xf32, #tpu.memory_space<vmem>>
    %dma_start3A_98 = tpu.memref_squeeze %dma_start3A_97 : memref<1x1000x8xf32, #tpu.memory_space<vmem>> -> memref<1000x8xf32, #tpu.memory_space<vmem>>
    %dma_start3A_99 = arith.constant 400 : i32
    %dma_start3A_100 = arith.constant 0 : i32
    %dma_start3A_101 = tpu.memref_slice %dma_start3A_98[%dma_start3A_99, %dma_start3A_100] : memref<1000x8xf32, #tpu.memory_space<vmem>> -> memref<100x8xf32, #tpu.memory_space<vmem>>
    %dma_start3A_102 = arith.constant 0 : i32
    %dma_start3A_103 = arith.constant 0 : i32
    %dma_start3A_104 = tpu.memref_slice %arg6[%dma_start3A_92, %dma_start3A_102, %dma_start3A_103] : memref<2x10x100xi32, #tpu.memory_space<vmem>> -> memref<1x10x100xi32, #tpu.memory_space<vmem>>
    %dma_start3A_105 = tpu.memref_squeeze %dma_start3A_104 : memref<1x10x100xi32, #tpu.memory_space<vmem>> -> memref<10x100xi32, #tpu.memory_space<vmem>>
    %dma_start3A_106 = arith.constant 0 : i32
    %dma_start3A_107 = tpu.memref_slice %dma_start3A_105[%dma_start3A_93, %dma_start3A_106] : memref<10x100xi32, #tpu.memory_space<vmem>> -> memref<1x100xi32, #tpu.memory_space<vmem>>
    %dma_start3A_108 = tpu.memref_squeeze %dma_start3A_107 : memref<1x100xi32, #tpu.memory_space<vmem>> -> memref<100xi32, #tpu.memory_space<vmem>>
    %dma_start3A_109 = arith.constant 0 : i32
    %dma_start3A_110 = arith.constant 0 : i32
    %dma_start3A_111 = tpu.memref_slice %arg2[%dma_start3A_109, %dma_start3A_110] : memref<51200x8xf32, #tpu.memory_space<hbm>> -> memref<51200x8xf32, #tpu.memory_space<hbm>>
    tpu.enqueue_indirect_dma source(%dma_start3A_111 : memref<51200x8xf32, #tpu.memory_space<hbm>>) target(%dma_start3A_101 : memref<100x8xf32, #tpu.memory_space<vmem>>) offsets(%dma_start3A_108 : memref<100xi32, #tpu.memory_space<vmem>>) semaphore(%arg10 : memref<!tpu.dma_semaphore, #tpu.memory_space<semaphore_mem>>)
    %dma_start3A_112 = arith.constant 0 : i32
    %dma_start3A_113 = arith.constant 5 : i32
    %dma_start3A_114 = arith.constant 0 : i32
    %dma_start3A_115 = arith.constant 0 : i32
    %dma_start3A_116 = arith.constant 0 : i32
    %dma_start3A_117 = tpu.memref_slice %arg8[%dma_start3A_114, %dma_start3A_115, %dma_start3A_116] : memref<2x1000x8xf32, #tpu.memory_space<vmem>> -> memref<1x1000x8xf32, #tpu.memory_space<vmem>>
    %dma_start3A_118 = tpu.memref_squeeze %dma_start3A_117 : memref<1x1000x8xf32, #tpu.memory_space<vmem>> -> memref<1000x8xf32, #tpu.memory_space<vmem>>
    %dma_start3A_119 = arith.constant 500 : i32
    %dma_start3A_120 = arith.constant 0 : i32
    %dma_start3A_121 = tpu.memref_slice %dma_start3A_118[%dma_start3A_119, %dma_start3A_120] : memref<1000x8xf32, #tpu.memory_space<vmem>> -> memref<100x8xf32, #tpu.memory_space<vmem>>
    %dma_start3A_122 = arith.constant 0 : i32
    %dma_start3A_123 = arith.constant 0 : i32
    %dma_start3A_124 = tpu.memref_slice %arg6[%dma_start3A_112, %dma_start3A_122, %dma_start3A_123] : memref<2x10x100xi32, #tpu.memory_space<vmem>> -> memref<1x10x100xi32, #tpu.memory_space<vmem>>
    %dma_start3A_125 = tpu.memref_squeeze %dma_start3A_124 : memref<1x10x100xi32, #tpu.memory_space<vmem>> -> memref<10x100xi32, #tpu.memory_space<vmem>>
    %dma_start3A_126 = arith.constant 0 : i32
    %dma_start3A_127 = tpu.memref_slice %dma_start3A_125[%dma_start3A_113, %dma_start3A_126] : memref<10x100xi32, #tpu.memory_space<vmem>> -> memref<1x100xi32, #tpu.memory_space<vmem>>
    %dma_start3A_128 = tpu.memref_squeeze %dma_start3A_127 : memref<1x100xi32, #tpu.memory_space<vmem>> -> memref<100xi32, #tpu.memory_space<vmem>>
    %dma_start3A_129 = arith.constant 0 : i32
    %dma_start3A_130 = arith.constant 0 : i32
    %dma_start3A_131 = tpu.memref_slice %arg2[%dma_start3A_129, %dma_start3A_130] : memref<51200x8xf32, #tpu.memory_space<hbm>> -> memref<51200x8xf32, #tpu.memory_space<hbm>>
    tpu.enqueue_indirect_dma source(%dma_start3A_131 : memref<51200x8xf32, #tpu.memory_space<hbm>>) target(%dma_start3A_121 : memref<100x8xf32, #tpu.memory_space<vmem>>) offsets(%dma_start3A_128 : memref<100xi32, #tpu.memory_space<vmem>>) semaphore(%arg10 : memref<!tpu.dma_semaphore, #tpu.memory_space<semaphore_mem>>)
    %dma_start3A_132 = arith.constant 0 : i32
    %dma_start3A_133 = arith.constant 6 : i32
    %dma_start3A_134 = arith.constant 0 : i32
    %dma_start3A_135 = arith.constant 0 : i32
    %dma_start3A_136 = arith.constant 0 : i32
    %dma_start3A_137 = tpu.memref_slice %arg8[%dma_start3A_134, %dma_start3A_135, %dma_start3A_136] : memref<2x1000x8xf32, #tpu.memory_space<vmem>> -> memref<1x1000x8xf32, #tpu.memory_space<vmem>>
    %dma_start3A_138 = tpu.memref_squeeze %dma_start3A_137 : memref<1x1000x8xf32, #tpu.memory_space<vmem>> -> memref<1000x8xf32, #tpu.memory_space<vmem>>
    %dma_start3A_139 = arith.constant 600 : i32
    %dma_start3A_140 = arith.constant 0 : i32
    %dma_start3A_141 = tpu.memref_slice %dma_start3A_138[%dma_start3A_139, %dma_start3A_140] : memref<1000x8xf32, #tpu.memory_space<vmem>> -> memref<100x8xf32, #tpu.memory_space<vmem>>
    %dma_start3A_142 = arith.constant 0 : i32
    %dma_start3A_143 = arith.constant 0 : i32
    %dma_start3A_144 = tpu.memref_slice %arg6[%dma_start3A_132, %dma_start3A_142, %dma_start3A_143] : memref<2x10x100xi32, #tpu.memory_space<vmem>> -> memref<1x10x100xi32, #tpu.memory_space<vmem>>
    %dma_start3A_145 = tpu.memref_squeeze %dma_start3A_144 : memref<1x10x100xi32, #tpu.memory_space<vmem>> -> memref<10x100xi32, #tpu.memory_space<vmem>>
    %dma_start3A_146 = arith.constant 0 : i32
    %dma_start3A_147 = tpu.memref_slice %dma_start3A_145[%dma_start3A_133, %dma_start3A_146] : memref<10x100xi32, #tpu.memory_space<vmem>> -> memref<1x100xi32, #tpu.memory_space<vmem>>
    %dma_start3A_148 = tpu.memref_squeeze %dma_start3A_147 : memref<1x100xi32, #tpu.memory_space<vmem>> -> memref<100xi32, #tpu.memory_space<vmem>>
    %dma_start3A_149 = arith.constant 0 : i32
    %dma_start3A_150 = arith.constant 0 : i32
    %dma_start3A_151 = tpu.memref_slice %arg2[%dma_start3A_149, %dma_start3A_150] : memref<51200x8xf32, #tpu.memory_space<hbm>> -> memref<51200x8xf32, #tpu.memory_space<hbm>>
    tpu.enqueue_indirect_dma source(%dma_start3A_151 : memref<51200x8xf32, #tpu.memory_space<hbm>>) target(%dma_start3A_141 : memref<100x8xf32, #tpu.memory_space<vmem>>) offsets(%dma_start3A_148 : memref<100xi32, #tpu.memory_space<vmem>>) semaphore(%arg10 : memref<!tpu.dma_semaphore, #tpu.memory_space<semaphore_mem>>)
    %dma_start3A_152 = arith.constant 0 : i32
    %dma_start3A_153 = arith.constant 7 : i32
    %dma_start3A_154 = arith.constant 0 : i32
    %dma_start3A_155 = arith.constant 0 : i32
    %dma_start3A_156 = arith.constant 0 : i32
    %dma_start3A_157 = tpu.memref_slice %arg8[%dma_start3A_154, %dma_start3A_155, %dma_start3A_156] : memref<2x1000x8xf32, #tpu.memory_space<vmem>> -> memref<1x1000x8xf32, #tpu.memory_space<vmem>>
    %dma_start3A_158 = tpu.memref_squeeze %dma_start3A_157 : memref<1x1000x8xf32, #tpu.memory_space<vmem>> -> memref<1000x8xf32, #tpu.memory_space<vmem>>
    %dma_start3A_159 = arith.constant 700 : i32
    %dma_start3A_160 = arith.constant 0 : i32
    %dma_start3A_161 = tpu.memref_slice %dma_start3A_158[%dma_start3A_159, %dma_start3A_160] : memref<1000x8xf32, #tpu.memory_space<vmem>> -> memref<100x8xf32, #tpu.memory_space<vmem>>
    %dma_start3A_162 = arith.constant 0 : i32
    %dma_start3A_163 = arith.constant 0 : i32
    %dma_start3A_164 = tpu.memref_slice %arg6[%dma_start3A_152, %dma_start3A_162, %dma_start3A_163] : memref<2x10x100xi32, #tpu.memory_space<vmem>> -> memref<1x10x100xi32, #tpu.memory_space<vmem>>
    %dma_start3A_165 = tpu.memref_squeeze %dma_start3A_164 : memref<1x10x100xi32, #tpu.memory_space<vmem>> -> memref<10x100xi32, #tpu.memory_space<vmem>>
    %dma_start3A_166 = arith.constant 0 : i32
    %dma_start3A_167 = tpu.memref_slice %dma_start3A_165[%dma_start3A_153, %dma_start3A_166] : memref<10x100xi32, #tpu.memory_space<vmem>> -> memref<1x100xi32, #tpu.memory_space<vmem>>
    %dma_start3A_168 = tpu.memref_squeeze %dma_start3A_167 : memref<1x100xi32, #tpu.memory_space<vmem>> -> memref<100xi32, #tpu.memory_space<vmem>>
    %dma_start3A_169 = arith.constant 0 : i32
    %dma_start3A_170 = arith.constant 0 : i32
    %dma_start3A_171 = tpu.memref_slice %arg2[%dma_start3A_169, %dma_start3A_170] : memref<51200x8xf32, #tpu.memory_space<hbm>> -> memref<51200x8xf32, #tpu.memory_space<hbm>>
    tpu.enqueue_indirect_dma source(%dma_start3A_171 : memref<51200x8xf32, #tpu.memory_space<hbm>>) target(%dma_start3A_161 : memref<100x8xf32, #tpu.memory_space<vmem>>) offsets(%dma_start3A_168 : memref<100xi32, #tpu.memory_space<vmem>>) semaphore(%arg10 : memref<!tpu.dma_semaphore, #tpu.memory_space<semaphore_mem>>)
    %dma_start3A_172 = arith.constant 0 : i32
    %dma_start3A_173 = arith.constant 8 : i32
    %dma_start3A_174 = arith.constant 0 : i32
    %dma_start3A_175 = arith.constant 0 : i32
    %dma_start3A_176 = arith.constant 0 : i32
    %dma_start3A_177 = tpu.memref_slice %arg8[%dma_start3A_174, %dma_start3A_175, %dma_start3A_176] : memref<2x1000x8xf32, #tpu.memory_space<vmem>> -> memref<1x1000x8xf32, #tpu.memory_space<vmem>>
    %dma_start3A_178 = tpu.memref_squeeze %dma_start3A_177 : memref<1x1000x8xf32, #tpu.memory_space<vmem>> -> memref<1000x8xf32, #tpu.memory_space<vmem>>
    %dma_start3A_179 = arith.constant 800 : i32
    %dma_start3A_180 = arith.constant 0 : i32
    %dma_start3A_181 = tpu.memref_slice %dma_start3A_178[%dma_start3A_179, %dma_start3A_180] : memref<1000x8xf32, #tpu.memory_space<vmem>> -> memref<100x8xf32, #tpu.memory_space<vmem>>
    %dma_start3A_182 = arith.constant 0 : i32
    %dma_start3A_183 = arith.constant 0 : i32
    %dma_start3A_184 = tpu.memref_slice %arg6[%dma_start3A_172, %dma_start3A_182, %dma_start3A_183] : memref<2x10x100xi32, #tpu.memory_space<vmem>> -> memref<1x10x100xi32, #tpu.memory_space<vmem>>
    %dma_start3A_185 = tpu.memref_squeeze %dma_start3A_184 : memref<1x10x100xi32, #tpu.memory_space<vmem>> -> memref<10x100xi32, #tpu.memory_space<vmem>>
    %dma_start3A_186 = arith.constant 0 : i32
    %dma_start3A_187 = tpu.memref_slice %dma_start3A_185[%dma_start3A_173, %dma_start3A_186] : memref<10x100xi32, #tpu.memory_space<vmem>> -> memref<1x100xi32, #tpu.memory_space<vmem>>
    %dma_start3A_188 = tpu.memref_squeeze %dma_start3A_187 : memref<1x100xi32, #tpu.memory_space<vmem>> -> memref<100xi32, #tpu.memory_space<vmem>>
    %dma_start3A_189 = arith.constant 0 : i32
    %dma_start3A_190 = arith.constant 0 : i32
    %dma_start3A_191 = tpu.memref_slice %arg2[%dma_start3A_189, %dma_start3A_190] : memref<51200x8xf32, #tpu.memory_space<hbm>> -> memref<51200x8xf32, #tpu.memory_space<hbm>>
    tpu.enqueue_indirect_dma source(%dma_start3A_191 : memref<51200x8xf32, #tpu.memory_space<hbm>>) target(%dma_start3A_181 : memref<100x8xf32, #tpu.memory_space<vmem>>) offsets(%dma_start3A_188 : memref<100xi32, #tpu.memory_space<vmem>>) semaphore(%arg10 : memref<!tpu.dma_semaphore, #tpu.memory_space<semaphore_mem>>)
    %dma_start3A_192 = arith.constant 0 : i32
    %dma_start3A_193 = arith.constant 9 : i32
    %dma_start3A_194 = arith.constant 0 : i32
    %dma_start3A_195 = arith.constant 0 : i32
    %dma_start3A_196 = arith.constant 0 : i32
    %dma_start3A_197 = tpu.memref_slice %arg8[%dma_start3A_194, %dma_start3A_195, %dma_start3A_196] : memref<2x1000x8xf32, #tpu.memory_space<vmem>> -> memref<1x1000x8xf32, #tpu.memory_space<vmem>>
    %dma_start3A_198 = tpu.memref_squeeze %dma_start3A_197 : memref<1x1000x8xf32, #tpu.memory_space<vmem>> -> memref<1000x8xf32, #tpu.memory_space<vmem>>
    %dma_start3A_199 = arith.constant 900 : i32
    %dma_start3A_200 = arith.constant 0 : i32
    %dma_start3A_201 = tpu.memref_slice %dma_start3A_198[%dma_start3A_199, %dma_start3A_200] : memref<1000x8xf32, #tpu.memory_space<vmem>> -> memref<100x8xf32, #tpu.memory_space<vmem>>
    %dma_start3A_202 = arith.constant 0 : i32
    %dma_start3A_203 = arith.constant 0 : i32
    %dma_start3A_204 = tpu.memref_slice %arg6[%dma_start3A_192, %dma_start3A_202, %dma_start3A_203] : memref<2x10x100xi32, #tpu.memory_space<vmem>> -> memref<1x10x100xi32, #tpu.memory_space<vmem>>
    %dma_start3A_205 = tpu.memref_squeeze %dma_start3A_204 : memref<1x10x100xi32, #tpu.memory_space<vmem>> -> memref<10x100xi32, #tpu.memory_space<vmem>>
    %dma_start3A_206 = arith.constant 0 : i32
    %dma_start3A_207 = tpu.memref_slice %dma_start3A_205[%dma_start3A_193, %dma_start3A_206] : memref<10x100xi32, #tpu.memory_space<vmem>> -> memref<1x100xi32, #tpu.memory_space<vmem>>
    %dma_start3A_208 = tpu.memref_squeeze %dma_start3A_207 : memref<1x100xi32, #tpu.memory_space<vmem>> -> memref<100xi32, #tpu.memory_space<vmem>>
    %dma_start3A_209 = arith.constant 0 : i32
    %dma_start3A_210 = arith.constant 0 : i32
    %dma_start3A_211 = tpu.memref_slice %arg2[%dma_start3A_209, %dma_start3A_210] : memref<51200x8xf32, #tpu.memory_space<hbm>> -> memref<51200x8xf32, #tpu.memory_space<hbm>>
    tpu.enqueue_indirect_dma source(%dma_start3A_211 : memref<51200x8xf32, #tpu.memory_space<hbm>>) target(%dma_start3A_201 : memref<100x8xf32, #tpu.memory_space<vmem>>) offsets(%dma_start3A_208 : memref<100xi32, #tpu.memory_space<vmem>>) semaphore(%arg10 : memref<!tpu.dma_semaphore, #tpu.memory_space<semaphore_mem>>)
    %scan3A_212 = arith.constant 0 : i32
    %scan3A_213 = arith.constant 0 : i32
    %scan3A_214 = arith.constant 25 : i32
    %scan3A_215 = arith.addi %scan3A_213, %scan3A_214 : i32
    %scan3A_216 = arith.constant 1 : i32
    scf.for %scan3A_422 = %scan3A_213 to %scan3A_215 step %scan3A_216  : i32 {
      %rem3A = arith.constant 2 : i32
      %rem3A_423 = arith.remsi %scan3A_422, %rem3A : i32
      %sub3A = arith.constant 1 : i32
      %sub3A_424 = arith.subi %sub3A, %rem3A_423 : i32
      %add3A_425 = arith.constant 1 : i32
      %add3A_426 = arith.addi %scan3A_422, %add3A_425 : i32
      %lt3A = arith.constant 25 : i32
      %lt3A_427 = arith.cmpi slt, %add3A_426, %lt3A : i32
      %convert_element_type3A = arith.extui %lt3A_427 : i1 to i32
      %cond3A = arith.constant 0 : i32
      %cond3A_428 = arith.cmpi ne, %convert_element_type3A, %cond3A : i32
      scf.if %cond3A_428 {
        %add3A_800 = arith.constant 1 : i32
        %add3A_801 = arith.addi %scan3A_422, %add3A_800 : i32
        %mul3A_802 = arith.constant 250 : i32
        %mul3A_803 = arith.muli %add3A, %mul3A_802 : i32
        %mul3A_804 = arith.constant 10 : i32
        %mul3A_805 = arith.muli %add3A_801, %mul3A_804 : i32
        %add3A_806 = arith.addi %mul3A_803, %mul3A_805 : i32
        %run_scoped3A_807 = arith.constant 0 : i32
        "tpu.region"() ({
          %run_scoped3A_809 = tpu.sem_alloc : memref<!tpu.dma_semaphore, #tpu.memory_space<semaphore_mem>>
          %dma_start3A_810 = arith.constant 0 : i32
          %dma_start3A_811 = arith.constant 0 : i32
          %dma_start3A_812 = tpu.memref_slice %arg6[%sub3A_424, %dma_start3A_810, %dma_start3A_811] : memref<2x10x100xi32, #tpu.memory_space<vmem>> -> memref<1x10x100xi32, #tpu.memory_space<vmem>>
          %dma_start3A_813 = tpu.memref_squeeze %dma_start3A_812 : memref<1x10x100xi32, #tpu.memory_space<vmem>> -> memref<10x100xi32, #tpu.memory_space<vmem>>
          %dma_start3A_814 = arith.constant 0 : i32
          %dma_start3A_815 = tpu.memref_slice %arg3[%run_scoped3A_807, %add3A_806, %dma_start3A_814] : memref<2x8000x100xi32, #tpu.memory_space<hbm>> -> memref<1x10x100xi32, #tpu.memory_space<hbm>>
          %dma_start3A_816 = tpu.memref_squeeze %dma_start3A_815 : memref<1x10x100xi32, #tpu.memory_space<hbm>> -> memref<10x100xi32, #tpu.memory_space<hbm>>
          %dma_start3A_817 = arith.constant 0 : i32
          %dma_start3A_818 = arith.constant 0 : i32
          %dma_start3A_819 = tpu.memref_slice %arg6[%sub3A_424, %dma_start3A_817, %dma_start3A_818] : memref<2x10x100xi32, #tpu.memory_space<vmem>> -> memref<1x10x100xi32, #tpu.memory_space<vmem>>
          %dma_start3A_820 = tpu.memref_squeeze %dma_start3A_819 : memref<1x10x100xi32, #tpu.memory_space<vmem>> -> memref<10x100xi32, #tpu.memory_space<vmem>>
          %dma_start3A_821 = arith.constant 0 : i32
          %dma_start3A_822 = tpu.memref_slice %arg3[%run_scoped3A_807, %add3A_806, %dma_start3A_821] : memref<2x8000x100xi32, #tpu.memory_space<hbm>> -> memref<1x10x100xi32, #tpu.memory_space<hbm>>
          %dma_start3A_823 = tpu.memref_squeeze %dma_start3A_822 : memref<1x10x100xi32, #tpu.memory_space<hbm>> -> memref<10x100xi32, #tpu.memory_space<hbm>>
          tpu.enqueue_dma source(%dma_start3A_823 : memref<10x100xi32, #tpu.memory_space<hbm>>) target(%dma_start3A_820 : memref<10x100xi32, #tpu.memory_space<vmem>>) target_semaphore(%run_scoped3A_809 : memref<!tpu.dma_semaphore, #tpu.memory_space<semaphore_mem>>)
          %dma_wait3A_824 = arith.constant 0 : i32
          %dma_wait3A_825 = arith.constant 0 : i32
          %dma_wait3A_826 = tpu.memref_slice %arg6[%sub3A_424, %dma_wait3A_824, %dma_wait3A_825] : memref<2x10x100xi32, #tpu.memory_space<vmem>> -> memref<1x10x100xi32, #tpu.memory_space<vmem>>
          %dma_wait3A_827 = tpu.memref_squeeze %dma_wait3A_826 : memref<1x10x100xi32, #tpu.memory_space<vmem>> -> memref<10x100xi32, #tpu.memory_space<vmem>>
          %dma_wait3A_828 = arith.constant 0 : i32
          %dma_wait3A_829 = tpu.memref_slice %arg3[%run_scoped3A_807, %add3A_806, %dma_wait3A_828] : memref<2x8000x100xi32, #tpu.memory_space<hbm>> -> memref<1x10x100xi32, #tpu.memory_space<hbm>>
          %dma_wait3A_830 = tpu.memref_squeeze %dma_wait3A_829 : memref<1x10x100xi32, #tpu.memory_space<hbm>> -> memref<10x100xi32, #tpu.memory_space<hbm>>
          %dma_wait3A_831 = arith.constant 0 : i32
          %dma_wait3A_832 = arith.constant 0 : i32
          %dma_wait3A_833 = tpu.memref_slice %arg6[%sub3A_424, %dma_wait3A_831, %dma_wait3A_832] : memref<2x10x100xi32, #tpu.memory_space<vmem>> -> memref<1x10x100xi32, #tpu.memory_space<vmem>>
          %dma_wait3A_834 = tpu.memref_squeeze %dma_wait3A_833 : memref<1x10x100xi32, #tpu.memory_space<vmem>> -> memref<10x100xi32, #tpu.memory_space<vmem>>
          %dma_wait3A_835 = arith.constant 0 : i32
          %dma_wait3A_836 = tpu.memref_slice %arg3[%run_scoped3A_807, %add3A_806, %dma_wait3A_835] : memref<2x8000x100xi32, #tpu.memory_space<hbm>> -> memref<1x10x100xi32, #tpu.memory_space<hbm>>
          %dma_wait3A_837 = tpu.memref_squeeze %dma_wait3A_836 : memref<1x10x100xi32, #tpu.memory_space<hbm>> -> memref<10x100xi32, #tpu.memory_space<hbm>>
          tpu.wait_dma2 semaphore(%run_scoped3A_809 : memref<!tpu.dma_semaphore, #tpu.memory_space<semaphore_mem>>) src(%dma_wait3A_837 : memref<10x100xi32, #tpu.memory_space<hbm>>) dst(%dma_wait3A_834 : memref<10x100xi32, #tpu.memory_space<vmem>>)
          tpu.yield
        }) : () -> ()
        %run_scoped3A_808 = arith.constant 1 : i32
        "tpu.region"() ({
          %run_scoped3A_809 = tpu.sem_alloc : memref<!tpu.dma_semaphore, #tpu.memory_space<semaphore_mem>>
          %dma_start3A_810 = arith.constant 0 : i32
          %dma_start3A_811 = arith.constant 0 : i32
          %dma_start3A_812 = tpu.memref_slice %arg7[%sub3A_424, %dma_start3A_810, %dma_start3A_811] : memref<2x10x100xi32, #tpu.memory_space<vmem>> -> memref<1x10x100xi32, #tpu.memory_space<vmem>>
          %dma_start3A_813 = tpu.memref_squeeze %dma_start3A_812 : memref<1x10x100xi32, #tpu.memory_space<vmem>> -> memref<10x100xi32, #tpu.memory_space<vmem>>
          %dma_start3A_814 = arith.constant 0 : i32
          %dma_start3A_815 = tpu.memref_slice %arg3[%run_scoped3A_808, %add3A_806, %dma_start3A_814] : memref<2x8000x100xi32, #tpu.memory_space<hbm>> -> memref<1x10x100xi32, #tpu.memory_space<hbm>>
          %dma_start3A_816 = tpu.memref_squeeze %dma_start3A_815 : memref<1x10x100xi32, #tpu.memory_space<hbm>> -> memref<10x100xi32, #tpu.memory_space<hbm>>
          %dma_start3A_817 = arith.constant 0 : i32
          %dma_start3A_818 = arith.constant 0 : i32
          %dma_start3A_819 = tpu.memref_slice %arg7[%sub3A_424, %dma_start3A_817, %dma_start3A_818] : memref<2x10x100xi32, #tpu.memory_space<vmem>> -> memref<1x10x100xi32, #tpu.memory_space<vmem>>
          %dma_start3A_820 = tpu.memref_squeeze %dma_start3A_819 : memref<1x10x100xi32, #tpu.memory_space<vmem>> -> memref<10x100xi32, #tpu.memory_space<vmem>>
          %dma_start3A_821 = arith.constant 0 : i32
          %dma_start3A_822 = tpu.memref_slice %arg3[%run_scoped3A_808, %add3A_806, %dma_start3A_821] : memref<2x8000x100xi32, #tpu.memory_space<hbm>> -> memref<1x10x100xi32, #tpu.memory_space<hbm>>
          %dma_start3A_823 = tpu.memref_squeeze %dma_start3A_822 : memref<1x10x100xi32, #tpu.memory_space<hbm>> -> memref<10x100xi32, #tpu.memory_space<hbm>>
          tpu.enqueue_dma source(%dma_start3A_823 : memref<10x100xi32, #tpu.memory_space<hbm>>) target(%dma_start3A_820 : memref<10x100xi32, #tpu.memory_space<vmem>>) target_semaphore(%run_scoped3A_809 : memref<!tpu.dma_semaphore, #tpu.memory_space<semaphore_mem>>)
          %dma_wait3A_824 = arith.constant 0 : i32
          %dma_wait3A_825 = arith.constant 0 : i32
          %dma_wait3A_826 = tpu.memref_slice %arg7[%sub3A_424, %dma_wait3A_824, %dma_wait3A_825] : memref<2x10x100xi32, #tpu.memory_space<vmem>> -> memref<1x10x100xi32, #tpu.memory_space<vmem>>
          %dma_wait3A_827 = tpu.memref_squeeze %dma_wait3A_826 : memref<1x10x100xi32, #tpu.memory_space<vmem>> -> memref<10x100xi32, #tpu.memory_space<vmem>>
          %dma_wait3A_828 = arith.constant 0 : i32
          %dma_wait3A_829 = tpu.memref_slice %arg3[%run_scoped3A_808, %add3A_806, %dma_wait3A_828] : memref<2x8000x100xi32, #tpu.memory_space<hbm>> -> memref<1x10x100xi32, #tpu.memory_space<hbm>>
          %dma_wait3A_830 = tpu.memref_squeeze %dma_wait3A_829 : memref<1x10x100xi32, #tpu.memory_space<hbm>> -> memref<10x100xi32, #tpu.memory_space<hbm>>
          %dma_wait3A_831 = arith.constant 0 : i32
          %dma_wait3A_832 = arith.constant 0 : i32
          %dma_wait3A_833 = tpu.memref_slice %arg7[%sub3A_424, %dma_wait3A_831, %dma_wait3A_832] : memref<2x10x100xi32, #tpu.memory_space<vmem>> -> memref<1x10x100xi32, #tpu.memory_space<vmem>>
          %dma_wait3A_834 = tpu.memref_squeeze %dma_wait3A_833 : memref<1x10x100xi32, #tpu.memory_space<vmem>> -> memref<10x100xi32, #tpu.memory_space<vmem>>
          %dma_wait3A_835 = arith.constant 0 : i32
          %dma_wait3A_836 = tpu.memref_slice %arg3[%run_scoped3A_808, %add3A_806, %dma_wait3A_835] : memref<2x8000x100xi32, #tpu.memory_space<hbm>> -> memref<1x10x100xi32, #tpu.memory_space<hbm>>
          %dma_wait3A_837 = tpu.memref_squeeze %dma_wait3A_836 : memref<1x10x100xi32, #tpu.memory_space<hbm>> -> memref<10x100xi32, #tpu.memory_space<hbm>>
          tpu.wait_dma2 semaphore(%run_scoped3A_809 : memref<!tpu.dma_semaphore, #tpu.memory_space<semaphore_mem>>) src(%dma_wait3A_837 : memref<10x100xi32, #tpu.memory_space<hbm>>) dst(%dma_wait3A_834 : memref<10x100xi32, #tpu.memory_space<vmem>>)
          tpu.yield
        }) : () -> ()
      } else {
      }
      %dma_wait3A_429 = arith.constant 0 : i32
      %dma_wait3A_430 = arith.constant 0 : i32
      %dma_wait3A_431 = arith.constant 0 : i32
      %dma_wait3A_432 = tpu.memref_slice %arg8[%rem3A_423, %dma_wait3A_430, %dma_wait3A_431] : memref<2x1000x8xf32, #tpu.memory_space<vmem>> -> memref<1x1000x8xf32, #tpu.memory_space<vmem>>
      %dma_wait3A_433 = tpu.memref_squeeze %dma_wait3A_432 : memref<1x1000x8xf32, #tpu.memory_space<vmem>> -> memref<1000x8xf32, #tpu.memory_space<vmem>>
      %dma_wait3A_434 = arith.constant 0 : i32
      %dma_wait3A_435 = arith.constant 0 : i32
      %dma_wait3A_436 = tpu.memref_slice %dma_wait3A_433[%dma_wait3A_434, %dma_wait3A_435] : memref<1000x8xf32, #tpu.memory_space<vmem>> -> memref<100x8xf32, #tpu.memory_space<vmem>>
      %dma_wait3A_437 = arith.constant 0 : i32
      %dma_wait3A_438 = arith.constant 0 : i32
      %dma_wait3A_439 = tpu.memref_slice %arg6[%rem3A_423, %dma_wait3A_437, %dma_wait3A_438] : memref<2x10x100xi32, #tpu.memory_space<vmem>> -> memref<1x10x100xi32, #tpu.memory_space<vmem>>
      %dma_wait3A_440 = tpu.memref_squeeze %dma_wait3A_439 : memref<1x10x100xi32, #tpu.memory_space<vmem>> -> memref<10x100xi32, #tpu.memory_space<vmem>>
      %dma_wait3A_441 = arith.constant 0 : i32
      %dma_wait3A_442 = tpu.memref_slice %dma_wait3A_440[%dma_wait3A_429, %dma_wait3A_441] : memref<10x100xi32, #tpu.memory_space<vmem>> -> memref<1x100xi32, #tpu.memory_space<vmem>>
      %dma_wait3A_443 = tpu.memref_squeeze %dma_wait3A_442 : memref<1x100xi32, #tpu.memory_space<vmem>> -> memref<100xi32, #tpu.memory_space<vmem>>
      %dma_wait3A_444 = arith.constant 0 : i32
      %dma_wait3A_445 = arith.constant 0 : i32
      %dma_wait3A_446 = tpu.memref_slice %arg2[%dma_wait3A_444, %dma_wait3A_445] : memref<51200x8xf32, #tpu.memory_space<hbm>> -> memref<51200x8xf32, #tpu.memory_space<hbm>>
      tpu.wait_indirect_dma semaphore(%arg10 : memref<!tpu.dma_semaphore, #tpu.memory_space<semaphore_mem>>) src(%dma_wait3A_446 : memref<51200x8xf32, #tpu.memory_space<hbm>>) dst(%dma_wait3A_436 : memref<100x8xf32, #tpu.memory_space<vmem>>)
      %dma_wait3A_447 = arith.constant 1 : i32
      %dma_wait3A_448 = arith.constant 0 : i32
      %dma_wait3A_449 = arith.constant 0 : i32
      %dma_wait3A_450 = tpu.memref_slice %arg8[%rem3A_423, %dma_wait3A_448, %dma_wait3A_449] : memref<2x1000x8xf32, #tpu.memory_space<vmem>> -> memref<1x1000x8xf32, #tpu.memory_space<vmem>>
      %dma_wait3A_451 = tpu.memref_squeeze %dma_wait3A_450 : memref<1x1000x8xf32, #tpu.memory_space<vmem>> -> memref<1000x8xf32, #tpu.memory_space<vmem>>
      %dma_wait3A_452 = arith.constant 100 : i32
      %dma_wait3A_453 = arith.constant 0 : i32
      %dma_wait3A_454 = tpu.memref_slice %dma_wait3A_451[%dma_wait3A_452, %dma_wait3A_453] : memref<1000x8xf32, #tpu.memory_space<vmem>> -> memref<100x8xf32, #tpu.memory_space<vmem>>
      %dma_wait3A_455 = arith.constant 0 : i32
      %dma_wait3A_456 = arith.constant 0 : i32
      %dma_wait3A_457 = tpu.memref_slice %arg6[%rem3A_423, %dma_wait3A_455, %dma_wait3A_456] : memref<2x10x100xi32, #tpu.memory_space<vmem>> -> memref<1x10x100xi32, #tpu.memory_space<vmem>>
      %dma_wait3A_458 = tpu.memref_squeeze %dma_wait3A_457 : memref<1x10x100xi32, #tpu.memory_space<vmem>> -> memref<10x100xi32, #tpu.memory_space<vmem>>
      %dma_wait3A_459 = arith.constant 0 : i32
      %dma_wait3A_460 = tpu.memref_slice %dma_wait3A_458[%dma_wait3A_447, %dma_wait3A_459] : memref<10x100xi32, #tpu.memory_space<vmem>> -> memref<1x100xi32, #tpu.memory_space<vmem>>
      %dma_wait3A_461 = tpu.memref_squeeze %dma_wait3A_460 : memref<1x100xi32, #tpu.memory_space<vmem>> -> memref<100xi32, #tpu.memory_space<vmem>>
      %dma_wait3A_462 = arith.constant 0 : i32
      %dma_wait3A_463 = arith.constant 0 : i32
      %dma_wait3A_464 = tpu.memref_slice %arg2[%dma_wait3A_462, %dma_wait3A_463] : memref<51200x8xf32, #tpu.memory_space<hbm>> -> memref<51200x8xf32, #tpu.memory_space<hbm>>
      tpu.wait_indirect_dma semaphore(%arg10 : memref<!tpu.dma_semaphore, #tpu.memory_space<semaphore_mem>>) src(%dma_wait3A_464 : memref<51200x8xf32, #tpu.memory_space<hbm>>) dst(%dma_wait3A_454 : memref<100x8xf32, #tpu.memory_space<vmem>>)
      %dma_wait3A_465 = arith.constant 2 : i32
      %dma_wait3A_466 = arith.constant 0 : i32
      %dma_wait3A_467 = arith.constant 0 : i32
      %dma_wait3A_468 = tpu.memref_slice %arg8[%rem3A_423, %dma_wait3A_466, %dma_wait3A_467] : memref<2x1000x8xf32, #tpu.memory_space<vmem>> -> memref<1x1000x8xf32, #tpu.memory_space<vmem>>
      %dma_wait3A_469 = tpu.memref_squeeze %dma_wait3A_468 : memref<1x1000x8xf32, #tpu.memory_space<vmem>> -> memref<1000x8xf32, #tpu.memory_space<vmem>>
      %dma_wait3A_470 = arith.constant 200 : i32
      %dma_wait3A_471 = arith.constant 0 : i32
      %dma_wait3A_472 = tpu.memref_slice %dma_wait3A_469[%dma_wait3A_470, %dma_wait3A_471] : memref<1000x8xf32, #tpu.memory_space<vmem>> -> memref<100x8xf32, #tpu.memory_space<vmem>>
      %dma_wait3A_473 = arith.constant 0 : i32
      %dma_wait3A_474 = arith.constant 0 : i32
      %dma_wait3A_475 = tpu.memref_slice %arg6[%rem3A_423, %dma_wait3A_473, %dma_wait3A_474] : memref<2x10x100xi32, #tpu.memory_space<vmem>> -> memref<1x10x100xi32, #tpu.memory_space<vmem>>
      %dma_wait3A_476 = tpu.memref_squeeze %dma_wait3A_475 : memref<1x10x100xi32, #tpu.memory_space<vmem>> -> memref<10x100xi32, #tpu.memory_space<vmem>>
      %dma_wait3A_477 = arith.constant 0 : i32
      %dma_wait3A_478 = tpu.memref_slice %dma_wait3A_476[%dma_wait3A_465, %dma_wait3A_477] : memref<10x100xi32, #tpu.memory_space<vmem>> -> memref<1x100xi32, #tpu.memory_space<vmem>>
      %dma_wait3A_479 = tpu.memref_squeeze %dma_wait3A_478 : memref<1x100xi32, #tpu.memory_space<vmem>> -> memref<100xi32, #tpu.memory_space<vmem>>
      %dma_wait3A_480 = arith.constant 0 : i32
      %dma_wait3A_481 = arith.constant 0 : i32
      %dma_wait3A_482 = tpu.memref_slice %arg2[%dma_wait3A_480, %dma_wait3A_481] : memref<51200x8xf32, #tpu.memory_space<hbm>> -> memref<51200x8xf32, #tpu.memory_space<hbm>>
      tpu.wait_indirect_dma semaphore(%arg10 : memref<!tpu.dma_semaphore, #tpu.memory_space<semaphore_mem>>) src(%dma_wait3A_482 : memref<51200x8xf32, #tpu.memory_space<hbm>>) dst(%dma_wait3A_472 : memref<100x8xf32, #tpu.memory_space<vmem>>)
      %dma_wait3A_483 = arith.constant 3 : i32
      %dma_wait3A_484 = arith.constant 0 : i32
      %dma_wait3A_485 = arith.constant 0 : i32
      %dma_wait3A_486 = tpu.memref_slice %arg8[%rem3A_423, %dma_wait3A_484, %dma_wait3A_485] : memref<2x1000x8xf32, #tpu.memory_space<vmem>> -> memref<1x1000x8xf32, #tpu.memory_space<vmem>>
      %dma_wait3A_487 = tpu.memref_squeeze %dma_wait3A_486 : memref<1x1000x8xf32, #tpu.memory_space<vmem>> -> memref<1000x8xf32, #tpu.memory_space<vmem>>
      %dma_wait3A_488 = arith.constant 300 : i32
      %dma_wait3A_489 = arith.constant 0 : i32
      %dma_wait3A_490 = tpu.memref_slice %dma_wait3A_487[%dma_wait3A_488, %dma_wait3A_489] : memref<1000x8xf32, #tpu.memory_space<vmem>> -> memref<100x8xf32, #tpu.memory_space<vmem>>
      %dma_wait3A_491 = arith.constant 0 : i32
      %dma_wait3A_492 = arith.constant 0 : i32
      %dma_wait3A_493 = tpu.memref_slice %arg6[%rem3A_423, %dma_wait3A_491, %dma_wait3A_492] : memref<2x10x100xi32, #tpu.memory_space<vmem>> -> memref<1x10x100xi32, #tpu.memory_space<vmem>>
      %dma_wait3A_494 = tpu.memref_squeeze %dma_wait3A_493 : memref<1x10x100xi32, #tpu.memory_space<vmem>> -> memref<10x100xi32, #tpu.memory_space<vmem>>
      %dma_wait3A_495 = arith.constant 0 : i32
      %dma_wait3A_496 = tpu.memref_slice %dma_wait3A_494[%dma_wait3A_483, %dma_wait3A_495] : memref<10x100xi32, #tpu.memory_space<vmem>> -> memref<1x100xi32, #tpu.memory_space<vmem>>
      %dma_wait3A_497 = tpu.memref_squeeze %dma_wait3A_496 : memref<1x100xi32, #tpu.memory_space<vmem>> -> memref<100xi32, #tpu.memory_space<vmem>>
      %dma_wait3A_498 = arith.constant 0 : i32
      %dma_wait3A_499 = arith.constant 0 : i32
      %dma_wait3A_500 = tpu.memref_slice %arg2[%dma_wait3A_498, %dma_wait3A_499] : memref<51200x8xf32, #tpu.memory_space<hbm>> -> memref<51200x8xf32, #tpu.memory_space<hbm>>
      tpu.wait_indirect_dma semaphore(%arg10 : memref<!tpu.dma_semaphore, #tpu.memory_space<semaphore_mem>>) src(%dma_wait3A_500 : memref<51200x8xf32, #tpu.memory_space<hbm>>) dst(%dma_wait3A_490 : memref<100x8xf32, #tpu.memory_space<vmem>>)
      %dma_wait3A_501 = arith.constant 4 : i32
      %dma_wait3A_502 = arith.constant 0 : i32
      %dma_wait3A_503 = arith.constant 0 : i32
      %dma_wait3A_504 = tpu.memref_slice %arg8[%rem3A_423, %dma_wait3A_502, %dma_wait3A_503] : memref<2x1000x8xf32, #tpu.memory_space<vmem>> -> memref<1x1000x8xf32, #tpu.memory_space<vmem>>
      %dma_wait3A_505 = tpu.memref_squeeze %dma_wait3A_504 : memref<1x1000x8xf32, #tpu.memory_space<vmem>> -> memref<1000x8xf32, #tpu.memory_space<vmem>>
      %dma_wait3A_506 = arith.constant 400 : i32
      %dma_wait3A_507 = arith.constant 0 : i32
      %dma_wait3A_508 = tpu.memref_slice %dma_wait3A_505[%dma_wait3A_506, %dma_wait3A_507] : memref<1000x8xf32, #tpu.memory_space<vmem>> -> memref<100x8xf32, #tpu.memory_space<vmem>>
      %dma_wait3A_509 = arith.constant 0 : i32
      %dma_wait3A_510 = arith.constant 0 : i32
      %dma_wait3A_511 = tpu.memref_slice %arg6[%rem3A_423, %dma_wait3A_509, %dma_wait3A_510] : memref<2x10x100xi32, #tpu.memory_space<vmem>> -> memref<1x10x100xi32, #tpu.memory_space<vmem>>
      %dma_wait3A_512 = tpu.memref_squeeze %dma_wait3A_511 : memref<1x10x100xi32, #tpu.memory_space<vmem>> -> memref<10x100xi32, #tpu.memory_space<vmem>>
      %dma_wait3A_513 = arith.constant 0 : i32
      %dma_wait3A_514 = tpu.memref_slice %dma_wait3A_512[%dma_wait3A_501, %dma_wait3A_513] : memref<10x100xi32, #tpu.memory_space<vmem>> -> memref<1x100xi32, #tpu.memory_space<vmem>>
      %dma_wait3A_515 = tpu.memref_squeeze %dma_wait3A_514 : memref<1x100xi32, #tpu.memory_space<vmem>> -> memref<100xi32, #tpu.memory_space<vmem>>
      %dma_wait3A_516 = arith.constant 0 : i32
      %dma_wait3A_517 = arith.constant 0 : i32
      %dma_wait3A_518 = tpu.memref_slice %arg2[%dma_wait3A_516, %dma_wait3A_517] : memref<51200x8xf32, #tpu.memory_space<hbm>> -> memref<51200x8xf32, #tpu.memory_space<hbm>>
      tpu.wait_indirect_dma semaphore(%arg10 : memref<!tpu.dma_semaphore, #tpu.memory_space<semaphore_mem>>) src(%dma_wait3A_518 : memref<51200x8xf32, #tpu.memory_space<hbm>>) dst(%dma_wait3A_508 : memref<100x8xf32, #tpu.memory_space<vmem>>)
      %dma_wait3A_519 = arith.constant 5 : i32
      %dma_wait3A_520 = arith.constant 0 : i32
      %dma_wait3A_521 = arith.constant 0 : i32
      %dma_wait3A_522 = tpu.memref_slice %arg8[%rem3A_423, %dma_wait3A_520, %dma_wait3A_521] : memref<2x1000x8xf32, #tpu.memory_space<vmem>> -> memref<1x1000x8xf32, #tpu.memory_space<vmem>>
      %dma_wait3A_523 = tpu.memref_squeeze %dma_wait3A_522 : memref<1x1000x8xf32, #tpu.memory_space<vmem>> -> memref<1000x8xf32, #tpu.memory_space<vmem>>
      %dma_wait3A_524 = arith.constant 500 : i32
      %dma_wait3A_525 = arith.constant 0 : i32
      %dma_wait3A_526 = tpu.memref_slice %dma_wait3A_523[%dma_wait3A_524, %dma_wait3A_525] : memref<1000x8xf32, #tpu.memory_space<vmem>> -> memref<100x8xf32, #tpu.memory_space<vmem>>
      %dma_wait3A_527 = arith.constant 0 : i32
      %dma_wait3A_528 = arith.constant 0 : i32
      %dma_wait3A_529 = tpu.memref_slice %arg6[%rem3A_423, %dma_wait3A_527, %dma_wait3A_528] : memref<2x10x100xi32, #tpu.memory_space<vmem>> -> memref<1x10x100xi32, #tpu.memory_space<vmem>>
      %dma_wait3A_530 = tpu.memref_squeeze %dma_wait3A_529 : memref<1x10x100xi32, #tpu.memory_space<vmem>> -> memref<10x100xi32, #tpu.memory_space<vmem>>
      %dma_wait3A_531 = arith.constant 0 : i32
      %dma_wait3A_532 = tpu.memref_slice %dma_wait3A_530[%dma_wait3A_519, %dma_wait3A_531] : memref<10x100xi32, #tpu.memory_space<vmem>> -> memref<1x100xi32, #tpu.memory_space<vmem>>
      %dma_wait3A_533 = tpu.memref_squeeze %dma_wait3A_532 : memref<1x100xi32, #tpu.memory_space<vmem>> -> memref<100xi32, #tpu.memory_space<vmem>>
      %dma_wait3A_534 = arith.constant 0 : i32
      %dma_wait3A_535 = arith.constant 0 : i32
      %dma_wait3A_536 = tpu.memref_slice %arg2[%dma_wait3A_534, %dma_wait3A_535] : memref<51200x8xf32, #tpu.memory_space<hbm>> -> memref<51200x8xf32, #tpu.memory_space<hbm>>
      tpu.wait_indirect_dma semaphore(%arg10 : memref<!tpu.dma_semaphore, #tpu.memory_space<semaphore_mem>>) src(%dma_wait3A_536 : memref<51200x8xf32, #tpu.memory_space<hbm>>) dst(%dma_wait3A_526 : memref<100x8xf32, #tpu.memory_space<vmem>>)
      %dma_wait3A_537 = arith.constant 6 : i32
      %dma_wait3A_538 = arith.constant 0 : i32
      %dma_wait3A_539 = arith.constant 0 : i32
      %dma_wait3A_540 = tpu.memref_slice %arg8[%rem3A_423, %dma_wait3A_538, %dma_wait3A_539] : memref<2x1000x8xf32, #tpu.memory_space<vmem>> -> memref<1x1000x8xf32, #tpu.memory_space<vmem>>
      %dma_wait3A_541 = tpu.memref_squeeze %dma_wait3A_540 : memref<1x1000x8xf32, #tpu.memory_space<vmem>> -> memref<1000x8xf32, #tpu.memory_space<vmem>>
      %dma_wait3A_542 = arith.constant 600 : i32
      %dma_wait3A_543 = arith.constant 0 : i32
      %dma_wait3A_544 = tpu.memref_slice %dma_wait3A_541[%dma_wait3A_542, %dma_wait3A_543] : memref<1000x8xf32, #tpu.memory_space<vmem>> -> memref<100x8xf32, #tpu.memory_space<vmem>>
      %dma_wait3A_545 = arith.constant 0 : i32
      %dma_wait3A_546 = arith.constant 0 : i32
      %dma_wait3A_547 = tpu.memref_slice %arg6[%rem3A_423, %dma_wait3A_545, %dma_wait3A_546] : memref<2x10x100xi32, #tpu.memory_space<vmem>> -> memref<1x10x100xi32, #tpu.memory_space<vmem>>
      %dma_wait3A_548 = tpu.memref_squeeze %dma_wait3A_547 : memref<1x10x100xi32, #tpu.memory_space<vmem>> -> memref<10x100xi32, #tpu.memory_space<vmem>>
      %dma_wait3A_549 = arith.constant 0 : i32
      %dma_wait3A_550 = tpu.memref_slice %dma_wait3A_548[%dma_wait3A_537, %dma_wait3A_549] : memref<10x100xi32, #tpu.memory_space<vmem>> -> memref<1x100xi32, #tpu.memory_space<vmem>>
      %dma_wait3A_551 = tpu.memref_squeeze %dma_wait3A_550 : memref<1x100xi32, #tpu.memory_space<vmem>> -> memref<100xi32, #tpu.memory_space<vmem>>
      %dma_wait3A_552 = arith.constant 0 : i32
      %dma_wait3A_553 = arith.constant 0 : i32
      %dma_wait3A_554 = tpu.memref_slice %arg2[%dma_wait3A_552, %dma_wait3A_553] : memref<51200x8xf32, #tpu.memory_space<hbm>> -> memref<51200x8xf32, #tpu.memory_space<hbm>>
      tpu.wait_indirect_dma semaphore(%arg10 : memref<!tpu.dma_semaphore, #tpu.memory_space<semaphore_mem>>) src(%dma_wait3A_554 : memref<51200x8xf32, #tpu.memory_space<hbm>>) dst(%dma_wait3A_544 : memref<100x8xf32, #tpu.memory_space<vmem>>)
      %dma_wait3A_555 = arith.constant 7 : i32
      %dma_wait3A_556 = arith.constant 0 : i32
      %dma_wait3A_557 = arith.constant 0 : i32
      %dma_wait3A_558 = tpu.memref_slice %arg8[%rem3A_423, %dma_wait3A_556, %dma_wait3A_557] : memref<2x1000x8xf32, #tpu.memory_space<vmem>> -> memref<1x1000x8xf32, #tpu.memory_space<vmem>>
      %dma_wait3A_559 = tpu.memref_squeeze %dma_wait3A_558 : memref<1x1000x8xf32, #tpu.memory_space<vmem>> -> memref<1000x8xf32, #tpu.memory_space<vmem>>
      %dma_wait3A_560 = arith.constant 700 : i32
      %dma_wait3A_561 = arith.constant 0 : i32
      %dma_wait3A_562 = tpu.memref_slice %dma_wait3A_559[%dma_wait3A_560, %dma_wait3A_561] : memref<1000x8xf32, #tpu.memory_space<vmem>> -> memref<100x8xf32, #tpu.memory_space<vmem>>
      %dma_wait3A_563 = arith.constant 0 : i32
      %dma_wait3A_564 = arith.constant 0 : i32
      %dma_wait3A_565 = tpu.memref_slice %arg6[%rem3A_423, %dma_wait3A_563, %dma_wait3A_564] : memref<2x10x100xi32, #tpu.memory_space<vmem>> -> memref<1x10x100xi32, #tpu.memory_space<vmem>>
      %dma_wait3A_566 = tpu.memref_squeeze %dma_wait3A_565 : memref<1x10x100xi32, #tpu.memory_space<vmem>> -> memref<10x100xi32, #tpu.memory_space<vmem>>
      %dma_wait3A_567 = arith.constant 0 : i32
      %dma_wait3A_568 = tpu.memref_slice %dma_wait3A_566[%dma_wait3A_555, %dma_wait3A_567] : memref<10x100xi32, #tpu.memory_space<vmem>> -> memref<1x100xi32, #tpu.memory_space<vmem>>
      %dma_wait3A_569 = tpu.memref_squeeze %dma_wait3A_568 : memref<1x100xi32, #tpu.memory_space<vmem>> -> memref<100xi32, #tpu.memory_space<vmem>>
      %dma_wait3A_570 = arith.constant 0 : i32
      %dma_wait3A_571 = arith.constant 0 : i32
      %dma_wait3A_572 = tpu.memref_slice %arg2[%dma_wait3A_570, %dma_wait3A_571] : memref<51200x8xf32, #tpu.memory_space<hbm>> -> memref<51200x8xf32, #tpu.memory_space<hbm>>
      tpu.wait_indirect_dma semaphore(%arg10 : memref<!tpu.dma_semaphore, #tpu.memory_space<semaphore_mem>>) src(%dma_wait3A_572 : memref<51200x8xf32, #tpu.memory_space<hbm>>) dst(%dma_wait3A_562 : memref<100x8xf32, #tpu.memory_space<vmem>>)
      %dma_wait3A_573 = arith.constant 8 : i32
      %dma_wait3A_574 = arith.constant 0 : i32
      %dma_wait3A_575 = arith.constant 0 : i32
      %dma_wait3A_576 = tpu.memref_slice %arg8[%rem3A_423, %dma_wait3A_574, %dma_wait3A_575] : memref<2x1000x8xf32, #tpu.memory_space<vmem>> -> memref<1x1000x8xf32, #tpu.memory_space<vmem>>
      %dma_wait3A_577 = tpu.memref_squeeze %dma_wait3A_576 : memref<1x1000x8xf32, #tpu.memory_space<vmem>> -> memref<1000x8xf32, #tpu.memory_space<vmem>>
      %dma_wait3A_578 = arith.constant 800 : i32
      %dma_wait3A_579 = arith.constant 0 : i32
      %dma_wait3A_580 = tpu.memref_slice %dma_wait3A_577[%dma_wait3A_578, %dma_wait3A_579] : memref<1000x8xf32, #tpu.memory_space<vmem>> -> memref<100x8xf32, #tpu.memory_space<vmem>>
      %dma_wait3A_581 = arith.constant 0 : i32
      %dma_wait3A_582 = arith.constant 0 : i32
      %dma_wait3A_583 = tpu.memref_slice %arg6[%rem3A_423, %dma_wait3A_581, %dma_wait3A_582] : memref<2x10x100xi32, #tpu.memory_space<vmem>> -> memref<1x10x100xi32, #tpu.memory_space<vmem>>
      %dma_wait3A_584 = tpu.memref_squeeze %dma_wait3A_583 : memref<1x10x100xi32, #tpu.memory_space<vmem>> -> memref<10x100xi32, #tpu.memory_space<vmem>>
      %dma_wait3A_585 = arith.constant 0 : i32
      %dma_wait3A_586 = tpu.memref_slice %dma_wait3A_584[%dma_wait3A_573, %dma_wait3A_585] : memref<10x100xi32, #tpu.memory_space<vmem>> -> memref<1x100xi32, #tpu.memory_space<vmem>>
      %dma_wait3A_587 = tpu.memref_squeeze %dma_wait3A_586 : memref<1x100xi32, #tpu.memory_space<vmem>> -> memref<100xi32, #tpu.memory_space<vmem>>
      %dma_wait3A_588 = arith.constant 0 : i32
      %dma_wait3A_589 = arith.constant 0 : i32
      %dma_wait3A_590 = tpu.memref_slice %arg2[%dma_wait3A_588, %dma_wait3A_589] : memref<51200x8xf32, #tpu.memory_space<hbm>> -> memref<51200x8xf32, #tpu.memory_space<hbm>>
      tpu.wait_indirect_dma semaphore(%arg10 : memref<!tpu.dma_semaphore, #tpu.memory_space<semaphore_mem>>) src(%dma_wait3A_590 : memref<51200x8xf32, #tpu.memory_space<hbm>>) dst(%dma_wait3A_580 : memref<100x8xf32, #tpu.memory_space<vmem>>)
      %dma_wait3A_591 = arith.constant 9 : i32
      %dma_wait3A_592 = arith.constant 0 : i32
      %dma_wait3A_593 = arith.constant 0 : i32
      %dma_wait3A_594 = tpu.memref_slice %arg8[%rem3A_423, %dma_wait3A_592, %dma_wait3A_593] : memref<2x1000x8xf32, #tpu.memory_space<vmem>> -> memref<1x1000x8xf32, #tpu.memory_space<vmem>>
      %dma_wait3A_595 = tpu.memref_squeeze %dma_wait3A_594 : memref<1x1000x8xf32, #tpu.memory_space<vmem>> -> memref<1000x8xf32, #tpu.memory_space<vmem>>
      %dma_wait3A_596 = arith.constant 900 : i32
      %dma_wait3A_597 = arith.constant 0 : i32
      %dma_wait3A_598 = tpu.memref_slice %dma_wait3A_595[%dma_wait3A_596, %dma_wait3A_597] : memref<1000x8xf32, #tpu.memory_space<vmem>> -> memref<100x8xf32, #tpu.memory_space<vmem>>
      %dma_wait3A_599 = arith.constant 0 : i32
      %dma_wait3A_600 = arith.constant 0 : i32
      %dma_wait3A_601 = tpu.memref_slice %arg6[%rem3A_423, %dma_wait3A_599, %dma_wait3A_600] : memref<2x10x100xi32, #tpu.memory_space<vmem>> -> memref<1x10x100xi32, #tpu.memory_space<vmem>>
      %dma_wait3A_602 = tpu.memref_squeeze %dma_wait3A_601 : memref<1x10x100xi32, #tpu.memory_space<vmem>> -> memref<10x100xi32, #tpu.memory_space<vmem>>
      %dma_wait3A_603 = arith.constant 0 : i32
      %dma_wait3A_604 = tpu.memref_slice %dma_wait3A_602[%dma_wait3A_591, %dma_wait3A_603] : memref<10x100xi32, #tpu.memory_space<vmem>> -> memref<1x100xi32, #tpu.memory_space<vmem>>
      %dma_wait3A_605 = tpu.memref_squeeze %dma_wait3A_604 : memref<1x100xi32, #tpu.memory_space<vmem>> -> memref<100xi32, #tpu.memory_space<vmem>>
      %dma_wait3A_606 = arith.constant 0 : i32
      %dma_wait3A_607 = arith.constant 0 : i32
      %dma_wait3A_608 = tpu.memref_slice %arg2[%dma_wait3A_606, %dma_wait3A_607] : memref<51200x8xf32, #tpu.memory_space<hbm>> -> memref<51200x8xf32, #tpu.memory_space<hbm>>
      tpu.wait_indirect_dma semaphore(%arg10 : memref<!tpu.dma_semaphore, #tpu.memory_space<semaphore_mem>>) src(%dma_wait3A_608 : memref<51200x8xf32, #tpu.memory_space<hbm>>) dst(%dma_wait3A_598 : memref<100x8xf32, #tpu.memory_space<vmem>>)
      %ge3A = arith.constant 1 : i32
      %ge3A_609 = arith.cmpi sge, %scan3A_422, %ge3A : i32
      %convert_element_type3A_610 = arith.extui %ge3A_609 : i1 to i32
      %cond3A_611 = arith.constant 0 : i32
      %cond3A_612 = arith.cmpi ne, %convert_element_type3A_610, %cond3A_611 : i32
      scf.if %cond3A_612 {
        %dma_wait3A_800 = arith.constant 0 : i32
        %dma_wait3A_801 = arith.constant 0 : i32
        %dma_wait3A_802 = arith.constant 0 : i32
        %dma_wait3A_803 = tpu.memref_slice %arg8[%sub3A_424, %dma_wait3A_801, %dma_wait3A_802] : memref<2x1000x8xf32, #tpu.memory_space<vmem>> -> memref<1x1000x8xf32, #tpu.memory_space<vmem>>
        %dma_wait3A_804 = tpu.memref_squeeze %dma_wait3A_803 : memref<1x1000x8xf32, #tpu.memory_space<vmem>> -> memref<1000x8xf32, #tpu.memory_space<vmem>>
        %dma_wait3A_805 = arith.constant 0 : i32
        %dma_wait3A_806 = arith.constant 0 : i32
        %dma_wait3A_807 = tpu.memref_slice %dma_wait3A_804[%dma_wait3A_805, %dma_wait3A_806] : memref<1000x8xf32, #tpu.memory_space<vmem>> -> memref<100x8xf32, #tpu.memory_space<vmem>>
        %dma_wait3A_808 = arith.constant 0 : i32
        %dma_wait3A_809 = arith.constant 0 : i32
        %dma_wait3A_810 = tpu.memref_slice %arg7[%sub3A_424, %dma_wait3A_808, %dma_wait3A_809] : memref<2x10x100xi32, #tpu.memory_space<vmem>> -> memref<1x10x100xi32, #tpu.memory_space<vmem>>
        %dma_wait3A_811 = tpu.memref_squeeze %dma_wait3A_810 : memref<1x10x100xi32, #tpu.memory_space<vmem>> -> memref<10x100xi32, #tpu.memory_space<vmem>>
        %dma_wait3A_812 = arith.constant 0 : i32
        %dma_wait3A_813 = tpu.memref_slice %dma_wait3A_811[%dma_wait3A_800, %dma_wait3A_812] : memref<10x100xi32, #tpu.memory_space<vmem>> -> memref<1x100xi32, #tpu.memory_space<vmem>>
        %dma_wait3A_814 = tpu.memref_squeeze %dma_wait3A_813 : memref<1x100xi32, #tpu.memory_space<vmem>> -> memref<100xi32, #tpu.memory_space<vmem>>
        %dma_wait3A_815 = arith.constant 0 : i32
        %dma_wait3A_816 = arith.constant 0 : i32
        %dma_wait3A_817 = tpu.memref_slice %arg9[%dma_wait3A_815, %dma_wait3A_816] : memref<51200x8xf32, #tpu.memory_space<vmem_shared>> -> memref<51200x8xf32, #tpu.memory_space<vmem_shared>>
        tpu.wait_indirect_dma semaphore(%arg11 : memref<!tpu.dma_semaphore, #tpu.memory_space<semaphore_mem>>) src(%dma_wait3A_807 : memref<100x8xf32, #tpu.memory_space<vmem>>) dst(%dma_wait3A_817 : memref<51200x8xf32, #tpu.memory_space<vmem_shared>>)
        %dma_wait3A_818 = arith.constant 1 : i32
        %dma_wait3A_819 = arith.constant 0 : i32
        %dma_wait3A_820 = arith.constant 0 : i32
        %dma_wait3A_821 = tpu.memref_slice %arg8[%sub3A_424, %dma_wait3A_819, %dma_wait3A_820] : memref<2x1000x8xf32, #tpu.memory_space<vmem>> -> memref<1x1000x8xf32, #tpu.memory_space<vmem>>
        %dma_wait3A_822 = tpu.memref_squeeze %dma_wait3A_821 : memref<1x1000x8xf32, #tpu.memory_space<vmem>> -> memref<1000x8xf32, #tpu.memory_space<vmem>>
        %dma_wait3A_823 = arith.constant 100 : i32
        %dma_wait3A_824 = arith.constant 0 : i32
        %dma_wait3A_825 = tpu.memref_slice %dma_wait3A_822[%dma_wait3A_823, %dma_wait3A_824] : memref<1000x8xf32, #tpu.memory_space<vmem>> -> memref<100x8xf32, #tpu.memory_space<vmem>>
        %dma_wait3A_826 = arith.constant 0 : i32
        %dma_wait3A_827 = arith.constant 0 : i32
        %dma_wait3A_828 = tpu.memref_slice %arg7[%sub3A_424, %dma_wait3A_826, %dma_wait3A_827] : memref<2x10x100xi32, #tpu.memory_space<vmem>> -> memref<1x10x100xi32, #tpu.memory_space<vmem>>
        %dma_wait3A_829 = tpu.memref_squeeze %dma_wait3A_828 : memref<1x10x100xi32, #tpu.memory_space<vmem>> -> memref<10x100xi32, #tpu.memory_space<vmem>>
        %dma_wait3A_830 = arith.constant 0 : i32
        %dma_wait3A_831 = tpu.memref_slice %dma_wait3A_829[%dma_wait3A_818, %dma_wait3A_830] : memref<10x100xi32, #tpu.memory_space<vmem>> -> memref<1x100xi32, #tpu.memory_space<vmem>>
        %dma_wait3A_832 = tpu.memref_squeeze %dma_wait3A_831 : memref<1x100xi32, #tpu.memory_space<vmem>> -> memref<100xi32, #tpu.memory_space<vmem>>
        %dma_wait3A_833 = arith.constant 0 : i32
        %dma_wait3A_834 = arith.constant 0 : i32
        %dma_wait3A_835 = tpu.memref_slice %arg9[%dma_wait3A_833, %dma_wait3A_834] : memref<51200x8xf32, #tpu.memory_space<vmem_shared>> -> memref<51200x8xf32, #tpu.memory_space<vmem_shared>>
        tpu.wait_indirect_dma semaphore(%arg11 : memref<!tpu.dma_semaphore, #tpu.memory_space<semaphore_mem>>) src(%dma_wait3A_825 : memref<100x8xf32, #tpu.memory_space<vmem>>) dst(%dma_wait3A_835 : memref<51200x8xf32, #tpu.memory_space<vmem_shared>>)
        %dma_wait3A_836 = arith.constant 2 : i32
        %dma_wait3A_837 = arith.constant 0 : i32
        %dma_wait3A_838 = arith.constant 0 : i32
        %dma_wait3A_839 = tpu.memref_slice %arg8[%sub3A_424, %dma_wait3A_837, %dma_wait3A_838] : memref<2x1000x8xf32, #tpu.memory_space<vmem>> -> memref<1x1000x8xf32, #tpu.memory_space<vmem>>
        %dma_wait3A_840 = tpu.memref_squeeze %dma_wait3A_839 : memref<1x1000x8xf32, #tpu.memory_space<vmem>> -> memref<1000x8xf32, #tpu.memory_space<vmem>>
        %dma_wait3A_841 = arith.constant 200 : i32
        %dma_wait3A_842 = arith.constant 0 : i32
        %dma_wait3A_843 = tpu.memref_slice %dma_wait3A_840[%dma_wait3A_841, %dma_wait3A_842] : memref<1000x8xf32, #tpu.memory_space<vmem>> -> memref<100x8xf32, #tpu.memory_space<vmem>>
        %dma_wait3A_844 = arith.constant 0 : i32
        %dma_wait3A_845 = arith.constant 0 : i32
        %dma_wait3A_846 = tpu.memref_slice %arg7[%sub3A_424, %dma_wait3A_844, %dma_wait3A_845] : memref<2x10x100xi32, #tpu.memory_space<vmem>> -> memref<1x10x100xi32, #tpu.memory_space<vmem>>
        %dma_wait3A_847 = tpu.memref_squeeze %dma_wait3A_846 : memref<1x10x100xi32, #tpu.memory_space<vmem>> -> memref<10x100xi32, #tpu.memory_space<vmem>>
        %dma_wait3A_848 = arith.constant 0 : i32
        %dma_wait3A_849 = tpu.memref_slice %dma_wait3A_847[%dma_wait3A_836, %dma_wait3A_848] : memref<10x100xi32, #tpu.memory_space<vmem>> -> memref<1x100xi32, #tpu.memory_space<vmem>>
        %dma_wait3A_850 = tpu.memref_squeeze %dma_wait3A_849 : memref<1x100xi32, #tpu.memory_space<vmem>> -> memref<100xi32, #tpu.memory_space<vmem>>
        %dma_wait3A_851 = arith.constant 0 : i32
        %dma_wait3A_852 = arith.constant 0 : i32
        %dma_wait3A_853 = tpu.memref_slice %arg9[%dma_wait3A_851, %dma_wait3A_852] : memref<51200x8xf32, #tpu.memory_space<vmem_shared>> -> memref<51200x8xf32, #tpu.memory_space<vmem_shared>>
        tpu.wait_indirect_dma semaphore(%arg11 : memref<!tpu.dma_semaphore, #tpu.memory_space<semaphore_mem>>) src(%dma_wait3A_843 : memref<100x8xf32, #tpu.memory_space<vmem>>) dst(%dma_wait3A_853 : memref<51200x8xf32, #tpu.memory_space<vmem_shared>>)
        %dma_wait3A_854 = arith.constant 3 : i32
        %dma_wait3A_855 = arith.constant 0 : i32
        %dma_wait3A_856 = arith.constant 0 : i32
        %dma_wait3A_857 = tpu.memref_slice %arg8[%sub3A_424, %dma_wait3A_855, %dma_wait3A_856] : memref<2x1000x8xf32, #tpu.memory_space<vmem>> -> memref<1x1000x8xf32, #tpu.memory_space<vmem>>
        %dma_wait3A_858 = tpu.memref_squeeze %dma_wait3A_857 : memref<1x1000x8xf32, #tpu.memory_space<vmem>> -> memref<1000x8xf32, #tpu.memory_space<vmem>>
        %dma_wait3A_859 = arith.constant 300 : i32
        %dma_wait3A_860 = arith.constant 0 : i32
        %dma_wait3A_861 = tpu.memref_slice %dma_wait3A_858[%dma_wait3A_859, %dma_wait3A_860] : memref<1000x8xf32, #tpu.memory_space<vmem>> -> memref<100x8xf32, #tpu.memory_space<vmem>>
        %dma_wait3A_862 = arith.constant 0 : i32
        %dma_wait3A_863 = arith.constant 0 : i32
        %dma_wait3A_864 = tpu.memref_slice %arg7[%sub3A_424, %dma_wait3A_862, %dma_wait3A_863] : memref<2x10x100xi32, #tpu.memory_space<vmem>> -> memref<1x10x100xi32, #tpu.memory_space<vmem>>
        %dma_wait3A_865 = tpu.memref_squeeze %dma_wait3A_864 : memref<1x10x100xi32, #tpu.memory_space<vmem>> -> memref<10x100xi32, #tpu.memory_space<vmem>>
        %dma_wait3A_866 = arith.constant 0 : i32
        %dma_wait3A_867 = tpu.memref_slice %dma_wait3A_865[%dma_wait3A_854, %dma_wait3A_866] : memref<10x100xi32, #tpu.memory_space<vmem>> -> memref<1x100xi32, #tpu.memory_space<vmem>>
        %dma_wait3A_868 = tpu.memref_squeeze %dma_wait3A_867 : memref<1x100xi32, #tpu.memory_space<vmem>> -> memref<100xi32, #tpu.memory_space<vmem>>
        %dma_wait3A_869 = arith.constant 0 : i32
        %dma_wait3A_870 = arith.constant 0 : i32
        %dma_wait3A_871 = tpu.memref_slice %arg9[%dma_wait3A_869, %dma_wait3A_870] : memref<51200x8xf32, #tpu.memory_space<vmem_shared>> -> memref<51200x8xf32, #tpu.memory_space<vmem_shared>>
        tpu.wait_indirect_dma semaphore(%arg11 : memref<!tpu.dma_semaphore, #tpu.memory_space<semaphore_mem>>) src(%dma_wait3A_861 : memref<100x8xf32, #tpu.memory_space<vmem>>) dst(%dma_wait3A_871 : memref<51200x8xf32, #tpu.memory_space<vmem_shared>>)
        %dma_wait3A_872 = arith.constant 4 : i32
        %dma_wait3A_873 = arith.constant 0 : i32
        %dma_wait3A_874 = arith.constant 0 : i32
        %dma_wait3A_875 = tpu.memref_slice %arg8[%sub3A_424, %dma_wait3A_873, %dma_wait3A_874] : memref<2x1000x8xf32, #tpu.memory_space<vmem>> -> memref<1x1000x8xf32, #tpu.memory_space<vmem>>
        %dma_wait3A_876 = tpu.memref_squeeze %dma_wait3A_875 : memref<1x1000x8xf32, #tpu.memory_space<vmem>> -> memref<1000x8xf32, #tpu.memory_space<vmem>>
        %dma_wait3A_877 = arith.constant 400 : i32
        %dma_wait3A_878 = arith.constant 0 : i32
        %dma_wait3A_879 = tpu.memref_slice %dma_wait3A_876[%dma_wait3A_877, %dma_wait3A_878] : memref<1000x8xf32, #tpu.memory_space<vmem>> -> memref<100x8xf32, #tpu.memory_space<vmem>>
        %dma_wait3A_880 = arith.constant 0 : i32
        %dma_wait3A_881 = arith.constant 0 : i32
        %dma_wait3A_882 = tpu.memref_slice %arg7[%sub3A_424, %dma_wait3A_880, %dma_wait3A_881] : memref<2x10x100xi32, #tpu.memory_space<vmem>> -> memref<1x10x100xi32, #tpu.memory_space<vmem>>
        %dma_wait3A_883 = tpu.memref_squeeze %dma_wait3A_882 : memref<1x10x100xi32, #tpu.memory_space<vmem>> -> memref<10x100xi32, #tpu.memory_space<vmem>>
        %dma_wait3A_884 = arith.constant 0 : i32
        %dma_wait3A_885 = tpu.memref_slice %dma_wait3A_883[%dma_wait3A_872, %dma_wait3A_884] : memref<10x100xi32, #tpu.memory_space<vmem>> -> memref<1x100xi32, #tpu.memory_space<vmem>>
        %dma_wait3A_886 = tpu.memref_squeeze %dma_wait3A_885 : memref<1x100xi32, #tpu.memory_space<vmem>> -> memref<100xi32, #tpu.memory_space<vmem>>
        %dma_wait3A_887 = arith.constant 0 : i32
        %dma_wait3A_888 = arith.constant 0 : i32
        %dma_wait3A_889 = tpu.memref_slice %arg9[%dma_wait3A_887, %dma_wait3A_888] : memref<51200x8xf32, #tpu.memory_space<vmem_shared>> -> memref<51200x8xf32, #tpu.memory_space<vmem_shared>>
        tpu.wait_indirect_dma semaphore(%arg11 : memref<!tpu.dma_semaphore, #tpu.memory_space<semaphore_mem>>) src(%dma_wait3A_879 : memref<100x8xf32, #tpu.memory_space<vmem>>) dst(%dma_wait3A_889 : memref<51200x8xf32, #tpu.memory_space<vmem_shared>>)
        %dma_wait3A_890 = arith.constant 5 : i32
        %dma_wait3A_891 = arith.constant 0 : i32
        %dma_wait3A_892 = arith.constant 0 : i32
        %dma_wait3A_893 = tpu.memref_slice %arg8[%sub3A_424, %dma_wait3A_891, %dma_wait3A_892] : memref<2x1000x8xf32, #tpu.memory_space<vmem>> -> memref<1x1000x8xf32, #tpu.memory_space<vmem>>
        %dma_wait3A_894 = tpu.memref_squeeze %dma_wait3A_893 : memref<1x1000x8xf32, #tpu.memory_space<vmem>> -> memref<1000x8xf32, #tpu.memory_space<vmem>>
        %dma_wait3A_895 = arith.constant 500 : i32
        %dma_wait3A_896 = arith.constant 0 : i32
        %dma_wait3A_897 = tpu.memref_slice %dma_wait3A_894[%dma_wait3A_895, %dma_wait3A_896] : memref<1000x8xf32, #tpu.memory_space<vmem>> -> memref<100x8xf32, #tpu.memory_space<vmem>>
        %dma_wait3A_898 = arith.constant 0 : i32
        %dma_wait3A_899 = arith.constant 0 : i32
        %dma_wait3A_900 = tpu.memref_slice %arg7[%sub3A_424, %dma_wait3A_898, %dma_wait3A_899] : memref<2x10x100xi32, #tpu.memory_space<vmem>> -> memref<1x10x100xi32, #tpu.memory_space<vmem>>
        %dma_wait3A_901 = tpu.memref_squeeze %dma_wait3A_900 : memref<1x10x100xi32, #tpu.memory_space<vmem>> -> memref<10x100xi32, #tpu.memory_space<vmem>>
        %dma_wait3A_902 = arith.constant 0 : i32
        %dma_wait3A_903 = tpu.memref_slice %dma_wait3A_901[%dma_wait3A_890, %dma_wait3A_902] : memref<10x100xi32, #tpu.memory_space<vmem>> -> memref<1x100xi32, #tpu.memory_space<vmem>>
        %dma_wait3A_904 = tpu.memref_squeeze %dma_wait3A_903 : memref<1x100xi32, #tpu.memory_space<vmem>> -> memref<100xi32, #tpu.memory_space<vmem>>
        %dma_wait3A_905 = arith.constant 0 : i32
        %dma_wait3A_906 = arith.constant 0 : i32
        %dma_wait3A_907 = tpu.memref_slice %arg9[%dma_wait3A_905, %dma_wait3A_906] : memref<51200x8xf32, #tpu.memory_space<vmem_shared>> -> memref<51200x8xf32, #tpu.memory_space<vmem_shared>>
        tpu.wait_indirect_dma semaphore(%arg11 : memref<!tpu.dma_semaphore, #tpu.memory_space<semaphore_mem>>) src(%dma_wait3A_897 : memref<100x8xf32, #tpu.memory_space<vmem>>) dst(%dma_wait3A_907 : memref<51200x8xf32, #tpu.memory_space<vmem_shared>>)
        %dma_wait3A_908 = arith.constant 6 : i32
        %dma_wait3A_909 = arith.constant 0 : i32
        %dma_wait3A_910 = arith.constant 0 : i32
        %dma_wait3A_911 = tpu.memref_slice %arg8[%sub3A_424, %dma_wait3A_909, %dma_wait3A_910] : memref<2x1000x8xf32, #tpu.memory_space<vmem>> -> memref<1x1000x8xf32, #tpu.memory_space<vmem>>
        %dma_wait3A_912 = tpu.memref_squeeze %dma_wait3A_911 : memref<1x1000x8xf32, #tpu.memory_space<vmem>> -> memref<1000x8xf32, #tpu.memory_space<vmem>>
        %dma_wait3A_913 = arith.constant 600 : i32
        %dma_wait3A_914 = arith.constant 0 : i32
        %dma_wait3A_915 = tpu.memref_slice %dma_wait3A_912[%dma_wait3A_913, %dma_wait3A_914] : memref<1000x8xf32, #tpu.memory_space<vmem>> -> memref<100x8xf32, #tpu.memory_space<vmem>>
        %dma_wait3A_916 = arith.constant 0 : i32
        %dma_wait3A_917 = arith.constant 0 : i32
        %dma_wait3A_918 = tpu.memref_slice %arg7[%sub3A_424, %dma_wait3A_916, %dma_wait3A_917] : memref<2x10x100xi32, #tpu.memory_space<vmem>> -> memref<1x10x100xi32, #tpu.memory_space<vmem>>
        %dma_wait3A_919 = tpu.memref_squeeze %dma_wait3A_918 : memref<1x10x100xi32, #tpu.memory_space<vmem>> -> memref<10x100xi32, #tpu.memory_space<vmem>>
        %dma_wait3A_920 = arith.constant 0 : i32
        %dma_wait3A_921 = tpu.memref_slice %dma_wait3A_919[%dma_wait3A_908, %dma_wait3A_920] : memref<10x100xi32, #tpu.memory_space<vmem>> -> memref<1x100xi32, #tpu.memory_space<vmem>>
        %dma_wait3A_922 = tpu.memref_squeeze %dma_wait3A_921 : memref<1x100xi32, #tpu.memory_space<vmem>> -> memref<100xi32, #tpu.memory_space<vmem>>
        %dma_wait3A_923 = arith.constant 0 : i32
        %dma_wait3A_924 = arith.constant 0 : i32
        %dma_wait3A_925 = tpu.memref_slice %arg9[%dma_wait3A_923, %dma_wait3A_924] : memref<51200x8xf32, #tpu.memory_space<vmem_shared>> -> memref<51200x8xf32, #tpu.memory_space<vmem_shared>>
        tpu.wait_indirect_dma semaphore(%arg11 : memref<!tpu.dma_semaphore, #tpu.memory_space<semaphore_mem>>) src(%dma_wait3A_915 : memref<100x8xf32, #tpu.memory_space<vmem>>) dst(%dma_wait3A_925 : memref<51200x8xf32, #tpu.memory_space<vmem_shared>>)
        %dma_wait3A_926 = arith.constant 7 : i32
        %dma_wait3A_927 = arith.constant 0 : i32
        %dma_wait3A_928 = arith.constant 0 : i32
        %dma_wait3A_929 = tpu.memref_slice %arg8[%sub3A_424, %dma_wait3A_927, %dma_wait3A_928] : memref<2x1000x8xf32, #tpu.memory_space<vmem>> -> memref<1x1000x8xf32, #tpu.memory_space<vmem>>
        %dma_wait3A_930 = tpu.memref_squeeze %dma_wait3A_929 : memref<1x1000x8xf32, #tpu.memory_space<vmem>> -> memref<1000x8xf32, #tpu.memory_space<vmem>>
        %dma_wait3A_931 = arith.constant 700 : i32
        %dma_wait3A_932 = arith.constant 0 : i32
        %dma_wait3A_933 = tpu.memref_slice %dma_wait3A_930[%dma_wait3A_931, %dma_wait3A_932] : memref<1000x8xf32, #tpu.memory_space<vmem>> -> memref<100x8xf32, #tpu.memory_space<vmem>>
        %dma_wait3A_934 = arith.constant 0 : i32
        %dma_wait3A_935 = arith.constant 0 : i32
        %dma_wait3A_936 = tpu.memref_slice %arg7[%sub3A_424, %dma_wait3A_934, %dma_wait3A_935] : memref<2x10x100xi32, #tpu.memory_space<vmem>> -> memref<1x10x100xi32, #tpu.memory_space<vmem>>
        %dma_wait3A_937 = tpu.memref_squeeze %dma_wait3A_936 : memref<1x10x100xi32, #tpu.memory_space<vmem>> -> memref<10x100xi32, #tpu.memory_space<vmem>>
        %dma_wait3A_938 = arith.constant 0 : i32
        %dma_wait3A_939 = tpu.memref_slice %dma_wait3A_937[%dma_wait3A_926, %dma_wait3A_938] : memref<10x100xi32, #tpu.memory_space<vmem>> -> memref<1x100xi32, #tpu.memory_space<vmem>>
        %dma_wait3A_940 = tpu.memref_squeeze %dma_wait3A_939 : memref<1x100xi32, #tpu.memory_space<vmem>> -> memref<100xi32, #tpu.memory_space<vmem>>
        %dma_wait3A_941 = arith.constant 0 : i32
        %dma_wait3A_942 = arith.constant 0 : i32
        %dma_wait3A_943 = tpu.memref_slice %arg9[%dma_wait3A_941, %dma_wait3A_942] : memref<51200x8xf32, #tpu.memory_space<vmem_shared>> -> memref<51200x8xf32, #tpu.memory_space<vmem_shared>>
        tpu.wait_indirect_dma semaphore(%arg11 : memref<!tpu.dma_semaphore, #tpu.memory_space<semaphore_mem>>) src(%dma_wait3A_933 : memref<100x8xf32, #tpu.memory_space<vmem>>) dst(%dma_wait3A_943 : memref<51200x8xf32, #tpu.memory_space<vmem_shared>>)
        %dma_wait3A_944 = arith.constant 8 : i32
        %dma_wait3A_945 = arith.constant 0 : i32
        %dma_wait3A_946 = arith.constant 0 : i32
        %dma_wait3A_947 = tpu.memref_slice %arg8[%sub3A_424, %dma_wait3A_945, %dma_wait3A_946] : memref<2x1000x8xf32, #tpu.memory_space<vmem>> -> memref<1x1000x8xf32, #tpu.memory_space<vmem>>
        %dma_wait3A_948 = tpu.memref_squeeze %dma_wait3A_947 : memref<1x1000x8xf32, #tpu.memory_space<vmem>> -> memref<1000x8xf32, #tpu.memory_space<vmem>>
        %dma_wait3A_949 = arith.constant 800 : i32
        %dma_wait3A_950 = arith.constant 0 : i32
        %dma_wait3A_951 = tpu.memref_slice %dma_wait3A_948[%dma_wait3A_949, %dma_wait3A_950] : memref<1000x8xf32, #tpu.memory_space<vmem>> -> memref<100x8xf32, #tpu.memory_space<vmem>>
        %dma_wait3A_952 = arith.constant 0 : i32
        %dma_wait3A_953 = arith.constant 0 : i32
        %dma_wait3A_954 = tpu.memref_slice %arg7[%sub3A_424, %dma_wait3A_952, %dma_wait3A_953] : memref<2x10x100xi32, #tpu.memory_space<vmem>> -> memref<1x10x100xi32, #tpu.memory_space<vmem>>
        %dma_wait3A_955 = tpu.memref_squeeze %dma_wait3A_954 : memref<1x10x100xi32, #tpu.memory_space<vmem>> -> memref<10x100xi32, #tpu.memory_space<vmem>>
        %dma_wait3A_956 = arith.constant 0 : i32
        %dma_wait3A_957 = tpu.memref_slice %dma_wait3A_955[%dma_wait3A_944, %dma_wait3A_956] : memref<10x100xi32, #tpu.memory_space<vmem>> -> memref<1x100xi32, #tpu.memory_space<vmem>>
        %dma_wait3A_958 = tpu.memref_squeeze %dma_wait3A_957 : memref<1x100xi32, #tpu.memory_space<vmem>> -> memref<100xi32, #tpu.memory_space<vmem>>
        %dma_wait3A_959 = arith.constant 0 : i32
        %dma_wait3A_960 = arith.constant 0 : i32
        %dma_wait3A_961 = tpu.memref_slice %arg9[%dma_wait3A_959, %dma_wait3A_960] : memref<51200x8xf32, #tpu.memory_space<vmem_shared>> -> memref<51200x8xf32, #tpu.memory_space<vmem_shared>>
        tpu.wait_indirect_dma semaphore(%arg11 : memref<!tpu.dma_semaphore, #tpu.memory_space<semaphore_mem>>) src(%dma_wait3A_951 : memref<100x8xf32, #tpu.memory_space<vmem>>) dst(%dma_wait3A_961 : memref<51200x8xf32, #tpu.memory_space<vmem_shared>>)
        %dma_wait3A_962 = arith.constant 9 : i32
        %dma_wait3A_963 = arith.constant 0 : i32
        %dma_wait3A_964 = arith.constant 0 : i32
        %dma_wait3A_965 = tpu.memref_slice %arg8[%sub3A_424, %dma_wait3A_963, %dma_wait3A_964] : memref<2x1000x8xf32, #tpu.memory_space<vmem>> -> memref<1x1000x8xf32, #tpu.memory_space<vmem>>
        %dma_wait3A_966 = tpu.memref_squeeze %dma_wait3A_965 : memref<1x1000x8xf32, #tpu.memory_space<vmem>> -> memref<1000x8xf32, #tpu.memory_space<vmem>>
        %dma_wait3A_967 = arith.constant 900 : i32
        %dma_wait3A_968 = arith.constant 0 : i32
        %dma_wait3A_969 = tpu.memref_slice %dma_wait3A_966[%dma_wait3A_967, %dma_wait3A_968] : memref<1000x8xf32, #tpu.memory_space<vmem>> -> memref<100x8xf32, #tpu.memory_space<vmem>>
        %dma_wait3A_970 = arith.constant 0 : i32
        %dma_wait3A_971 = arith.constant 0 : i32
        %dma_wait3A_972 = tpu.memref_slice %arg7[%sub3A_424, %dma_wait3A_970, %dma_wait3A_971] : memref<2x10x100xi32, #tpu.memory_space<vmem>> -> memref<1x10x100xi32, #tpu.memory_space<vmem>>
        %dma_wait3A_973 = tpu.memref_squeeze %dma_wait3A_972 : memref<1x10x100xi32, #tpu.memory_space<vmem>> -> memref<10x100xi32, #tpu.memory_space<vmem>>
        %dma_wait3A_974 = arith.constant 0 : i32
        %dma_wait3A_975 = tpu.memref_slice %dma_wait3A_973[%dma_wait3A_962, %dma_wait3A_974] : memref<10x100xi32, #tpu.memory_space<vmem>> -> memref<1x100xi32, #tpu.memory_space<vmem>>
        %dma_wait3A_976 = tpu.memref_squeeze %dma_wait3A_975 : memref<1x100xi32, #tpu.memory_space<vmem>> -> memref<100xi32, #tpu.memory_space<vmem>>
        %dma_wait3A_977 = arith.constant 0 : i32
        %dma_wait3A_978 = arith.constant 0 : i32
        %dma_wait3A_979 = tpu.memref_slice %arg9[%dma_wait3A_977, %dma_wait3A_978] : memref<51200x8xf32, #tpu.memory_space<vmem_shared>> -> memref<51200x8xf32, #tpu.memory_space<vmem_shared>>
        tpu.wait_indirect_dma semaphore(%arg11 : memref<!tpu.dma_semaphore, #tpu.memory_space<semaphore_mem>>) src(%dma_wait3A_969 : memref<100x8xf32, #tpu.memory_space<vmem>>) dst(%dma_wait3A_979 : memref<51200x8xf32, #tpu.memory_space<vmem_shared>>)
      } else {
      }
      %dma_start3A_613 = arith.constant 0 : i32
      %dma_start3A_614 = arith.constant 0 : i32
      %dma_start3A_615 = arith.constant 0 : i32
      %dma_start3A_616 = tpu.memref_slice %arg8[%rem3A_423, %dma_start3A_614, %dma_start3A_615] : memref<2x1000x8xf32, #tpu.memory_space<vmem>> -> memref<1x1000x8xf32, #tpu.memory_space<vmem>>
      %dma_start3A_617 = tpu.memref_squeeze %dma_start3A_616 : memref<1x1000x8xf32, #tpu.memory_space<vmem>> -> memref<1000x8xf32, #tpu.memory_space<vmem>>
      %dma_start3A_618 = arith.constant 0 : i32
      %dma_start3A_619 = arith.constant 0 : i32
      %dma_start3A_620 = tpu.memref_slice %dma_start3A_617[%dma_start3A_618, %dma_start3A_619] : memref<1000x8xf32, #tpu.memory_space<vmem>> -> memref<100x8xf32, #tpu.memory_space<vmem>>
      %dma_start3A_621 = arith.constant 0 : i32
      %dma_start3A_622 = arith.constant 0 : i32
      %dma_start3A_623 = tpu.memref_slice %arg7[%rem3A_423, %dma_start3A_621, %dma_start3A_622] : memref<2x10x100xi32, #tpu.memory_space<vmem>> -> memref<1x10x100xi32, #tpu.memory_space<vmem>>
      %dma_start3A_624 = tpu.memref_squeeze %dma_start3A_623 : memref<1x10x100xi32, #tpu.memory_space<vmem>> -> memref<10x100xi32, #tpu.memory_space<vmem>>
      %dma_start3A_625 = arith.constant 0 : i32
      %dma_start3A_626 = tpu.memref_slice %dma_start3A_624[%dma_start3A_613, %dma_start3A_625] : memref<10x100xi32, #tpu.memory_space<vmem>> -> memref<1x100xi32, #tpu.memory_space<vmem>>
      %dma_start3A_627 = tpu.memref_squeeze %dma_start3A_626 : memref<1x100xi32, #tpu.memory_space<vmem>> -> memref<100xi32, #tpu.memory_space<vmem>>
      %dma_start3A_628 = arith.constant 0 : i32
      %dma_start3A_629 = arith.constant 0 : i32
      %dma_start3A_630 = tpu.memref_slice %arg9[%dma_start3A_628, %dma_start3A_629] : memref<51200x8xf32, #tpu.memory_space<vmem_shared>> -> memref<51200x8xf32, #tpu.memory_space<vmem_shared>>
      tpu.enqueue_indirect_dma source(%dma_start3A_620 : memref<100x8xf32, #tpu.memory_space<vmem>>) target(%dma_start3A_630 : memref<51200x8xf32, #tpu.memory_space<vmem_shared>>) offsets(%dma_start3A_627 : memref<100xi32, #tpu.memory_space<vmem>>) semaphore(%arg11 : memref<!tpu.dma_semaphore, #tpu.memory_space<semaphore_mem>>) {add = true}
      %dma_start3A_631 = arith.constant 1 : i32
      %dma_start3A_632 = arith.constant 0 : i32
      %dma_start3A_633 = arith.constant 0 : i32
      %dma_start3A_634 = tpu.memref_slice %arg8[%rem3A_423, %dma_start3A_632, %dma_start3A_633] : memref<2x1000x8xf32, #tpu.memory_space<vmem>> -> memref<1x1000x8xf32, #tpu.memory_space<vmem>>
      %dma_start3A_635 = tpu.memref_squeeze %dma_start3A_634 : memref<1x1000x8xf32, #tpu.memory_space<vmem>> -> memref<1000x8xf32, #tpu.memory_space<vmem>>
      %dma_start3A_636 = arith.constant 100 : i32
      %dma_start3A_637 = arith.constant 0 : i32
      %dma_start3A_638 = tpu.memref_slice %dma_start3A_635[%dma_start3A_636, %dma_start3A_637] : memref<1000x8xf32, #tpu.memory_space<vmem>> -> memref<100x8xf32, #tpu.memory_space<vmem>>
      %dma_start3A_639 = arith.constant 0 : i32
      %dma_start3A_640 = arith.constant 0 : i32
      %dma_start3A_641 = tpu.memref_slice %arg7[%rem3A_423, %dma_start3A_639, %dma_start3A_640] : memref<2x10x100xi32, #tpu.memory_space<vmem>> -> memref<1x10x100xi32, #tpu.memory_space<vmem>>
      %dma_start3A_642 = tpu.memref_squeeze %dma_start3A_641 : memref<1x10x100xi32, #tpu.memory_space<vmem>> -> memref<10x100xi32, #tpu.memory_space<vmem>>
      %dma_start3A_643 = arith.constant 0 : i32
      %dma_start3A_644 = tpu.memref_slice %dma_start3A_642[%dma_start3A_631, %dma_start3A_643] : memref<10x100xi32, #tpu.memory_space<vmem>> -> memref<1x100xi32, #tpu.memory_space<vmem>>
      %dma_start3A_645 = tpu.memref_squeeze %dma_start3A_644 : memref<1x100xi32, #tpu.memory_space<vmem>> -> memref<100xi32, #tpu.memory_space<vmem>>
      %dma_start3A_646 = arith.constant 0 : i32
      %dma_start3A_647 = arith.constant 0 : i32
      %dma_start3A_648 = tpu.memref_slice %arg9[%dma_start3A_646, %dma_start3A_647] : memref<51200x8xf32, #tpu.memory_space<vmem_shared>> -> memref<51200x8xf32, #tpu.memory_space<vmem_shared>>
      tpu.enqueue_indirect_dma source(%dma_start3A_638 : memref<100x8xf32, #tpu.memory_space<vmem>>) target(%dma_start3A_648 : memref<51200x8xf32, #tpu.memory_space<vmem_shared>>) offsets(%dma_start3A_645 : memref<100xi32, #tpu.memory_space<vmem>>) semaphore(%arg11 : memref<!tpu.dma_semaphore, #tpu.memory_space<semaphore_mem>>) {add = true}
      %dma_start3A_649 = arith.constant 2 : i32
      %dma_start3A_650 = arith.constant 0 : i32
      %dma_start3A_651 = arith.constant 0 : i32
      %dma_start3A_652 = tpu.memref_slice %arg8[%rem3A_423, %dma_start3A_650, %dma_start3A_651] : memref<2x1000x8xf32, #tpu.memory_space<vmem>> -> memref<1x1000x8xf32, #tpu.memory_space<vmem>>
      %dma_start3A_653 = tpu.memref_squeeze %dma_start3A_652 : memref<1x1000x8xf32, #tpu.memory_space<vmem>> -> memref<1000x8xf32, #tpu.memory_space<vmem>>
      %dma_start3A_654 = arith.constant 200 : i32
      %dma_start3A_655 = arith.constant 0 : i32
      %dma_start3A_656 = tpu.memref_slice %dma_start3A_653[%dma_start3A_654, %dma_start3A_655] : memref<1000x8xf32, #tpu.memory_space<vmem>> -> memref<100x8xf32, #tpu.memory_space<vmem>>
      %dma_start3A_657 = arith.constant 0 : i32
      %dma_start3A_658 = arith.constant 0 : i32
      %dma_start3A_659 = tpu.memref_slice %arg7[%rem3A_423, %dma_start3A_657, %dma_start3A_658] : memref<2x10x100xi32, #tpu.memory_space<vmem>> -> memref<1x10x100xi32, #tpu.memory_space<vmem>>
      %dma_start3A_660 = tpu.memref_squeeze %dma_start3A_659 : memref<1x10x100xi32, #tpu.memory_space<vmem>> -> memref<10x100xi32, #tpu.memory_space<vmem>>
      %dma_start3A_661 = arith.constant 0 : i32
      %dma_start3A_662 = tpu.memref_slice %dma_start3A_660[%dma_start3A_649, %dma_start3A_661] : memref<10x100xi32, #tpu.memory_space<vmem>> -> memref<1x100xi32, #tpu.memory_space<vmem>>
      %dma_start3A_663 = tpu.memref_squeeze %dma_start3A_662 : memref<1x100xi32, #tpu.memory_space<vmem>> -> memref<100xi32, #tpu.memory_space<vmem>>
      %dma_start3A_664 = arith.constant 0 : i32
      %dma_start3A_665 = arith.constant 0 : i32
      %dma_start3A_666 = tpu.memref_slice %arg9[%dma_start3A_664, %dma_start3A_665] : memref<51200x8xf32, #tpu.memory_space<vmem_shared>> -> memref<51200x8xf32, #tpu.memory_space<vmem_shared>>
      tpu.enqueue_indirect_dma source(%dma_start3A_656 : memref<100x8xf32, #tpu.memory_space<vmem>>) target(%dma_start3A_666 : memref<51200x8xf32, #tpu.memory_space<vmem_shared>>) offsets(%dma_start3A_663 : memref<100xi32, #tpu.memory_space<vmem>>) semaphore(%arg11 : memref<!tpu.dma_semaphore, #tpu.memory_space<semaphore_mem>>) {add = true}
      %dma_start3A_667 = arith.constant 3 : i32
      %dma_start3A_668 = arith.constant 0 : i32
      %dma_start3A_669 = arith.constant 0 : i32
      %dma_start3A_670 = tpu.memref_slice %arg8[%rem3A_423, %dma_start3A_668, %dma_start3A_669] : memref<2x1000x8xf32, #tpu.memory_space<vmem>> -> memref<1x1000x8xf32, #tpu.memory_space<vmem>>
      %dma_start3A_671 = tpu.memref_squeeze %dma_start3A_670 : memref<1x1000x8xf32, #tpu.memory_space<vmem>> -> memref<1000x8xf32, #tpu.memory_space<vmem>>
      %dma_start3A_672 = arith.constant 300 : i32
      %dma_start3A_673 = arith.constant 0 : i32
      %dma_start3A_674 = tpu.memref_slice %dma_start3A_671[%dma_start3A_672, %dma_start3A_673] : memref<1000x8xf32, #tpu.memory_space<vmem>> -> memref<100x8xf32, #tpu.memory_space<vmem>>
      %dma_start3A_675 = arith.constant 0 : i32
      %dma_start3A_676 = arith.constant 0 : i32
      %dma_start3A_677 = tpu.memref_slice %arg7[%rem3A_423, %dma_start3A_675, %dma_start3A_676] : memref<2x10x100xi32, #tpu.memory_space<vmem>> -> memref<1x10x100xi32, #tpu.memory_space<vmem>>
      %dma_start3A_678 = tpu.memref_squeeze %dma_start3A_677 : memref<1x10x100xi32, #tpu.memory_space<vmem>> -> memref<10x100xi32, #tpu.memory_space<vmem>>
      %dma_start3A_679 = arith.constant 0 : i32
      %dma_start3A_680 = tpu.memref_slice %dma_start3A_678[%dma_start3A_667, %dma_start3A_679] : memref<10x100xi32, #tpu.memory_space<vmem>> -> memref<1x100xi32, #tpu.memory_space<vmem>>
      %dma_start3A_681 = tpu.memref_squeeze %dma_start3A_680 : memref<1x100xi32, #tpu.memory_space<vmem>> -> memref<100xi32, #tpu.memory_space<vmem>>
      %dma_start3A_682 = arith.constant 0 : i32
      %dma_start3A_683 = arith.constant 0 : i32
      %dma_start3A_684 = tpu.memref_slice %arg9[%dma_start3A_682, %dma_start3A_683] : memref<51200x8xf32, #tpu.memory_space<vmem_shared>> -> memref<51200x8xf32, #tpu.memory_space<vmem_shared>>
      tpu.enqueue_indirect_dma source(%dma_start3A_674 : memref<100x8xf32, #tpu.memory_space<vmem>>) target(%dma_start3A_684 : memref<51200x8xf32, #tpu.memory_space<vmem_shared>>) offsets(%dma_start3A_681 : memref<100xi32, #tpu.memory_space<vmem>>) semaphore(%arg11 : memref<!tpu.dma_semaphore, #tpu.memory_space<semaphore_mem>>) {add = true}
      %dma_start3A_685 = arith.constant 4 : i32
      %dma_start3A_686 = arith.constant 0 : i32
      %dma_start3A_687 = arith.constant 0 : i32
      %dma_start3A_688 = tpu.memref_slice %arg8[%rem3A_423, %dma_start3A_686, %dma_start3A_687] : memref<2x1000x8xf32, #tpu.memory_space<vmem>> -> memref<1x1000x8xf32, #tpu.memory_space<vmem>>
      %dma_start3A_689 = tpu.memref_squeeze %dma_start3A_688 : memref<1x1000x8xf32, #tpu.memory_space<vmem>> -> memref<1000x8xf32, #tpu.memory_space<vmem>>
      %dma_start3A_690 = arith.constant 400 : i32
      %dma_start3A_691 = arith.constant 0 : i32
      %dma_start3A_692 = tpu.memref_slice %dma_start3A_689[%dma_start3A_690, %dma_start3A_691] : memref<1000x8xf32, #tpu.memory_space<vmem>> -> memref<100x8xf32, #tpu.memory_space<vmem>>
      %dma_start3A_693 = arith.constant 0 : i32
      %dma_start3A_694 = arith.constant 0 : i32
      %dma_start3A_695 = tpu.memref_slice %arg7[%rem3A_423, %dma_start3A_693, %dma_start3A_694] : memref<2x10x100xi32, #tpu.memory_space<vmem>> -> memref<1x10x100xi32, #tpu.memory_space<vmem>>
      %dma_start3A_696 = tpu.memref_squeeze %dma_start3A_695 : memref<1x10x100xi32, #tpu.memory_space<vmem>> -> memref<10x100xi32, #tpu.memory_space<vmem>>
      %dma_start3A_697 = arith.constant 0 : i32
      %dma_start3A_698 = tpu.memref_slice %dma_start3A_696[%dma_start3A_685, %dma_start3A_697] : memref<10x100xi32, #tpu.memory_space<vmem>> -> memref<1x100xi32, #tpu.memory_space<vmem>>
      %dma_start3A_699 = tpu.memref_squeeze %dma_start3A_698 : memref<1x100xi32, #tpu.memory_space<vmem>> -> memref<100xi32, #tpu.memory_space<vmem>>
      %dma_start3A_700 = arith.constant 0 : i32
      %dma_start3A_701 = arith.constant 0 : i32
      %dma_start3A_702 = tpu.memref_slice %arg9[%dma_start3A_700, %dma_start3A_701] : memref<51200x8xf32, #tpu.memory_space<vmem_shared>> -> memref<51200x8xf32, #tpu.memory_space<vmem_shared>>
      tpu.enqueue_indirect_dma source(%dma_start3A_692 : memref<100x8xf32, #tpu.memory_space<vmem>>) target(%dma_start3A_702 : memref<51200x8xf32, #tpu.memory_space<vmem_shared>>) offsets(%dma_start3A_699 : memref<100xi32, #tpu.memory_space<vmem>>) semaphore(%arg11 : memref<!tpu.dma_semaphore, #tpu.memory_space<semaphore_mem>>) {add = true}
      %dma_start3A_703 = arith.constant 5 : i32
      %dma_start3A_704 = arith.constant 0 : i32
      %dma_start3A_705 = arith.constant 0 : i32
      %dma_start3A_706 = tpu.memref_slice %arg8[%rem3A_423, %dma_start3A_704, %dma_start3A_705] : memref<2x1000x8xf32, #tpu.memory_space<vmem>> -> memref<1x1000x8xf32, #tpu.memory_space<vmem>>
      %dma_start3A_707 = tpu.memref_squeeze %dma_start3A_706 : memref<1x1000x8xf32, #tpu.memory_space<vmem>> -> memref<1000x8xf32, #tpu.memory_space<vmem>>
      %dma_start3A_708 = arith.constant 500 : i32
      %dma_start3A_709 = arith.constant 0 : i32
      %dma_start3A_710 = tpu.memref_slice %dma_start3A_707[%dma_start3A_708, %dma_start3A_709] : memref<1000x8xf32, #tpu.memory_space<vmem>> -> memref<100x8xf32, #tpu.memory_space<vmem>>
      %dma_start3A_711 = arith.constant 0 : i32
      %dma_start3A_712 = arith.constant 0 : i32
      %dma_start3A_713 = tpu.memref_slice %arg7[%rem3A_423, %dma_start3A_711, %dma_start3A_712] : memref<2x10x100xi32, #tpu.memory_space<vmem>> -> memref<1x10x100xi32, #tpu.memory_space<vmem>>
      %dma_start3A_714 = tpu.memref_squeeze %dma_start3A_713 : memref<1x10x100xi32, #tpu.memory_space<vmem>> -> memref<10x100xi32, #tpu.memory_space<vmem>>
      %dma_start3A_715 = arith.constant 0 : i32
      %dma_start3A_716 = tpu.memref_slice %dma_start3A_714[%dma_start3A_703, %dma_start3A_715] : memref<10x100xi32, #tpu.memory_space<vmem>> -> memref<1x100xi32, #tpu.memory_space<vmem>>
      %dma_start3A_717 = tpu.memref_squeeze %dma_start3A_716 : memref<1x100xi32, #tpu.memory_space<vmem>> -> memref<100xi32, #tpu.memory_space<vmem>>
      %dma_start3A_718 = arith.constant 0 : i32
      %dma_start3A_719 = arith.constant 0 : i32
      %dma_start3A_720 = tpu.memref_slice %arg9[%dma_start3A_718, %dma_start3A_719] : memref<51200x8xf32, #tpu.memory_space<vmem_shared>> -> memref<51200x8xf32, #tpu.memory_space<vmem_shared>>
      tpu.enqueue_indirect_dma source(%dma_start3A_710 : memref<100x8xf32, #tpu.memory_space<vmem>>) target(%dma_start3A_720 : memref<51200x8xf32, #tpu.memory_space<vmem_shared>>) offsets(%dma_start3A_717 : memref<100xi32, #tpu.memory_space<vmem>>) semaphore(%arg11 : memref<!tpu.dma_semaphore, #tpu.memory_space<semaphore_mem>>) {add = true}
      %dma_start3A_721 = arith.constant 6 : i32
      %dma_start3A_722 = arith.constant 0 : i32
      %dma_start3A_723 = arith.constant 0 : i32
      %dma_start3A_724 = tpu.memref_slice %arg8[%rem3A_423, %dma_start3A_722, %dma_start3A_723] : memref<2x1000x8xf32, #tpu.memory_space<vmem>> -> memref<1x1000x8xf32, #tpu.memory_space<vmem>>
      %dma_start3A_725 = tpu.memref_squeeze %dma_start3A_724 : memref<1x1000x8xf32, #tpu.memory_space<vmem>> -> memref<1000x8xf32, #tpu.memory_space<vmem>>
      %dma_start3A_726 = arith.constant 600 : i32
      %dma_start3A_727 = arith.constant 0 : i32
      %dma_start3A_728 = tpu.memref_slice %dma_start3A_725[%dma_start3A_726, %dma_start3A_727] : memref<1000x8xf32, #tpu.memory_space<vmem>> -> memref<100x8xf32, #tpu.memory_space<vmem>>
      %dma_start3A_729 = arith.constant 0 : i32
      %dma_start3A_730 = arith.constant 0 : i32
      %dma_start3A_731 = tpu.memref_slice %arg7[%rem3A_423, %dma_start3A_729, %dma_start3A_730] : memref<2x10x100xi32, #tpu.memory_space<vmem>> -> memref<1x10x100xi32, #tpu.memory_space<vmem>>
      %dma_start3A_732 = tpu.memref_squeeze %dma_start3A_731 : memref<1x10x100xi32, #tpu.memory_space<vmem>> -> memref<10x100xi32, #tpu.memory_space<vmem>>
      %dma_start3A_733 = arith.constant 0 : i32
      %dma_start3A_734 = tpu.memref_slice %dma_start3A_732[%dma_start3A_721, %dma_start3A_733] : memref<10x100xi32, #tpu.memory_space<vmem>> -> memref<1x100xi32, #tpu.memory_space<vmem>>
      %dma_start3A_735 = tpu.memref_squeeze %dma_start3A_734 : memref<1x100xi32, #tpu.memory_space<vmem>> -> memref<100xi32, #tpu.memory_space<vmem>>
      %dma_start3A_736 = arith.constant 0 : i32
      %dma_start3A_737 = arith.constant 0 : i32
      %dma_start3A_738 = tpu.memref_slice %arg9[%dma_start3A_736, %dma_start3A_737] : memref<51200x8xf32, #tpu.memory_space<vmem_shared>> -> memref<51200x8xf32, #tpu.memory_space<vmem_shared>>
      tpu.enqueue_indirect_dma source(%dma_start3A_728 : memref<100x8xf32, #tpu.memory_space<vmem>>) target(%dma_start3A_738 : memref<51200x8xf32, #tpu.memory_space<vmem_shared>>) offsets(%dma_start3A_735 : memref<100xi32, #tpu.memory_space<vmem>>) semaphore(%arg11 : memref<!tpu.dma_semaphore, #tpu.memory_space<semaphore_mem>>) {add = true}
      %dma_start3A_739 = arith.constant 7 : i32
      %dma_start3A_740 = arith.constant 0 : i32
      %dma_start3A_741 = arith.constant 0 : i32
      %dma_start3A_742 = tpu.memref_slice %arg8[%rem3A_423, %dma_start3A_740, %dma_start3A_741] : memref<2x1000x8xf32, #tpu.memory_space<vmem>> -> memref<1x1000x8xf32, #tpu.memory_space<vmem>>
      %dma_start3A_743 = tpu.memref_squeeze %dma_start3A_742 : memref<1x1000x8xf32, #tpu.memory_space<vmem>> -> memref<1000x8xf32, #tpu.memory_space<vmem>>
      %dma_start3A_744 = arith.constant 700 : i32
      %dma_start3A_745 = arith.constant 0 : i32
      %dma_start3A_746 = tpu.memref_slice %dma_start3A_743[%dma_start3A_744, %dma_start3A_745] : memref<1000x8xf32, #tpu.memory_space<vmem>> -> memref<100x8xf32, #tpu.memory_space<vmem>>
      %dma_start3A_747 = arith.constant 0 : i32
      %dma_start3A_748 = arith.constant 0 : i32
      %dma_start3A_749 = tpu.memref_slice %arg7[%rem3A_423, %dma_start3A_747, %dma_start3A_748] : memref<2x10x100xi32, #tpu.memory_space<vmem>> -> memref<1x10x100xi32, #tpu.memory_space<vmem>>
      %dma_start3A_750 = tpu.memref_squeeze %dma_start3A_749 : memref<1x10x100xi32, #tpu.memory_space<vmem>> -> memref<10x100xi32, #tpu.memory_space<vmem>>
      %dma_start3A_751 = arith.constant 0 : i32
      %dma_start3A_752 = tpu.memref_slice %dma_start3A_750[%dma_start3A_739, %dma_start3A_751] : memref<10x100xi32, #tpu.memory_space<vmem>> -> memref<1x100xi32, #tpu.memory_space<vmem>>
      %dma_start3A_753 = tpu.memref_squeeze %dma_start3A_752 : memref<1x100xi32, #tpu.memory_space<vmem>> -> memref<100xi32, #tpu.memory_space<vmem>>
      %dma_start3A_754 = arith.constant 0 : i32
      %dma_start3A_755 = arith.constant 0 : i32
      %dma_start3A_756 = tpu.memref_slice %arg9[%dma_start3A_754, %dma_start3A_755] : memref<51200x8xf32, #tpu.memory_space<vmem_shared>> -> memref<51200x8xf32, #tpu.memory_space<vmem_shared>>
      tpu.enqueue_indirect_dma source(%dma_start3A_746 : memref<100x8xf32, #tpu.memory_space<vmem>>) target(%dma_start3A_756 : memref<51200x8xf32, #tpu.memory_space<vmem_shared>>) offsets(%dma_start3A_753 : memref<100xi32, #tpu.memory_space<vmem>>) semaphore(%arg11 : memref<!tpu.dma_semaphore, #tpu.memory_space<semaphore_mem>>) {add = true}
      %dma_start3A_757 = arith.constant 8 : i32
      %dma_start3A_758 = arith.constant 0 : i32
      %dma_start3A_759 = arith.constant 0 : i32
      %dma_start3A_760 = tpu.memref_slice %arg8[%rem3A_423, %dma_start3A_758, %dma_start3A_759] : memref<2x1000x8xf32, #tpu.memory_space<vmem>> -> memref<1x1000x8xf32, #tpu.memory_space<vmem>>
      %dma_start3A_761 = tpu.memref_squeeze %dma_start3A_760 : memref<1x1000x8xf32, #tpu.memory_space<vmem>> -> memref<1000x8xf32, #tpu.memory_space<vmem>>
      %dma_start3A_762 = arith.constant 800 : i32
      %dma_start3A_763 = arith.constant 0 : i32
      %dma_start3A_764 = tpu.memref_slice %dma_start3A_761[%dma_start3A_762, %dma_start3A_763] : memref<1000x8xf32, #tpu.memory_space<vmem>> -> memref<100x8xf32, #tpu.memory_space<vmem>>
      %dma_start3A_765 = arith.constant 0 : i32
      %dma_start3A_766 = arith.constant 0 : i32
      %dma_start3A_767 = tpu.memref_slice %arg7[%rem3A_423, %dma_start3A_765, %dma_start3A_766] : memref<2x10x100xi32, #tpu.memory_space<vmem>> -> memref<1x10x100xi32, #tpu.memory_space<vmem>>
      %dma_start3A_768 = tpu.memref_squeeze %dma_start3A_767 : memref<1x10x100xi32, #tpu.memory_space<vmem>> -> memref<10x100xi32, #tpu.memory_space<vmem>>
      %dma_start3A_769 = arith.constant 0 : i32
      %dma_start3A_770 = tpu.memref_slice %dma_start3A_768[%dma_start3A_757, %dma_start3A_769] : memref<10x100xi32, #tpu.memory_space<vmem>> -> memref<1x100xi32, #tpu.memory_space<vmem>>
      %dma_start3A_771 = tpu.memref_squeeze %dma_start3A_770 : memref<1x100xi32, #tpu.memory_space<vmem>> -> memref<100xi32, #tpu.memory_space<vmem>>
      %dma_start3A_772 = arith.constant 0 : i32
      %dma_start3A_773 = arith.constant 0 : i32
      %dma_start3A_774 = tpu.memref_slice %arg9[%dma_start3A_772, %dma_start3A_773] : memref<51200x8xf32, #tpu.memory_space<vmem_shared>> -> memref<51200x8xf32, #tpu.memory_space<vmem_shared>>
      tpu.enqueue_indirect_dma source(%dma_start3A_764 : memref<100x8xf32, #tpu.memory_space<vmem>>) target(%dma_start3A_774 : memref<51200x8xf32, #tpu.memory_space<vmem_shared>>) offsets(%dma_start3A_771 : memref<100xi32, #tpu.memory_space<vmem>>) semaphore(%arg11 : memref<!tpu.dma_semaphore, #tpu.memory_space<semaphore_mem>>) {add = true}
      %dma_start3A_775 = arith.constant 9 : i32
      %dma_start3A_776 = arith.constant 0 : i32
      %dma_start3A_777 = arith.constant 0 : i32
      %dma_start3A_778 = tpu.memref_slice %arg8[%rem3A_423, %dma_start3A_776, %dma_start3A_777] : memref<2x1000x8xf32, #tpu.memory_space<vmem>> -> memref<1x1000x8xf32, #tpu.memory_space<vmem>>
      %dma_start3A_779 = tpu.memref_squeeze %dma_start3A_778 : memref<1x1000x8xf32, #tpu.memory_space<vmem>> -> memref<1000x8xf32, #tpu.memory_space<vmem>>
      %dma_start3A_780 = arith.constant 900 : i32
      %dma_start3A_781 = arith.constant 0 : i32
      %dma_start3A_782 = tpu.memref_slice %dma_start3A_779[%dma_start3A_780, %dma_start3A_781] : memref<1000x8xf32, #tpu.memory_space<vmem>> -> memref<100x8xf32, #tpu.memory_space<vmem>>
      %dma_start3A_783 = arith.constant 0 : i32
      %dma_start3A_784 = arith.constant 0 : i32
      %dma_start3A_785 = tpu.memref_slice %arg7[%rem3A_423, %dma_start3A_783, %dma_start3A_784] : memref<2x10x100xi32, #tpu.memory_space<vmem>> -> memref<1x10x100xi32, #tpu.memory_space<vmem>>
      %dma_start3A_786 = tpu.memref_squeeze %dma_start3A_785 : memref<1x10x100xi32, #tpu.memory_space<vmem>> -> memref<10x100xi32, #tpu.memory_space<vmem>>
      %dma_start3A_787 = arith.constant 0 : i32
      %dma_start3A_788 = tpu.memref_slice %dma_start3A_786[%dma_start3A_775, %dma_start3A_787] : memref<10x100xi32, #tpu.memory_space<vmem>> -> memref<1x100xi32, #tpu.memory_space<vmem>>
      %dma_start3A_789 = tpu.memref_squeeze %dma_start3A_788 : memref<1x100xi32, #tpu.memory_space<vmem>> -> memref<100xi32, #tpu.memory_space<vmem>>
      %dma_start3A_790 = arith.constant 0 : i32
      %dma_start3A_791 = arith.constant 0 : i32
      %dma_start3A_792 = tpu.memref_slice %arg9[%dma_start3A_790, %dma_start3A_791] : memref<51200x8xf32, #tpu.memory_space<vmem_shared>> -> memref<51200x8xf32, #tpu.memory_space<vmem_shared>>
      tpu.enqueue_indirect_dma source(%dma_start3A_782 : memref<100x8xf32, #tpu.memory_space<vmem>>) target(%dma_start3A_792 : memref<51200x8xf32, #tpu.memory_space<vmem_shared>>) offsets(%dma_start3A_789 : memref<100xi32, #tpu.memory_space<vmem>>) semaphore(%arg11 : memref<!tpu.dma_semaphore, #tpu.memory_space<semaphore_mem>>) {add = true}
      %add3A_793 = arith.constant 1 : i32
      %add3A_794 = arith.addi %scan3A_422, %add3A_793 : i32
      %lt3A_795 = arith.constant 25 : i32
      %lt3A_796 = arith.cmpi slt, %add3A_794, %lt3A_795 : i32
      %convert_element_type3A_797 = arith.extui %lt3A_796 : i1 to i32
      %cond3A_798 = arith.constant 0 : i32
      %cond3A_799 = arith.cmpi ne, %convert_element_type3A_797, %cond3A_798 : i32
      scf.if %cond3A_799 {
        %dma_start3A_800 = arith.constant 0 : i32
        %dma_start3A_801 = arith.constant 0 : i32
        %dma_start3A_802 = arith.constant 0 : i32
        %dma_start3A_803 = tpu.memref_slice %arg8[%sub3A_424, %dma_start3A_801, %dma_start3A_802] : memref<2x1000x8xf32, #tpu.memory_space<vmem>> -> memref<1x1000x8xf32, #tpu.memory_space<vmem>>
        %dma_start3A_804 = tpu.memref_squeeze %dma_start3A_803 : memref<1x1000x8xf32, #tpu.memory_space<vmem>> -> memref<1000x8xf32, #tpu.memory_space<vmem>>
        %dma_start3A_805 = arith.constant 0 : i32
        %dma_start3A_806 = arith.constant 0 : i32
        %dma_start3A_807 = tpu.memref_slice %dma_start3A_804[%dma_start3A_805, %dma_start3A_806] : memref<1000x8xf32, #tpu.memory_space<vmem>> -> memref<100x8xf32, #tpu.memory_space<vmem>>
        %dma_start3A_808 = arith.constant 0 : i32
        %dma_start3A_809 = arith.constant 0 : i32
        %dma_start3A_810 = tpu.memref_slice %arg6[%sub3A_424, %dma_start3A_808, %dma_start3A_809] : memref<2x10x100xi32, #tpu.memory_space<vmem>> -> memref<1x10x100xi32, #tpu.memory_space<vmem>>
        %dma_start3A_811 = tpu.memref_squeeze %dma_start3A_810 : memref<1x10x100xi32, #tpu.memory_space<vmem>> -> memref<10x100xi32, #tpu.memory_space<vmem>>
        %dma_start3A_812 = arith.constant 0 : i32
        %dma_start3A_813 = tpu.memref_slice %dma_start3A_811[%dma_start3A_800, %dma_start3A_812] : memref<10x100xi32, #tpu.memory_space<vmem>> -> memref<1x100xi32, #tpu.memory_space<vmem>>
        %dma_start3A_814 = tpu.memref_squeeze %dma_start3A_813 : memref<1x100xi32, #tpu.memory_space<vmem>> -> memref<100xi32, #tpu.memory_space<vmem>>
        %dma_start3A_815 = arith.constant 0 : i32
        %dma_start3A_816 = arith.constant 0 : i32
        %dma_start3A_817 = tpu.memref_slice %arg2[%dma_start3A_815, %dma_start3A_816] : memref<51200x8xf32, #tpu.memory_space<hbm>> -> memref<51200x8xf32, #tpu.memory_space<hbm>>
        tpu.enqueue_indirect_dma source(%dma_start3A_817 : memref<51200x8xf32, #tpu.memory_space<hbm>>) target(%dma_start3A_807 : memref<100x8xf32, #tpu.memory_space<vmem>>) offsets(%dma_start3A_814 : memref<100xi32, #tpu.memory_space<vmem>>) semaphore(%arg10 : memref<!tpu.dma_semaphore, #tpu.memory_space<semaphore_mem>>)
        %dma_start3A_818 = arith.constant 1 : i32
        %dma_start3A_819 = arith.constant 0 : i32
        %dma_start3A_820 = arith.constant 0 : i32
        %dma_start3A_821 = tpu.memref_slice %arg8[%sub3A_424, %dma_start3A_819, %dma_start3A_820] : memref<2x1000x8xf32, #tpu.memory_space<vmem>> -> memref<1x1000x8xf32, #tpu.memory_space<vmem>>
        %dma_start3A_822 = tpu.memref_squeeze %dma_start3A_821 : memref<1x1000x8xf32, #tpu.memory_space<vmem>> -> memref<1000x8xf32, #tpu.memory_space<vmem>>
        %dma_start3A_823 = arith.constant 100 : i32
        %dma_start3A_824 = arith.constant 0 : i32
        %dma_start3A_825 = tpu.memref_slice %dma_start3A_822[%dma_start3A_823, %dma_start3A_824] : memref<1000x8xf32, #tpu.memory_space<vmem>> -> memref<100x8xf32, #tpu.memory_space<vmem>>
        %dma_start3A_826 = arith.constant 0 : i32
        %dma_start3A_827 = arith.constant 0 : i32
        %dma_start3A_828 = tpu.memref_slice %arg6[%sub3A_424, %dma_start3A_826, %dma_start3A_827] : memref<2x10x100xi32, #tpu.memory_space<vmem>> -> memref<1x10x100xi32, #tpu.memory_space<vmem>>
        %dma_start3A_829 = tpu.memref_squeeze %dma_start3A_828 : memref<1x10x100xi32, #tpu.memory_space<vmem>> -> memref<10x100xi32, #tpu.memory_space<vmem>>
        %dma_start3A_830 = arith.constant 0 : i32
        %dma_start3A_831 = tpu.memref_slice %dma_start3A_829[%dma_start3A_818, %dma_start3A_830] : memref<10x100xi32, #tpu.memory_space<vmem>> -> memref<1x100xi32, #tpu.memory_space<vmem>>
        %dma_start3A_832 = tpu.memref_squeeze %dma_start3A_831 : memref<1x100xi32, #tpu.memory_space<vmem>> -> memref<100xi32, #tpu.memory_space<vmem>>
        %dma_start3A_833 = arith.constant 0 : i32
        %dma_start3A_834 = arith.constant 0 : i32
        %dma_start3A_835 = tpu.memref_slice %arg2[%dma_start3A_833, %dma_start3A_834] : memref<51200x8xf32, #tpu.memory_space<hbm>> -> memref<51200x8xf32, #tpu.memory_space<hbm>>
        tpu.enqueue_indirect_dma source(%dma_start3A_835 : memref<51200x8xf32, #tpu.memory_space<hbm>>) target(%dma_start3A_825 : memref<100x8xf32, #tpu.memory_space<vmem>>) offsets(%dma_start3A_832 : memref<100xi32, #tpu.memory_space<vmem>>) semaphore(%arg10 : memref<!tpu.dma_semaphore, #tpu.memory_space<semaphore_mem>>)
        %dma_start3A_836 = arith.constant 2 : i32
        %dma_start3A_837 = arith.constant 0 : i32
        %dma_start3A_838 = arith.constant 0 : i32
        %dma_start3A_839 = tpu.memref_slice %arg8[%sub3A_424, %dma_start3A_837, %dma_start3A_838] : memref<2x1000x8xf32, #tpu.memory_space<vmem>> -> memref<1x1000x8xf32, #tpu.memory_space<vmem>>
        %dma_start3A_840 = tpu.memref_squeeze %dma_start3A_839 : memref<1x1000x8xf32, #tpu.memory_space<vmem>> -> memref<1000x8xf32, #tpu.memory_space<vmem>>
        %dma_start3A_841 = arith.constant 200 : i32
        %dma_start3A_842 = arith.constant 0 : i32
        %dma_start3A_843 = tpu.memref_slice %dma_start3A_840[%dma_start3A_841, %dma_start3A_842] : memref<1000x8xf32, #tpu.memory_space<vmem>> -> memref<100x8xf32, #tpu.memory_space<vmem>>
        %dma_start3A_844 = arith.constant 0 : i32
        %dma_start3A_845 = arith.constant 0 : i32
        %dma_start3A_846 = tpu.memref_slice %arg6[%sub3A_424, %dma_start3A_844, %dma_start3A_845] : memref<2x10x100xi32, #tpu.memory_space<vmem>> -> memref<1x10x100xi32, #tpu.memory_space<vmem>>
        %dma_start3A_847 = tpu.memref_squeeze %dma_start3A_846 : memref<1x10x100xi32, #tpu.memory_space<vmem>> -> memref<10x100xi32, #tpu.memory_space<vmem>>
        %dma_start3A_848 = arith.constant 0 : i32
        %dma_start3A_849 = tpu.memref_slice %dma_start3A_847[%dma_start3A_836, %dma_start3A_848] : memref<10x100xi32, #tpu.memory_space<vmem>> -> memref<1x100xi32, #tpu.memory_space<vmem>>
        %dma_start3A_850 = tpu.memref_squeeze %dma_start3A_849 : memref<1x100xi32, #tpu.memory_space<vmem>> -> memref<100xi32, #tpu.memory_space<vmem>>
        %dma_start3A_851 = arith.constant 0 : i32
        %dma_start3A_852 = arith.constant 0 : i32
        %dma_start3A_853 = tpu.memref_slice %arg2[%dma_start3A_851, %dma_start3A_852] : memref<51200x8xf32, #tpu.memory_space<hbm>> -> memref<51200x8xf32, #tpu.memory_space<hbm>>
        tpu.enqueue_indirect_dma source(%dma_start3A_853 : memref<51200x8xf32, #tpu.memory_space<hbm>>) target(%dma_start3A_843 : memref<100x8xf32, #tpu.memory_space<vmem>>) offsets(%dma_start3A_850 : memref<100xi32, #tpu.memory_space<vmem>>) semaphore(%arg10 : memref<!tpu.dma_semaphore, #tpu.memory_space<semaphore_mem>>)
        %dma_start3A_854 = arith.constant 3 : i32
        %dma_start3A_855 = arith.constant 0 : i32
        %dma_start3A_856 = arith.constant 0 : i32
        %dma_start3A_857 = tpu.memref_slice %arg8[%sub3A_424, %dma_start3A_855, %dma_start3A_856] : memref<2x1000x8xf32, #tpu.memory_space<vmem>> -> memref<1x1000x8xf32, #tpu.memory_space<vmem>>
        %dma_start3A_858 = tpu.memref_squeeze %dma_start3A_857 : memref<1x1000x8xf32, #tpu.memory_space<vmem>> -> memref<1000x8xf32, #tpu.memory_space<vmem>>
        %dma_start3A_859 = arith.constant 300 : i32
        %dma_start3A_860 = arith.constant 0 : i32
        %dma_start3A_861 = tpu.memref_slice %dma_start3A_858[%dma_start3A_859, %dma_start3A_860] : memref<1000x8xf32, #tpu.memory_space<vmem>> -> memref<100x8xf32, #tpu.memory_space<vmem>>
        %dma_start3A_862 = arith.constant 0 : i32
        %dma_start3A_863 = arith.constant 0 : i32
        %dma_start3A_864 = tpu.memref_slice %arg6[%sub3A_424, %dma_start3A_862, %dma_start3A_863] : memref<2x10x100xi32, #tpu.memory_space<vmem>> -> memref<1x10x100xi32, #tpu.memory_space<vmem>>
        %dma_start3A_865 = tpu.memref_squeeze %dma_start3A_864 : memref<1x10x100xi32, #tpu.memory_space<vmem>> -> memref<10x100xi32, #tpu.memory_space<vmem>>
        %dma_start3A_866 = arith.constant 0 : i32
        %dma_start3A_867 = tpu.memref_slice %dma_start3A_865[%dma_start3A_854, %dma_start3A_866] : memref<10x100xi32, #tpu.memory_space<vmem>> -> memref<1x100xi32, #tpu.memory_space<vmem>>
        %dma_start3A_868 = tpu.memref_squeeze %dma_start3A_867 : memref<1x100xi32, #tpu.memory_space<vmem>> -> memref<100xi32, #tpu.memory_space<vmem>>
        %dma_start3A_869 = arith.constant 0 : i32
        %dma_start3A_870 = arith.constant 0 : i32
        %dma_start3A_871 = tpu.memref_slice %arg2[%dma_start3A_869, %dma_start3A_870] : memref<51200x8xf32, #tpu.memory_space<hbm>> -> memref<51200x8xf32, #tpu.memory_space<hbm>>
        tpu.enqueue_indirect_dma source(%dma_start3A_871 : memref<51200x8xf32, #tpu.memory_space<hbm>>) target(%dma_start3A_861 : memref<100x8xf32, #tpu.memory_space<vmem>>) offsets(%dma_start3A_868 : memref<100xi32, #tpu.memory_space<vmem>>) semaphore(%arg10 : memref<!tpu.dma_semaphore, #tpu.memory_space<semaphore_mem>>)
        %dma_start3A_872 = arith.constant 4 : i32
        %dma_start3A_873 = arith.constant 0 : i32
        %dma_start3A_874 = arith.constant 0 : i32
        %dma_start3A_875 = tpu.memref_slice %arg8[%sub3A_424, %dma_start3A_873, %dma_start3A_874] : memref<2x1000x8xf32, #tpu.memory_space<vmem>> -> memref<1x1000x8xf32, #tpu.memory_space<vmem>>
        %dma_start3A_876 = tpu.memref_squeeze %dma_start3A_875 : memref<1x1000x8xf32, #tpu.memory_space<vmem>> -> memref<1000x8xf32, #tpu.memory_space<vmem>>
        %dma_start3A_877 = arith.constant 400 : i32
        %dma_start3A_878 = arith.constant 0 : i32
        %dma_start3A_879 = tpu.memref_slice %dma_start3A_876[%dma_start3A_877, %dma_start3A_878] : memref<1000x8xf32, #tpu.memory_space<vmem>> -> memref<100x8xf32, #tpu.memory_space<vmem>>
        %dma_start3A_880 = arith.constant 0 : i32
        %dma_start3A_881 = arith.constant 0 : i32
        %dma_start3A_882 = tpu.memref_slice %arg6[%sub3A_424, %dma_start3A_880, %dma_start3A_881] : memref<2x10x100xi32, #tpu.memory_space<vmem>> -> memref<1x10x100xi32, #tpu.memory_space<vmem>>
        %dma_start3A_883 = tpu.memref_squeeze %dma_start3A_882 : memref<1x10x100xi32, #tpu.memory_space<vmem>> -> memref<10x100xi32, #tpu.memory_space<vmem>>
        %dma_start3A_884 = arith.constant 0 : i32
        %dma_start3A_885 = tpu.memref_slice %dma_start3A_883[%dma_start3A_872, %dma_start3A_884] : memref<10x100xi32, #tpu.memory_space<vmem>> -> memref<1x100xi32, #tpu.memory_space<vmem>>
        %dma_start3A_886 = tpu.memref_squeeze %dma_start3A_885 : memref<1x100xi32, #tpu.memory_space<vmem>> -> memref<100xi32, #tpu.memory_space<vmem>>
        %dma_start3A_887 = arith.constant 0 : i32
        %dma_start3A_888 = arith.constant 0 : i32
        %dma_start3A_889 = tpu.memref_slice %arg2[%dma_start3A_887, %dma_start3A_888] : memref<51200x8xf32, #tpu.memory_space<hbm>> -> memref<51200x8xf32, #tpu.memory_space<hbm>>
        tpu.enqueue_indirect_dma source(%dma_start3A_889 : memref<51200x8xf32, #tpu.memory_space<hbm>>) target(%dma_start3A_879 : memref<100x8xf32, #tpu.memory_space<vmem>>) offsets(%dma_start3A_886 : memref<100xi32, #tpu.memory_space<vmem>>) semaphore(%arg10 : memref<!tpu.dma_semaphore, #tpu.memory_space<semaphore_mem>>)
        %dma_start3A_890 = arith.constant 5 : i32
        %dma_start3A_891 = arith.constant 0 : i32
        %dma_start3A_892 = arith.constant 0 : i32
        %dma_start3A_893 = tpu.memref_slice %arg8[%sub3A_424, %dma_start3A_891, %dma_start3A_892] : memref<2x1000x8xf32, #tpu.memory_space<vmem>> -> memref<1x1000x8xf32, #tpu.memory_space<vmem>>
        %dma_start3A_894 = tpu.memref_squeeze %dma_start3A_893 : memref<1x1000x8xf32, #tpu.memory_space<vmem>> -> memref<1000x8xf32, #tpu.memory_space<vmem>>
        %dma_start3A_895 = arith.constant 500 : i32
        %dma_start3A_896 = arith.constant 0 : i32
        %dma_start3A_897 = tpu.memref_slice %dma_start3A_894[%dma_start3A_895, %dma_start3A_896] : memref<1000x8xf32, #tpu.memory_space<vmem>> -> memref<100x8xf32, #tpu.memory_space<vmem>>
        %dma_start3A_898 = arith.constant 0 : i32
        %dma_start3A_899 = arith.constant 0 : i32
        %dma_start3A_900 = tpu.memref_slice %arg6[%sub3A_424, %dma_start3A_898, %dma_start3A_899] : memref<2x10x100xi32, #tpu.memory_space<vmem>> -> memref<1x10x100xi32, #tpu.memory_space<vmem>>
        %dma_start3A_901 = tpu.memref_squeeze %dma_start3A_900 : memref<1x10x100xi32, #tpu.memory_space<vmem>> -> memref<10x100xi32, #tpu.memory_space<vmem>>
        %dma_start3A_902 = arith.constant 0 : i32
        %dma_start3A_903 = tpu.memref_slice %dma_start3A_901[%dma_start3A_890, %dma_start3A_902] : memref<10x100xi32, #tpu.memory_space<vmem>> -> memref<1x100xi32, #tpu.memory_space<vmem>>
        %dma_start3A_904 = tpu.memref_squeeze %dma_start3A_903 : memref<1x100xi32, #tpu.memory_space<vmem>> -> memref<100xi32, #tpu.memory_space<vmem>>
        %dma_start3A_905 = arith.constant 0 : i32
        %dma_start3A_906 = arith.constant 0 : i32
        %dma_start3A_907 = tpu.memref_slice %arg2[%dma_start3A_905, %dma_start3A_906] : memref<51200x8xf32, #tpu.memory_space<hbm>> -> memref<51200x8xf32, #tpu.memory_space<hbm>>
        tpu.enqueue_indirect_dma source(%dma_start3A_907 : memref<51200x8xf32, #tpu.memory_space<hbm>>) target(%dma_start3A_897 : memref<100x8xf32, #tpu.memory_space<vmem>>) offsets(%dma_start3A_904 : memref<100xi32, #tpu.memory_space<vmem>>) semaphore(%arg10 : memref<!tpu.dma_semaphore, #tpu.memory_space<semaphore_mem>>)
        %dma_start3A_908 = arith.constant 6 : i32
        %dma_start3A_909 = arith.constant 0 : i32
        %dma_start3A_910 = arith.constant 0 : i32
        %dma_start3A_911 = tpu.memref_slice %arg8[%sub3A_424, %dma_start3A_909, %dma_start3A_910] : memref<2x1000x8xf32, #tpu.memory_space<vmem>> -> memref<1x1000x8xf32, #tpu.memory_space<vmem>>
        %dma_start3A_912 = tpu.memref_squeeze %dma_start3A_911 : memref<1x1000x8xf32, #tpu.memory_space<vmem>> -> memref<1000x8xf32, #tpu.memory_space<vmem>>
        %dma_start3A_913 = arith.constant 600 : i32
        %dma_start3A_914 = arith.constant 0 : i32
        %dma_start3A_915 = tpu.memref_slice %dma_start3A_912[%dma_start3A_913, %dma_start3A_914] : memref<1000x8xf32, #tpu.memory_space<vmem>> -> memref<100x8xf32, #tpu.memory_space<vmem>>
        %dma_start3A_916 = arith.constant 0 : i32
        %dma_start3A_917 = arith.constant 0 : i32
        %dma_start3A_918 = tpu.memref_slice %arg6[%sub3A_424, %dma_start3A_916, %dma_start3A_917] : memref<2x10x100xi32, #tpu.memory_space<vmem>> -> memref<1x10x100xi32, #tpu.memory_space<vmem>>
        %dma_start3A_919 = tpu.memref_squeeze %dma_start3A_918 : memref<1x10x100xi32, #tpu.memory_space<vmem>> -> memref<10x100xi32, #tpu.memory_space<vmem>>
        %dma_start3A_920 = arith.constant 0 : i32
        %dma_start3A_921 = tpu.memref_slice %dma_start3A_919[%dma_start3A_908, %dma_start3A_920] : memref<10x100xi32, #tpu.memory_space<vmem>> -> memref<1x100xi32, #tpu.memory_space<vmem>>
        %dma_start3A_922 = tpu.memref_squeeze %dma_start3A_921 : memref<1x100xi32, #tpu.memory_space<vmem>> -> memref<100xi32, #tpu.memory_space<vmem>>
        %dma_start3A_923 = arith.constant 0 : i32
        %dma_start3A_924 = arith.constant 0 : i32
        %dma_start3A_925 = tpu.memref_slice %arg2[%dma_start3A_923, %dma_start3A_924] : memref<51200x8xf32, #tpu.memory_space<hbm>> -> memref<51200x8xf32, #tpu.memory_space<hbm>>
        tpu.enqueue_indirect_dma source(%dma_start3A_925 : memref<51200x8xf32, #tpu.memory_space<hbm>>) target(%dma_start3A_915 : memref<100x8xf32, #tpu.memory_space<vmem>>) offsets(%dma_start3A_922 : memref<100xi32, #tpu.memory_space<vmem>>) semaphore(%arg10 : memref<!tpu.dma_semaphore, #tpu.memory_space<semaphore_mem>>)
        %dma_start3A_926 = arith.constant 7 : i32
        %dma_start3A_927 = arith.constant 0 : i32
        %dma_start3A_928 = arith.constant 0 : i32
        %dma_start3A_929 = tpu.memref_slice %arg8[%sub3A_424, %dma_start3A_927, %dma_start3A_928] : memref<2x1000x8xf32, #tpu.memory_space<vmem>> -> memref<1x1000x8xf32, #tpu.memory_space<vmem>>
        %dma_start3A_930 = tpu.memref_squeeze %dma_start3A_929 : memref<1x1000x8xf32, #tpu.memory_space<vmem>> -> memref<1000x8xf32, #tpu.memory_space<vmem>>
        %dma_start3A_931 = arith.constant 700 : i32
        %dma_start3A_932 = arith.constant 0 : i32
        %dma_start3A_933 = tpu.memref_slice %dma_start3A_930[%dma_start3A_931, %dma_start3A_932] : memref<1000x8xf32, #tpu.memory_space<vmem>> -> memref<100x8xf32, #tpu.memory_space<vmem>>
        %dma_start3A_934 = arith.constant 0 : i32
        %dma_start3A_935 = arith.constant 0 : i32
        %dma_start3A_936 = tpu.memref_slice %arg6[%sub3A_424, %dma_start3A_934, %dma_start3A_935] : memref<2x10x100xi32, #tpu.memory_space<vmem>> -> memref<1x10x100xi32, #tpu.memory_space<vmem>>
        %dma_start3A_937 = tpu.memref_squeeze %dma_start3A_936 : memref<1x10x100xi32, #tpu.memory_space<vmem>> -> memref<10x100xi32, #tpu.memory_space<vmem>>
        %dma_start3A_938 = arith.constant 0 : i32
        %dma_start3A_939 = tpu.memref_slice %dma_start3A_937[%dma_start3A_926, %dma_start3A_938] : memref<10x100xi32, #tpu.memory_space<vmem>> -> memref<1x100xi32, #tpu.memory_space<vmem>>
        %dma_start3A_940 = tpu.memref_squeeze %dma_start3A_939 : memref<1x100xi32, #tpu.memory_space<vmem>> -> memref<100xi32, #tpu.memory_space<vmem>>
        %dma_start3A_941 = arith.constant 0 : i32
        %dma_start3A_942 = arith.constant 0 : i32
        %dma_start3A_943 = tpu.memref_slice %arg2[%dma_start3A_941, %dma_start3A_942] : memref<51200x8xf32, #tpu.memory_space<hbm>> -> memref<51200x8xf32, #tpu.memory_space<hbm>>
        tpu.enqueue_indirect_dma source(%dma_start3A_943 : memref<51200x8xf32, #tpu.memory_space<hbm>>) target(%dma_start3A_933 : memref<100x8xf32, #tpu.memory_space<vmem>>) offsets(%dma_start3A_940 : memref<100xi32, #tpu.memory_space<vmem>>) semaphore(%arg10 : memref<!tpu.dma_semaphore, #tpu.memory_space<semaphore_mem>>)
        %dma_start3A_944 = arith.constant 8 : i32
        %dma_start3A_945 = arith.constant 0 : i32
        %dma_start3A_946 = arith.constant 0 : i32
        %dma_start3A_947 = tpu.memref_slice %arg8[%sub3A_424, %dma_start3A_945, %dma_start3A_946] : memref<2x1000x8xf32, #tpu.memory_space<vmem>> -> memref<1x1000x8xf32, #tpu.memory_space<vmem>>
        %dma_start3A_948 = tpu.memref_squeeze %dma_start3A_947 : memref<1x1000x8xf32, #tpu.memory_space<vmem>> -> memref<1000x8xf32, #tpu.memory_space<vmem>>
        %dma_start3A_949 = arith.constant 800 : i32
        %dma_start3A_950 = arith.constant 0 : i32
        %dma_start3A_951 = tpu.memref_slice %dma_start3A_948[%dma_start3A_949, %dma_start3A_950] : memref<1000x8xf32, #tpu.memory_space<vmem>> -> memref<100x8xf32, #tpu.memory_space<vmem>>
        %dma_start3A_952 = arith.constant 0 : i32
        %dma_start3A_953 = arith.constant 0 : i32
        %dma_start3A_954 = tpu.memref_slice %arg6[%sub3A_424, %dma_start3A_952, %dma_start3A_953] : memref<2x10x100xi32, #tpu.memory_space<vmem>> -> memref<1x10x100xi32, #tpu.memory_space<vmem>>
        %dma_start3A_955 = tpu.memref_squeeze %dma_start3A_954 : memref<1x10x100xi32, #tpu.memory_space<vmem>> -> memref<10x100xi32, #tpu.memory_space<vmem>>
        %dma_start3A_956 = arith.constant 0 : i32
        %dma_start3A_957 = tpu.memref_slice %dma_start3A_955[%dma_start3A_944, %dma_start3A_956] : memref<10x100xi32, #tpu.memory_space<vmem>> -> memref<1x100xi32, #tpu.memory_space<vmem>>
        %dma_start3A_958 = tpu.memref_squeeze %dma_start3A_957 : memref<1x100xi32, #tpu.memory_space<vmem>> -> memref<100xi32, #tpu.memory_space<vmem>>
        %dma_start3A_959 = arith.constant 0 : i32
        %dma_start3A_960 = arith.constant 0 : i32
        %dma_start3A_961 = tpu.memref_slice %arg2[%dma_start3A_959, %dma_start3A_960] : memref<51200x8xf32, #tpu.memory_space<hbm>> -> memref<51200x8xf32, #tpu.memory_space<hbm>>
        tpu.enqueue_indirect_dma source(%dma_start3A_961 : memref<51200x8xf32, #tpu.memory_space<hbm>>) target(%dma_start3A_951 : memref<100x8xf32, #tpu.memory_space<vmem>>) offsets(%dma_start3A_958 : memref<100xi32, #tpu.memory_space<vmem>>) semaphore(%arg10 : memref<!tpu.dma_semaphore, #tpu.memory_space<semaphore_mem>>)
        %dma_start3A_962 = arith.constant 9 : i32
        %dma_start3A_963 = arith.constant 0 : i32
        %dma_start3A_964 = arith.constant 0 : i32
        %dma_start3A_965 = tpu.memref_slice %arg8[%sub3A_424, %dma_start3A_963, %dma_start3A_964] : memref<2x1000x8xf32, #tpu.memory_space<vmem>> -> memref<1x1000x8xf32, #tpu.memory_space<vmem>>
        %dma_start3A_966 = tpu.memref_squeeze %dma_start3A_965 : memref<1x1000x8xf32, #tpu.memory_space<vmem>> -> memref<1000x8xf32, #tpu.memory_space<vmem>>
        %dma_start3A_967 = arith.constant 900 : i32
        %dma_start3A_968 = arith.constant 0 : i32
        %dma_start3A_969 = tpu.memref_slice %dma_start3A_966[%dma_start3A_967, %dma_start3A_968] : memref<1000x8xf32, #tpu.memory_space<vmem>> -> memref<100x8xf32, #tpu.memory_space<vmem>>
        %dma_start3A_970 = arith.constant 0 : i32
        %dma_start3A_971 = arith.constant 0 : i32
        %dma_start3A_972 = tpu.memref_slice %arg6[%sub3A_424, %dma_start3A_970, %dma_start3A_971] : memref<2x10x100xi32, #tpu.memory_space<vmem>> -> memref<1x10x100xi32, #tpu.memory_space<vmem>>
        %dma_start3A_973 = tpu.memref_squeeze %dma_start3A_972 : memref<1x10x100xi32, #tpu.memory_space<vmem>> -> memref<10x100xi32, #tpu.memory_space<vmem>>
        %dma_start3A_974 = arith.constant 0 : i32
        %dma_start3A_975 = tpu.memref_slice %dma_start3A_973[%dma_start3A_962, %dma_start3A_974] : memref<10x100xi32, #tpu.memory_space<vmem>> -> memref<1x100xi32, #tpu.memory_space<vmem>>
        %dma_start3A_976 = tpu.memref_squeeze %dma_start3A_975 : memref<1x100xi32, #tpu.memory_space<vmem>> -> memref<100xi32, #tpu.memory_space<vmem>>
        %dma_start3A_977 = arith.constant 0 : i32
        %dma_start3A_978 = arith.constant 0 : i32
        %dma_start3A_979 = tpu.memref_slice %arg2[%dma_start3A_977, %dma_start3A_978] : memref<51200x8xf32, #tpu.memory_space<hbm>> -> memref<51200x8xf32, #tpu.memory_space<hbm>>
        tpu.enqueue_indirect_dma source(%dma_start3A_979 : memref<51200x8xf32, #tpu.memory_space<hbm>>) target(%dma_start3A_969 : memref<100x8xf32, #tpu.memory_space<vmem>>) offsets(%dma_start3A_976 : memref<100xi32, #tpu.memory_space<vmem>>) semaphore(%arg10 : memref<!tpu.dma_semaphore, #tpu.memory_space<semaphore_mem>>)
      } else {
      }
    }
    %scan3A_217 = arith.constant 25 : i32
    %dma_wait3A = arith.constant 0 : i32
    %dma_wait3A_218 = arith.constant 0 : i32
    %dma_wait3A_219 = arith.constant 0 : i32
    %dma_wait3A_220 = arith.constant 0 : i32
    %dma_wait3A_221 = arith.constant 0 : i32
    %dma_wait3A_222 = tpu.memref_slice %arg8[%dma_wait3A, %dma_wait3A_220, %dma_wait3A_221] : memref<2x1000x8xf32, #tpu.memory_space<vmem>> -> memref<1x1000x8xf32, #tpu.memory_space<vmem>>
    %dma_wait3A_223 = tpu.memref_squeeze %dma_wait3A_222 : memref<1x1000x8xf32, #tpu.memory_space<vmem>> -> memref<1000x8xf32, #tpu.memory_space<vmem>>
    %dma_wait3A_224 = arith.constant 0 : i32
    %dma_wait3A_225 = arith.constant 0 : i32
    %dma_wait3A_226 = tpu.memref_slice %dma_wait3A_223[%dma_wait3A_224, %dma_wait3A_225] : memref<1000x8xf32, #tpu.memory_space<vmem>> -> memref<100x8xf32, #tpu.memory_space<vmem>>
    %dma_wait3A_227 = arith.constant 0 : i32
    %dma_wait3A_228 = arith.constant 0 : i32
    %dma_wait3A_229 = tpu.memref_slice %arg7[%dma_wait3A_218, %dma_wait3A_227, %dma_wait3A_228] : memref<2x10x100xi32, #tpu.memory_space<vmem>> -> memref<1x10x100xi32, #tpu.memory_space<vmem>>
    %dma_wait3A_230 = tpu.memref_squeeze %dma_wait3A_229 : memref<1x10x100xi32, #tpu.memory_space<vmem>> -> memref<10x100xi32, #tpu.memory_space<vmem>>
    %dma_wait3A_231 = arith.constant 0 : i32
    %dma_wait3A_232 = tpu.memref_slice %dma_wait3A_230[%dma_wait3A_219, %dma_wait3A_231] : memref<10x100xi32, #tpu.memory_space<vmem>> -> memref<1x100xi32, #tpu.memory_space<vmem>>
    %dma_wait3A_233 = tpu.memref_squeeze %dma_wait3A_232 : memref<1x100xi32, #tpu.memory_space<vmem>> -> memref<100xi32, #tpu.memory_space<vmem>>
    %dma_wait3A_234 = arith.constant 0 : i32
    %dma_wait3A_235 = arith.constant 0 : i32
    %dma_wait3A_236 = tpu.memref_slice %arg9[%dma_wait3A_234, %dma_wait3A_235] : memref<51200x8xf32, #tpu.memory_space<vmem_shared>> -> memref<51200x8xf32, #tpu.memory_space<vmem_shared>>
    tpu.wait_indirect_dma semaphore(%arg11 : memref<!tpu.dma_semaphore, #tpu.memory_space<semaphore_mem>>) src(%dma_wait3A_226 : memref<100x8xf32, #tpu.memory_space<vmem>>) dst(%dma_wait3A_236 : memref<51200x8xf32, #tpu.memory_space<vmem_shared>>)
    %dma_wait3A_237 = arith.constant 0 : i32
    %dma_wait3A_238 = arith.constant 0 : i32
    %dma_wait3A_239 = arith.constant 1 : i32
    %dma_wait3A_240 = arith.constant 0 : i32
    %dma_wait3A_241 = arith.constant 0 : i32
    %dma_wait3A_242 = tpu.memref_slice %arg8[%dma_wait3A_237, %dma_wait3A_240, %dma_wait3A_241] : memref<2x1000x8xf32, #tpu.memory_space<vmem>> -> memref<1x1000x8xf32, #tpu.memory_space<vmem>>
    %dma_wait3A_243 = tpu.memref_squeeze %dma_wait3A_242 : memref<1x1000x8xf32, #tpu.memory_space<vmem>> -> memref<1000x8xf32, #tpu.memory_space<vmem>>
    %dma_wait3A_244 = arith.constant 100 : i32
    %dma_wait3A_245 = arith.constant 0 : i32
    %dma_wait3A_246 = tpu.memref_slice %dma_wait3A_243[%dma_wait3A_244, %dma_wait3A_245] : memref<1000x8xf32, #tpu.memory_space<vmem>> -> memref<100x8xf32, #tpu.memory_space<vmem>>
    %dma_wait3A_247 = arith.constant 0 : i32
    %dma_wait3A_248 = arith.constant 0 : i32
    %dma_wait3A_249 = tpu.memref_slice %arg7[%dma_wait3A_238, %dma_wait3A_247, %dma_wait3A_248] : memref<2x10x100xi32, #tpu.memory_space<vmem>> -> memref<1x10x100xi32, #tpu.memory_space<vmem>>
    %dma_wait3A_250 = tpu.memref_squeeze %dma_wait3A_249 : memref<1x10x100xi32, #tpu.memory_space<vmem>> -> memref<10x100xi32, #tpu.memory_space<vmem>>
    %dma_wait3A_251 = arith.constant 0 : i32
    %dma_wait3A_252 = tpu.memref_slice %dma_wait3A_250[%dma_wait3A_239, %dma_wait3A_251] : memref<10x100xi32, #tpu.memory_space<vmem>> -> memref<1x100xi32, #tpu.memory_space<vmem>>
    %dma_wait3A_253 = tpu.memref_squeeze %dma_wait3A_252 : memref<1x100xi32, #tpu.memory_space<vmem>> -> memref<100xi32, #tpu.memory_space<vmem>>
    %dma_wait3A_254 = arith.constant 0 : i32
    %dma_wait3A_255 = arith.constant 0 : i32
    %dma_wait3A_256 = tpu.memref_slice %arg9[%dma_wait3A_254, %dma_wait3A_255] : memref<51200x8xf32, #tpu.memory_space<vmem_shared>> -> memref<51200x8xf32, #tpu.memory_space<vmem_shared>>
    tpu.wait_indirect_dma semaphore(%arg11 : memref<!tpu.dma_semaphore, #tpu.memory_space<semaphore_mem>>) src(%dma_wait3A_246 : memref<100x8xf32, #tpu.memory_space<vmem>>) dst(%dma_wait3A_256 : memref<51200x8xf32, #tpu.memory_space<vmem_shared>>)
    %dma_wait3A_257 = arith.constant 0 : i32
    %dma_wait3A_258 = arith.constant 0 : i32
    %dma_wait3A_259 = arith.constant 2 : i32
    %dma_wait3A_260 = arith.constant 0 : i32
    %dma_wait3A_261 = arith.constant 0 : i32
    %dma_wait3A_262 = tpu.memref_slice %arg8[%dma_wait3A_257, %dma_wait3A_260, %dma_wait3A_261] : memref<2x1000x8xf32, #tpu.memory_space<vmem>> -> memref<1x1000x8xf32, #tpu.memory_space<vmem>>
    %dma_wait3A_263 = tpu.memref_squeeze %dma_wait3A_262 : memref<1x1000x8xf32, #tpu.memory_space<vmem>> -> memref<1000x8xf32, #tpu.memory_space<vmem>>
    %dma_wait3A_264 = arith.constant 200 : i32
    %dma_wait3A_265 = arith.constant 0 : i32
    %dma_wait3A_266 = tpu.memref_slice %dma_wait3A_263[%dma_wait3A_264, %dma_wait3A_265] : memref<1000x8xf32, #tpu.memory_space<vmem>> -> memref<100x8xf32, #tpu.memory_space<vmem>>
    %dma_wait3A_267 = arith.constant 0 : i32
    %dma_wait3A_268 = arith.constant 0 : i32
    %dma_wait3A_269 = tpu.memref_slice %arg7[%dma_wait3A_258, %dma_wait3A_267, %dma_wait3A_268] : memref<2x10x100xi32, #tpu.memory_space<vmem>> -> memref<1x10x100xi32, #tpu.memory_space<vmem>>
    %dma_wait3A_270 = tpu.memref_squeeze %dma_wait3A_269 : memref<1x10x100xi32, #tpu.memory_space<vmem>> -> memref<10x100xi32, #tpu.memory_space<vmem>>
    %dma_wait3A_271 = arith.constant 0 : i32
    %dma_wait3A_272 = tpu.memref_slice %dma_wait3A_270[%dma_wait3A_259, %dma_wait3A_271] : memref<10x100xi32, #tpu.memory_space<vmem>> -> memref<1x100xi32, #tpu.memory_space<vmem>>
    %dma_wait3A_273 = tpu.memref_squeeze %dma_wait3A_272 : memref<1x100xi32, #tpu.memory_space<vmem>> -> memref<100xi32, #tpu.memory_space<vmem>>
    %dma_wait3A_274 = arith.constant 0 : i32
    %dma_wait3A_275 = arith.constant 0 : i32
    %dma_wait3A_276 = tpu.memref_slice %arg9[%dma_wait3A_274, %dma_wait3A_275] : memref<51200x8xf32, #tpu.memory_space<vmem_shared>> -> memref<51200x8xf32, #tpu.memory_space<vmem_shared>>
    tpu.wait_indirect_dma semaphore(%arg11 : memref<!tpu.dma_semaphore, #tpu.memory_space<semaphore_mem>>) src(%dma_wait3A_266 : memref<100x8xf32, #tpu.memory_space<vmem>>) dst(%dma_wait3A_276 : memref<51200x8xf32, #tpu.memory_space<vmem_shared>>)
    %dma_wait3A_277 = arith.constant 0 : i32
    %dma_wait3A_278 = arith.constant 0 : i32
    %dma_wait3A_279 = arith.constant 3 : i32
    %dma_wait3A_280 = arith.constant 0 : i32
    %dma_wait3A_281 = arith.constant 0 : i32
    %dma_wait3A_282 = tpu.memref_slice %arg8[%dma_wait3A_277, %dma_wait3A_280, %dma_wait3A_281] : memref<2x1000x8xf32, #tpu.memory_space<vmem>> -> memref<1x1000x8xf32, #tpu.memory_space<vmem>>
    %dma_wait3A_283 = tpu.memref_squeeze %dma_wait3A_282 : memref<1x1000x8xf32, #tpu.memory_space<vmem>> -> memref<1000x8xf32, #tpu.memory_space<vmem>>
    %dma_wait3A_284 = arith.constant 300 : i32
    %dma_wait3A_285 = arith.constant 0 : i32
    %dma_wait3A_286 = tpu.memref_slice %dma_wait3A_283[%dma_wait3A_284, %dma_wait3A_285] : memref<1000x8xf32, #tpu.memory_space<vmem>> -> memref<100x8xf32, #tpu.memory_space<vmem>>
    %dma_wait3A_287 = arith.constant 0 : i32
    %dma_wait3A_288 = arith.constant 0 : i32
    %dma_wait3A_289 = tpu.memref_slice %arg7[%dma_wait3A_278, %dma_wait3A_287, %dma_wait3A_288] : memref<2x10x100xi32, #tpu.memory_space<vmem>> -> memref<1x10x100xi32, #tpu.memory_space<vmem>>
    %dma_wait3A_290 = tpu.memref_squeeze %dma_wait3A_289 : memref<1x10x100xi32, #tpu.memory_space<vmem>> -> memref<10x100xi32, #tpu.memory_space<vmem>>
    %dma_wait3A_291 = arith.constant 0 : i32
    %dma_wait3A_292 = tpu.memref_slice %dma_wait3A_290[%dma_wait3A_279, %dma_wait3A_291] : memref<10x100xi32, #tpu.memory_space<vmem>> -> memref<1x100xi32, #tpu.memory_space<vmem>>
    %dma_wait3A_293 = tpu.memref_squeeze %dma_wait3A_292 : memref<1x100xi32, #tpu.memory_space<vmem>> -> memref<100xi32, #tpu.memory_space<vmem>>
    %dma_wait3A_294 = arith.constant 0 : i32
    %dma_wait3A_295 = arith.constant 0 : i32
    %dma_wait3A_296 = tpu.memref_slice %arg9[%dma_wait3A_294, %dma_wait3A_295] : memref<51200x8xf32, #tpu.memory_space<vmem_shared>> -> memref<51200x8xf32, #tpu.memory_space<vmem_shared>>
    tpu.wait_indirect_dma semaphore(%arg11 : memref<!tpu.dma_semaphore, #tpu.memory_space<semaphore_mem>>) src(%dma_wait3A_286 : memref<100x8xf32, #tpu.memory_space<vmem>>) dst(%dma_wait3A_296 : memref<51200x8xf32, #tpu.memory_space<vmem_shared>>)
    %dma_wait3A_297 = arith.constant 0 : i32
    %dma_wait3A_298 = arith.constant 0 : i32
    %dma_wait3A_299 = arith.constant 4 : i32
    %dma_wait3A_300 = arith.constant 0 : i32
    %dma_wait3A_301 = arith.constant 0 : i32
    %dma_wait3A_302 = tpu.memref_slice %arg8[%dma_wait3A_297, %dma_wait3A_300, %dma_wait3A_301] : memref<2x1000x8xf32, #tpu.memory_space<vmem>> -> memref<1x1000x8xf32, #tpu.memory_space<vmem>>
    %dma_wait3A_303 = tpu.memref_squeeze %dma_wait3A_302 : memref<1x1000x8xf32, #tpu.memory_space<vmem>> -> memref<1000x8xf32, #tpu.memory_space<vmem>>
    %dma_wait3A_304 = arith.constant 400 : i32
    %dma_wait3A_305 = arith.constant 0 : i32
    %dma_wait3A_306 = tpu.memref_slice %dma_wait3A_303[%dma_wait3A_304, %dma_wait3A_305] : memref<1000x8xf32, #tpu.memory_space<vmem>> -> memref<100x8xf32, #tpu.memory_space<vmem>>
    %dma_wait3A_307 = arith.constant 0 : i32
    %dma_wait3A_308 = arith.constant 0 : i32
    %dma_wait3A_309 = tpu.memref_slice %arg7[%dma_wait3A_298, %dma_wait3A_307, %dma_wait3A_308] : memref<2x10x100xi32, #tpu.memory_space<vmem>> -> memref<1x10x100xi32, #tpu.memory_space<vmem>>
    %dma_wait3A_310 = tpu.memref_squeeze %dma_wait3A_309 : memref<1x10x100xi32, #tpu.memory_space<vmem>> -> memref<10x100xi32, #tpu.memory_space<vmem>>
    %dma_wait3A_311 = arith.constant 0 : i32
    %dma_wait3A_312 = tpu.memref_slice %dma_wait3A_310[%dma_wait3A_299, %dma_wait3A_311] : memref<10x100xi32, #tpu.memory_space<vmem>> -> memref<1x100xi32, #tpu.memory_space<vmem>>
    %dma_wait3A_313 = tpu.memref_squeeze %dma_wait3A_312 : memref<1x100xi32, #tpu.memory_space<vmem>> -> memref<100xi32, #tpu.memory_space<vmem>>
    %dma_wait3A_314 = arith.constant 0 : i32
    %dma_wait3A_315 = arith.constant 0 : i32
    %dma_wait3A_316 = tpu.memref_slice %arg9[%dma_wait3A_314, %dma_wait3A_315] : memref<51200x8xf32, #tpu.memory_space<vmem_shared>> -> memref<51200x8xf32, #tpu.memory_space<vmem_shared>>
    tpu.wait_indirect_dma semaphore(%arg11 : memref<!tpu.dma_semaphore, #tpu.memory_space<semaphore_mem>>) src(%dma_wait3A_306 : memref<100x8xf32, #tpu.memory_space<vmem>>) dst(%dma_wait3A_316 : memref<51200x8xf32, #tpu.memory_space<vmem_shared>>)
    %dma_wait3A_317 = arith.constant 0 : i32
    %dma_wait3A_318 = arith.constant 0 : i32
    %dma_wait3A_319 = arith.constant 5 : i32
    %dma_wait3A_320 = arith.constant 0 : i32
    %dma_wait3A_321 = arith.constant 0 : i32
    %dma_wait3A_322 = tpu.memref_slice %arg8[%dma_wait3A_317, %dma_wait3A_320, %dma_wait3A_321] : memref<2x1000x8xf32, #tpu.memory_space<vmem>> -> memref<1x1000x8xf32, #tpu.memory_space<vmem>>
    %dma_wait3A_323 = tpu.memref_squeeze %dma_wait3A_322 : memref<1x1000x8xf32, #tpu.memory_space<vmem>> -> memref<1000x8xf32, #tpu.memory_space<vmem>>
    %dma_wait3A_324 = arith.constant 500 : i32
    %dma_wait3A_325 = arith.constant 0 : i32
    %dma_wait3A_326 = tpu.memref_slice %dma_wait3A_323[%dma_wait3A_324, %dma_wait3A_325] : memref<1000x8xf32, #tpu.memory_space<vmem>> -> memref<100x8xf32, #tpu.memory_space<vmem>>
    %dma_wait3A_327 = arith.constant 0 : i32
    %dma_wait3A_328 = arith.constant 0 : i32
    %dma_wait3A_329 = tpu.memref_slice %arg7[%dma_wait3A_318, %dma_wait3A_327, %dma_wait3A_328] : memref<2x10x100xi32, #tpu.memory_space<vmem>> -> memref<1x10x100xi32, #tpu.memory_space<vmem>>
    %dma_wait3A_330 = tpu.memref_squeeze %dma_wait3A_329 : memref<1x10x100xi32, #tpu.memory_space<vmem>> -> memref<10x100xi32, #tpu.memory_space<vmem>>
    %dma_wait3A_331 = arith.constant 0 : i32
    %dma_wait3A_332 = tpu.memref_slice %dma_wait3A_330[%dma_wait3A_319, %dma_wait3A_331] : memref<10x100xi32, #tpu.memory_space<vmem>> -> memref<1x100xi32, #tpu.memory_space<vmem>>
    %dma_wait3A_333 = tpu.memref_squeeze %dma_wait3A_332 : memref<1x100xi32, #tpu.memory_space<vmem>> -> memref<100xi32, #tpu.memory_space<vmem>>
    %dma_wait3A_334 = arith.constant 0 : i32
    %dma_wait3A_335 = arith.constant 0 : i32
    %dma_wait3A_336 = tpu.memref_slice %arg9[%dma_wait3A_334, %dma_wait3A_335] : memref<51200x8xf32, #tpu.memory_space<vmem_shared>> -> memref<51200x8xf32, #tpu.memory_space<vmem_shared>>
    tpu.wait_indirect_dma semaphore(%arg11 : memref<!tpu.dma_semaphore, #tpu.memory_space<semaphore_mem>>) src(%dma_wait3A_326 : memref<100x8xf32, #tpu.memory_space<vmem>>) dst(%dma_wait3A_336 : memref<51200x8xf32, #tpu.memory_space<vmem_shared>>)
    %dma_wait3A_337 = arith.constant 0 : i32
    %dma_wait3A_338 = arith.constant 0 : i32
    %dma_wait3A_339 = arith.constant 6 : i32
    %dma_wait3A_340 = arith.constant 0 : i32
    %dma_wait3A_341 = arith.constant 0 : i32
    %dma_wait3A_342 = tpu.memref_slice %arg8[%dma_wait3A_337, %dma_wait3A_340, %dma_wait3A_341] : memref<2x1000x8xf32, #tpu.memory_space<vmem>> -> memref<1x1000x8xf32, #tpu.memory_space<vmem>>
    %dma_wait3A_343 = tpu.memref_squeeze %dma_wait3A_342 : memref<1x1000x8xf32, #tpu.memory_space<vmem>> -> memref<1000x8xf32, #tpu.memory_space<vmem>>
    %dma_wait3A_344 = arith.constant 600 : i32
    %dma_wait3A_345 = arith.constant 0 : i32
    %dma_wait3A_346 = tpu.memref_slice %dma_wait3A_343[%dma_wait3A_344, %dma_wait3A_345] : memref<1000x8xf32, #tpu.memory_space<vmem>> -> memref<100x8xf32, #tpu.memory_space<vmem>>
    %dma_wait3A_347 = arith.constant 0 : i32
    %dma_wait3A_348 = arith.constant 0 : i32
    %dma_wait3A_349 = tpu.memref_slice %arg7[%dma_wait3A_338, %dma_wait3A_347, %dma_wait3A_348] : memref<2x10x100xi32, #tpu.memory_space<vmem>> -> memref<1x10x100xi32, #tpu.memory_space<vmem>>
    %dma_wait3A_350 = tpu.memref_squeeze %dma_wait3A_349 : memref<1x10x100xi32, #tpu.memory_space<vmem>> -> memref<10x100xi32, #tpu.memory_space<vmem>>
    %dma_wait3A_351 = arith.constant 0 : i32
    %dma_wait3A_352 = tpu.memref_slice %dma_wait3A_350[%dma_wait3A_339, %dma_wait3A_351] : memref<10x100xi32, #tpu.memory_space<vmem>> -> memref<1x100xi32, #tpu.memory_space<vmem>>
    %dma_wait3A_353 = tpu.memref_squeeze %dma_wait3A_352 : memref<1x100xi32, #tpu.memory_space<vmem>> -> memref<100xi32, #tpu.memory_space<vmem>>
    %dma_wait3A_354 = arith.constant 0 : i32
    %dma_wait3A_355 = arith.constant 0 : i32
    %dma_wait3A_356 = tpu.memref_slice %arg9[%dma_wait3A_354, %dma_wait3A_355] : memref<51200x8xf32, #tpu.memory_space<vmem_shared>> -> memref<51200x8xf32, #tpu.memory_space<vmem_shared>>
    tpu.wait_indirect_dma semaphore(%arg11 : memref<!tpu.dma_semaphore, #tpu.memory_space<semaphore_mem>>) src(%dma_wait3A_346 : memref<100x8xf32, #tpu.memory_space<vmem>>) dst(%dma_wait3A_356 : memref<51200x8xf32, #tpu.memory_space<vmem_shared>>)
    %dma_wait3A_357 = arith.constant 0 : i32
    %dma_wait3A_358 = arith.constant 0 : i32
    %dma_wait3A_359 = arith.constant 7 : i32
    %dma_wait3A_360 = arith.constant 0 : i32
    %dma_wait3A_361 = arith.constant 0 : i32
    %dma_wait3A_362 = tpu.memref_slice %arg8[%dma_wait3A_357, %dma_wait3A_360, %dma_wait3A_361] : memref<2x1000x8xf32, #tpu.memory_space<vmem>> -> memref<1x1000x8xf32, #tpu.memory_space<vmem>>
    %dma_wait3A_363 = tpu.memref_squeeze %dma_wait3A_362 : memref<1x1000x8xf32, #tpu.memory_space<vmem>> -> memref<1000x8xf32, #tpu.memory_space<vmem>>
    %dma_wait3A_364 = arith.constant 700 : i32
    %dma_wait3A_365 = arith.constant 0 : i32
    %dma_wait3A_366 = tpu.memref_slice %dma_wait3A_363[%dma_wait3A_364, %dma_wait3A_365] : memref<1000x8xf32, #tpu.memory_space<vmem>> -> memref<100x8xf32, #tpu.memory_space<vmem>>
    %dma_wait3A_367 = arith.constant 0 : i32
    %dma_wait3A_368 = arith.constant 0 : i32
    %dma_wait3A_369 = tpu.memref_slice %arg7[%dma_wait3A_358, %dma_wait3A_367, %dma_wait3A_368] : memref<2x10x100xi32, #tpu.memory_space<vmem>> -> memref<1x10x100xi32, #tpu.memory_space<vmem>>
    %dma_wait3A_370 = tpu.memref_squeeze %dma_wait3A_369 : memref<1x10x100xi32, #tpu.memory_space<vmem>> -> memref<10x100xi32, #tpu.memory_space<vmem>>
    %dma_wait3A_371 = arith.constant 0 : i32
    %dma_wait3A_372 = tpu.memref_slice %dma_wait3A_370[%dma_wait3A_359, %dma_wait3A_371] : memref<10x100xi32, #tpu.memory_space<vmem>> -> memref<1x100xi32, #tpu.memory_space<vmem>>
    %dma_wait3A_373 = tpu.memref_squeeze %dma_wait3A_372 : memref<1x100xi32, #tpu.memory_space<vmem>> -> memref<100xi32, #tpu.memory_space<vmem>>
    %dma_wait3A_374 = arith.constant 0 : i32
    %dma_wait3A_375 = arith.constant 0 : i32
    %dma_wait3A_376 = tpu.memref_slice %arg9[%dma_wait3A_374, %dma_wait3A_375] : memref<51200x8xf32, #tpu.memory_space<vmem_shared>> -> memref<51200x8xf32, #tpu.memory_space<vmem_shared>>
    tpu.wait_indirect_dma semaphore(%arg11 : memref<!tpu.dma_semaphore, #tpu.memory_space<semaphore_mem>>) src(%dma_wait3A_366 : memref<100x8xf32, #tpu.memory_space<vmem>>) dst(%dma_wait3A_376 : memref<51200x8xf32, #tpu.memory_space<vmem_shared>>)
    %dma_wait3A_377 = arith.constant 0 : i32
    %dma_wait3A_378 = arith.constant 0 : i32
    %dma_wait3A_379 = arith.constant 8 : i32
    %dma_wait3A_380 = arith.constant 0 : i32
    %dma_wait3A_381 = arith.constant 0 : i32
    %dma_wait3A_382 = tpu.memref_slice %arg8[%dma_wait3A_377, %dma_wait3A_380, %dma_wait3A_381] : memref<2x1000x8xf32, #tpu.memory_space<vmem>> -> memref<1x1000x8xf32, #tpu.memory_space<vmem>>
    %dma_wait3A_383 = tpu.memref_squeeze %dma_wait3A_382 : memref<1x1000x8xf32, #tpu.memory_space<vmem>> -> memref<1000x8xf32, #tpu.memory_space<vmem>>
    %dma_wait3A_384 = arith.constant 800 : i32
    %dma_wait3A_385 = arith.constant 0 : i32
    %dma_wait3A_386 = tpu.memref_slice %dma_wait3A_383[%dma_wait3A_384, %dma_wait3A_385] : memref<1000x8xf32, #tpu.memory_space<vmem>> -> memref<100x8xf32, #tpu.memory_space<vmem>>
    %dma_wait3A_387 = arith.constant 0 : i32
    %dma_wait3A_388 = arith.constant 0 : i32
    %dma_wait3A_389 = tpu.memref_slice %arg7[%dma_wait3A_378, %dma_wait3A_387, %dma_wait3A_388] : memref<2x10x100xi32, #tpu.memory_space<vmem>> -> memref<1x10x100xi32, #tpu.memory_space<vmem>>
    %dma_wait3A_390 = tpu.memref_squeeze %dma_wait3A_389 : memref<1x10x100xi32, #tpu.memory_space<vmem>> -> memref<10x100xi32, #tpu.memory_space<vmem>>
    %dma_wait3A_391 = arith.constant 0 : i32
    %dma_wait3A_392 = tpu.memref_slice %dma_wait3A_390[%dma_wait3A_379, %dma_wait3A_391] : memref<10x100xi32, #tpu.memory_space<vmem>> -> memref<1x100xi32, #tpu.memory_space<vmem>>
    %dma_wait3A_393 = tpu.memref_squeeze %dma_wait3A_392 : memref<1x100xi32, #tpu.memory_space<vmem>> -> memref<100xi32, #tpu.memory_space<vmem>>
    %dma_wait3A_394 = arith.constant 0 : i32
    %dma_wait3A_395 = arith.constant 0 : i32
    %dma_wait3A_396 = tpu.memref_slice %arg9[%dma_wait3A_394, %dma_wait3A_395] : memref<51200x8xf32, #tpu.memory_space<vmem_shared>> -> memref<51200x8xf32, #tpu.memory_space<vmem_shared>>
    tpu.wait_indirect_dma semaphore(%arg11 : memref<!tpu.dma_semaphore, #tpu.memory_space<semaphore_mem>>) src(%dma_wait3A_386 : memref<100x8xf32, #tpu.memory_space<vmem>>) dst(%dma_wait3A_396 : memref<51200x8xf32, #tpu.memory_space<vmem_shared>>)
    %dma_wait3A_397 = arith.constant 0 : i32
    %dma_wait3A_398 = arith.constant 0 : i32
    %dma_wait3A_399 = arith.constant 9 : i32
    %dma_wait3A_400 = arith.constant 0 : i32
    %dma_wait3A_401 = arith.constant 0 : i32
    %dma_wait3A_402 = tpu.memref_slice %arg8[%dma_wait3A_397, %dma_wait3A_400, %dma_wait3A_401] : memref<2x1000x8xf32, #tpu.memory_space<vmem>> -> memref<1x1000x8xf32, #tpu.memory_space<vmem>>
    %dma_wait3A_403 = tpu.memref_squeeze %dma_wait3A_402 : memref<1x1000x8xf32, #tpu.memory_space<vmem>> -> memref<1000x8xf32, #tpu.memory_space<vmem>>
    %dma_wait3A_404 = arith.constant 900 : i32
    %dma_wait3A_405 = arith.constant 0 : i32
    %dma_wait3A_406 = tpu.memref_slice %dma_wait3A_403[%dma_wait3A_404, %dma_wait3A_405] : memref<1000x8xf32, #tpu.memory_space<vmem>> -> memref<100x8xf32, #tpu.memory_space<vmem>>
    %dma_wait3A_407 = arith.constant 0 : i32
    %dma_wait3A_408 = arith.constant 0 : i32
    %dma_wait3A_409 = tpu.memref_slice %arg7[%dma_wait3A_398, %dma_wait3A_407, %dma_wait3A_408] : memref<2x10x100xi32, #tpu.memory_space<vmem>> -> memref<1x10x100xi32, #tpu.memory_space<vmem>>
    %dma_wait3A_410 = tpu.memref_squeeze %dma_wait3A_409 : memref<1x10x100xi32, #tpu.memory_space<vmem>> -> memref<10x100xi32, #tpu.memory_space<vmem>>
    %dma_wait3A_411 = arith.constant 0 : i32
    %dma_wait3A_412 = tpu.memref_slice %dma_wait3A_410[%dma_wait3A_399, %dma_wait3A_411] : memref<10x100xi32, #tpu.memory_space<vmem>> -> memref<1x100xi32, #tpu.memory_space<vmem>>
    %dma_wait3A_413 = tpu.memref_squeeze %dma_wait3A_412 : memref<1x100xi32, #tpu.memory_space<vmem>> -> memref<100xi32, #tpu.memory_space<vmem>>
    %dma_wait3A_414 = arith.constant 0 : i32
    %dma_wait3A_415 = arith.constant 0 : i32
    %dma_wait3A_416 = tpu.memref_slice %arg9[%dma_wait3A_414, %dma_wait3A_415] : memref<51200x8xf32, #tpu.memory_space<vmem_shared>> -> memref<51200x8xf32, #tpu.memory_space<vmem_shared>>
    tpu.wait_indirect_dma semaphore(%arg11 : memref<!tpu.dma_semaphore, #tpu.memory_space<semaphore_mem>>) src(%dma_wait3A_406 : memref<100x8xf32, #tpu.memory_space<vmem>>) dst(%dma_wait3A_416 : memref<51200x8xf32, #tpu.memory_space<vmem_shared>>)
    %barrier3A_417 = arith.constant 0 : index
    tpu.barrier barrier_id(%barrier3A_417)
    %mul3A_418 = arith.constant 3200 : i32
    %mul3A_419 = arith.muli %arg1, %mul3A_418 : i32
    %mul3A_420 = arith.constant 3200 : i32
    %mul3A_421 = arith.muli %arg1, %mul3A_420 : i32
    "tpu.region"() ({
      %run_scoped3A_422 = tpu.sem_alloc : memref<!tpu.dma_semaphore, #tpu.memory_space<semaphore_mem>>
      %dma_start3A_423 = arith.constant 0 : i32
      %dma_start3A_424 = tpu.memref_slice %arg5[%arg0, %mul3A_421, %dma_start3A_423] : memref<2x51200x8xf32, #tpu.memory_space<hbm>> -> memref<1x3200x8xf32, #tpu.memory_space<hbm>>
      %dma_start3A_425 = tpu.memref_squeeze %dma_start3A_424 : memref<1x3200x8xf32, #tpu.memory_space<hbm>> -> memref<3200x8xf32, #tpu.memory_space<hbm>>
      %dma_start3A_426 = arith.constant 0 : i32
      %dma_start3A_427 = tpu.memref_slice %arg9[%mul3A_419, %dma_start3A_426] : memref<51200x8xf32, #tpu.memory_space<vmem_shared>> -> memref<3200x8xf32, #tpu.memory_space<vmem_shared>>
      tpu.enqueue_dma source(%dma_start3A_427 : memref<3200x8xf32, #tpu.memory_space<vmem_shared>>) target(%dma_start3A_425 : memref<3200x8xf32, #tpu.memory_space<hbm>>) target_semaphore(%run_scoped3A_422 : memref<!tpu.dma_semaphore, #tpu.memory_space<semaphore_mem>>)
      %dma_wait3A_428 = arith.constant 0 : i32
      %dma_wait3A_429 = tpu.memref_slice %arg5[%arg0, %mul3A_421, %dma_wait3A_428] : memref<2x51200x8xf32, #tpu.memory_space<hbm>> -> memref<1x3200x8xf32, #tpu.memory_space<hbm>>
      %dma_wait3A_430 = tpu.memref_squeeze %dma_wait3A_429 : memref<1x3200x8xf32, #tpu.memory_space<hbm>> -> memref<3200x8xf32, #tpu.memory_space<hbm>>
      %dma_wait3A_431 = arith.constant 0 : i32
      %dma_wait3A_432 = tpu.memref_slice %arg9[%mul3A_419, %dma_wait3A_431] : memref<51200x8xf32, #tpu.memory_space<vmem_shared>> -> memref<3200x8xf32, #tpu.memory_space<vmem_shared>>
      tpu.wait_dma2 semaphore(%run_scoped3A_422 : memref<!tpu.dma_semaphore, #tpu.memory_space<semaphore_mem>>) src(%dma_wait3A_432 : memref<3200x8xf32, #tpu.memory_space<vmem_shared>>) dst(%dma_wait3A_430 : memref<3200x8xf32, #tpu.memory_space<hbm>>)
      tpu.yield
    }) : () -> ()
    return
  }
}

#map = affine_map<(d0, d1) -> (0, 0)>
#map1 = affine_map<(d0, d1) -> (0, 0, 0)>
module attributes {stable_mosaic.version = 14 : i64} {
  func.func @_seg8_body(%arg0: i32, %arg1: i32, %arg2: memref<51200x8xf32, #tpu.memory_space<hbm>>, %arg3: memref<2x8000x100xi32, #tpu.memory_space<hbm>>, %arg4: memref<400x8xf32, #tpu.memory_space<hbm>>, %arg5: memref<2x51200x8xf32, #tpu.memory_space<hbm>>, %arg6: memref<2x10x100xi32, #tpu.memory_space<vmem>>, %arg7: memref<2x10x100xi32, #tpu.memory_space<vmem>>, %arg8: memref<2x1000x8xf32, #tpu.memory_space<vmem>>, %arg9: memref<51200x8xf32, #tpu.memory_space<vmem_shared>>, %arg10: memref<!tpu.dma_semaphore, #tpu.memory_space<semaphore_mem>>, %arg11: memref<!tpu.dma_semaphore, #tpu.memory_space<semaphore_mem>>) attributes {dimension_semantics = [#tpu.dimension_semantics<core_parallel>, #tpu.dimension_semantics<subcore_parallel>], iteration_bounds = array<i64: 2, 16>, scalar_prefetch = 0 : i64, scratch_operands = 6 : i64, tpu.core_type = #tpu.core_type<sc_vector_subcore>, window_params = [{transform_indices = #map}, {transform_indices = #map1}, {transform_indices = #map}, {transform_indices = #map1}]} {
    %mul3A = arith.constant 16 : i32
    %mul3A_0 = arith.muli %arg0, %mul3A : i32
    %add3A = arith.addi %mul3A_0, %arg1 : i32
    %scan3A = arith.constant 0 : i32
    %scan3A_1 = arith.constant 0 : i32
    %scan3A_2 = arith.constant 8 : i32
    %scan3A_3 = arith.addi %scan3A_1, %scan3A_2 : i32
    %scan3A_4 = arith.constant 1 : i32
    scf.for %scan3A_422 = %scan3A_1 to %scan3A_3 step %scan3A_4  : i32 {
      %mul3A_423 = arith.constant 3200 : i32
      %mul3A_424 = arith.muli %arg1, %mul3A_423 : i32
      %mul3A_425 = arith.constant 400 : i32
      %mul3A_426 = arith.muli %scan3A_422, %mul3A_425 : i32
      %add3A_427 = arith.addi %mul3A_424, %mul3A_426 : i32
      "tpu.region"() ({
        %run_scoped3A_428 = tpu.sem_alloc : memref<!tpu.dma_semaphore, #tpu.memory_space<semaphore_mem>>
        %dma_start3A_429 = arith.constant 0 : i32
        %dma_start3A_430 = tpu.memref_slice %arg9[%add3A_427, %dma_start3A_429] : memref<51200x8xf32, #tpu.memory_space<vmem_shared>> -> memref<400x8xf32, #tpu.memory_space<vmem_shared>>
        tpu.enqueue_dma source(%arg4 : memref<400x8xf32, #tpu.memory_space<hbm>>) target(%dma_start3A_430 : memref<400x8xf32, #tpu.memory_space<vmem_shared>>) target_semaphore(%run_scoped3A_428 : memref<!tpu.dma_semaphore, #tpu.memory_space<semaphore_mem>>)
        %dma_wait3A_431 = arith.constant 0 : i32
        %dma_wait3A_432 = tpu.memref_slice %arg9[%add3A_427, %dma_wait3A_431] : memref<51200x8xf32, #tpu.memory_space<vmem_shared>> -> memref<400x8xf32, #tpu.memory_space<vmem_shared>>
        tpu.wait_dma2 semaphore(%run_scoped3A_428 : memref<!tpu.dma_semaphore, #tpu.memory_space<semaphore_mem>>) src(%arg4 : memref<400x8xf32, #tpu.memory_space<hbm>>) dst(%dma_wait3A_432 : memref<400x8xf32, #tpu.memory_space<vmem_shared>>)
        tpu.yield
      }) : () -> ()
    }
    %scan3A_5 = arith.constant 8 : i32
    %barrier3A = arith.constant 0 : index
    tpu.barrier barrier_id(%barrier3A)
    %mul3A_6 = arith.constant 250 : i32
    %mul3A_7 = arith.muli %add3A, %mul3A_6 : i32
    %add3A_8 = arith.constant 0 : i32
    %add3A_9 = arith.addi %mul3A_7, %add3A_8 : i32
    %run_scoped3A = arith.constant 0 : i32
    %run_scoped3A_10 = arith.constant 0 : i32
    "tpu.region"() ({
      %run_scoped3A_422 = tpu.sem_alloc : memref<!tpu.dma_semaphore, #tpu.memory_space<semaphore_mem>>
      %dma_start3A_423 = arith.constant 0 : i32
      %dma_start3A_424 = arith.constant 0 : i32
      %dma_start3A_425 = tpu.memref_slice %arg6[%run_scoped3A_10, %dma_start3A_423, %dma_start3A_424] : memref<2x10x100xi32, #tpu.memory_space<vmem>> -> memref<1x10x100xi32, #tpu.memory_space<vmem>>
      %dma_start3A_426 = tpu.memref_squeeze %dma_start3A_425 : memref<1x10x100xi32, #tpu.memory_space<vmem>> -> memref<10x100xi32, #tpu.memory_space<vmem>>
      %dma_start3A_427 = arith.constant 0 : i32
      %dma_start3A_428 = tpu.memref_slice %arg3[%run_scoped3A, %add3A_9, %dma_start3A_427] : memref<2x8000x100xi32, #tpu.memory_space<hbm>> -> memref<1x10x100xi32, #tpu.memory_space<hbm>>
      %dma_start3A_429 = tpu.memref_squeeze %dma_start3A_428 : memref<1x10x100xi32, #tpu.memory_space<hbm>> -> memref<10x100xi32, #tpu.memory_space<hbm>>
      %dma_start3A_430 = arith.constant 0 : i32
      %dma_start3A_431 = arith.constant 0 : i32
      %dma_start3A_432 = tpu.memref_slice %arg6[%run_scoped3A_10, %dma_start3A_430, %dma_start3A_431] : memref<2x10x100xi32, #tpu.memory_space<vmem>> -> memref<1x10x100xi32, #tpu.memory_space<vmem>>
      %dma_start3A_433 = tpu.memref_squeeze %dma_start3A_432 : memref<1x10x100xi32, #tpu.memory_space<vmem>> -> memref<10x100xi32, #tpu.memory_space<vmem>>
      %dma_start3A_434 = arith.constant 0 : i32
      %dma_start3A_435 = tpu.memref_slice %arg3[%run_scoped3A, %add3A_9, %dma_start3A_434] : memref<2x8000x100xi32, #tpu.memory_space<hbm>> -> memref<1x10x100xi32, #tpu.memory_space<hbm>>
      %dma_start3A_436 = tpu.memref_squeeze %dma_start3A_435 : memref<1x10x100xi32, #tpu.memory_space<hbm>> -> memref<10x100xi32, #tpu.memory_space<hbm>>
      tpu.enqueue_dma source(%dma_start3A_436 : memref<10x100xi32, #tpu.memory_space<hbm>>) target(%dma_start3A_433 : memref<10x100xi32, #tpu.memory_space<vmem>>) target_semaphore(%run_scoped3A_422 : memref<!tpu.dma_semaphore, #tpu.memory_space<semaphore_mem>>)
      %dma_wait3A_437 = arith.constant 0 : i32
      %dma_wait3A_438 = arith.constant 0 : i32
      %dma_wait3A_439 = tpu.memref_slice %arg6[%run_scoped3A_10, %dma_wait3A_437, %dma_wait3A_438] : memref<2x10x100xi32, #tpu.memory_space<vmem>> -> memref<1x10x100xi32, #tpu.memory_space<vmem>>
      %dma_wait3A_440 = tpu.memref_squeeze %dma_wait3A_439 : memref<1x10x100xi32, #tpu.memory_space<vmem>> -> memref<10x100xi32, #tpu.memory_space<vmem>>
      %dma_wait3A_441 = arith.constant 0 : i32
      %dma_wait3A_442 = tpu.memref_slice %arg3[%run_scoped3A, %add3A_9, %dma_wait3A_441] : memref<2x8000x100xi32, #tpu.memory_space<hbm>> -> memref<1x10x100xi32, #tpu.memory_space<hbm>>
      %dma_wait3A_443 = tpu.memref_squeeze %dma_wait3A_442 : memref<1x10x100xi32, #tpu.memory_space<hbm>> -> memref<10x100xi32, #tpu.memory_space<hbm>>
      %dma_wait3A_444 = arith.constant 0 : i32
      %dma_wait3A_445 = arith.constant 0 : i32
      %dma_wait3A_446 = tpu.memref_slice %arg6[%run_scoped3A_10, %dma_wait3A_444, %dma_wait3A_445] : memref<2x10x100xi32, #tpu.memory_space<vmem>> -> memref<1x10x100xi32, #tpu.memory_space<vmem>>
      %dma_wait3A_447 = tpu.memref_squeeze %dma_wait3A_446 : memref<1x10x100xi32, #tpu.memory_space<vmem>> -> memref<10x100xi32, #tpu.memory_space<vmem>>
      %dma_wait3A_448 = arith.constant 0 : i32
      %dma_wait3A_449 = tpu.memref_slice %arg3[%run_scoped3A, %add3A_9, %dma_wait3A_448] : memref<2x8000x100xi32, #tpu.memory_space<hbm>> -> memref<1x10x100xi32, #tpu.memory_space<hbm>>
      %dma_wait3A_450 = tpu.memref_squeeze %dma_wait3A_449 : memref<1x10x100xi32, #tpu.memory_space<hbm>> -> memref<10x100xi32, #tpu.memory_space<hbm>>
      tpu.wait_dma2 semaphore(%run_scoped3A_422 : memref<!tpu.dma_semaphore, #tpu.memory_space<semaphore_mem>>) src(%dma_wait3A_450 : memref<10x100xi32, #tpu.memory_space<hbm>>) dst(%dma_wait3A_447 : memref<10x100xi32, #tpu.memory_space<vmem>>)
      tpu.yield
    }) : () -> ()
    %run_scoped3A_11 = arith.constant 1 : i32
    %run_scoped3A_12 = arith.constant 0 : i32
    "tpu.region"() ({
      %run_scoped3A_422 = tpu.sem_alloc : memref<!tpu.dma_semaphore, #tpu.memory_space<semaphore_mem>>
      %dma_start3A_423 = arith.constant 0 : i32
      %dma_start3A_424 = arith.constant 0 : i32
      %dma_start3A_425 = tpu.memref_slice %arg7[%run_scoped3A_12, %dma_start3A_423, %dma_start3A_424] : memref<2x10x100xi32, #tpu.memory_space<vmem>> -> memref<1x10x100xi32, #tpu.memory_space<vmem>>
      %dma_start3A_426 = tpu.memref_squeeze %dma_start3A_425 : memref<1x10x100xi32, #tpu.memory_space<vmem>> -> memref<10x100xi32, #tpu.memory_space<vmem>>
      %dma_start3A_427 = arith.constant 0 : i32
      %dma_start3A_428 = tpu.memref_slice %arg3[%run_scoped3A_11, %add3A_9, %dma_start3A_427] : memref<2x8000x100xi32, #tpu.memory_space<hbm>> -> memref<1x10x100xi32, #tpu.memory_space<hbm>>
      %dma_start3A_429 = tpu.memref_squeeze %dma_start3A_428 : memref<1x10x100xi32, #tpu.memory_space<hbm>> -> memref<10x100xi32, #tpu.memory_space<hbm>>
      %dma_start3A_430 = arith.constant 0 : i32
      %dma_start3A_431 = arith.constant 0 : i32
      %dma_start3A_432 = tpu.memref_slice %arg7[%run_scoped3A_12, %dma_start3A_430, %dma_start3A_431] : memref<2x10x100xi32, #tpu.memory_space<vmem>> -> memref<1x10x100xi32, #tpu.memory_space<vmem>>
      %dma_start3A_433 = tpu.memref_squeeze %dma_start3A_432 : memref<1x10x100xi32, #tpu.memory_space<vmem>> -> memref<10x100xi32, #tpu.memory_space<vmem>>
      %dma_start3A_434 = arith.constant 0 : i32
      %dma_start3A_435 = tpu.memref_slice %arg3[%run_scoped3A_11, %add3A_9, %dma_start3A_434] : memref<2x8000x100xi32, #tpu.memory_space<hbm>> -> memref<1x10x100xi32, #tpu.memory_space<hbm>>
      %dma_start3A_436 = tpu.memref_squeeze %dma_start3A_435 : memref<1x10x100xi32, #tpu.memory_space<hbm>> -> memref<10x100xi32, #tpu.memory_space<hbm>>
      tpu.enqueue_dma source(%dma_start3A_436 : memref<10x100xi32, #tpu.memory_space<hbm>>) target(%dma_start3A_433 : memref<10x100xi32, #tpu.memory_space<vmem>>) target_semaphore(%run_scoped3A_422 : memref<!tpu.dma_semaphore, #tpu.memory_space<semaphore_mem>>)
      %dma_wait3A_437 = arith.constant 0 : i32
      %dma_wait3A_438 = arith.constant 0 : i32
      %dma_wait3A_439 = tpu.memref_slice %arg7[%run_scoped3A_12, %dma_wait3A_437, %dma_wait3A_438] : memref<2x10x100xi32, #tpu.memory_space<vmem>> -> memref<1x10x100xi32, #tpu.memory_space<vmem>>
      %dma_wait3A_440 = tpu.memref_squeeze %dma_wait3A_439 : memref<1x10x100xi32, #tpu.memory_space<vmem>> -> memref<10x100xi32, #tpu.memory_space<vmem>>
      %dma_wait3A_441 = arith.constant 0 : i32
      %dma_wait3A_442 = tpu.memref_slice %arg3[%run_scoped3A_11, %add3A_9, %dma_wait3A_441] : memref<2x8000x100xi32, #tpu.memory_space<hbm>> -> memref<1x10x100xi32, #tpu.memory_space<hbm>>
      %dma_wait3A_443 = tpu.memref_squeeze %dma_wait3A_442 : memref<1x10x100xi32, #tpu.memory_space<hbm>> -> memref<10x100xi32, #tpu.memory_space<hbm>>
      %dma_wait3A_444 = arith.constant 0 : i32
      %dma_wait3A_445 = arith.constant 0 : i32
      %dma_wait3A_446 = tpu.memref_slice %arg7[%run_scoped3A_12, %dma_wait3A_444, %dma_wait3A_445] : memref<2x10x100xi32, #tpu.memory_space<vmem>> -> memref<1x10x100xi32, #tpu.memory_space<vmem>>
      %dma_wait3A_447 = tpu.memref_squeeze %dma_wait3A_446 : memref<1x10x100xi32, #tpu.memory_space<vmem>> -> memref<10x100xi32, #tpu.memory_space<vmem>>
      %dma_wait3A_448 = arith.constant 0 : i32
      %dma_wait3A_449 = tpu.memref_slice %arg3[%run_scoped3A_11, %add3A_9, %dma_wait3A_448] : memref<2x8000x100xi32, #tpu.memory_space<hbm>> -> memref<1x10x100xi32, #tpu.memory_space<hbm>>
      %dma_wait3A_450 = tpu.memref_squeeze %dma_wait3A_449 : memref<1x10x100xi32, #tpu.memory_space<hbm>> -> memref<10x100xi32, #tpu.memory_space<hbm>>
      tpu.wait_dma2 semaphore(%run_scoped3A_422 : memref<!tpu.dma_semaphore, #tpu.memory_space<semaphore_mem>>) src(%dma_wait3A_450 : memref<10x100xi32, #tpu.memory_space<hbm>>) dst(%dma_wait3A_447 : memref<10x100xi32, #tpu.memory_space<vmem>>)
      tpu.yield
    }) : () -> ()
    %dma_start3A = arith.constant 0 : i32
    %dma_start3A_13 = arith.constant 0 : i32
    %dma_start3A_14 = arith.constant 0 : i32
    %dma_start3A_15 = arith.constant 0 : i32
    %dma_start3A_16 = arith.constant 0 : i32
    %dma_start3A_17 = tpu.memref_slice %arg8[%dma_start3A_14, %dma_start3A_15, %dma_start3A_16] : memref<2x1000x8xf32, #tpu.memory_space<vmem>> -> memref<1x1000x8xf32, #tpu.memory_space<vmem>>
    %dma_start3A_18 = tpu.memref_squeeze %dma_start3A_17 : memref<1x1000x8xf32, #tpu.memory_space<vmem>> -> memref<1000x8xf32, #tpu.memory_space<vmem>>
    %dma_start3A_19 = arith.constant 0 : i32
    %dma_start3A_20 = arith.constant 0 : i32
    %dma_start3A_21 = tpu.memref_slice %dma_start3A_18[%dma_start3A_19, %dma_start3A_20] : memref<1000x8xf32, #tpu.memory_space<vmem>> -> memref<100x8xf32, #tpu.memory_space<vmem>>
    %dma_start3A_22 = arith.constant 0 : i32
    %dma_start3A_23 = arith.constant 0 : i32
    %dma_start3A_24 = tpu.memref_slice %arg6[%dma_start3A, %dma_start3A_22, %dma_start3A_23] : memref<2x10x100xi32, #tpu.memory_space<vmem>> -> memref<1x10x100xi32, #tpu.memory_space<vmem>>
    %dma_start3A_25 = tpu.memref_squeeze %dma_start3A_24 : memref<1x10x100xi32, #tpu.memory_space<vmem>> -> memref<10x100xi32, #tpu.memory_space<vmem>>
    %dma_start3A_26 = arith.constant 0 : i32
    %dma_start3A_27 = tpu.memref_slice %dma_start3A_25[%dma_start3A_13, %dma_start3A_26] : memref<10x100xi32, #tpu.memory_space<vmem>> -> memref<1x100xi32, #tpu.memory_space<vmem>>
    %dma_start3A_28 = tpu.memref_squeeze %dma_start3A_27 : memref<1x100xi32, #tpu.memory_space<vmem>> -> memref<100xi32, #tpu.memory_space<vmem>>
    %dma_start3A_29 = arith.constant 0 : i32
    %dma_start3A_30 = arith.constant 0 : i32
    %dma_start3A_31 = tpu.memref_slice %arg2[%dma_start3A_29, %dma_start3A_30] : memref<51200x8xf32, #tpu.memory_space<hbm>> -> memref<51200x8xf32, #tpu.memory_space<hbm>>
    tpu.enqueue_indirect_dma source(%dma_start3A_31 : memref<51200x8xf32, #tpu.memory_space<hbm>>) target(%dma_start3A_21 : memref<100x8xf32, #tpu.memory_space<vmem>>) offsets(%dma_start3A_28 : memref<100xi32, #tpu.memory_space<vmem>>) semaphore(%arg10 : memref<!tpu.dma_semaphore, #tpu.memory_space<semaphore_mem>>)
    %dma_start3A_32 = arith.constant 0 : i32
    %dma_start3A_33 = arith.constant 1 : i32
    %dma_start3A_34 = arith.constant 0 : i32
    %dma_start3A_35 = arith.constant 0 : i32
    %dma_start3A_36 = arith.constant 0 : i32
    %dma_start3A_37 = tpu.memref_slice %arg8[%dma_start3A_34, %dma_start3A_35, %dma_start3A_36] : memref<2x1000x8xf32, #tpu.memory_space<vmem>> -> memref<1x1000x8xf32, #tpu.memory_space<vmem>>
    %dma_start3A_38 = tpu.memref_squeeze %dma_start3A_37 : memref<1x1000x8xf32, #tpu.memory_space<vmem>> -> memref<1000x8xf32, #tpu.memory_space<vmem>>
    %dma_start3A_39 = arith.constant 100 : i32
    %dma_start3A_40 = arith.constant 0 : i32
    %dma_start3A_41 = tpu.memref_slice %dma_start3A_38[%dma_start3A_39, %dma_start3A_40] : memref<1000x8xf32, #tpu.memory_space<vmem>> -> memref<100x8xf32, #tpu.memory_space<vmem>>
    %dma_start3A_42 = arith.constant 0 : i32
    %dma_start3A_43 = arith.constant 0 : i32
    %dma_start3A_44 = tpu.memref_slice %arg6[%dma_start3A_32, %dma_start3A_42, %dma_start3A_43] : memref<2x10x100xi32, #tpu.memory_space<vmem>> -> memref<1x10x100xi32, #tpu.memory_space<vmem>>
    %dma_start3A_45 = tpu.memref_squeeze %dma_start3A_44 : memref<1x10x100xi32, #tpu.memory_space<vmem>> -> memref<10x100xi32, #tpu.memory_space<vmem>>
    %dma_start3A_46 = arith.constant 0 : i32
    %dma_start3A_47 = tpu.memref_slice %dma_start3A_45[%dma_start3A_33, %dma_start3A_46] : memref<10x100xi32, #tpu.memory_space<vmem>> -> memref<1x100xi32, #tpu.memory_space<vmem>>
    %dma_start3A_48 = tpu.memref_squeeze %dma_start3A_47 : memref<1x100xi32, #tpu.memory_space<vmem>> -> memref<100xi32, #tpu.memory_space<vmem>>
    %dma_start3A_49 = arith.constant 0 : i32
    %dma_start3A_50 = arith.constant 0 : i32
    %dma_start3A_51 = tpu.memref_slice %arg2[%dma_start3A_49, %dma_start3A_50] : memref<51200x8xf32, #tpu.memory_space<hbm>> -> memref<51200x8xf32, #tpu.memory_space<hbm>>
    tpu.enqueue_indirect_dma source(%dma_start3A_51 : memref<51200x8xf32, #tpu.memory_space<hbm>>) target(%dma_start3A_41 : memref<100x8xf32, #tpu.memory_space<vmem>>) offsets(%dma_start3A_48 : memref<100xi32, #tpu.memory_space<vmem>>) semaphore(%arg10 : memref<!tpu.dma_semaphore, #tpu.memory_space<semaphore_mem>>)
    %dma_start3A_52 = arith.constant 0 : i32
    %dma_start3A_53 = arith.constant 2 : i32
    %dma_start3A_54 = arith.constant 0 : i32
    %dma_start3A_55 = arith.constant 0 : i32
    %dma_start3A_56 = arith.constant 0 : i32
    %dma_start3A_57 = tpu.memref_slice %arg8[%dma_start3A_54, %dma_start3A_55, %dma_start3A_56] : memref<2x1000x8xf32, #tpu.memory_space<vmem>> -> memref<1x1000x8xf32, #tpu.memory_space<vmem>>
    %dma_start3A_58 = tpu.memref_squeeze %dma_start3A_57 : memref<1x1000x8xf32, #tpu.memory_space<vmem>> -> memref<1000x8xf32, #tpu.memory_space<vmem>>
    %dma_start3A_59 = arith.constant 200 : i32
    %dma_start3A_60 = arith.constant 0 : i32
    %dma_start3A_61 = tpu.memref_slice %dma_start3A_58[%dma_start3A_59, %dma_start3A_60] : memref<1000x8xf32, #tpu.memory_space<vmem>> -> memref<100x8xf32, #tpu.memory_space<vmem>>
    %dma_start3A_62 = arith.constant 0 : i32
    %dma_start3A_63 = arith.constant 0 : i32
    %dma_start3A_64 = tpu.memref_slice %arg6[%dma_start3A_52, %dma_start3A_62, %dma_start3A_63] : memref<2x10x100xi32, #tpu.memory_space<vmem>> -> memref<1x10x100xi32, #tpu.memory_space<vmem>>
    %dma_start3A_65 = tpu.memref_squeeze %dma_start3A_64 : memref<1x10x100xi32, #tpu.memory_space<vmem>> -> memref<10x100xi32, #tpu.memory_space<vmem>>
    %dma_start3A_66 = arith.constant 0 : i32
    %dma_start3A_67 = tpu.memref_slice %dma_start3A_65[%dma_start3A_53, %dma_start3A_66] : memref<10x100xi32, #tpu.memory_space<vmem>> -> memref<1x100xi32, #tpu.memory_space<vmem>>
    %dma_start3A_68 = tpu.memref_squeeze %dma_start3A_67 : memref<1x100xi32, #tpu.memory_space<vmem>> -> memref<100xi32, #tpu.memory_space<vmem>>
    %dma_start3A_69 = arith.constant 0 : i32
    %dma_start3A_70 = arith.constant 0 : i32
    %dma_start3A_71 = tpu.memref_slice %arg2[%dma_start3A_69, %dma_start3A_70] : memref<51200x8xf32, #tpu.memory_space<hbm>> -> memref<51200x8xf32, #tpu.memory_space<hbm>>
    tpu.enqueue_indirect_dma source(%dma_start3A_71 : memref<51200x8xf32, #tpu.memory_space<hbm>>) target(%dma_start3A_61 : memref<100x8xf32, #tpu.memory_space<vmem>>) offsets(%dma_start3A_68 : memref<100xi32, #tpu.memory_space<vmem>>) semaphore(%arg10 : memref<!tpu.dma_semaphore, #tpu.memory_space<semaphore_mem>>)
    %dma_start3A_72 = arith.constant 0 : i32
    %dma_start3A_73 = arith.constant 3 : i32
    %dma_start3A_74 = arith.constant 0 : i32
    %dma_start3A_75 = arith.constant 0 : i32
    %dma_start3A_76 = arith.constant 0 : i32
    %dma_start3A_77 = tpu.memref_slice %arg8[%dma_start3A_74, %dma_start3A_75, %dma_start3A_76] : memref<2x1000x8xf32, #tpu.memory_space<vmem>> -> memref<1x1000x8xf32, #tpu.memory_space<vmem>>
    %dma_start3A_78 = tpu.memref_squeeze %dma_start3A_77 : memref<1x1000x8xf32, #tpu.memory_space<vmem>> -> memref<1000x8xf32, #tpu.memory_space<vmem>>
    %dma_start3A_79 = arith.constant 300 : i32
    %dma_start3A_80 = arith.constant 0 : i32
    %dma_start3A_81 = tpu.memref_slice %dma_start3A_78[%dma_start3A_79, %dma_start3A_80] : memref<1000x8xf32, #tpu.memory_space<vmem>> -> memref<100x8xf32, #tpu.memory_space<vmem>>
    %dma_start3A_82 = arith.constant 0 : i32
    %dma_start3A_83 = arith.constant 0 : i32
    %dma_start3A_84 = tpu.memref_slice %arg6[%dma_start3A_72, %dma_start3A_82, %dma_start3A_83] : memref<2x10x100xi32, #tpu.memory_space<vmem>> -> memref<1x10x100xi32, #tpu.memory_space<vmem>>
    %dma_start3A_85 = tpu.memref_squeeze %dma_start3A_84 : memref<1x10x100xi32, #tpu.memory_space<vmem>> -> memref<10x100xi32, #tpu.memory_space<vmem>>
    %dma_start3A_86 = arith.constant 0 : i32
    %dma_start3A_87 = tpu.memref_slice %dma_start3A_85[%dma_start3A_73, %dma_start3A_86] : memref<10x100xi32, #tpu.memory_space<vmem>> -> memref<1x100xi32, #tpu.memory_space<vmem>>
    %dma_start3A_88 = tpu.memref_squeeze %dma_start3A_87 : memref<1x100xi32, #tpu.memory_space<vmem>> -> memref<100xi32, #tpu.memory_space<vmem>>
    %dma_start3A_89 = arith.constant 0 : i32
    %dma_start3A_90 = arith.constant 0 : i32
    %dma_start3A_91 = tpu.memref_slice %arg2[%dma_start3A_89, %dma_start3A_90] : memref<51200x8xf32, #tpu.memory_space<hbm>> -> memref<51200x8xf32, #tpu.memory_space<hbm>>
    tpu.enqueue_indirect_dma source(%dma_start3A_91 : memref<51200x8xf32, #tpu.memory_space<hbm>>) target(%dma_start3A_81 : memref<100x8xf32, #tpu.memory_space<vmem>>) offsets(%dma_start3A_88 : memref<100xi32, #tpu.memory_space<vmem>>) semaphore(%arg10 : memref<!tpu.dma_semaphore, #tpu.memory_space<semaphore_mem>>)
    %dma_start3A_92 = arith.constant 0 : i32
    %dma_start3A_93 = arith.constant 4 : i32
    %dma_start3A_94 = arith.constant 0 : i32
    %dma_start3A_95 = arith.constant 0 : i32
    %dma_start3A_96 = arith.constant 0 : i32
    %dma_start3A_97 = tpu.memref_slice %arg8[%dma_start3A_94, %dma_start3A_95, %dma_start3A_96] : memref<2x1000x8xf32, #tpu.memory_space<vmem>> -> memref<1x1000x8xf32, #tpu.memory_space<vmem>>
    %dma_start3A_98 = tpu.memref_squeeze %dma_start3A_97 : memref<1x1000x8xf32, #tpu.memory_space<vmem>> -> memref<1000x8xf32, #tpu.memory_space<vmem>>
    %dma_start3A_99 = arith.constant 400 : i32
    %dma_start3A_100 = arith.constant 0 : i32
    %dma_start3A_101 = tpu.memref_slice %dma_start3A_98[%dma_start3A_99, %dma_start3A_100] : memref<1000x8xf32, #tpu.memory_space<vmem>> -> memref<100x8xf32, #tpu.memory_space<vmem>>
    %dma_start3A_102 = arith.constant 0 : i32
    %dma_start3A_103 = arith.constant 0 : i32
    %dma_start3A_104 = tpu.memref_slice %arg6[%dma_start3A_92, %dma_start3A_102, %dma_start3A_103] : memref<2x10x100xi32, #tpu.memory_space<vmem>> -> memref<1x10x100xi32, #tpu.memory_space<vmem>>
    %dma_start3A_105 = tpu.memref_squeeze %dma_start3A_104 : memref<1x10x100xi32, #tpu.memory_space<vmem>> -> memref<10x100xi32, #tpu.memory_space<vmem>>
    %dma_start3A_106 = arith.constant 0 : i32
    %dma_start3A_107 = tpu.memref_slice %dma_start3A_105[%dma_start3A_93, %dma_start3A_106] : memref<10x100xi32, #tpu.memory_space<vmem>> -> memref<1x100xi32, #tpu.memory_space<vmem>>
    %dma_start3A_108 = tpu.memref_squeeze %dma_start3A_107 : memref<1x100xi32, #tpu.memory_space<vmem>> -> memref<100xi32, #tpu.memory_space<vmem>>
    %dma_start3A_109 = arith.constant 0 : i32
    %dma_start3A_110 = arith.constant 0 : i32
    %dma_start3A_111 = tpu.memref_slice %arg2[%dma_start3A_109, %dma_start3A_110] : memref<51200x8xf32, #tpu.memory_space<hbm>> -> memref<51200x8xf32, #tpu.memory_space<hbm>>
    tpu.enqueue_indirect_dma source(%dma_start3A_111 : memref<51200x8xf32, #tpu.memory_space<hbm>>) target(%dma_start3A_101 : memref<100x8xf32, #tpu.memory_space<vmem>>) offsets(%dma_start3A_108 : memref<100xi32, #tpu.memory_space<vmem>>) semaphore(%arg10 : memref<!tpu.dma_semaphore, #tpu.memory_space<semaphore_mem>>)
    %dma_start3A_112 = arith.constant 0 : i32
    %dma_start3A_113 = arith.constant 5 : i32
    %dma_start3A_114 = arith.constant 0 : i32
    %dma_start3A_115 = arith.constant 0 : i32
    %dma_start3A_116 = arith.constant 0 : i32
    %dma_start3A_117 = tpu.memref_slice %arg8[%dma_start3A_114, %dma_start3A_115, %dma_start3A_116] : memref<2x1000x8xf32, #tpu.memory_space<vmem>> -> memref<1x1000x8xf32, #tpu.memory_space<vmem>>
    %dma_start3A_118 = tpu.memref_squeeze %dma_start3A_117 : memref<1x1000x8xf32, #tpu.memory_space<vmem>> -> memref<1000x8xf32, #tpu.memory_space<vmem>>
    %dma_start3A_119 = arith.constant 500 : i32
    %dma_start3A_120 = arith.constant 0 : i32
    %dma_start3A_121 = tpu.memref_slice %dma_start3A_118[%dma_start3A_119, %dma_start3A_120] : memref<1000x8xf32, #tpu.memory_space<vmem>> -> memref<100x8xf32, #tpu.memory_space<vmem>>
    %dma_start3A_122 = arith.constant 0 : i32
    %dma_start3A_123 = arith.constant 0 : i32
    %dma_start3A_124 = tpu.memref_slice %arg6[%dma_start3A_112, %dma_start3A_122, %dma_start3A_123] : memref<2x10x100xi32, #tpu.memory_space<vmem>> -> memref<1x10x100xi32, #tpu.memory_space<vmem>>
    %dma_start3A_125 = tpu.memref_squeeze %dma_start3A_124 : memref<1x10x100xi32, #tpu.memory_space<vmem>> -> memref<10x100xi32, #tpu.memory_space<vmem>>
    %dma_start3A_126 = arith.constant 0 : i32
    %dma_start3A_127 = tpu.memref_slice %dma_start3A_125[%dma_start3A_113, %dma_start3A_126] : memref<10x100xi32, #tpu.memory_space<vmem>> -> memref<1x100xi32, #tpu.memory_space<vmem>>
    %dma_start3A_128 = tpu.memref_squeeze %dma_start3A_127 : memref<1x100xi32, #tpu.memory_space<vmem>> -> memref<100xi32, #tpu.memory_space<vmem>>
    %dma_start3A_129 = arith.constant 0 : i32
    %dma_start3A_130 = arith.constant 0 : i32
    %dma_start3A_131 = tpu.memref_slice %arg2[%dma_start3A_129, %dma_start3A_130] : memref<51200x8xf32, #tpu.memory_space<hbm>> -> memref<51200x8xf32, #tpu.memory_space<hbm>>
    tpu.enqueue_indirect_dma source(%dma_start3A_131 : memref<51200x8xf32, #tpu.memory_space<hbm>>) target(%dma_start3A_121 : memref<100x8xf32, #tpu.memory_space<vmem>>) offsets(%dma_start3A_128 : memref<100xi32, #tpu.memory_space<vmem>>) semaphore(%arg10 : memref<!tpu.dma_semaphore, #tpu.memory_space<semaphore_mem>>)
    %dma_start3A_132 = arith.constant 0 : i32
    %dma_start3A_133 = arith.constant 6 : i32
    %dma_start3A_134 = arith.constant 0 : i32
    %dma_start3A_135 = arith.constant 0 : i32
    %dma_start3A_136 = arith.constant 0 : i32
    %dma_start3A_137 = tpu.memref_slice %arg8[%dma_start3A_134, %dma_start3A_135, %dma_start3A_136] : memref<2x1000x8xf32, #tpu.memory_space<vmem>> -> memref<1x1000x8xf32, #tpu.memory_space<vmem>>
    %dma_start3A_138 = tpu.memref_squeeze %dma_start3A_137 : memref<1x1000x8xf32, #tpu.memory_space<vmem>> -> memref<1000x8xf32, #tpu.memory_space<vmem>>
    %dma_start3A_139 = arith.constant 600 : i32
    %dma_start3A_140 = arith.constant 0 : i32
    %dma_start3A_141 = tpu.memref_slice %dma_start3A_138[%dma_start3A_139, %dma_start3A_140] : memref<1000x8xf32, #tpu.memory_space<vmem>> -> memref<100x8xf32, #tpu.memory_space<vmem>>
    %dma_start3A_142 = arith.constant 0 : i32
    %dma_start3A_143 = arith.constant 0 : i32
    %dma_start3A_144 = tpu.memref_slice %arg6[%dma_start3A_132, %dma_start3A_142, %dma_start3A_143] : memref<2x10x100xi32, #tpu.memory_space<vmem>> -> memref<1x10x100xi32, #tpu.memory_space<vmem>>
    %dma_start3A_145 = tpu.memref_squeeze %dma_start3A_144 : memref<1x10x100xi32, #tpu.memory_space<vmem>> -> memref<10x100xi32, #tpu.memory_space<vmem>>
    %dma_start3A_146 = arith.constant 0 : i32
    %dma_start3A_147 = tpu.memref_slice %dma_start3A_145[%dma_start3A_133, %dma_start3A_146] : memref<10x100xi32, #tpu.memory_space<vmem>> -> memref<1x100xi32, #tpu.memory_space<vmem>>
    %dma_start3A_148 = tpu.memref_squeeze %dma_start3A_147 : memref<1x100xi32, #tpu.memory_space<vmem>> -> memref<100xi32, #tpu.memory_space<vmem>>
    %dma_start3A_149 = arith.constant 0 : i32
    %dma_start3A_150 = arith.constant 0 : i32
    %dma_start3A_151 = tpu.memref_slice %arg2[%dma_start3A_149, %dma_start3A_150] : memref<51200x8xf32, #tpu.memory_space<hbm>> -> memref<51200x8xf32, #tpu.memory_space<hbm>>
    tpu.enqueue_indirect_dma source(%dma_start3A_151 : memref<51200x8xf32, #tpu.memory_space<hbm>>) target(%dma_start3A_141 : memref<100x8xf32, #tpu.memory_space<vmem>>) offsets(%dma_start3A_148 : memref<100xi32, #tpu.memory_space<vmem>>) semaphore(%arg10 : memref<!tpu.dma_semaphore, #tpu.memory_space<semaphore_mem>>)
    %dma_start3A_152 = arith.constant 0 : i32
    %dma_start3A_153 = arith.constant 7 : i32
    %dma_start3A_154 = arith.constant 0 : i32
    %dma_start3A_155 = arith.constant 0 : i32
    %dma_start3A_156 = arith.constant 0 : i32
    %dma_start3A_157 = tpu.memref_slice %arg8[%dma_start3A_154, %dma_start3A_155, %dma_start3A_156] : memref<2x1000x8xf32, #tpu.memory_space<vmem>> -> memref<1x1000x8xf32, #tpu.memory_space<vmem>>
    %dma_start3A_158 = tpu.memref_squeeze %dma_start3A_157 : memref<1x1000x8xf32, #tpu.memory_space<vmem>> -> memref<1000x8xf32, #tpu.memory_space<vmem>>
    %dma_start3A_159 = arith.constant 700 : i32
    %dma_start3A_160 = arith.constant 0 : i32
    %dma_start3A_161 = tpu.memref_slice %dma_start3A_158[%dma_start3A_159, %dma_start3A_160] : memref<1000x8xf32, #tpu.memory_space<vmem>> -> memref<100x8xf32, #tpu.memory_space<vmem>>
    %dma_start3A_162 = arith.constant 0 : i32
    %dma_start3A_163 = arith.constant 0 : i32
    %dma_start3A_164 = tpu.memref_slice %arg6[%dma_start3A_152, %dma_start3A_162, %dma_start3A_163] : memref<2x10x100xi32, #tpu.memory_space<vmem>> -> memref<1x10x100xi32, #tpu.memory_space<vmem>>
    %dma_start3A_165 = tpu.memref_squeeze %dma_start3A_164 : memref<1x10x100xi32, #tpu.memory_space<vmem>> -> memref<10x100xi32, #tpu.memory_space<vmem>>
    %dma_start3A_166 = arith.constant 0 : i32
    %dma_start3A_167 = tpu.memref_slice %dma_start3A_165[%dma_start3A_153, %dma_start3A_166] : memref<10x100xi32, #tpu.memory_space<vmem>> -> memref<1x100xi32, #tpu.memory_space<vmem>>
    %dma_start3A_168 = tpu.memref_squeeze %dma_start3A_167 : memref<1x100xi32, #tpu.memory_space<vmem>> -> memref<100xi32, #tpu.memory_space<vmem>>
    %dma_start3A_169 = arith.constant 0 : i32
    %dma_start3A_170 = arith.constant 0 : i32
    %dma_start3A_171 = tpu.memref_slice %arg2[%dma_start3A_169, %dma_start3A_170] : memref<51200x8xf32, #tpu.memory_space<hbm>> -> memref<51200x8xf32, #tpu.memory_space<hbm>>
    tpu.enqueue_indirect_dma source(%dma_start3A_171 : memref<51200x8xf32, #tpu.memory_space<hbm>>) target(%dma_start3A_161 : memref<100x8xf32, #tpu.memory_space<vmem>>) offsets(%dma_start3A_168 : memref<100xi32, #tpu.memory_space<vmem>>) semaphore(%arg10 : memref<!tpu.dma_semaphore, #tpu.memory_space<semaphore_mem>>)
    %dma_start3A_172 = arith.constant 0 : i32
    %dma_start3A_173 = arith.constant 8 : i32
    %dma_start3A_174 = arith.constant 0 : i32
    %dma_start3A_175 = arith.constant 0 : i32
    %dma_start3A_176 = arith.constant 0 : i32
    %dma_start3A_177 = tpu.memref_slice %arg8[%dma_start3A_174, %dma_start3A_175, %dma_start3A_176] : memref<2x1000x8xf32, #tpu.memory_space<vmem>> -> memref<1x1000x8xf32, #tpu.memory_space<vmem>>
    %dma_start3A_178 = tpu.memref_squeeze %dma_start3A_177 : memref<1x1000x8xf32, #tpu.memory_space<vmem>> -> memref<1000x8xf32, #tpu.memory_space<vmem>>
    %dma_start3A_179 = arith.constant 800 : i32
    %dma_start3A_180 = arith.constant 0 : i32
    %dma_start3A_181 = tpu.memref_slice %dma_start3A_178[%dma_start3A_179, %dma_start3A_180] : memref<1000x8xf32, #tpu.memory_space<vmem>> -> memref<100x8xf32, #tpu.memory_space<vmem>>
    %dma_start3A_182 = arith.constant 0 : i32
    %dma_start3A_183 = arith.constant 0 : i32
    %dma_start3A_184 = tpu.memref_slice %arg6[%dma_start3A_172, %dma_start3A_182, %dma_start3A_183] : memref<2x10x100xi32, #tpu.memory_space<vmem>> -> memref<1x10x100xi32, #tpu.memory_space<vmem>>
    %dma_start3A_185 = tpu.memref_squeeze %dma_start3A_184 : memref<1x10x100xi32, #tpu.memory_space<vmem>> -> memref<10x100xi32, #tpu.memory_space<vmem>>
    %dma_start3A_186 = arith.constant 0 : i32
    %dma_start3A_187 = tpu.memref_slice %dma_start3A_185[%dma_start3A_173, %dma_start3A_186] : memref<10x100xi32, #tpu.memory_space<vmem>> -> memref<1x100xi32, #tpu.memory_space<vmem>>
    %dma_start3A_188 = tpu.memref_squeeze %dma_start3A_187 : memref<1x100xi32, #tpu.memory_space<vmem>> -> memref<100xi32, #tpu.memory_space<vmem>>
    %dma_start3A_189 = arith.constant 0 : i32
    %dma_start3A_190 = arith.constant 0 : i32
    %dma_start3A_191 = tpu.memref_slice %arg2[%dma_start3A_189, %dma_start3A_190] : memref<51200x8xf32, #tpu.memory_space<hbm>> -> memref<51200x8xf32, #tpu.memory_space<hbm>>
    tpu.enqueue_indirect_dma source(%dma_start3A_191 : memref<51200x8xf32, #tpu.memory_space<hbm>>) target(%dma_start3A_181 : memref<100x8xf32, #tpu.memory_space<vmem>>) offsets(%dma_start3A_188 : memref<100xi32, #tpu.memory_space<vmem>>) semaphore(%arg10 : memref<!tpu.dma_semaphore, #tpu.memory_space<semaphore_mem>>)
    %dma_start3A_192 = arith.constant 0 : i32
    %dma_start3A_193 = arith.constant 9 : i32
    %dma_start3A_194 = arith.constant 0 : i32
    %dma_start3A_195 = arith.constant 0 : i32
    %dma_start3A_196 = arith.constant 0 : i32
    %dma_start3A_197 = tpu.memref_slice %arg8[%dma_start3A_194, %dma_start3A_195, %dma_start3A_196] : memref<2x1000x8xf32, #tpu.memory_space<vmem>> -> memref<1x1000x8xf32, #tpu.memory_space<vmem>>
    %dma_start3A_198 = tpu.memref_squeeze %dma_start3A_197 : memref<1x1000x8xf32, #tpu.memory_space<vmem>> -> memref<1000x8xf32, #tpu.memory_space<vmem>>
    %dma_start3A_199 = arith.constant 900 : i32
    %dma_start3A_200 = arith.constant 0 : i32
    %dma_start3A_201 = tpu.memref_slice %dma_start3A_198[%dma_start3A_199, %dma_start3A_200] : memref<1000x8xf32, #tpu.memory_space<vmem>> -> memref<100x8xf32, #tpu.memory_space<vmem>>
    %dma_start3A_202 = arith.constant 0 : i32
    %dma_start3A_203 = arith.constant 0 : i32
    %dma_start3A_204 = tpu.memref_slice %arg6[%dma_start3A_192, %dma_start3A_202, %dma_start3A_203] : memref<2x10x100xi32, #tpu.memory_space<vmem>> -> memref<1x10x100xi32, #tpu.memory_space<vmem>>
    %dma_start3A_205 = tpu.memref_squeeze %dma_start3A_204 : memref<1x10x100xi32, #tpu.memory_space<vmem>> -> memref<10x100xi32, #tpu.memory_space<vmem>>
    %dma_start3A_206 = arith.constant 0 : i32
    %dma_start3A_207 = tpu.memref_slice %dma_start3A_205[%dma_start3A_193, %dma_start3A_206] : memref<10x100xi32, #tpu.memory_space<vmem>> -> memref<1x100xi32, #tpu.memory_space<vmem>>
    %dma_start3A_208 = tpu.memref_squeeze %dma_start3A_207 : memref<1x100xi32, #tpu.memory_space<vmem>> -> memref<100xi32, #tpu.memory_space<vmem>>
    %dma_start3A_209 = arith.constant 0 : i32
    %dma_start3A_210 = arith.constant 0 : i32
    %dma_start3A_211 = tpu.memref_slice %arg2[%dma_start3A_209, %dma_start3A_210] : memref<51200x8xf32, #tpu.memory_space<hbm>> -> memref<51200x8xf32, #tpu.memory_space<hbm>>
    tpu.enqueue_indirect_dma source(%dma_start3A_211 : memref<51200x8xf32, #tpu.memory_space<hbm>>) target(%dma_start3A_201 : memref<100x8xf32, #tpu.memory_space<vmem>>) offsets(%dma_start3A_208 : memref<100xi32, #tpu.memory_space<vmem>>) semaphore(%arg10 : memref<!tpu.dma_semaphore, #tpu.memory_space<semaphore_mem>>)
    %scan3A_212 = arith.constant 0 : i32
    %scan3A_213 = arith.constant 0 : i32
    %scan3A_214 = arith.constant 25 : i32
    %scan3A_215 = arith.addi %scan3A_213, %scan3A_214 : i32
    %scan3A_216 = arith.constant 1 : i32
    scf.for %scan3A_422 = %scan3A_213 to %scan3A_215 step %scan3A_216  : i32 {
      %rem3A = arith.constant 2 : i32
      %rem3A_423 = arith.remsi %scan3A_422, %rem3A : i32
      %sub3A = arith.constant 1 : i32
      %sub3A_424 = arith.subi %sub3A, %rem3A_423 : i32
      %add3A_425 = arith.constant 1 : i32
      %add3A_426 = arith.addi %scan3A_422, %add3A_425 : i32
      %lt3A = arith.constant 25 : i32
      %lt3A_427 = arith.cmpi slt, %add3A_426, %lt3A : i32
      %convert_element_type3A = arith.extui %lt3A_427 : i1 to i32
      %cond3A = arith.constant 0 : i32
      %cond3A_428 = arith.cmpi ne, %convert_element_type3A, %cond3A : i32
      scf.if %cond3A_428 {
        %add3A_800 = arith.constant 1 : i32
        %add3A_801 = arith.addi %scan3A_422, %add3A_800 : i32
        %mul3A_802 = arith.constant 250 : i32
        %mul3A_803 = arith.muli %add3A, %mul3A_802 : i32
        %mul3A_804 = arith.constant 10 : i32
        %mul3A_805 = arith.muli %add3A_801, %mul3A_804 : i32
        %add3A_806 = arith.addi %mul3A_803, %mul3A_805 : i32
        %run_scoped3A_807 = arith.constant 0 : i32
        "tpu.region"() ({
          %run_scoped3A_809 = tpu.sem_alloc : memref<!tpu.dma_semaphore, #tpu.memory_space<semaphore_mem>>
          %dma_start3A_810 = arith.constant 0 : i32
          %dma_start3A_811 = arith.constant 0 : i32
          %dma_start3A_812 = tpu.memref_slice %arg6[%sub3A_424, %dma_start3A_810, %dma_start3A_811] : memref<2x10x100xi32, #tpu.memory_space<vmem>> -> memref<1x10x100xi32, #tpu.memory_space<vmem>>
          %dma_start3A_813 = tpu.memref_squeeze %dma_start3A_812 : memref<1x10x100xi32, #tpu.memory_space<vmem>> -> memref<10x100xi32, #tpu.memory_space<vmem>>
          %dma_start3A_814 = arith.constant 0 : i32
          %dma_start3A_815 = tpu.memref_slice %arg3[%run_scoped3A_807, %add3A_806, %dma_start3A_814] : memref<2x8000x100xi32, #tpu.memory_space<hbm>> -> memref<1x10x100xi32, #tpu.memory_space<hbm>>
          %dma_start3A_816 = tpu.memref_squeeze %dma_start3A_815 : memref<1x10x100xi32, #tpu.memory_space<hbm>> -> memref<10x100xi32, #tpu.memory_space<hbm>>
          %dma_start3A_817 = arith.constant 0 : i32
          %dma_start3A_818 = arith.constant 0 : i32
          %dma_start3A_819 = tpu.memref_slice %arg6[%sub3A_424, %dma_start3A_817, %dma_start3A_818] : memref<2x10x100xi32, #tpu.memory_space<vmem>> -> memref<1x10x100xi32, #tpu.memory_space<vmem>>
          %dma_start3A_820 = tpu.memref_squeeze %dma_start3A_819 : memref<1x10x100xi32, #tpu.memory_space<vmem>> -> memref<10x100xi32, #tpu.memory_space<vmem>>
          %dma_start3A_821 = arith.constant 0 : i32
          %dma_start3A_822 = tpu.memref_slice %arg3[%run_scoped3A_807, %add3A_806, %dma_start3A_821] : memref<2x8000x100xi32, #tpu.memory_space<hbm>> -> memref<1x10x100xi32, #tpu.memory_space<hbm>>
          %dma_start3A_823 = tpu.memref_squeeze %dma_start3A_822 : memref<1x10x100xi32, #tpu.memory_space<hbm>> -> memref<10x100xi32, #tpu.memory_space<hbm>>
          tpu.enqueue_dma source(%dma_start3A_823 : memref<10x100xi32, #tpu.memory_space<hbm>>) target(%dma_start3A_820 : memref<10x100xi32, #tpu.memory_space<vmem>>) target_semaphore(%run_scoped3A_809 : memref<!tpu.dma_semaphore, #tpu.memory_space<semaphore_mem>>)
          %dma_wait3A_824 = arith.constant 0 : i32
          %dma_wait3A_825 = arith.constant 0 : i32
          %dma_wait3A_826 = tpu.memref_slice %arg6[%sub3A_424, %dma_wait3A_824, %dma_wait3A_825] : memref<2x10x100xi32, #tpu.memory_space<vmem>> -> memref<1x10x100xi32, #tpu.memory_space<vmem>>
          %dma_wait3A_827 = tpu.memref_squeeze %dma_wait3A_826 : memref<1x10x100xi32, #tpu.memory_space<vmem>> -> memref<10x100xi32, #tpu.memory_space<vmem>>
          %dma_wait3A_828 = arith.constant 0 : i32
          %dma_wait3A_829 = tpu.memref_slice %arg3[%run_scoped3A_807, %add3A_806, %dma_wait3A_828] : memref<2x8000x100xi32, #tpu.memory_space<hbm>> -> memref<1x10x100xi32, #tpu.memory_space<hbm>>
          %dma_wait3A_830 = tpu.memref_squeeze %dma_wait3A_829 : memref<1x10x100xi32, #tpu.memory_space<hbm>> -> memref<10x100xi32, #tpu.memory_space<hbm>>
          %dma_wait3A_831 = arith.constant 0 : i32
          %dma_wait3A_832 = arith.constant 0 : i32
          %dma_wait3A_833 = tpu.memref_slice %arg6[%sub3A_424, %dma_wait3A_831, %dma_wait3A_832] : memref<2x10x100xi32, #tpu.memory_space<vmem>> -> memref<1x10x100xi32, #tpu.memory_space<vmem>>
          %dma_wait3A_834 = tpu.memref_squeeze %dma_wait3A_833 : memref<1x10x100xi32, #tpu.memory_space<vmem>> -> memref<10x100xi32, #tpu.memory_space<vmem>>
          %dma_wait3A_835 = arith.constant 0 : i32
          %dma_wait3A_836 = tpu.memref_slice %arg3[%run_scoped3A_807, %add3A_806, %dma_wait3A_835] : memref<2x8000x100xi32, #tpu.memory_space<hbm>> -> memref<1x10x100xi32, #tpu.memory_space<hbm>>
          %dma_wait3A_837 = tpu.memref_squeeze %dma_wait3A_836 : memref<1x10x100xi32, #tpu.memory_space<hbm>> -> memref<10x100xi32, #tpu.memory_space<hbm>>
          tpu.wait_dma2 semaphore(%run_scoped3A_809 : memref<!tpu.dma_semaphore, #tpu.memory_space<semaphore_mem>>) src(%dma_wait3A_837 : memref<10x100xi32, #tpu.memory_space<hbm>>) dst(%dma_wait3A_834 : memref<10x100xi32, #tpu.memory_space<vmem>>)
          tpu.yield
        }) : () -> ()
        %run_scoped3A_808 = arith.constant 1 : i32
        "tpu.region"() ({
          %run_scoped3A_809 = tpu.sem_alloc : memref<!tpu.dma_semaphore, #tpu.memory_space<semaphore_mem>>
          %dma_start3A_810 = arith.constant 0 : i32
          %dma_start3A_811 = arith.constant 0 : i32
          %dma_start3A_812 = tpu.memref_slice %arg7[%sub3A_424, %dma_start3A_810, %dma_start3A_811] : memref<2x10x100xi32, #tpu.memory_space<vmem>> -> memref<1x10x100xi32, #tpu.memory_space<vmem>>
          %dma_start3A_813 = tpu.memref_squeeze %dma_start3A_812 : memref<1x10x100xi32, #tpu.memory_space<vmem>> -> memref<10x100xi32, #tpu.memory_space<vmem>>
          %dma_start3A_814 = arith.constant 0 : i32
          %dma_start3A_815 = tpu.memref_slice %arg3[%run_scoped3A_808, %add3A_806, %dma_start3A_814] : memref<2x8000x100xi32, #tpu.memory_space<hbm>> -> memref<1x10x100xi32, #tpu.memory_space<hbm>>
          %dma_start3A_816 = tpu.memref_squeeze %dma_start3A_815 : memref<1x10x100xi32, #tpu.memory_space<hbm>> -> memref<10x100xi32, #tpu.memory_space<hbm>>
          %dma_start3A_817 = arith.constant 0 : i32
          %dma_start3A_818 = arith.constant 0 : i32
          %dma_start3A_819 = tpu.memref_slice %arg7[%sub3A_424, %dma_start3A_817, %dma_start3A_818] : memref<2x10x100xi32, #tpu.memory_space<vmem>> -> memref<1x10x100xi32, #tpu.memory_space<vmem>>
          %dma_start3A_820 = tpu.memref_squeeze %dma_start3A_819 : memref<1x10x100xi32, #tpu.memory_space<vmem>> -> memref<10x100xi32, #tpu.memory_space<vmem>>
          %dma_start3A_821 = arith.constant 0 : i32
          %dma_start3A_822 = tpu.memref_slice %arg3[%run_scoped3A_808, %add3A_806, %dma_start3A_821] : memref<2x8000x100xi32, #tpu.memory_space<hbm>> -> memref<1x10x100xi32, #tpu.memory_space<hbm>>
          %dma_start3A_823 = tpu.memref_squeeze %dma_start3A_822 : memref<1x10x100xi32, #tpu.memory_space<hbm>> -> memref<10x100xi32, #tpu.memory_space<hbm>>
          tpu.enqueue_dma source(%dma_start3A_823 : memref<10x100xi32, #tpu.memory_space<hbm>>) target(%dma_start3A_820 : memref<10x100xi32, #tpu.memory_space<vmem>>) target_semaphore(%run_scoped3A_809 : memref<!tpu.dma_semaphore, #tpu.memory_space<semaphore_mem>>)
          %dma_wait3A_824 = arith.constant 0 : i32
          %dma_wait3A_825 = arith.constant 0 : i32
          %dma_wait3A_826 = tpu.memref_slice %arg7[%sub3A_424, %dma_wait3A_824, %dma_wait3A_825] : memref<2x10x100xi32, #tpu.memory_space<vmem>> -> memref<1x10x100xi32, #tpu.memory_space<vmem>>
          %dma_wait3A_827 = tpu.memref_squeeze %dma_wait3A_826 : memref<1x10x100xi32, #tpu.memory_space<vmem>> -> memref<10x100xi32, #tpu.memory_space<vmem>>
          %dma_wait3A_828 = arith.constant 0 : i32
          %dma_wait3A_829 = tpu.memref_slice %arg3[%run_scoped3A_808, %add3A_806, %dma_wait3A_828] : memref<2x8000x100xi32, #tpu.memory_space<hbm>> -> memref<1x10x100xi32, #tpu.memory_space<hbm>>
          %dma_wait3A_830 = tpu.memref_squeeze %dma_wait3A_829 : memref<1x10x100xi32, #tpu.memory_space<hbm>> -> memref<10x100xi32, #tpu.memory_space<hbm>>
          %dma_wait3A_831 = arith.constant 0 : i32
          %dma_wait3A_832 = arith.constant 0 : i32
          %dma_wait3A_833 = tpu.memref_slice %arg7[%sub3A_424, %dma_wait3A_831, %dma_wait3A_832] : memref<2x10x100xi32, #tpu.memory_space<vmem>> -> memref<1x10x100xi32, #tpu.memory_space<vmem>>
          %dma_wait3A_834 = tpu.memref_squeeze %dma_wait3A_833 : memref<1x10x100xi32, #tpu.memory_space<vmem>> -> memref<10x100xi32, #tpu.memory_space<vmem>>
          %dma_wait3A_835 = arith.constant 0 : i32
          %dma_wait3A_836 = tpu.memref_slice %arg3[%run_scoped3A_808, %add3A_806, %dma_wait3A_835] : memref<2x8000x100xi32, #tpu.memory_space<hbm>> -> memref<1x10x100xi32, #tpu.memory_space<hbm>>
          %dma_wait3A_837 = tpu.memref_squeeze %dma_wait3A_836 : memref<1x10x100xi32, #tpu.memory_space<hbm>> -> memref<10x100xi32, #tpu.memory_space<hbm>>
          tpu.wait_dma2 semaphore(%run_scoped3A_809 : memref<!tpu.dma_semaphore, #tpu.memory_space<semaphore_mem>>) src(%dma_wait3A_837 : memref<10x100xi32, #tpu.memory_space<hbm>>) dst(%dma_wait3A_834 : memref<10x100xi32, #tpu.memory_space<vmem>>)
          tpu.yield
        }) : () -> ()
      } else {
      }
      %dma_wait3A_429 = arith.constant 0 : i32
      %dma_wait3A_430 = arith.constant 0 : i32
      %dma_wait3A_431 = arith.constant 0 : i32
      %dma_wait3A_432 = tpu.memref_slice %arg8[%rem3A_423, %dma_wait3A_430, %dma_wait3A_431] : memref<2x1000x8xf32, #tpu.memory_space<vmem>> -> memref<1x1000x8xf32, #tpu.memory_space<vmem>>
      %dma_wait3A_433 = tpu.memref_squeeze %dma_wait3A_432 : memref<1x1000x8xf32, #tpu.memory_space<vmem>> -> memref<1000x8xf32, #tpu.memory_space<vmem>>
      %dma_wait3A_434 = arith.constant 0 : i32
      %dma_wait3A_435 = arith.constant 0 : i32
      %dma_wait3A_436 = tpu.memref_slice %dma_wait3A_433[%dma_wait3A_434, %dma_wait3A_435] : memref<1000x8xf32, #tpu.memory_space<vmem>> -> memref<100x8xf32, #tpu.memory_space<vmem>>
      %dma_wait3A_437 = arith.constant 0 : i32
      %dma_wait3A_438 = arith.constant 0 : i32
      %dma_wait3A_439 = tpu.memref_slice %arg6[%rem3A_423, %dma_wait3A_437, %dma_wait3A_438] : memref<2x10x100xi32, #tpu.memory_space<vmem>> -> memref<1x10x100xi32, #tpu.memory_space<vmem>>
      %dma_wait3A_440 = tpu.memref_squeeze %dma_wait3A_439 : memref<1x10x100xi32, #tpu.memory_space<vmem>> -> memref<10x100xi32, #tpu.memory_space<vmem>>
      %dma_wait3A_441 = arith.constant 0 : i32
      %dma_wait3A_442 = tpu.memref_slice %dma_wait3A_440[%dma_wait3A_429, %dma_wait3A_441] : memref<10x100xi32, #tpu.memory_space<vmem>> -> memref<1x100xi32, #tpu.memory_space<vmem>>
      %dma_wait3A_443 = tpu.memref_squeeze %dma_wait3A_442 : memref<1x100xi32, #tpu.memory_space<vmem>> -> memref<100xi32, #tpu.memory_space<vmem>>
      %dma_wait3A_444 = arith.constant 0 : i32
      %dma_wait3A_445 = arith.constant 0 : i32
      %dma_wait3A_446 = tpu.memref_slice %arg2[%dma_wait3A_444, %dma_wait3A_445] : memref<51200x8xf32, #tpu.memory_space<hbm>> -> memref<51200x8xf32, #tpu.memory_space<hbm>>
      tpu.wait_indirect_dma semaphore(%arg10 : memref<!tpu.dma_semaphore, #tpu.memory_space<semaphore_mem>>) src(%dma_wait3A_446 : memref<51200x8xf32, #tpu.memory_space<hbm>>) dst(%dma_wait3A_436 : memref<100x8xf32, #tpu.memory_space<vmem>>)
      %dma_wait3A_447 = arith.constant 1 : i32
      %dma_wait3A_448 = arith.constant 0 : i32
      %dma_wait3A_449 = arith.constant 0 : i32
      %dma_wait3A_450 = tpu.memref_slice %arg8[%rem3A_423, %dma_wait3A_448, %dma_wait3A_449] : memref<2x1000x8xf32, #tpu.memory_space<vmem>> -> memref<1x1000x8xf32, #tpu.memory_space<vmem>>
      %dma_wait3A_451 = tpu.memref_squeeze %dma_wait3A_450 : memref<1x1000x8xf32, #tpu.memory_space<vmem>> -> memref<1000x8xf32, #tpu.memory_space<vmem>>
      %dma_wait3A_452 = arith.constant 100 : i32
      %dma_wait3A_453 = arith.constant 0 : i32
      %dma_wait3A_454 = tpu.memref_slice %dma_wait3A_451[%dma_wait3A_452, %dma_wait3A_453] : memref<1000x8xf32, #tpu.memory_space<vmem>> -> memref<100x8xf32, #tpu.memory_space<vmem>>
      %dma_wait3A_455 = arith.constant 0 : i32
      %dma_wait3A_456 = arith.constant 0 : i32
      %dma_wait3A_457 = tpu.memref_slice %arg6[%rem3A_423, %dma_wait3A_455, %dma_wait3A_456] : memref<2x10x100xi32, #tpu.memory_space<vmem>> -> memref<1x10x100xi32, #tpu.memory_space<vmem>>
      %dma_wait3A_458 = tpu.memref_squeeze %dma_wait3A_457 : memref<1x10x100xi32, #tpu.memory_space<vmem>> -> memref<10x100xi32, #tpu.memory_space<vmem>>
      %dma_wait3A_459 = arith.constant 0 : i32
      %dma_wait3A_460 = tpu.memref_slice %dma_wait3A_458[%dma_wait3A_447, %dma_wait3A_459] : memref<10x100xi32, #tpu.memory_space<vmem>> -> memref<1x100xi32, #tpu.memory_space<vmem>>
      %dma_wait3A_461 = tpu.memref_squeeze %dma_wait3A_460 : memref<1x100xi32, #tpu.memory_space<vmem>> -> memref<100xi32, #tpu.memory_space<vmem>>
      %dma_wait3A_462 = arith.constant 0 : i32
      %dma_wait3A_463 = arith.constant 0 : i32
      %dma_wait3A_464 = tpu.memref_slice %arg2[%dma_wait3A_462, %dma_wait3A_463] : memref<51200x8xf32, #tpu.memory_space<hbm>> -> memref<51200x8xf32, #tpu.memory_space<hbm>>
      tpu.wait_indirect_dma semaphore(%arg10 : memref<!tpu.dma_semaphore, #tpu.memory_space<semaphore_mem>>) src(%dma_wait3A_464 : memref<51200x8xf32, #tpu.memory_space<hbm>>) dst(%dma_wait3A_454 : memref<100x8xf32, #tpu.memory_space<vmem>>)
      %dma_wait3A_465 = arith.constant 2 : i32
      %dma_wait3A_466 = arith.constant 0 : i32
      %dma_wait3A_467 = arith.constant 0 : i32
      %dma_wait3A_468 = tpu.memref_slice %arg8[%rem3A_423, %dma_wait3A_466, %dma_wait3A_467] : memref<2x1000x8xf32, #tpu.memory_space<vmem>> -> memref<1x1000x8xf32, #tpu.memory_space<vmem>>
      %dma_wait3A_469 = tpu.memref_squeeze %dma_wait3A_468 : memref<1x1000x8xf32, #tpu.memory_space<vmem>> -> memref<1000x8xf32, #tpu.memory_space<vmem>>
      %dma_wait3A_470 = arith.constant 200 : i32
      %dma_wait3A_471 = arith.constant 0 : i32
      %dma_wait3A_472 = tpu.memref_slice %dma_wait3A_469[%dma_wait3A_470, %dma_wait3A_471] : memref<1000x8xf32, #tpu.memory_space<vmem>> -> memref<100x8xf32, #tpu.memory_space<vmem>>
      %dma_wait3A_473 = arith.constant 0 : i32
      %dma_wait3A_474 = arith.constant 0 : i32
      %dma_wait3A_475 = tpu.memref_slice %arg6[%rem3A_423, %dma_wait3A_473, %dma_wait3A_474] : memref<2x10x100xi32, #tpu.memory_space<vmem>> -> memref<1x10x100xi32, #tpu.memory_space<vmem>>
      %dma_wait3A_476 = tpu.memref_squeeze %dma_wait3A_475 : memref<1x10x100xi32, #tpu.memory_space<vmem>> -> memref<10x100xi32, #tpu.memory_space<vmem>>
      %dma_wait3A_477 = arith.constant 0 : i32
      %dma_wait3A_478 = tpu.memref_slice %dma_wait3A_476[%dma_wait3A_465, %dma_wait3A_477] : memref<10x100xi32, #tpu.memory_space<vmem>> -> memref<1x100xi32, #tpu.memory_space<vmem>>
      %dma_wait3A_479 = tpu.memref_squeeze %dma_wait3A_478 : memref<1x100xi32, #tpu.memory_space<vmem>> -> memref<100xi32, #tpu.memory_space<vmem>>
      %dma_wait3A_480 = arith.constant 0 : i32
      %dma_wait3A_481 = arith.constant 0 : i32
      %dma_wait3A_482 = tpu.memref_slice %arg2[%dma_wait3A_480, %dma_wait3A_481] : memref<51200x8xf32, #tpu.memory_space<hbm>> -> memref<51200x8xf32, #tpu.memory_space<hbm>>
      tpu.wait_indirect_dma semaphore(%arg10 : memref<!tpu.dma_semaphore, #tpu.memory_space<semaphore_mem>>) src(%dma_wait3A_482 : memref<51200x8xf32, #tpu.memory_space<hbm>>) dst(%dma_wait3A_472 : memref<100x8xf32, #tpu.memory_space<vmem>>)
      %dma_wait3A_483 = arith.constant 3 : i32
      %dma_wait3A_484 = arith.constant 0 : i32
      %dma_wait3A_485 = arith.constant 0 : i32
      %dma_wait3A_486 = tpu.memref_slice %arg8[%rem3A_423, %dma_wait3A_484, %dma_wait3A_485] : memref<2x1000x8xf32, #tpu.memory_space<vmem>> -> memref<1x1000x8xf32, #tpu.memory_space<vmem>>
      %dma_wait3A_487 = tpu.memref_squeeze %dma_wait3A_486 : memref<1x1000x8xf32, #tpu.memory_space<vmem>> -> memref<1000x8xf32, #tpu.memory_space<vmem>>
      %dma_wait3A_488 = arith.constant 300 : i32
      %dma_wait3A_489 = arith.constant 0 : i32
      %dma_wait3A_490 = tpu.memref_slice %dma_wait3A_487[%dma_wait3A_488, %dma_wait3A_489] : memref<1000x8xf32, #tpu.memory_space<vmem>> -> memref<100x8xf32, #tpu.memory_space<vmem>>
      %dma_wait3A_491 = arith.constant 0 : i32
      %dma_wait3A_492 = arith.constant 0 : i32
      %dma_wait3A_493 = tpu.memref_slice %arg6[%rem3A_423, %dma_wait3A_491, %dma_wait3A_492] : memref<2x10x100xi32, #tpu.memory_space<vmem>> -> memref<1x10x100xi32, #tpu.memory_space<vmem>>
      %dma_wait3A_494 = tpu.memref_squeeze %dma_wait3A_493 : memref<1x10x100xi32, #tpu.memory_space<vmem>> -> memref<10x100xi32, #tpu.memory_space<vmem>>
      %dma_wait3A_495 = arith.constant 0 : i32
      %dma_wait3A_496 = tpu.memref_slice %dma_wait3A_494[%dma_wait3A_483, %dma_wait3A_495] : memref<10x100xi32, #tpu.memory_space<vmem>> -> memref<1x100xi32, #tpu.memory_space<vmem>>
      %dma_wait3A_497 = tpu.memref_squeeze %dma_wait3A_496 : memref<1x100xi32, #tpu.memory_space<vmem>> -> memref<100xi32, #tpu.memory_space<vmem>>
      %dma_wait3A_498 = arith.constant 0 : i32
      %dma_wait3A_499 = arith.constant 0 : i32
      %dma_wait3A_500 = tpu.memref_slice %arg2[%dma_wait3A_498, %dma_wait3A_499] : memref<51200x8xf32, #tpu.memory_space<hbm>> -> memref<51200x8xf32, #tpu.memory_space<hbm>>
      tpu.wait_indirect_dma semaphore(%arg10 : memref<!tpu.dma_semaphore, #tpu.memory_space<semaphore_mem>>) src(%dma_wait3A_500 : memref<51200x8xf32, #tpu.memory_space<hbm>>) dst(%dma_wait3A_490 : memref<100x8xf32, #tpu.memory_space<vmem>>)
      %dma_wait3A_501 = arith.constant 4 : i32
      %dma_wait3A_502 = arith.constant 0 : i32
      %dma_wait3A_503 = arith.constant 0 : i32
      %dma_wait3A_504 = tpu.memref_slice %arg8[%rem3A_423, %dma_wait3A_502, %dma_wait3A_503] : memref<2x1000x8xf32, #tpu.memory_space<vmem>> -> memref<1x1000x8xf32, #tpu.memory_space<vmem>>
      %dma_wait3A_505 = tpu.memref_squeeze %dma_wait3A_504 : memref<1x1000x8xf32, #tpu.memory_space<vmem>> -> memref<1000x8xf32, #tpu.memory_space<vmem>>
      %dma_wait3A_506 = arith.constant 400 : i32
      %dma_wait3A_507 = arith.constant 0 : i32
      %dma_wait3A_508 = tpu.memref_slice %dma_wait3A_505[%dma_wait3A_506, %dma_wait3A_507] : memref<1000x8xf32, #tpu.memory_space<vmem>> -> memref<100x8xf32, #tpu.memory_space<vmem>>
      %dma_wait3A_509 = arith.constant 0 : i32
      %dma_wait3A_510 = arith.constant 0 : i32
      %dma_wait3A_511 = tpu.memref_slice %arg6[%rem3A_423, %dma_wait3A_509, %dma_wait3A_510] : memref<2x10x100xi32, #tpu.memory_space<vmem>> -> memref<1x10x100xi32, #tpu.memory_space<vmem>>
      %dma_wait3A_512 = tpu.memref_squeeze %dma_wait3A_511 : memref<1x10x100xi32, #tpu.memory_space<vmem>> -> memref<10x100xi32, #tpu.memory_space<vmem>>
      %dma_wait3A_513 = arith.constant 0 : i32
      %dma_wait3A_514 = tpu.memref_slice %dma_wait3A_512[%dma_wait3A_501, %dma_wait3A_513] : memref<10x100xi32, #tpu.memory_space<vmem>> -> memref<1x100xi32, #tpu.memory_space<vmem>>
      %dma_wait3A_515 = tpu.memref_squeeze %dma_wait3A_514 : memref<1x100xi32, #tpu.memory_space<vmem>> -> memref<100xi32, #tpu.memory_space<vmem>>
      %dma_wait3A_516 = arith.constant 0 : i32
      %dma_wait3A_517 = arith.constant 0 : i32
      %dma_wait3A_518 = tpu.memref_slice %arg2[%dma_wait3A_516, %dma_wait3A_517] : memref<51200x8xf32, #tpu.memory_space<hbm>> -> memref<51200x8xf32, #tpu.memory_space<hbm>>
      tpu.wait_indirect_dma semaphore(%arg10 : memref<!tpu.dma_semaphore, #tpu.memory_space<semaphore_mem>>) src(%dma_wait3A_518 : memref<51200x8xf32, #tpu.memory_space<hbm>>) dst(%dma_wait3A_508 : memref<100x8xf32, #tpu.memory_space<vmem>>)
      %dma_wait3A_519 = arith.constant 5 : i32
      %dma_wait3A_520 = arith.constant 0 : i32
      %dma_wait3A_521 = arith.constant 0 : i32
      %dma_wait3A_522 = tpu.memref_slice %arg8[%rem3A_423, %dma_wait3A_520, %dma_wait3A_521] : memref<2x1000x8xf32, #tpu.memory_space<vmem>> -> memref<1x1000x8xf32, #tpu.memory_space<vmem>>
      %dma_wait3A_523 = tpu.memref_squeeze %dma_wait3A_522 : memref<1x1000x8xf32, #tpu.memory_space<vmem>> -> memref<1000x8xf32, #tpu.memory_space<vmem>>
      %dma_wait3A_524 = arith.constant 500 : i32
      %dma_wait3A_525 = arith.constant 0 : i32
      %dma_wait3A_526 = tpu.memref_slice %dma_wait3A_523[%dma_wait3A_524, %dma_wait3A_525] : memref<1000x8xf32, #tpu.memory_space<vmem>> -> memref<100x8xf32, #tpu.memory_space<vmem>>
      %dma_wait3A_527 = arith.constant 0 : i32
      %dma_wait3A_528 = arith.constant 0 : i32
      %dma_wait3A_529 = tpu.memref_slice %arg6[%rem3A_423, %dma_wait3A_527, %dma_wait3A_528] : memref<2x10x100xi32, #tpu.memory_space<vmem>> -> memref<1x10x100xi32, #tpu.memory_space<vmem>>
      %dma_wait3A_530 = tpu.memref_squeeze %dma_wait3A_529 : memref<1x10x100xi32, #tpu.memory_space<vmem>> -> memref<10x100xi32, #tpu.memory_space<vmem>>
      %dma_wait3A_531 = arith.constant 0 : i32
      %dma_wait3A_532 = tpu.memref_slice %dma_wait3A_530[%dma_wait3A_519, %dma_wait3A_531] : memref<10x100xi32, #tpu.memory_space<vmem>> -> memref<1x100xi32, #tpu.memory_space<vmem>>
      %dma_wait3A_533 = tpu.memref_squeeze %dma_wait3A_532 : memref<1x100xi32, #tpu.memory_space<vmem>> -> memref<100xi32, #tpu.memory_space<vmem>>
      %dma_wait3A_534 = arith.constant 0 : i32
      %dma_wait3A_535 = arith.constant 0 : i32
      %dma_wait3A_536 = tpu.memref_slice %arg2[%dma_wait3A_534, %dma_wait3A_535] : memref<51200x8xf32, #tpu.memory_space<hbm>> -> memref<51200x8xf32, #tpu.memory_space<hbm>>
      tpu.wait_indirect_dma semaphore(%arg10 : memref<!tpu.dma_semaphore, #tpu.memory_space<semaphore_mem>>) src(%dma_wait3A_536 : memref<51200x8xf32, #tpu.memory_space<hbm>>) dst(%dma_wait3A_526 : memref<100x8xf32, #tpu.memory_space<vmem>>)
      %dma_wait3A_537 = arith.constant 6 : i32
      %dma_wait3A_538 = arith.constant 0 : i32
      %dma_wait3A_539 = arith.constant 0 : i32
      %dma_wait3A_540 = tpu.memref_slice %arg8[%rem3A_423, %dma_wait3A_538, %dma_wait3A_539] : memref<2x1000x8xf32, #tpu.memory_space<vmem>> -> memref<1x1000x8xf32, #tpu.memory_space<vmem>>
      %dma_wait3A_541 = tpu.memref_squeeze %dma_wait3A_540 : memref<1x1000x8xf32, #tpu.memory_space<vmem>> -> memref<1000x8xf32, #tpu.memory_space<vmem>>
      %dma_wait3A_542 = arith.constant 600 : i32
      %dma_wait3A_543 = arith.constant 0 : i32
      %dma_wait3A_544 = tpu.memref_slice %dma_wait3A_541[%dma_wait3A_542, %dma_wait3A_543] : memref<1000x8xf32, #tpu.memory_space<vmem>> -> memref<100x8xf32, #tpu.memory_space<vmem>>
      %dma_wait3A_545 = arith.constant 0 : i32
      %dma_wait3A_546 = arith.constant 0 : i32
      %dma_wait3A_547 = tpu.memref_slice %arg6[%rem3A_423, %dma_wait3A_545, %dma_wait3A_546] : memref<2x10x100xi32, #tpu.memory_space<vmem>> -> memref<1x10x100xi32, #tpu.memory_space<vmem>>
      %dma_wait3A_548 = tpu.memref_squeeze %dma_wait3A_547 : memref<1x10x100xi32, #tpu.memory_space<vmem>> -> memref<10x100xi32, #tpu.memory_space<vmem>>
      %dma_wait3A_549 = arith.constant 0 : i32
      %dma_wait3A_550 = tpu.memref_slice %dma_wait3A_548[%dma_wait3A_537, %dma_wait3A_549] : memref<10x100xi32, #tpu.memory_space<vmem>> -> memref<1x100xi32, #tpu.memory_space<vmem>>
      %dma_wait3A_551 = tpu.memref_squeeze %dma_wait3A_550 : memref<1x100xi32, #tpu.memory_space<vmem>> -> memref<100xi32, #tpu.memory_space<vmem>>
      %dma_wait3A_552 = arith.constant 0 : i32
      %dma_wait3A_553 = arith.constant 0 : i32
      %dma_wait3A_554 = tpu.memref_slice %arg2[%dma_wait3A_552, %dma_wait3A_553] : memref<51200x8xf32, #tpu.memory_space<hbm>> -> memref<51200x8xf32, #tpu.memory_space<hbm>>
      tpu.wait_indirect_dma semaphore(%arg10 : memref<!tpu.dma_semaphore, #tpu.memory_space<semaphore_mem>>) src(%dma_wait3A_554 : memref<51200x8xf32, #tpu.memory_space<hbm>>) dst(%dma_wait3A_544 : memref<100x8xf32, #tpu.memory_space<vmem>>)
      %dma_wait3A_555 = arith.constant 7 : i32
      %dma_wait3A_556 = arith.constant 0 : i32
      %dma_wait3A_557 = arith.constant 0 : i32
      %dma_wait3A_558 = tpu.memref_slice %arg8[%rem3A_423, %dma_wait3A_556, %dma_wait3A_557] : memref<2x1000x8xf32, #tpu.memory_space<vmem>> -> memref<1x1000x8xf32, #tpu.memory_space<vmem>>
      %dma_wait3A_559 = tpu.memref_squeeze %dma_wait3A_558 : memref<1x1000x8xf32, #tpu.memory_space<vmem>> -> memref<1000x8xf32, #tpu.memory_space<vmem>>
      %dma_wait3A_560 = arith.constant 700 : i32
      %dma_wait3A_561 = arith.constant 0 : i32
      %dma_wait3A_562 = tpu.memref_slice %dma_wait3A_559[%dma_wait3A_560, %dma_wait3A_561] : memref<1000x8xf32, #tpu.memory_space<vmem>> -> memref<100x8xf32, #tpu.memory_space<vmem>>
      %dma_wait3A_563 = arith.constant 0 : i32
      %dma_wait3A_564 = arith.constant 0 : i32
      %dma_wait3A_565 = tpu.memref_slice %arg6[%rem3A_423, %dma_wait3A_563, %dma_wait3A_564] : memref<2x10x100xi32, #tpu.memory_space<vmem>> -> memref<1x10x100xi32, #tpu.memory_space<vmem>>
      %dma_wait3A_566 = tpu.memref_squeeze %dma_wait3A_565 : memref<1x10x100xi32, #tpu.memory_space<vmem>> -> memref<10x100xi32, #tpu.memory_space<vmem>>
      %dma_wait3A_567 = arith.constant 0 : i32
      %dma_wait3A_568 = tpu.memref_slice %dma_wait3A_566[%dma_wait3A_555, %dma_wait3A_567] : memref<10x100xi32, #tpu.memory_space<vmem>> -> memref<1x100xi32, #tpu.memory_space<vmem>>
      %dma_wait3A_569 = tpu.memref_squeeze %dma_wait3A_568 : memref<1x100xi32, #tpu.memory_space<vmem>> -> memref<100xi32, #tpu.memory_space<vmem>>
      %dma_wait3A_570 = arith.constant 0 : i32
      %dma_wait3A_571 = arith.constant 0 : i32
      %dma_wait3A_572 = tpu.memref_slice %arg2[%dma_wait3A_570, %dma_wait3A_571] : memref<51200x8xf32, #tpu.memory_space<hbm>> -> memref<51200x8xf32, #tpu.memory_space<hbm>>
      tpu.wait_indirect_dma semaphore(%arg10 : memref<!tpu.dma_semaphore, #tpu.memory_space<semaphore_mem>>) src(%dma_wait3A_572 : memref<51200x8xf32, #tpu.memory_space<hbm>>) dst(%dma_wait3A_562 : memref<100x8xf32, #tpu.memory_space<vmem>>)
      %dma_wait3A_573 = arith.constant 8 : i32
      %dma_wait3A_574 = arith.constant 0 : i32
      %dma_wait3A_575 = arith.constant 0 : i32
      %dma_wait3A_576 = tpu.memref_slice %arg8[%rem3A_423, %dma_wait3A_574, %dma_wait3A_575] : memref<2x1000x8xf32, #tpu.memory_space<vmem>> -> memref<1x1000x8xf32, #tpu.memory_space<vmem>>
      %dma_wait3A_577 = tpu.memref_squeeze %dma_wait3A_576 : memref<1x1000x8xf32, #tpu.memory_space<vmem>> -> memref<1000x8xf32, #tpu.memory_space<vmem>>
      %dma_wait3A_578 = arith.constant 800 : i32
      %dma_wait3A_579 = arith.constant 0 : i32
      %dma_wait3A_580 = tpu.memref_slice %dma_wait3A_577[%dma_wait3A_578, %dma_wait3A_579] : memref<1000x8xf32, #tpu.memory_space<vmem>> -> memref<100x8xf32, #tpu.memory_space<vmem>>
      %dma_wait3A_581 = arith.constant 0 : i32
      %dma_wait3A_582 = arith.constant 0 : i32
      %dma_wait3A_583 = tpu.memref_slice %arg6[%rem3A_423, %dma_wait3A_581, %dma_wait3A_582] : memref<2x10x100xi32, #tpu.memory_space<vmem>> -> memref<1x10x100xi32, #tpu.memory_space<vmem>>
      %dma_wait3A_584 = tpu.memref_squeeze %dma_wait3A_583 : memref<1x10x100xi32, #tpu.memory_space<vmem>> -> memref<10x100xi32, #tpu.memory_space<vmem>>
      %dma_wait3A_585 = arith.constant 0 : i32
      %dma_wait3A_586 = tpu.memref_slice %dma_wait3A_584[%dma_wait3A_573, %dma_wait3A_585] : memref<10x100xi32, #tpu.memory_space<vmem>> -> memref<1x100xi32, #tpu.memory_space<vmem>>
      %dma_wait3A_587 = tpu.memref_squeeze %dma_wait3A_586 : memref<1x100xi32, #tpu.memory_space<vmem>> -> memref<100xi32, #tpu.memory_space<vmem>>
      %dma_wait3A_588 = arith.constant 0 : i32
      %dma_wait3A_589 = arith.constant 0 : i32
      %dma_wait3A_590 = tpu.memref_slice %arg2[%dma_wait3A_588, %dma_wait3A_589] : memref<51200x8xf32, #tpu.memory_space<hbm>> -> memref<51200x8xf32, #tpu.memory_space<hbm>>
      tpu.wait_indirect_dma semaphore(%arg10 : memref<!tpu.dma_semaphore, #tpu.memory_space<semaphore_mem>>) src(%dma_wait3A_590 : memref<51200x8xf32, #tpu.memory_space<hbm>>) dst(%dma_wait3A_580 : memref<100x8xf32, #tpu.memory_space<vmem>>)
      %dma_wait3A_591 = arith.constant 9 : i32
      %dma_wait3A_592 = arith.constant 0 : i32
      %dma_wait3A_593 = arith.constant 0 : i32
      %dma_wait3A_594 = tpu.memref_slice %arg8[%rem3A_423, %dma_wait3A_592, %dma_wait3A_593] : memref<2x1000x8xf32, #tpu.memory_space<vmem>> -> memref<1x1000x8xf32, #tpu.memory_space<vmem>>
      %dma_wait3A_595 = tpu.memref_squeeze %dma_wait3A_594 : memref<1x1000x8xf32, #tpu.memory_space<vmem>> -> memref<1000x8xf32, #tpu.memory_space<vmem>>
      %dma_wait3A_596 = arith.constant 900 : i32
      %dma_wait3A_597 = arith.constant 0 : i32
      %dma_wait3A_598 = tpu.memref_slice %dma_wait3A_595[%dma_wait3A_596, %dma_wait3A_597] : memref<1000x8xf32, #tpu.memory_space<vmem>> -> memref<100x8xf32, #tpu.memory_space<vmem>>
      %dma_wait3A_599 = arith.constant 0 : i32
      %dma_wait3A_600 = arith.constant 0 : i32
      %dma_wait3A_601 = tpu.memref_slice %arg6[%rem3A_423, %dma_wait3A_599, %dma_wait3A_600] : memref<2x10x100xi32, #tpu.memory_space<vmem>> -> memref<1x10x100xi32, #tpu.memory_space<vmem>>
      %dma_wait3A_602 = tpu.memref_squeeze %dma_wait3A_601 : memref<1x10x100xi32, #tpu.memory_space<vmem>> -> memref<10x100xi32, #tpu.memory_space<vmem>>
      %dma_wait3A_603 = arith.constant 0 : i32
      %dma_wait3A_604 = tpu.memref_slice %dma_wait3A_602[%dma_wait3A_591, %dma_wait3A_603] : memref<10x100xi32, #tpu.memory_space<vmem>> -> memref<1x100xi32, #tpu.memory_space<vmem>>
      %dma_wait3A_605 = tpu.memref_squeeze %dma_wait3A_604 : memref<1x100xi32, #tpu.memory_space<vmem>> -> memref<100xi32, #tpu.memory_space<vmem>>
      %dma_wait3A_606 = arith.constant 0 : i32
      %dma_wait3A_607 = arith.constant 0 : i32
      %dma_wait3A_608 = tpu.memref_slice %arg2[%dma_wait3A_606, %dma_wait3A_607] : memref<51200x8xf32, #tpu.memory_space<hbm>> -> memref<51200x8xf32, #tpu.memory_space<hbm>>
      tpu.wait_indirect_dma semaphore(%arg10 : memref<!tpu.dma_semaphore, #tpu.memory_space<semaphore_mem>>) src(%dma_wait3A_608 : memref<51200x8xf32, #tpu.memory_space<hbm>>) dst(%dma_wait3A_598 : memref<100x8xf32, #tpu.memory_space<vmem>>)
      %ge3A = arith.constant 1 : i32
      %ge3A_609 = arith.cmpi sge, %scan3A_422, %ge3A : i32
      %convert_element_type3A_610 = arith.extui %ge3A_609 : i1 to i32
      %cond3A_611 = arith.constant 0 : i32
      %cond3A_612 = arith.cmpi ne, %convert_element_type3A_610, %cond3A_611 : i32
      scf.if %cond3A_612 {
        %dma_wait3A_800 = arith.constant 0 : i32
        %dma_wait3A_801 = arith.constant 0 : i32
        %dma_wait3A_802 = arith.constant 0 : i32
        %dma_wait3A_803 = tpu.memref_slice %arg8[%sub3A_424, %dma_wait3A_801, %dma_wait3A_802] : memref<2x1000x8xf32, #tpu.memory_space<vmem>> -> memref<1x1000x8xf32, #tpu.memory_space<vmem>>
        %dma_wait3A_804 = tpu.memref_squeeze %dma_wait3A_803 : memref<1x1000x8xf32, #tpu.memory_space<vmem>> -> memref<1000x8xf32, #tpu.memory_space<vmem>>
        %dma_wait3A_805 = arith.constant 0 : i32
        %dma_wait3A_806 = arith.constant 0 : i32
        %dma_wait3A_807 = tpu.memref_slice %dma_wait3A_804[%dma_wait3A_805, %dma_wait3A_806] : memref<1000x8xf32, #tpu.memory_space<vmem>> -> memref<100x8xf32, #tpu.memory_space<vmem>>
        %dma_wait3A_808 = arith.constant 0 : i32
        %dma_wait3A_809 = arith.constant 0 : i32
        %dma_wait3A_810 = tpu.memref_slice %arg7[%sub3A_424, %dma_wait3A_808, %dma_wait3A_809] : memref<2x10x100xi32, #tpu.memory_space<vmem>> -> memref<1x10x100xi32, #tpu.memory_space<vmem>>
        %dma_wait3A_811 = tpu.memref_squeeze %dma_wait3A_810 : memref<1x10x100xi32, #tpu.memory_space<vmem>> -> memref<10x100xi32, #tpu.memory_space<vmem>>
        %dma_wait3A_812 = arith.constant 0 : i32
        %dma_wait3A_813 = tpu.memref_slice %dma_wait3A_811[%dma_wait3A_800, %dma_wait3A_812] : memref<10x100xi32, #tpu.memory_space<vmem>> -> memref<1x100xi32, #tpu.memory_space<vmem>>
        %dma_wait3A_814 = tpu.memref_squeeze %dma_wait3A_813 : memref<1x100xi32, #tpu.memory_space<vmem>> -> memref<100xi32, #tpu.memory_space<vmem>>
        %dma_wait3A_815 = arith.constant 0 : i32
        %dma_wait3A_816 = arith.constant 0 : i32
        %dma_wait3A_817 = tpu.memref_slice %arg9[%dma_wait3A_815, %dma_wait3A_816] : memref<51200x8xf32, #tpu.memory_space<vmem_shared>> -> memref<51200x8xf32, #tpu.memory_space<vmem_shared>>
        tpu.wait_indirect_dma semaphore(%arg11 : memref<!tpu.dma_semaphore, #tpu.memory_space<semaphore_mem>>) src(%dma_wait3A_807 : memref<100x8xf32, #tpu.memory_space<vmem>>) dst(%dma_wait3A_817 : memref<51200x8xf32, #tpu.memory_space<vmem_shared>>)
        %dma_wait3A_818 = arith.constant 1 : i32
        %dma_wait3A_819 = arith.constant 0 : i32
        %dma_wait3A_820 = arith.constant 0 : i32
        %dma_wait3A_821 = tpu.memref_slice %arg8[%sub3A_424, %dma_wait3A_819, %dma_wait3A_820] : memref<2x1000x8xf32, #tpu.memory_space<vmem>> -> memref<1x1000x8xf32, #tpu.memory_space<vmem>>
        %dma_wait3A_822 = tpu.memref_squeeze %dma_wait3A_821 : memref<1x1000x8xf32, #tpu.memory_space<vmem>> -> memref<1000x8xf32, #tpu.memory_space<vmem>>
        %dma_wait3A_823 = arith.constant 100 : i32
        %dma_wait3A_824 = arith.constant 0 : i32
        %dma_wait3A_825 = tpu.memref_slice %dma_wait3A_822[%dma_wait3A_823, %dma_wait3A_824] : memref<1000x8xf32, #tpu.memory_space<vmem>> -> memref<100x8xf32, #tpu.memory_space<vmem>>
        %dma_wait3A_826 = arith.constant 0 : i32
        %dma_wait3A_827 = arith.constant 0 : i32
        %dma_wait3A_828 = tpu.memref_slice %arg7[%sub3A_424, %dma_wait3A_826, %dma_wait3A_827] : memref<2x10x100xi32, #tpu.memory_space<vmem>> -> memref<1x10x100xi32, #tpu.memory_space<vmem>>
        %dma_wait3A_829 = tpu.memref_squeeze %dma_wait3A_828 : memref<1x10x100xi32, #tpu.memory_space<vmem>> -> memref<10x100xi32, #tpu.memory_space<vmem>>
        %dma_wait3A_830 = arith.constant 0 : i32
        %dma_wait3A_831 = tpu.memref_slice %dma_wait3A_829[%dma_wait3A_818, %dma_wait3A_830] : memref<10x100xi32, #tpu.memory_space<vmem>> -> memref<1x100xi32, #tpu.memory_space<vmem>>
        %dma_wait3A_832 = tpu.memref_squeeze %dma_wait3A_831 : memref<1x100xi32, #tpu.memory_space<vmem>> -> memref<100xi32, #tpu.memory_space<vmem>>
        %dma_wait3A_833 = arith.constant 0 : i32
        %dma_wait3A_834 = arith.constant 0 : i32
        %dma_wait3A_835 = tpu.memref_slice %arg9[%dma_wait3A_833, %dma_wait3A_834] : memref<51200x8xf32, #tpu.memory_space<vmem_shared>> -> memref<51200x8xf32, #tpu.memory_space<vmem_shared>>
        tpu.wait_indirect_dma semaphore(%arg11 : memref<!tpu.dma_semaphore, #tpu.memory_space<semaphore_mem>>) src(%dma_wait3A_825 : memref<100x8xf32, #tpu.memory_space<vmem>>) dst(%dma_wait3A_835 : memref<51200x8xf32, #tpu.memory_space<vmem_shared>>)
        %dma_wait3A_836 = arith.constant 2 : i32
        %dma_wait3A_837 = arith.constant 0 : i32
        %dma_wait3A_838 = arith.constant 0 : i32
        %dma_wait3A_839 = tpu.memref_slice %arg8[%sub3A_424, %dma_wait3A_837, %dma_wait3A_838] : memref<2x1000x8xf32, #tpu.memory_space<vmem>> -> memref<1x1000x8xf32, #tpu.memory_space<vmem>>
        %dma_wait3A_840 = tpu.memref_squeeze %dma_wait3A_839 : memref<1x1000x8xf32, #tpu.memory_space<vmem>> -> memref<1000x8xf32, #tpu.memory_space<vmem>>
        %dma_wait3A_841 = arith.constant 200 : i32
        %dma_wait3A_842 = arith.constant 0 : i32
        %dma_wait3A_843 = tpu.memref_slice %dma_wait3A_840[%dma_wait3A_841, %dma_wait3A_842] : memref<1000x8xf32, #tpu.memory_space<vmem>> -> memref<100x8xf32, #tpu.memory_space<vmem>>
        %dma_wait3A_844 = arith.constant 0 : i32
        %dma_wait3A_845 = arith.constant 0 : i32
        %dma_wait3A_846 = tpu.memref_slice %arg7[%sub3A_424, %dma_wait3A_844, %dma_wait3A_845] : memref<2x10x100xi32, #tpu.memory_space<vmem>> -> memref<1x10x100xi32, #tpu.memory_space<vmem>>
        %dma_wait3A_847 = tpu.memref_squeeze %dma_wait3A_846 : memref<1x10x100xi32, #tpu.memory_space<vmem>> -> memref<10x100xi32, #tpu.memory_space<vmem>>
        %dma_wait3A_848 = arith.constant 0 : i32
        %dma_wait3A_849 = tpu.memref_slice %dma_wait3A_847[%dma_wait3A_836, %dma_wait3A_848] : memref<10x100xi32, #tpu.memory_space<vmem>> -> memref<1x100xi32, #tpu.memory_space<vmem>>
        %dma_wait3A_850 = tpu.memref_squeeze %dma_wait3A_849 : memref<1x100xi32, #tpu.memory_space<vmem>> -> memref<100xi32, #tpu.memory_space<vmem>>
        %dma_wait3A_851 = arith.constant 0 : i32
        %dma_wait3A_852 = arith.constant 0 : i32
        %dma_wait3A_853 = tpu.memref_slice %arg9[%dma_wait3A_851, %dma_wait3A_852] : memref<51200x8xf32, #tpu.memory_space<vmem_shared>> -> memref<51200x8xf32, #tpu.memory_space<vmem_shared>>
        tpu.wait_indirect_dma semaphore(%arg11 : memref<!tpu.dma_semaphore, #tpu.memory_space<semaphore_mem>>) src(%dma_wait3A_843 : memref<100x8xf32, #tpu.memory_space<vmem>>) dst(%dma_wait3A_853 : memref<51200x8xf32, #tpu.memory_space<vmem_shared>>)
        %dma_wait3A_854 = arith.constant 3 : i32
        %dma_wait3A_855 = arith.constant 0 : i32
        %dma_wait3A_856 = arith.constant 0 : i32
        %dma_wait3A_857 = tpu.memref_slice %arg8[%sub3A_424, %dma_wait3A_855, %dma_wait3A_856] : memref<2x1000x8xf32, #tpu.memory_space<vmem>> -> memref<1x1000x8xf32, #tpu.memory_space<vmem>>
        %dma_wait3A_858 = tpu.memref_squeeze %dma_wait3A_857 : memref<1x1000x8xf32, #tpu.memory_space<vmem>> -> memref<1000x8xf32, #tpu.memory_space<vmem>>
        %dma_wait3A_859 = arith.constant 300 : i32
        %dma_wait3A_860 = arith.constant 0 : i32
        %dma_wait3A_861 = tpu.memref_slice %dma_wait3A_858[%dma_wait3A_859, %dma_wait3A_860] : memref<1000x8xf32, #tpu.memory_space<vmem>> -> memref<100x8xf32, #tpu.memory_space<vmem>>
        %dma_wait3A_862 = arith.constant 0 : i32
        %dma_wait3A_863 = arith.constant 0 : i32
        %dma_wait3A_864 = tpu.memref_slice %arg7[%sub3A_424, %dma_wait3A_862, %dma_wait3A_863] : memref<2x10x100xi32, #tpu.memory_space<vmem>> -> memref<1x10x100xi32, #tpu.memory_space<vmem>>
        %dma_wait3A_865 = tpu.memref_squeeze %dma_wait3A_864 : memref<1x10x100xi32, #tpu.memory_space<vmem>> -> memref<10x100xi32, #tpu.memory_space<vmem>>
        %dma_wait3A_866 = arith.constant 0 : i32
        %dma_wait3A_867 = tpu.memref_slice %dma_wait3A_865[%dma_wait3A_854, %dma_wait3A_866] : memref<10x100xi32, #tpu.memory_space<vmem>> -> memref<1x100xi32, #tpu.memory_space<vmem>>
        %dma_wait3A_868 = tpu.memref_squeeze %dma_wait3A_867 : memref<1x100xi32, #tpu.memory_space<vmem>> -> memref<100xi32, #tpu.memory_space<vmem>>
        %dma_wait3A_869 = arith.constant 0 : i32
        %dma_wait3A_870 = arith.constant 0 : i32
        %dma_wait3A_871 = tpu.memref_slice %arg9[%dma_wait3A_869, %dma_wait3A_870] : memref<51200x8xf32, #tpu.memory_space<vmem_shared>> -> memref<51200x8xf32, #tpu.memory_space<vmem_shared>>
        tpu.wait_indirect_dma semaphore(%arg11 : memref<!tpu.dma_semaphore, #tpu.memory_space<semaphore_mem>>) src(%dma_wait3A_861 : memref<100x8xf32, #tpu.memory_space<vmem>>) dst(%dma_wait3A_871 : memref<51200x8xf32, #tpu.memory_space<vmem_shared>>)
        %dma_wait3A_872 = arith.constant 4 : i32
        %dma_wait3A_873 = arith.constant 0 : i32
        %dma_wait3A_874 = arith.constant 0 : i32
        %dma_wait3A_875 = tpu.memref_slice %arg8[%sub3A_424, %dma_wait3A_873, %dma_wait3A_874] : memref<2x1000x8xf32, #tpu.memory_space<vmem>> -> memref<1x1000x8xf32, #tpu.memory_space<vmem>>
        %dma_wait3A_876 = tpu.memref_squeeze %dma_wait3A_875 : memref<1x1000x8xf32, #tpu.memory_space<vmem>> -> memref<1000x8xf32, #tpu.memory_space<vmem>>
        %dma_wait3A_877 = arith.constant 400 : i32
        %dma_wait3A_878 = arith.constant 0 : i32
        %dma_wait3A_879 = tpu.memref_slice %dma_wait3A_876[%dma_wait3A_877, %dma_wait3A_878] : memref<1000x8xf32, #tpu.memory_space<vmem>> -> memref<100x8xf32, #tpu.memory_space<vmem>>
        %dma_wait3A_880 = arith.constant 0 : i32
        %dma_wait3A_881 = arith.constant 0 : i32
        %dma_wait3A_882 = tpu.memref_slice %arg7[%sub3A_424, %dma_wait3A_880, %dma_wait3A_881] : memref<2x10x100xi32, #tpu.memory_space<vmem>> -> memref<1x10x100xi32, #tpu.memory_space<vmem>>
        %dma_wait3A_883 = tpu.memref_squeeze %dma_wait3A_882 : memref<1x10x100xi32, #tpu.memory_space<vmem>> -> memref<10x100xi32, #tpu.memory_space<vmem>>
        %dma_wait3A_884 = arith.constant 0 : i32
        %dma_wait3A_885 = tpu.memref_slice %dma_wait3A_883[%dma_wait3A_872, %dma_wait3A_884] : memref<10x100xi32, #tpu.memory_space<vmem>> -> memref<1x100xi32, #tpu.memory_space<vmem>>
        %dma_wait3A_886 = tpu.memref_squeeze %dma_wait3A_885 : memref<1x100xi32, #tpu.memory_space<vmem>> -> memref<100xi32, #tpu.memory_space<vmem>>
        %dma_wait3A_887 = arith.constant 0 : i32
        %dma_wait3A_888 = arith.constant 0 : i32
        %dma_wait3A_889 = tpu.memref_slice %arg9[%dma_wait3A_887, %dma_wait3A_888] : memref<51200x8xf32, #tpu.memory_space<vmem_shared>> -> memref<51200x8xf32, #tpu.memory_space<vmem_shared>>
        tpu.wait_indirect_dma semaphore(%arg11 : memref<!tpu.dma_semaphore, #tpu.memory_space<semaphore_mem>>) src(%dma_wait3A_879 : memref<100x8xf32, #tpu.memory_space<vmem>>) dst(%dma_wait3A_889 : memref<51200x8xf32, #tpu.memory_space<vmem_shared>>)
        %dma_wait3A_890 = arith.constant 5 : i32
        %dma_wait3A_891 = arith.constant 0 : i32
        %dma_wait3A_892 = arith.constant 0 : i32
        %dma_wait3A_893 = tpu.memref_slice %arg8[%sub3A_424, %dma_wait3A_891, %dma_wait3A_892] : memref<2x1000x8xf32, #tpu.memory_space<vmem>> -> memref<1x1000x8xf32, #tpu.memory_space<vmem>>
        %dma_wait3A_894 = tpu.memref_squeeze %dma_wait3A_893 : memref<1x1000x8xf32, #tpu.memory_space<vmem>> -> memref<1000x8xf32, #tpu.memory_space<vmem>>
        %dma_wait3A_895 = arith.constant 500 : i32
        %dma_wait3A_896 = arith.constant 0 : i32
        %dma_wait3A_897 = tpu.memref_slice %dma_wait3A_894[%dma_wait3A_895, %dma_wait3A_896] : memref<1000x8xf32, #tpu.memory_space<vmem>> -> memref<100x8xf32, #tpu.memory_space<vmem>>
        %dma_wait3A_898 = arith.constant 0 : i32
        %dma_wait3A_899 = arith.constant 0 : i32
        %dma_wait3A_900 = tpu.memref_slice %arg7[%sub3A_424, %dma_wait3A_898, %dma_wait3A_899] : memref<2x10x100xi32, #tpu.memory_space<vmem>> -> memref<1x10x100xi32, #tpu.memory_space<vmem>>
        %dma_wait3A_901 = tpu.memref_squeeze %dma_wait3A_900 : memref<1x10x100xi32, #tpu.memory_space<vmem>> -> memref<10x100xi32, #tpu.memory_space<vmem>>
        %dma_wait3A_902 = arith.constant 0 : i32
        %dma_wait3A_903 = tpu.memref_slice %dma_wait3A_901[%dma_wait3A_890, %dma_wait3A_902] : memref<10x100xi32, #tpu.memory_space<vmem>> -> memref<1x100xi32, #tpu.memory_space<vmem>>
        %dma_wait3A_904 = tpu.memref_squeeze %dma_wait3A_903 : memref<1x100xi32, #tpu.memory_space<vmem>> -> memref<100xi32, #tpu.memory_space<vmem>>
        %dma_wait3A_905 = arith.constant 0 : i32
        %dma_wait3A_906 = arith.constant 0 : i32
        %dma_wait3A_907 = tpu.memref_slice %arg9[%dma_wait3A_905, %dma_wait3A_906] : memref<51200x8xf32, #tpu.memory_space<vmem_shared>> -> memref<51200x8xf32, #tpu.memory_space<vmem_shared>>
        tpu.wait_indirect_dma semaphore(%arg11 : memref<!tpu.dma_semaphore, #tpu.memory_space<semaphore_mem>>) src(%dma_wait3A_897 : memref<100x8xf32, #tpu.memory_space<vmem>>) dst(%dma_wait3A_907 : memref<51200x8xf32, #tpu.memory_space<vmem_shared>>)
        %dma_wait3A_908 = arith.constant 6 : i32
        %dma_wait3A_909 = arith.constant 0 : i32
        %dma_wait3A_910 = arith.constant 0 : i32
        %dma_wait3A_911 = tpu.memref_slice %arg8[%sub3A_424, %dma_wait3A_909, %dma_wait3A_910] : memref<2x1000x8xf32, #tpu.memory_space<vmem>> -> memref<1x1000x8xf32, #tpu.memory_space<vmem>>
        %dma_wait3A_912 = tpu.memref_squeeze %dma_wait3A_911 : memref<1x1000x8xf32, #tpu.memory_space<vmem>> -> memref<1000x8xf32, #tpu.memory_space<vmem>>
        %dma_wait3A_913 = arith.constant 600 : i32
        %dma_wait3A_914 = arith.constant 0 : i32
        %dma_wait3A_915 = tpu.memref_slice %dma_wait3A_912[%dma_wait3A_913, %dma_wait3A_914] : memref<1000x8xf32, #tpu.memory_space<vmem>> -> memref<100x8xf32, #tpu.memory_space<vmem>>
        %dma_wait3A_916 = arith.constant 0 : i32
        %dma_wait3A_917 = arith.constant 0 : i32
        %dma_wait3A_918 = tpu.memref_slice %arg7[%sub3A_424, %dma_wait3A_916, %dma_wait3A_917] : memref<2x10x100xi32, #tpu.memory_space<vmem>> -> memref<1x10x100xi32, #tpu.memory_space<vmem>>
        %dma_wait3A_919 = tpu.memref_squeeze %dma_wait3A_918 : memref<1x10x100xi32, #tpu.memory_space<vmem>> -> memref<10x100xi32, #tpu.memory_space<vmem>>
        %dma_wait3A_920 = arith.constant 0 : i32
        %dma_wait3A_921 = tpu.memref_slice %dma_wait3A_919[%dma_wait3A_908, %dma_wait3A_920] : memref<10x100xi32, #tpu.memory_space<vmem>> -> memref<1x100xi32, #tpu.memory_space<vmem>>
        %dma_wait3A_922 = tpu.memref_squeeze %dma_wait3A_921 : memref<1x100xi32, #tpu.memory_space<vmem>> -> memref<100xi32, #tpu.memory_space<vmem>>
        %dma_wait3A_923 = arith.constant 0 : i32
        %dma_wait3A_924 = arith.constant 0 : i32
        %dma_wait3A_925 = tpu.memref_slice %arg9[%dma_wait3A_923, %dma_wait3A_924] : memref<51200x8xf32, #tpu.memory_space<vmem_shared>> -> memref<51200x8xf32, #tpu.memory_space<vmem_shared>>
        tpu.wait_indirect_dma semaphore(%arg11 : memref<!tpu.dma_semaphore, #tpu.memory_space<semaphore_mem>>) src(%dma_wait3A_915 : memref<100x8xf32, #tpu.memory_space<vmem>>) dst(%dma_wait3A_925 : memref<51200x8xf32, #tpu.memory_space<vmem_shared>>)
        %dma_wait3A_926 = arith.constant 7 : i32
        %dma_wait3A_927 = arith.constant 0 : i32
        %dma_wait3A_928 = arith.constant 0 : i32
        %dma_wait3A_929 = tpu.memref_slice %arg8[%sub3A_424, %dma_wait3A_927, %dma_wait3A_928] : memref<2x1000x8xf32, #tpu.memory_space<vmem>> -> memref<1x1000x8xf32, #tpu.memory_space<vmem>>
        %dma_wait3A_930 = tpu.memref_squeeze %dma_wait3A_929 : memref<1x1000x8xf32, #tpu.memory_space<vmem>> -> memref<1000x8xf32, #tpu.memory_space<vmem>>
        %dma_wait3A_931 = arith.constant 700 : i32
        %dma_wait3A_932 = arith.constant 0 : i32
        %dma_wait3A_933 = tpu.memref_slice %dma_wait3A_930[%dma_wait3A_931, %dma_wait3A_932] : memref<1000x8xf32, #tpu.memory_space<vmem>> -> memref<100x8xf32, #tpu.memory_space<vmem>>
        %dma_wait3A_934 = arith.constant 0 : i32
        %dma_wait3A_935 = arith.constant 0 : i32
        %dma_wait3A_936 = tpu.memref_slice %arg7[%sub3A_424, %dma_wait3A_934, %dma_wait3A_935] : memref<2x10x100xi32, #tpu.memory_space<vmem>> -> memref<1x10x100xi32, #tpu.memory_space<vmem>>
        %dma_wait3A_937 = tpu.memref_squeeze %dma_wait3A_936 : memref<1x10x100xi32, #tpu.memory_space<vmem>> -> memref<10x100xi32, #tpu.memory_space<vmem>>
        %dma_wait3A_938 = arith.constant 0 : i32
        %dma_wait3A_939 = tpu.memref_slice %dma_wait3A_937[%dma_wait3A_926, %dma_wait3A_938] : memref<10x100xi32, #tpu.memory_space<vmem>> -> memref<1x100xi32, #tpu.memory_space<vmem>>
        %dma_wait3A_940 = tpu.memref_squeeze %dma_wait3A_939 : memref<1x100xi32, #tpu.memory_space<vmem>> -> memref<100xi32, #tpu.memory_space<vmem>>
        %dma_wait3A_941 = arith.constant 0 : i32
        %dma_wait3A_942 = arith.constant 0 : i32
        %dma_wait3A_943 = tpu.memref_slice %arg9[%dma_wait3A_941, %dma_wait3A_942] : memref<51200x8xf32, #tpu.memory_space<vmem_shared>> -> memref<51200x8xf32, #tpu.memory_space<vmem_shared>>
        tpu.wait_indirect_dma semaphore(%arg11 : memref<!tpu.dma_semaphore, #tpu.memory_space<semaphore_mem>>) src(%dma_wait3A_933 : memref<100x8xf32, #tpu.memory_space<vmem>>) dst(%dma_wait3A_943 : memref<51200x8xf32, #tpu.memory_space<vmem_shared>>)
        %dma_wait3A_944 = arith.constant 8 : i32
        %dma_wait3A_945 = arith.constant 0 : i32
        %dma_wait3A_946 = arith.constant 0 : i32
        %dma_wait3A_947 = tpu.memref_slice %arg8[%sub3A_424, %dma_wait3A_945, %dma_wait3A_946] : memref<2x1000x8xf32, #tpu.memory_space<vmem>> -> memref<1x1000x8xf32, #tpu.memory_space<vmem>>
        %dma_wait3A_948 = tpu.memref_squeeze %dma_wait3A_947 : memref<1x1000x8xf32, #tpu.memory_space<vmem>> -> memref<1000x8xf32, #tpu.memory_space<vmem>>
        %dma_wait3A_949 = arith.constant 800 : i32
        %dma_wait3A_950 = arith.constant 0 : i32
        %dma_wait3A_951 = tpu.memref_slice %dma_wait3A_948[%dma_wait3A_949, %dma_wait3A_950] : memref<1000x8xf32, #tpu.memory_space<vmem>> -> memref<100x8xf32, #tpu.memory_space<vmem>>
        %dma_wait3A_952 = arith.constant 0 : i32
        %dma_wait3A_953 = arith.constant 0 : i32
        %dma_wait3A_954 = tpu.memref_slice %arg7[%sub3A_424, %dma_wait3A_952, %dma_wait3A_953] : memref<2x10x100xi32, #tpu.memory_space<vmem>> -> memref<1x10x100xi32, #tpu.memory_space<vmem>>
        %dma_wait3A_955 = tpu.memref_squeeze %dma_wait3A_954 : memref<1x10x100xi32, #tpu.memory_space<vmem>> -> memref<10x100xi32, #tpu.memory_space<vmem>>
        %dma_wait3A_956 = arith.constant 0 : i32
        %dma_wait3A_957 = tpu.memref_slice %dma_wait3A_955[%dma_wait3A_944, %dma_wait3A_956] : memref<10x100xi32, #tpu.memory_space<vmem>> -> memref<1x100xi32, #tpu.memory_space<vmem>>
        %dma_wait3A_958 = tpu.memref_squeeze %dma_wait3A_957 : memref<1x100xi32, #tpu.memory_space<vmem>> -> memref<100xi32, #tpu.memory_space<vmem>>
        %dma_wait3A_959 = arith.constant 0 : i32
        %dma_wait3A_960 = arith.constant 0 : i32
        %dma_wait3A_961 = tpu.memref_slice %arg9[%dma_wait3A_959, %dma_wait3A_960] : memref<51200x8xf32, #tpu.memory_space<vmem_shared>> -> memref<51200x8xf32, #tpu.memory_space<vmem_shared>>
        tpu.wait_indirect_dma semaphore(%arg11 : memref<!tpu.dma_semaphore, #tpu.memory_space<semaphore_mem>>) src(%dma_wait3A_951 : memref<100x8xf32, #tpu.memory_space<vmem>>) dst(%dma_wait3A_961 : memref<51200x8xf32, #tpu.memory_space<vmem_shared>>)
        %dma_wait3A_962 = arith.constant 9 : i32
        %dma_wait3A_963 = arith.constant 0 : i32
        %dma_wait3A_964 = arith.constant 0 : i32
        %dma_wait3A_965 = tpu.memref_slice %arg8[%sub3A_424, %dma_wait3A_963, %dma_wait3A_964] : memref<2x1000x8xf32, #tpu.memory_space<vmem>> -> memref<1x1000x8xf32, #tpu.memory_space<vmem>>
        %dma_wait3A_966 = tpu.memref_squeeze %dma_wait3A_965 : memref<1x1000x8xf32, #tpu.memory_space<vmem>> -> memref<1000x8xf32, #tpu.memory_space<vmem>>
        %dma_wait3A_967 = arith.constant 900 : i32
        %dma_wait3A_968 = arith.constant 0 : i32
        %dma_wait3A_969 = tpu.memref_slice %dma_wait3A_966[%dma_wait3A_967, %dma_wait3A_968] : memref<1000x8xf32, #tpu.memory_space<vmem>> -> memref<100x8xf32, #tpu.memory_space<vmem>>
        %dma_wait3A_970 = arith.constant 0 : i32
        %dma_wait3A_971 = arith.constant 0 : i32
        %dma_wait3A_972 = tpu.memref_slice %arg7[%sub3A_424, %dma_wait3A_970, %dma_wait3A_971] : memref<2x10x100xi32, #tpu.memory_space<vmem>> -> memref<1x10x100xi32, #tpu.memory_space<vmem>>
        %dma_wait3A_973 = tpu.memref_squeeze %dma_wait3A_972 : memref<1x10x100xi32, #tpu.memory_space<vmem>> -> memref<10x100xi32, #tpu.memory_space<vmem>>
        %dma_wait3A_974 = arith.constant 0 : i32
        %dma_wait3A_975 = tpu.memref_slice %dma_wait3A_973[%dma_wait3A_962, %dma_wait3A_974] : memref<10x100xi32, #tpu.memory_space<vmem>> -> memref<1x100xi32, #tpu.memory_space<vmem>>
        %dma_wait3A_976 = tpu.memref_squeeze %dma_wait3A_975 : memref<1x100xi32, #tpu.memory_space<vmem>> -> memref<100xi32, #tpu.memory_space<vmem>>
        %dma_wait3A_977 = arith.constant 0 : i32
        %dma_wait3A_978 = arith.constant 0 : i32
        %dma_wait3A_979 = tpu.memref_slice %arg9[%dma_wait3A_977, %dma_wait3A_978] : memref<51200x8xf32, #tpu.memory_space<vmem_shared>> -> memref<51200x8xf32, #tpu.memory_space<vmem_shared>>
        tpu.wait_indirect_dma semaphore(%arg11 : memref<!tpu.dma_semaphore, #tpu.memory_space<semaphore_mem>>) src(%dma_wait3A_969 : memref<100x8xf32, #tpu.memory_space<vmem>>) dst(%dma_wait3A_979 : memref<51200x8xf32, #tpu.memory_space<vmem_shared>>)
      } else {
      }
      %dma_start3A_613 = arith.constant 0 : i32
      %dma_start3A_614 = arith.constant 0 : i32
      %dma_start3A_615 = arith.constant 0 : i32
      %dma_start3A_616 = tpu.memref_slice %arg8[%rem3A_423, %dma_start3A_614, %dma_start3A_615] : memref<2x1000x8xf32, #tpu.memory_space<vmem>> -> memref<1x1000x8xf32, #tpu.memory_space<vmem>>
      %dma_start3A_617 = tpu.memref_squeeze %dma_start3A_616 : memref<1x1000x8xf32, #tpu.memory_space<vmem>> -> memref<1000x8xf32, #tpu.memory_space<vmem>>
      %dma_start3A_618 = arith.constant 0 : i32
      %dma_start3A_619 = arith.constant 0 : i32
      %dma_start3A_620 = tpu.memref_slice %dma_start3A_617[%dma_start3A_618, %dma_start3A_619] : memref<1000x8xf32, #tpu.memory_space<vmem>> -> memref<100x8xf32, #tpu.memory_space<vmem>>
      %dma_start3A_621 = arith.constant 0 : i32
      %dma_start3A_622 = arith.constant 0 : i32
      %dma_start3A_623 = tpu.memref_slice %arg7[%rem3A_423, %dma_start3A_621, %dma_start3A_622] : memref<2x10x100xi32, #tpu.memory_space<vmem>> -> memref<1x10x100xi32, #tpu.memory_space<vmem>>
      %dma_start3A_624 = tpu.memref_squeeze %dma_start3A_623 : memref<1x10x100xi32, #tpu.memory_space<vmem>> -> memref<10x100xi32, #tpu.memory_space<vmem>>
      %dma_start3A_625 = arith.constant 0 : i32
      %dma_start3A_626 = tpu.memref_slice %dma_start3A_624[%dma_start3A_613, %dma_start3A_625] : memref<10x100xi32, #tpu.memory_space<vmem>> -> memref<1x100xi32, #tpu.memory_space<vmem>>
      %dma_start3A_627 = tpu.memref_squeeze %dma_start3A_626 : memref<1x100xi32, #tpu.memory_space<vmem>> -> memref<100xi32, #tpu.memory_space<vmem>>
      %dma_start3A_628 = arith.constant 0 : i32
      %dma_start3A_629 = arith.constant 0 : i32
      %dma_start3A_630 = tpu.memref_slice %arg9[%dma_start3A_628, %dma_start3A_629] : memref<51200x8xf32, #tpu.memory_space<vmem_shared>> -> memref<51200x8xf32, #tpu.memory_space<vmem_shared>>
      tpu.enqueue_indirect_dma source(%dma_start3A_620 : memref<100x8xf32, #tpu.memory_space<vmem>>) target(%dma_start3A_630 : memref<51200x8xf32, #tpu.memory_space<vmem_shared>>) offsets(%dma_start3A_627 : memref<100xi32, #tpu.memory_space<vmem>>) semaphore(%arg11 : memref<!tpu.dma_semaphore, #tpu.memory_space<semaphore_mem>>) {add = true}
      %dma_start3A_631 = arith.constant 1 : i32
      %dma_start3A_632 = arith.constant 0 : i32
      %dma_start3A_633 = arith.constant 0 : i32
      %dma_start3A_634 = tpu.memref_slice %arg8[%rem3A_423, %dma_start3A_632, %dma_start3A_633] : memref<2x1000x8xf32, #tpu.memory_space<vmem>> -> memref<1x1000x8xf32, #tpu.memory_space<vmem>>
      %dma_start3A_635 = tpu.memref_squeeze %dma_start3A_634 : memref<1x1000x8xf32, #tpu.memory_space<vmem>> -> memref<1000x8xf32, #tpu.memory_space<vmem>>
      %dma_start3A_636 = arith.constant 100 : i32
      %dma_start3A_637 = arith.constant 0 : i32
      %dma_start3A_638 = tpu.memref_slice %dma_start3A_635[%dma_start3A_636, %dma_start3A_637] : memref<1000x8xf32, #tpu.memory_space<vmem>> -> memref<100x8xf32, #tpu.memory_space<vmem>>
      %dma_start3A_639 = arith.constant 0 : i32
      %dma_start3A_640 = arith.constant 0 : i32
      %dma_start3A_641 = tpu.memref_slice %arg7[%rem3A_423, %dma_start3A_639, %dma_start3A_640] : memref<2x10x100xi32, #tpu.memory_space<vmem>> -> memref<1x10x100xi32, #tpu.memory_space<vmem>>
      %dma_start3A_642 = tpu.memref_squeeze %dma_start3A_641 : memref<1x10x100xi32, #tpu.memory_space<vmem>> -> memref<10x100xi32, #tpu.memory_space<vmem>>
      %dma_start3A_643 = arith.constant 0 : i32
      %dma_start3A_644 = tpu.memref_slice %dma_start3A_642[%dma_start3A_631, %dma_start3A_643] : memref<10x100xi32, #tpu.memory_space<vmem>> -> memref<1x100xi32, #tpu.memory_space<vmem>>
      %dma_start3A_645 = tpu.memref_squeeze %dma_start3A_644 : memref<1x100xi32, #tpu.memory_space<vmem>> -> memref<100xi32, #tpu.memory_space<vmem>>
      %dma_start3A_646 = arith.constant 0 : i32
      %dma_start3A_647 = arith.constant 0 : i32
      %dma_start3A_648 = tpu.memref_slice %arg9[%dma_start3A_646, %dma_start3A_647] : memref<51200x8xf32, #tpu.memory_space<vmem_shared>> -> memref<51200x8xf32, #tpu.memory_space<vmem_shared>>
      tpu.enqueue_indirect_dma source(%dma_start3A_638 : memref<100x8xf32, #tpu.memory_space<vmem>>) target(%dma_start3A_648 : memref<51200x8xf32, #tpu.memory_space<vmem_shared>>) offsets(%dma_start3A_645 : memref<100xi32, #tpu.memory_space<vmem>>) semaphore(%arg11 : memref<!tpu.dma_semaphore, #tpu.memory_space<semaphore_mem>>) {add = true}
      %dma_start3A_649 = arith.constant 2 : i32
      %dma_start3A_650 = arith.constant 0 : i32
      %dma_start3A_651 = arith.constant 0 : i32
      %dma_start3A_652 = tpu.memref_slice %arg8[%rem3A_423, %dma_start3A_650, %dma_start3A_651] : memref<2x1000x8xf32, #tpu.memory_space<vmem>> -> memref<1x1000x8xf32, #tpu.memory_space<vmem>>
      %dma_start3A_653 = tpu.memref_squeeze %dma_start3A_652 : memref<1x1000x8xf32, #tpu.memory_space<vmem>> -> memref<1000x8xf32, #tpu.memory_space<vmem>>
      %dma_start3A_654 = arith.constant 200 : i32
      %dma_start3A_655 = arith.constant 0 : i32
      %dma_start3A_656 = tpu.memref_slice %dma_start3A_653[%dma_start3A_654, %dma_start3A_655] : memref<1000x8xf32, #tpu.memory_space<vmem>> -> memref<100x8xf32, #tpu.memory_space<vmem>>
      %dma_start3A_657 = arith.constant 0 : i32
      %dma_start3A_658 = arith.constant 0 : i32
      %dma_start3A_659 = tpu.memref_slice %arg7[%rem3A_423, %dma_start3A_657, %dma_start3A_658] : memref<2x10x100xi32, #tpu.memory_space<vmem>> -> memref<1x10x100xi32, #tpu.memory_space<vmem>>
      %dma_start3A_660 = tpu.memref_squeeze %dma_start3A_659 : memref<1x10x100xi32, #tpu.memory_space<vmem>> -> memref<10x100xi32, #tpu.memory_space<vmem>>
      %dma_start3A_661 = arith.constant 0 : i32
      %dma_start3A_662 = tpu.memref_slice %dma_start3A_660[%dma_start3A_649, %dma_start3A_661] : memref<10x100xi32, #tpu.memory_space<vmem>> -> memref<1x100xi32, #tpu.memory_space<vmem>>
      %dma_start3A_663 = tpu.memref_squeeze %dma_start3A_662 : memref<1x100xi32, #tpu.memory_space<vmem>> -> memref<100xi32, #tpu.memory_space<vmem>>
      %dma_start3A_664 = arith.constant 0 : i32
      %dma_start3A_665 = arith.constant 0 : i32
      %dma_start3A_666 = tpu.memref_slice %arg9[%dma_start3A_664, %dma_start3A_665] : memref<51200x8xf32, #tpu.memory_space<vmem_shared>> -> memref<51200x8xf32, #tpu.memory_space<vmem_shared>>
      tpu.enqueue_indirect_dma source(%dma_start3A_656 : memref<100x8xf32, #tpu.memory_space<vmem>>) target(%dma_start3A_666 : memref<51200x8xf32, #tpu.memory_space<vmem_shared>>) offsets(%dma_start3A_663 : memref<100xi32, #tpu.memory_space<vmem>>) semaphore(%arg11 : memref<!tpu.dma_semaphore, #tpu.memory_space<semaphore_mem>>) {add = true}
      %dma_start3A_667 = arith.constant 3 : i32
      %dma_start3A_668 = arith.constant 0 : i32
      %dma_start3A_669 = arith.constant 0 : i32
      %dma_start3A_670 = tpu.memref_slice %arg8[%rem3A_423, %dma_start3A_668, %dma_start3A_669] : memref<2x1000x8xf32, #tpu.memory_space<vmem>> -> memref<1x1000x8xf32, #tpu.memory_space<vmem>>
      %dma_start3A_671 = tpu.memref_squeeze %dma_start3A_670 : memref<1x1000x8xf32, #tpu.memory_space<vmem>> -> memref<1000x8xf32, #tpu.memory_space<vmem>>
      %dma_start3A_672 = arith.constant 300 : i32
      %dma_start3A_673 = arith.constant 0 : i32
      %dma_start3A_674 = tpu.memref_slice %dma_start3A_671[%dma_start3A_672, %dma_start3A_673] : memref<1000x8xf32, #tpu.memory_space<vmem>> -> memref<100x8xf32, #tpu.memory_space<vmem>>
      %dma_start3A_675 = arith.constant 0 : i32
      %dma_start3A_676 = arith.constant 0 : i32
      %dma_start3A_677 = tpu.memref_slice %arg7[%rem3A_423, %dma_start3A_675, %dma_start3A_676] : memref<2x10x100xi32, #tpu.memory_space<vmem>> -> memref<1x10x100xi32, #tpu.memory_space<vmem>>
      %dma_start3A_678 = tpu.memref_squeeze %dma_start3A_677 : memref<1x10x100xi32, #tpu.memory_space<vmem>> -> memref<10x100xi32, #tpu.memory_space<vmem>>
      %dma_start3A_679 = arith.constant 0 : i32
      %dma_start3A_680 = tpu.memref_slice %dma_start3A_678[%dma_start3A_667, %dma_start3A_679] : memref<10x100xi32, #tpu.memory_space<vmem>> -> memref<1x100xi32, #tpu.memory_space<vmem>>
      %dma_start3A_681 = tpu.memref_squeeze %dma_start3A_680 : memref<1x100xi32, #tpu.memory_space<vmem>> -> memref<100xi32, #tpu.memory_space<vmem>>
      %dma_start3A_682 = arith.constant 0 : i32
      %dma_start3A_683 = arith.constant 0 : i32
      %dma_start3A_684 = tpu.memref_slice %arg9[%dma_start3A_682, %dma_start3A_683] : memref<51200x8xf32, #tpu.memory_space<vmem_shared>> -> memref<51200x8xf32, #tpu.memory_space<vmem_shared>>
      tpu.enqueue_indirect_dma source(%dma_start3A_674 : memref<100x8xf32, #tpu.memory_space<vmem>>) target(%dma_start3A_684 : memref<51200x8xf32, #tpu.memory_space<vmem_shared>>) offsets(%dma_start3A_681 : memref<100xi32, #tpu.memory_space<vmem>>) semaphore(%arg11 : memref<!tpu.dma_semaphore, #tpu.memory_space<semaphore_mem>>) {add = true}
      %dma_start3A_685 = arith.constant 4 : i32
      %dma_start3A_686 = arith.constant 0 : i32
      %dma_start3A_687 = arith.constant 0 : i32
      %dma_start3A_688 = tpu.memref_slice %arg8[%rem3A_423, %dma_start3A_686, %dma_start3A_687] : memref<2x1000x8xf32, #tpu.memory_space<vmem>> -> memref<1x1000x8xf32, #tpu.memory_space<vmem>>
      %dma_start3A_689 = tpu.memref_squeeze %dma_start3A_688 : memref<1x1000x8xf32, #tpu.memory_space<vmem>> -> memref<1000x8xf32, #tpu.memory_space<vmem>>
      %dma_start3A_690 = arith.constant 400 : i32
      %dma_start3A_691 = arith.constant 0 : i32
      %dma_start3A_692 = tpu.memref_slice %dma_start3A_689[%dma_start3A_690, %dma_start3A_691] : memref<1000x8xf32, #tpu.memory_space<vmem>> -> memref<100x8xf32, #tpu.memory_space<vmem>>
      %dma_start3A_693 = arith.constant 0 : i32
      %dma_start3A_694 = arith.constant 0 : i32
      %dma_start3A_695 = tpu.memref_slice %arg7[%rem3A_423, %dma_start3A_693, %dma_start3A_694] : memref<2x10x100xi32, #tpu.memory_space<vmem>> -> memref<1x10x100xi32, #tpu.memory_space<vmem>>
      %dma_start3A_696 = tpu.memref_squeeze %dma_start3A_695 : memref<1x10x100xi32, #tpu.memory_space<vmem>> -> memref<10x100xi32, #tpu.memory_space<vmem>>
      %dma_start3A_697 = arith.constant 0 : i32
      %dma_start3A_698 = tpu.memref_slice %dma_start3A_696[%dma_start3A_685, %dma_start3A_697] : memref<10x100xi32, #tpu.memory_space<vmem>> -> memref<1x100xi32, #tpu.memory_space<vmem>>
      %dma_start3A_699 = tpu.memref_squeeze %dma_start3A_698 : memref<1x100xi32, #tpu.memory_space<vmem>> -> memref<100xi32, #tpu.memory_space<vmem>>
      %dma_start3A_700 = arith.constant 0 : i32
      %dma_start3A_701 = arith.constant 0 : i32
      %dma_start3A_702 = tpu.memref_slice %arg9[%dma_start3A_700, %dma_start3A_701] : memref<51200x8xf32, #tpu.memory_space<vmem_shared>> -> memref<51200x8xf32, #tpu.memory_space<vmem_shared>>
      tpu.enqueue_indirect_dma source(%dma_start3A_692 : memref<100x8xf32, #tpu.memory_space<vmem>>) target(%dma_start3A_702 : memref<51200x8xf32, #tpu.memory_space<vmem_shared>>) offsets(%dma_start3A_699 : memref<100xi32, #tpu.memory_space<vmem>>) semaphore(%arg11 : memref<!tpu.dma_semaphore, #tpu.memory_space<semaphore_mem>>) {add = true}
      %dma_start3A_703 = arith.constant 5 : i32
      %dma_start3A_704 = arith.constant 0 : i32
      %dma_start3A_705 = arith.constant 0 : i32
      %dma_start3A_706 = tpu.memref_slice %arg8[%rem3A_423, %dma_start3A_704, %dma_start3A_705] : memref<2x1000x8xf32, #tpu.memory_space<vmem>> -> memref<1x1000x8xf32, #tpu.memory_space<vmem>>
      %dma_start3A_707 = tpu.memref_squeeze %dma_start3A_706 : memref<1x1000x8xf32, #tpu.memory_space<vmem>> -> memref<1000x8xf32, #tpu.memory_space<vmem>>
      %dma_start3A_708 = arith.constant 500 : i32
      %dma_start3A_709 = arith.constant 0 : i32
      %dma_start3A_710 = tpu.memref_slice %dma_start3A_707[%dma_start3A_708, %dma_start3A_709] : memref<1000x8xf32, #tpu.memory_space<vmem>> -> memref<100x8xf32, #tpu.memory_space<vmem>>
      %dma_start3A_711 = arith.constant 0 : i32
      %dma_start3A_712 = arith.constant 0 : i32
      %dma_start3A_713 = tpu.memref_slice %arg7[%rem3A_423, %dma_start3A_711, %dma_start3A_712] : memref<2x10x100xi32, #tpu.memory_space<vmem>> -> memref<1x10x100xi32, #tpu.memory_space<vmem>>
      %dma_start3A_714 = tpu.memref_squeeze %dma_start3A_713 : memref<1x10x100xi32, #tpu.memory_space<vmem>> -> memref<10x100xi32, #tpu.memory_space<vmem>>
      %dma_start3A_715 = arith.constant 0 : i32
      %dma_start3A_716 = tpu.memref_slice %dma_start3A_714[%dma_start3A_703, %dma_start3A_715] : memref<10x100xi32, #tpu.memory_space<vmem>> -> memref<1x100xi32, #tpu.memory_space<vmem>>
      %dma_start3A_717 = tpu.memref_squeeze %dma_start3A_716 : memref<1x100xi32, #tpu.memory_space<vmem>> -> memref<100xi32, #tpu.memory_space<vmem>>
      %dma_start3A_718 = arith.constant 0 : i32
      %dma_start3A_719 = arith.constant 0 : i32
      %dma_start3A_720 = tpu.memref_slice %arg9[%dma_start3A_718, %dma_start3A_719] : memref<51200x8xf32, #tpu.memory_space<vmem_shared>> -> memref<51200x8xf32, #tpu.memory_space<vmem_shared>>
      tpu.enqueue_indirect_dma source(%dma_start3A_710 : memref<100x8xf32, #tpu.memory_space<vmem>>) target(%dma_start3A_720 : memref<51200x8xf32, #tpu.memory_space<vmem_shared>>) offsets(%dma_start3A_717 : memref<100xi32, #tpu.memory_space<vmem>>) semaphore(%arg11 : memref<!tpu.dma_semaphore, #tpu.memory_space<semaphore_mem>>) {add = true}
      %dma_start3A_721 = arith.constant 6 : i32
      %dma_start3A_722 = arith.constant 0 : i32
      %dma_start3A_723 = arith.constant 0 : i32
      %dma_start3A_724 = tpu.memref_slice %arg8[%rem3A_423, %dma_start3A_722, %dma_start3A_723] : memref<2x1000x8xf32, #tpu.memory_space<vmem>> -> memref<1x1000x8xf32, #tpu.memory_space<vmem>>
      %dma_start3A_725 = tpu.memref_squeeze %dma_start3A_724 : memref<1x1000x8xf32, #tpu.memory_space<vmem>> -> memref<1000x8xf32, #tpu.memory_space<vmem>>
      %dma_start3A_726 = arith.constant 600 : i32
      %dma_start3A_727 = arith.constant 0 : i32
      %dma_start3A_728 = tpu.memref_slice %dma_start3A_725[%dma_start3A_726, %dma_start3A_727] : memref<1000x8xf32, #tpu.memory_space<vmem>> -> memref<100x8xf32, #tpu.memory_space<vmem>>
      %dma_start3A_729 = arith.constant 0 : i32
      %dma_start3A_730 = arith.constant 0 : i32
      %dma_start3A_731 = tpu.memref_slice %arg7[%rem3A_423, %dma_start3A_729, %dma_start3A_730] : memref<2x10x100xi32, #tpu.memory_space<vmem>> -> memref<1x10x100xi32, #tpu.memory_space<vmem>>
      %dma_start3A_732 = tpu.memref_squeeze %dma_start3A_731 : memref<1x10x100xi32, #tpu.memory_space<vmem>> -> memref<10x100xi32, #tpu.memory_space<vmem>>
      %dma_start3A_733 = arith.constant 0 : i32
      %dma_start3A_734 = tpu.memref_slice %dma_start3A_732[%dma_start3A_721, %dma_start3A_733] : memref<10x100xi32, #tpu.memory_space<vmem>> -> memref<1x100xi32, #tpu.memory_space<vmem>>
      %dma_start3A_735 = tpu.memref_squeeze %dma_start3A_734 : memref<1x100xi32, #tpu.memory_space<vmem>> -> memref<100xi32, #tpu.memory_space<vmem>>
      %dma_start3A_736 = arith.constant 0 : i32
      %dma_start3A_737 = arith.constant 0 : i32
      %dma_start3A_738 = tpu.memref_slice %arg9[%dma_start3A_736, %dma_start3A_737] : memref<51200x8xf32, #tpu.memory_space<vmem_shared>> -> memref<51200x8xf32, #tpu.memory_space<vmem_shared>>
      tpu.enqueue_indirect_dma source(%dma_start3A_728 : memref<100x8xf32, #tpu.memory_space<vmem>>) target(%dma_start3A_738 : memref<51200x8xf32, #tpu.memory_space<vmem_shared>>) offsets(%dma_start3A_735 : memref<100xi32, #tpu.memory_space<vmem>>) semaphore(%arg11 : memref<!tpu.dma_semaphore, #tpu.memory_space<semaphore_mem>>) {add = true}
      %dma_start3A_739 = arith.constant 7 : i32
      %dma_start3A_740 = arith.constant 0 : i32
      %dma_start3A_741 = arith.constant 0 : i32
      %dma_start3A_742 = tpu.memref_slice %arg8[%rem3A_423, %dma_start3A_740, %dma_start3A_741] : memref<2x1000x8xf32, #tpu.memory_space<vmem>> -> memref<1x1000x8xf32, #tpu.memory_space<vmem>>
      %dma_start3A_743 = tpu.memref_squeeze %dma_start3A_742 : memref<1x1000x8xf32, #tpu.memory_space<vmem>> -> memref<1000x8xf32, #tpu.memory_space<vmem>>
      %dma_start3A_744 = arith.constant 700 : i32
      %dma_start3A_745 = arith.constant 0 : i32
      %dma_start3A_746 = tpu.memref_slice %dma_start3A_743[%dma_start3A_744, %dma_start3A_745] : memref<1000x8xf32, #tpu.memory_space<vmem>> -> memref<100x8xf32, #tpu.memory_space<vmem>>
      %dma_start3A_747 = arith.constant 0 : i32
      %dma_start3A_748 = arith.constant 0 : i32
      %dma_start3A_749 = tpu.memref_slice %arg7[%rem3A_423, %dma_start3A_747, %dma_start3A_748] : memref<2x10x100xi32, #tpu.memory_space<vmem>> -> memref<1x10x100xi32, #tpu.memory_space<vmem>>
      %dma_start3A_750 = tpu.memref_squeeze %dma_start3A_749 : memref<1x10x100xi32, #tpu.memory_space<vmem>> -> memref<10x100xi32, #tpu.memory_space<vmem>>
      %dma_start3A_751 = arith.constant 0 : i32
      %dma_start3A_752 = tpu.memref_slice %dma_start3A_750[%dma_start3A_739, %dma_start3A_751] : memref<10x100xi32, #tpu.memory_space<vmem>> -> memref<1x100xi32, #tpu.memory_space<vmem>>
      %dma_start3A_753 = tpu.memref_squeeze %dma_start3A_752 : memref<1x100xi32, #tpu.memory_space<vmem>> -> memref<100xi32, #tpu.memory_space<vmem>>
      %dma_start3A_754 = arith.constant 0 : i32
      %dma_start3A_755 = arith.constant 0 : i32
      %dma_start3A_756 = tpu.memref_slice %arg9[%dma_start3A_754, %dma_start3A_755] : memref<51200x8xf32, #tpu.memory_space<vmem_shared>> -> memref<51200x8xf32, #tpu.memory_space<vmem_shared>>
      tpu.enqueue_indirect_dma source(%dma_start3A_746 : memref<100x8xf32, #tpu.memory_space<vmem>>) target(%dma_start3A_756 : memref<51200x8xf32, #tpu.memory_space<vmem_shared>>) offsets(%dma_start3A_753 : memref<100xi32, #tpu.memory_space<vmem>>) semaphore(%arg11 : memref<!tpu.dma_semaphore, #tpu.memory_space<semaphore_mem>>) {add = true}
      %dma_start3A_757 = arith.constant 8 : i32
      %dma_start3A_758 = arith.constant 0 : i32
      %dma_start3A_759 = arith.constant 0 : i32
      %dma_start3A_760 = tpu.memref_slice %arg8[%rem3A_423, %dma_start3A_758, %dma_start3A_759] : memref<2x1000x8xf32, #tpu.memory_space<vmem>> -> memref<1x1000x8xf32, #tpu.memory_space<vmem>>
      %dma_start3A_761 = tpu.memref_squeeze %dma_start3A_760 : memref<1x1000x8xf32, #tpu.memory_space<vmem>> -> memref<1000x8xf32, #tpu.memory_space<vmem>>
      %dma_start3A_762 = arith.constant 800 : i32
      %dma_start3A_763 = arith.constant 0 : i32
      %dma_start3A_764 = tpu.memref_slice %dma_start3A_761[%dma_start3A_762, %dma_start3A_763] : memref<1000x8xf32, #tpu.memory_space<vmem>> -> memref<100x8xf32, #tpu.memory_space<vmem>>
      %dma_start3A_765 = arith.constant 0 : i32
      %dma_start3A_766 = arith.constant 0 : i32
      %dma_start3A_767 = tpu.memref_slice %arg7[%rem3A_423, %dma_start3A_765, %dma_start3A_766] : memref<2x10x100xi32, #tpu.memory_space<vmem>> -> memref<1x10x100xi32, #tpu.memory_space<vmem>>
      %dma_start3A_768 = tpu.memref_squeeze %dma_start3A_767 : memref<1x10x100xi32, #tpu.memory_space<vmem>> -> memref<10x100xi32, #tpu.memory_space<vmem>>
      %dma_start3A_769 = arith.constant 0 : i32
      %dma_start3A_770 = tpu.memref_slice %dma_start3A_768[%dma_start3A_757, %dma_start3A_769] : memref<10x100xi32, #tpu.memory_space<vmem>> -> memref<1x100xi32, #tpu.memory_space<vmem>>
      %dma_start3A_771 = tpu.memref_squeeze %dma_start3A_770 : memref<1x100xi32, #tpu.memory_space<vmem>> -> memref<100xi32, #tpu.memory_space<vmem>>
      %dma_start3A_772 = arith.constant 0 : i32
      %dma_start3A_773 = arith.constant 0 : i32
      %dma_start3A_774 = tpu.memref_slice %arg9[%dma_start3A_772, %dma_start3A_773] : memref<51200x8xf32, #tpu.memory_space<vmem_shared>> -> memref<51200x8xf32, #tpu.memory_space<vmem_shared>>
      tpu.enqueue_indirect_dma source(%dma_start3A_764 : memref<100x8xf32, #tpu.memory_space<vmem>>) target(%dma_start3A_774 : memref<51200x8xf32, #tpu.memory_space<vmem_shared>>) offsets(%dma_start3A_771 : memref<100xi32, #tpu.memory_space<vmem>>) semaphore(%arg11 : memref<!tpu.dma_semaphore, #tpu.memory_space<semaphore_mem>>) {add = true}
      %dma_start3A_775 = arith.constant 9 : i32
      %dma_start3A_776 = arith.constant 0 : i32
      %dma_start3A_777 = arith.constant 0 : i32
      %dma_start3A_778 = tpu.memref_slice %arg8[%rem3A_423, %dma_start3A_776, %dma_start3A_777] : memref<2x1000x8xf32, #tpu.memory_space<vmem>> -> memref<1x1000x8xf32, #tpu.memory_space<vmem>>
      %dma_start3A_779 = tpu.memref_squeeze %dma_start3A_778 : memref<1x1000x8xf32, #tpu.memory_space<vmem>> -> memref<1000x8xf32, #tpu.memory_space<vmem>>
      %dma_start3A_780 = arith.constant 900 : i32
      %dma_start3A_781 = arith.constant 0 : i32
      %dma_start3A_782 = tpu.memref_slice %dma_start3A_779[%dma_start3A_780, %dma_start3A_781] : memref<1000x8xf32, #tpu.memory_space<vmem>> -> memref<100x8xf32, #tpu.memory_space<vmem>>
      %dma_start3A_783 = arith.constant 0 : i32
      %dma_start3A_784 = arith.constant 0 : i32
      %dma_start3A_785 = tpu.memref_slice %arg7[%rem3A_423, %dma_start3A_783, %dma_start3A_784] : memref<2x10x100xi32, #tpu.memory_space<vmem>> -> memref<1x10x100xi32, #tpu.memory_space<vmem>>
      %dma_start3A_786 = tpu.memref_squeeze %dma_start3A_785 : memref<1x10x100xi32, #tpu.memory_space<vmem>> -> memref<10x100xi32, #tpu.memory_space<vmem>>
      %dma_start3A_787 = arith.constant 0 : i32
      %dma_start3A_788 = tpu.memref_slice %dma_start3A_786[%dma_start3A_775, %dma_start3A_787] : memref<10x100xi32, #tpu.memory_space<vmem>> -> memref<1x100xi32, #tpu.memory_space<vmem>>
      %dma_start3A_789 = tpu.memref_squeeze %dma_start3A_788 : memref<1x100xi32, #tpu.memory_space<vmem>> -> memref<100xi32, #tpu.memory_space<vmem>>
      %dma_start3A_790 = arith.constant 0 : i32
      %dma_start3A_791 = arith.constant 0 : i32
      %dma_start3A_792 = tpu.memref_slice %arg9[%dma_start3A_790, %dma_start3A_791] : memref<51200x8xf32, #tpu.memory_space<vmem_shared>> -> memref<51200x8xf32, #tpu.memory_space<vmem_shared>>
      tpu.enqueue_indirect_dma source(%dma_start3A_782 : memref<100x8xf32, #tpu.memory_space<vmem>>) target(%dma_start3A_792 : memref<51200x8xf32, #tpu.memory_space<vmem_shared>>) offsets(%dma_start3A_789 : memref<100xi32, #tpu.memory_space<vmem>>) semaphore(%arg11 : memref<!tpu.dma_semaphore, #tpu.memory_space<semaphore_mem>>) {add = true}
      %add3A_793 = arith.constant 1 : i32
      %add3A_794 = arith.addi %scan3A_422, %add3A_793 : i32
      %lt3A_795 = arith.constant 25 : i32
      %lt3A_796 = arith.cmpi slt, %add3A_794, %lt3A_795 : i32
      %convert_element_type3A_797 = arith.extui %lt3A_796 : i1 to i32
      %cond3A_798 = arith.constant 0 : i32
      %cond3A_799 = arith.cmpi ne, %convert_element_type3A_797, %cond3A_798 : i32
      scf.if %cond3A_799 {
        %dma_start3A_800 = arith.constant 0 : i32
        %dma_start3A_801 = arith.constant 0 : i32
        %dma_start3A_802 = arith.constant 0 : i32
        %dma_start3A_803 = tpu.memref_slice %arg8[%sub3A_424, %dma_start3A_801, %dma_start3A_802] : memref<2x1000x8xf32, #tpu.memory_space<vmem>> -> memref<1x1000x8xf32, #tpu.memory_space<vmem>>
        %dma_start3A_804 = tpu.memref_squeeze %dma_start3A_803 : memref<1x1000x8xf32, #tpu.memory_space<vmem>> -> memref<1000x8xf32, #tpu.memory_space<vmem>>
        %dma_start3A_805 = arith.constant 0 : i32
        %dma_start3A_806 = arith.constant 0 : i32
        %dma_start3A_807 = tpu.memref_slice %dma_start3A_804[%dma_start3A_805, %dma_start3A_806] : memref<1000x8xf32, #tpu.memory_space<vmem>> -> memref<100x8xf32, #tpu.memory_space<vmem>>
        %dma_start3A_808 = arith.constant 0 : i32
        %dma_start3A_809 = arith.constant 0 : i32
        %dma_start3A_810 = tpu.memref_slice %arg6[%sub3A_424, %dma_start3A_808, %dma_start3A_809] : memref<2x10x100xi32, #tpu.memory_space<vmem>> -> memref<1x10x100xi32, #tpu.memory_space<vmem>>
        %dma_start3A_811 = tpu.memref_squeeze %dma_start3A_810 : memref<1x10x100xi32, #tpu.memory_space<vmem>> -> memref<10x100xi32, #tpu.memory_space<vmem>>
        %dma_start3A_812 = arith.constant 0 : i32
        %dma_start3A_813 = tpu.memref_slice %dma_start3A_811[%dma_start3A_800, %dma_start3A_812] : memref<10x100xi32, #tpu.memory_space<vmem>> -> memref<1x100xi32, #tpu.memory_space<vmem>>
        %dma_start3A_814 = tpu.memref_squeeze %dma_start3A_813 : memref<1x100xi32, #tpu.memory_space<vmem>> -> memref<100xi32, #tpu.memory_space<vmem>>
        %dma_start3A_815 = arith.constant 0 : i32
        %dma_start3A_816 = arith.constant 0 : i32
        %dma_start3A_817 = tpu.memref_slice %arg2[%dma_start3A_815, %dma_start3A_816] : memref<51200x8xf32, #tpu.memory_space<hbm>> -> memref<51200x8xf32, #tpu.memory_space<hbm>>
        tpu.enqueue_indirect_dma source(%dma_start3A_817 : memref<51200x8xf32, #tpu.memory_space<hbm>>) target(%dma_start3A_807 : memref<100x8xf32, #tpu.memory_space<vmem>>) offsets(%dma_start3A_814 : memref<100xi32, #tpu.memory_space<vmem>>) semaphore(%arg10 : memref<!tpu.dma_semaphore, #tpu.memory_space<semaphore_mem>>)
        %dma_start3A_818 = arith.constant 1 : i32
        %dma_start3A_819 = arith.constant 0 : i32
        %dma_start3A_820 = arith.constant 0 : i32
        %dma_start3A_821 = tpu.memref_slice %arg8[%sub3A_424, %dma_start3A_819, %dma_start3A_820] : memref<2x1000x8xf32, #tpu.memory_space<vmem>> -> memref<1x1000x8xf32, #tpu.memory_space<vmem>>
        %dma_start3A_822 = tpu.memref_squeeze %dma_start3A_821 : memref<1x1000x8xf32, #tpu.memory_space<vmem>> -> memref<1000x8xf32, #tpu.memory_space<vmem>>
        %dma_start3A_823 = arith.constant 100 : i32
        %dma_start3A_824 = arith.constant 0 : i32
        %dma_start3A_825 = tpu.memref_slice %dma_start3A_822[%dma_start3A_823, %dma_start3A_824] : memref<1000x8xf32, #tpu.memory_space<vmem>> -> memref<100x8xf32, #tpu.memory_space<vmem>>
        %dma_start3A_826 = arith.constant 0 : i32
        %dma_start3A_827 = arith.constant 0 : i32
        %dma_start3A_828 = tpu.memref_slice %arg6[%sub3A_424, %dma_start3A_826, %dma_start3A_827] : memref<2x10x100xi32, #tpu.memory_space<vmem>> -> memref<1x10x100xi32, #tpu.memory_space<vmem>>
        %dma_start3A_829 = tpu.memref_squeeze %dma_start3A_828 : memref<1x10x100xi32, #tpu.memory_space<vmem>> -> memref<10x100xi32, #tpu.memory_space<vmem>>
        %dma_start3A_830 = arith.constant 0 : i32
        %dma_start3A_831 = tpu.memref_slice %dma_start3A_829[%dma_start3A_818, %dma_start3A_830] : memref<10x100xi32, #tpu.memory_space<vmem>> -> memref<1x100xi32, #tpu.memory_space<vmem>>
        %dma_start3A_832 = tpu.memref_squeeze %dma_start3A_831 : memref<1x100xi32, #tpu.memory_space<vmem>> -> memref<100xi32, #tpu.memory_space<vmem>>
        %dma_start3A_833 = arith.constant 0 : i32
        %dma_start3A_834 = arith.constant 0 : i32
        %dma_start3A_835 = tpu.memref_slice %arg2[%dma_start3A_833, %dma_start3A_834] : memref<51200x8xf32, #tpu.memory_space<hbm>> -> memref<51200x8xf32, #tpu.memory_space<hbm>>
        tpu.enqueue_indirect_dma source(%dma_start3A_835 : memref<51200x8xf32, #tpu.memory_space<hbm>>) target(%dma_start3A_825 : memref<100x8xf32, #tpu.memory_space<vmem>>) offsets(%dma_start3A_832 : memref<100xi32, #tpu.memory_space<vmem>>) semaphore(%arg10 : memref<!tpu.dma_semaphore, #tpu.memory_space<semaphore_mem>>)
        %dma_start3A_836 = arith.constant 2 : i32
        %dma_start3A_837 = arith.constant 0 : i32
        %dma_start3A_838 = arith.constant 0 : i32
        %dma_start3A_839 = tpu.memref_slice %arg8[%sub3A_424, %dma_start3A_837, %dma_start3A_838] : memref<2x1000x8xf32, #tpu.memory_space<vmem>> -> memref<1x1000x8xf32, #tpu.memory_space<vmem>>
        %dma_start3A_840 = tpu.memref_squeeze %dma_start3A_839 : memref<1x1000x8xf32, #tpu.memory_space<vmem>> -> memref<1000x8xf32, #tpu.memory_space<vmem>>
        %dma_start3A_841 = arith.constant 200 : i32
        %dma_start3A_842 = arith.constant 0 : i32
        %dma_start3A_843 = tpu.memref_slice %dma_start3A_840[%dma_start3A_841, %dma_start3A_842] : memref<1000x8xf32, #tpu.memory_space<vmem>> -> memref<100x8xf32, #tpu.memory_space<vmem>>
        %dma_start3A_844 = arith.constant 0 : i32
        %dma_start3A_845 = arith.constant 0 : i32
        %dma_start3A_846 = tpu.memref_slice %arg6[%sub3A_424, %dma_start3A_844, %dma_start3A_845] : memref<2x10x100xi32, #tpu.memory_space<vmem>> -> memref<1x10x100xi32, #tpu.memory_space<vmem>>
        %dma_start3A_847 = tpu.memref_squeeze %dma_start3A_846 : memref<1x10x100xi32, #tpu.memory_space<vmem>> -> memref<10x100xi32, #tpu.memory_space<vmem>>
        %dma_start3A_848 = arith.constant 0 : i32
        %dma_start3A_849 = tpu.memref_slice %dma_start3A_847[%dma_start3A_836, %dma_start3A_848] : memref<10x100xi32, #tpu.memory_space<vmem>> -> memref<1x100xi32, #tpu.memory_space<vmem>>
        %dma_start3A_850 = tpu.memref_squeeze %dma_start3A_849 : memref<1x100xi32, #tpu.memory_space<vmem>> -> memref<100xi32, #tpu.memory_space<vmem>>
        %dma_start3A_851 = arith.constant 0 : i32
        %dma_start3A_852 = arith.constant 0 : i32
        %dma_start3A_853 = tpu.memref_slice %arg2[%dma_start3A_851, %dma_start3A_852] : memref<51200x8xf32, #tpu.memory_space<hbm>> -> memref<51200x8xf32, #tpu.memory_space<hbm>>
        tpu.enqueue_indirect_dma source(%dma_start3A_853 : memref<51200x8xf32, #tpu.memory_space<hbm>>) target(%dma_start3A_843 : memref<100x8xf32, #tpu.memory_space<vmem>>) offsets(%dma_start3A_850 : memref<100xi32, #tpu.memory_space<vmem>>) semaphore(%arg10 : memref<!tpu.dma_semaphore, #tpu.memory_space<semaphore_mem>>)
        %dma_start3A_854 = arith.constant 3 : i32
        %dma_start3A_855 = arith.constant 0 : i32
        %dma_start3A_856 = arith.constant 0 : i32
        %dma_start3A_857 = tpu.memref_slice %arg8[%sub3A_424, %dma_start3A_855, %dma_start3A_856] : memref<2x1000x8xf32, #tpu.memory_space<vmem>> -> memref<1x1000x8xf32, #tpu.memory_space<vmem>>
        %dma_start3A_858 = tpu.memref_squeeze %dma_start3A_857 : memref<1x1000x8xf32, #tpu.memory_space<vmem>> -> memref<1000x8xf32, #tpu.memory_space<vmem>>
        %dma_start3A_859 = arith.constant 300 : i32
        %dma_start3A_860 = arith.constant 0 : i32
        %dma_start3A_861 = tpu.memref_slice %dma_start3A_858[%dma_start3A_859, %dma_start3A_860] : memref<1000x8xf32, #tpu.memory_space<vmem>> -> memref<100x8xf32, #tpu.memory_space<vmem>>
        %dma_start3A_862 = arith.constant 0 : i32
        %dma_start3A_863 = arith.constant 0 : i32
        %dma_start3A_864 = tpu.memref_slice %arg6[%sub3A_424, %dma_start3A_862, %dma_start3A_863] : memref<2x10x100xi32, #tpu.memory_space<vmem>> -> memref<1x10x100xi32, #tpu.memory_space<vmem>>
        %dma_start3A_865 = tpu.memref_squeeze %dma_start3A_864 : memref<1x10x100xi32, #tpu.memory_space<vmem>> -> memref<10x100xi32, #tpu.memory_space<vmem>>
        %dma_start3A_866 = arith.constant 0 : i32
        %dma_start3A_867 = tpu.memref_slice %dma_start3A_865[%dma_start3A_854, %dma_start3A_866] : memref<10x100xi32, #tpu.memory_space<vmem>> -> memref<1x100xi32, #tpu.memory_space<vmem>>
        %dma_start3A_868 = tpu.memref_squeeze %dma_start3A_867 : memref<1x100xi32, #tpu.memory_space<vmem>> -> memref<100xi32, #tpu.memory_space<vmem>>
        %dma_start3A_869 = arith.constant 0 : i32
        %dma_start3A_870 = arith.constant 0 : i32
        %dma_start3A_871 = tpu.memref_slice %arg2[%dma_start3A_869, %dma_start3A_870] : memref<51200x8xf32, #tpu.memory_space<hbm>> -> memref<51200x8xf32, #tpu.memory_space<hbm>>
        tpu.enqueue_indirect_dma source(%dma_start3A_871 : memref<51200x8xf32, #tpu.memory_space<hbm>>) target(%dma_start3A_861 : memref<100x8xf32, #tpu.memory_space<vmem>>) offsets(%dma_start3A_868 : memref<100xi32, #tpu.memory_space<vmem>>) semaphore(%arg10 : memref<!tpu.dma_semaphore, #tpu.memory_space<semaphore_mem>>)
        %dma_start3A_872 = arith.constant 4 : i32
        %dma_start3A_873 = arith.constant 0 : i32
        %dma_start3A_874 = arith.constant 0 : i32
        %dma_start3A_875 = tpu.memref_slice %arg8[%sub3A_424, %dma_start3A_873, %dma_start3A_874] : memref<2x1000x8xf32, #tpu.memory_space<vmem>> -> memref<1x1000x8xf32, #tpu.memory_space<vmem>>
        %dma_start3A_876 = tpu.memref_squeeze %dma_start3A_875 : memref<1x1000x8xf32, #tpu.memory_space<vmem>> -> memref<1000x8xf32, #tpu.memory_space<vmem>>
        %dma_start3A_877 = arith.constant 400 : i32
        %dma_start3A_878 = arith.constant 0 : i32
        %dma_start3A_879 = tpu.memref_slice %dma_start3A_876[%dma_start3A_877, %dma_start3A_878] : memref<1000x8xf32, #tpu.memory_space<vmem>> -> memref<100x8xf32, #tpu.memory_space<vmem>>
        %dma_start3A_880 = arith.constant 0 : i32
        %dma_start3A_881 = arith.constant 0 : i32
        %dma_start3A_882 = tpu.memref_slice %arg6[%sub3A_424, %dma_start3A_880, %dma_start3A_881] : memref<2x10x100xi32, #tpu.memory_space<vmem>> -> memref<1x10x100xi32, #tpu.memory_space<vmem>>
        %dma_start3A_883 = tpu.memref_squeeze %dma_start3A_882 : memref<1x10x100xi32, #tpu.memory_space<vmem>> -> memref<10x100xi32, #tpu.memory_space<vmem>>
        %dma_start3A_884 = arith.constant 0 : i32
        %dma_start3A_885 = tpu.memref_slice %dma_start3A_883[%dma_start3A_872, %dma_start3A_884] : memref<10x100xi32, #tpu.memory_space<vmem>> -> memref<1x100xi32, #tpu.memory_space<vmem>>
        %dma_start3A_886 = tpu.memref_squeeze %dma_start3A_885 : memref<1x100xi32, #tpu.memory_space<vmem>> -> memref<100xi32, #tpu.memory_space<vmem>>
        %dma_start3A_887 = arith.constant 0 : i32
        %dma_start3A_888 = arith.constant 0 : i32
        %dma_start3A_889 = tpu.memref_slice %arg2[%dma_start3A_887, %dma_start3A_888] : memref<51200x8xf32, #tpu.memory_space<hbm>> -> memref<51200x8xf32, #tpu.memory_space<hbm>>
        tpu.enqueue_indirect_dma source(%dma_start3A_889 : memref<51200x8xf32, #tpu.memory_space<hbm>>) target(%dma_start3A_879 : memref<100x8xf32, #tpu.memory_space<vmem>>) offsets(%dma_start3A_886 : memref<100xi32, #tpu.memory_space<vmem>>) semaphore(%arg10 : memref<!tpu.dma_semaphore, #tpu.memory_space<semaphore_mem>>)
        %dma_start3A_890 = arith.constant 5 : i32
        %dma_start3A_891 = arith.constant 0 : i32
        %dma_start3A_892 = arith.constant 0 : i32
        %dma_start3A_893 = tpu.memref_slice %arg8[%sub3A_424, %dma_start3A_891, %dma_start3A_892] : memref<2x1000x8xf32, #tpu.memory_space<vmem>> -> memref<1x1000x8xf32, #tpu.memory_space<vmem>>
        %dma_start3A_894 = tpu.memref_squeeze %dma_start3A_893 : memref<1x1000x8xf32, #tpu.memory_space<vmem>> -> memref<1000x8xf32, #tpu.memory_space<vmem>>
        %dma_start3A_895 = arith.constant 500 : i32
        %dma_start3A_896 = arith.constant 0 : i32
        %dma_start3A_897 = tpu.memref_slice %dma_start3A_894[%dma_start3A_895, %dma_start3A_896] : memref<1000x8xf32, #tpu.memory_space<vmem>> -> memref<100x8xf32, #tpu.memory_space<vmem>>
        %dma_start3A_898 = arith.constant 0 : i32
        %dma_start3A_899 = arith.constant 0 : i32
        %dma_start3A_900 = tpu.memref_slice %arg6[%sub3A_424, %dma_start3A_898, %dma_start3A_899] : memref<2x10x100xi32, #tpu.memory_space<vmem>> -> memref<1x10x100xi32, #tpu.memory_space<vmem>>
        %dma_start3A_901 = tpu.memref_squeeze %dma_start3A_900 : memref<1x10x100xi32, #tpu.memory_space<vmem>> -> memref<10x100xi32, #tpu.memory_space<vmem>>
        %dma_start3A_902 = arith.constant 0 : i32
        %dma_start3A_903 = tpu.memref_slice %dma_start3A_901[%dma_start3A_890, %dma_start3A_902] : memref<10x100xi32, #tpu.memory_space<vmem>> -> memref<1x100xi32, #tpu.memory_space<vmem>>
        %dma_start3A_904 = tpu.memref_squeeze %dma_start3A_903 : memref<1x100xi32, #tpu.memory_space<vmem>> -> memref<100xi32, #tpu.memory_space<vmem>>
        %dma_start3A_905 = arith.constant 0 : i32
        %dma_start3A_906 = arith.constant 0 : i32
        %dma_start3A_907 = tpu.memref_slice %arg2[%dma_start3A_905, %dma_start3A_906] : memref<51200x8xf32, #tpu.memory_space<hbm>> -> memref<51200x8xf32, #tpu.memory_space<hbm>>
        tpu.enqueue_indirect_dma source(%dma_start3A_907 : memref<51200x8xf32, #tpu.memory_space<hbm>>) target(%dma_start3A_897 : memref<100x8xf32, #tpu.memory_space<vmem>>) offsets(%dma_start3A_904 : memref<100xi32, #tpu.memory_space<vmem>>) semaphore(%arg10 : memref<!tpu.dma_semaphore, #tpu.memory_space<semaphore_mem>>)
        %dma_start3A_908 = arith.constant 6 : i32
        %dma_start3A_909 = arith.constant 0 : i32
        %dma_start3A_910 = arith.constant 0 : i32
        %dma_start3A_911 = tpu.memref_slice %arg8[%sub3A_424, %dma_start3A_909, %dma_start3A_910] : memref<2x1000x8xf32, #tpu.memory_space<vmem>> -> memref<1x1000x8xf32, #tpu.memory_space<vmem>>
        %dma_start3A_912 = tpu.memref_squeeze %dma_start3A_911 : memref<1x1000x8xf32, #tpu.memory_space<vmem>> -> memref<1000x8xf32, #tpu.memory_space<vmem>>
        %dma_start3A_913 = arith.constant 600 : i32
        %dma_start3A_914 = arith.constant 0 : i32
        %dma_start3A_915 = tpu.memref_slice %dma_start3A_912[%dma_start3A_913, %dma_start3A_914] : memref<1000x8xf32, #tpu.memory_space<vmem>> -> memref<100x8xf32, #tpu.memory_space<vmem>>
        %dma_start3A_916 = arith.constant 0 : i32
        %dma_start3A_917 = arith.constant 0 : i32
        %dma_start3A_918 = tpu.memref_slice %arg6[%sub3A_424, %dma_start3A_916, %dma_start3A_917] : memref<2x10x100xi32, #tpu.memory_space<vmem>> -> memref<1x10x100xi32, #tpu.memory_space<vmem>>
        %dma_start3A_919 = tpu.memref_squeeze %dma_start3A_918 : memref<1x10x100xi32, #tpu.memory_space<vmem>> -> memref<10x100xi32, #tpu.memory_space<vmem>>
        %dma_start3A_920 = arith.constant 0 : i32
        %dma_start3A_921 = tpu.memref_slice %dma_start3A_919[%dma_start3A_908, %dma_start3A_920] : memref<10x100xi32, #tpu.memory_space<vmem>> -> memref<1x100xi32, #tpu.memory_space<vmem>>
        %dma_start3A_922 = tpu.memref_squeeze %dma_start3A_921 : memref<1x100xi32, #tpu.memory_space<vmem>> -> memref<100xi32, #tpu.memory_space<vmem>>
        %dma_start3A_923 = arith.constant 0 : i32
        %dma_start3A_924 = arith.constant 0 : i32
        %dma_start3A_925 = tpu.memref_slice %arg2[%dma_start3A_923, %dma_start3A_924] : memref<51200x8xf32, #tpu.memory_space<hbm>> -> memref<51200x8xf32, #tpu.memory_space<hbm>>
        tpu.enqueue_indirect_dma source(%dma_start3A_925 : memref<51200x8xf32, #tpu.memory_space<hbm>>) target(%dma_start3A_915 : memref<100x8xf32, #tpu.memory_space<vmem>>) offsets(%dma_start3A_922 : memref<100xi32, #tpu.memory_space<vmem>>) semaphore(%arg10 : memref<!tpu.dma_semaphore, #tpu.memory_space<semaphore_mem>>)
        %dma_start3A_926 = arith.constant 7 : i32
        %dma_start3A_927 = arith.constant 0 : i32
        %dma_start3A_928 = arith.constant 0 : i32
        %dma_start3A_929 = tpu.memref_slice %arg8[%sub3A_424, %dma_start3A_927, %dma_start3A_928] : memref<2x1000x8xf32, #tpu.memory_space<vmem>> -> memref<1x1000x8xf32, #tpu.memory_space<vmem>>
        %dma_start3A_930 = tpu.memref_squeeze %dma_start3A_929 : memref<1x1000x8xf32, #tpu.memory_space<vmem>> -> memref<1000x8xf32, #tpu.memory_space<vmem>>
        %dma_start3A_931 = arith.constant 700 : i32
        %dma_start3A_932 = arith.constant 0 : i32
        %dma_start3A_933 = tpu.memref_slice %dma_start3A_930[%dma_start3A_931, %dma_start3A_932] : memref<1000x8xf32, #tpu.memory_space<vmem>> -> memref<100x8xf32, #tpu.memory_space<vmem>>
        %dma_start3A_934 = arith.constant 0 : i32
        %dma_start3A_935 = arith.constant 0 : i32
        %dma_start3A_936 = tpu.memref_slice %arg6[%sub3A_424, %dma_start3A_934, %dma_start3A_935] : memref<2x10x100xi32, #tpu.memory_space<vmem>> -> memref<1x10x100xi32, #tpu.memory_space<vmem>>
        %dma_start3A_937 = tpu.memref_squeeze %dma_start3A_936 : memref<1x10x100xi32, #tpu.memory_space<vmem>> -> memref<10x100xi32, #tpu.memory_space<vmem>>
        %dma_start3A_938 = arith.constant 0 : i32
        %dma_start3A_939 = tpu.memref_slice %dma_start3A_937[%dma_start3A_926, %dma_start3A_938] : memref<10x100xi32, #tpu.memory_space<vmem>> -> memref<1x100xi32, #tpu.memory_space<vmem>>
        %dma_start3A_940 = tpu.memref_squeeze %dma_start3A_939 : memref<1x100xi32, #tpu.memory_space<vmem>> -> memref<100xi32, #tpu.memory_space<vmem>>
        %dma_start3A_941 = arith.constant 0 : i32
        %dma_start3A_942 = arith.constant 0 : i32
        %dma_start3A_943 = tpu.memref_slice %arg2[%dma_start3A_941, %dma_start3A_942] : memref<51200x8xf32, #tpu.memory_space<hbm>> -> memref<51200x8xf32, #tpu.memory_space<hbm>>
        tpu.enqueue_indirect_dma source(%dma_start3A_943 : memref<51200x8xf32, #tpu.memory_space<hbm>>) target(%dma_start3A_933 : memref<100x8xf32, #tpu.memory_space<vmem>>) offsets(%dma_start3A_940 : memref<100xi32, #tpu.memory_space<vmem>>) semaphore(%arg10 : memref<!tpu.dma_semaphore, #tpu.memory_space<semaphore_mem>>)
        %dma_start3A_944 = arith.constant 8 : i32
        %dma_start3A_945 = arith.constant 0 : i32
        %dma_start3A_946 = arith.constant 0 : i32
        %dma_start3A_947 = tpu.memref_slice %arg8[%sub3A_424, %dma_start3A_945, %dma_start3A_946] : memref<2x1000x8xf32, #tpu.memory_space<vmem>> -> memref<1x1000x8xf32, #tpu.memory_space<vmem>>
        %dma_start3A_948 = tpu.memref_squeeze %dma_start3A_947 : memref<1x1000x8xf32, #tpu.memory_space<vmem>> -> memref<1000x8xf32, #tpu.memory_space<vmem>>
        %dma_start3A_949 = arith.constant 800 : i32
        %dma_start3A_950 = arith.constant 0 : i32
        %dma_start3A_951 = tpu.memref_slice %dma_start3A_948[%dma_start3A_949, %dma_start3A_950] : memref<1000x8xf32, #tpu.memory_space<vmem>> -> memref<100x8xf32, #tpu.memory_space<vmem>>
        %dma_start3A_952 = arith.constant 0 : i32
        %dma_start3A_953 = arith.constant 0 : i32
        %dma_start3A_954 = tpu.memref_slice %arg6[%sub3A_424, %dma_start3A_952, %dma_start3A_953] : memref<2x10x100xi32, #tpu.memory_space<vmem>> -> memref<1x10x100xi32, #tpu.memory_space<vmem>>
        %dma_start3A_955 = tpu.memref_squeeze %dma_start3A_954 : memref<1x10x100xi32, #tpu.memory_space<vmem>> -> memref<10x100xi32, #tpu.memory_space<vmem>>
        %dma_start3A_956 = arith.constant 0 : i32
        %dma_start3A_957 = tpu.memref_slice %dma_start3A_955[%dma_start3A_944, %dma_start3A_956] : memref<10x100xi32, #tpu.memory_space<vmem>> -> memref<1x100xi32, #tpu.memory_space<vmem>>
        %dma_start3A_958 = tpu.memref_squeeze %dma_start3A_957 : memref<1x100xi32, #tpu.memory_space<vmem>> -> memref<100xi32, #tpu.memory_space<vmem>>
        %dma_start3A_959 = arith.constant 0 : i32
        %dma_start3A_960 = arith.constant 0 : i32
        %dma_start3A_961 = tpu.memref_slice %arg2[%dma_start3A_959, %dma_start3A_960] : memref<51200x8xf32, #tpu.memory_space<hbm>> -> memref<51200x8xf32, #tpu.memory_space<hbm>>
        tpu.enqueue_indirect_dma source(%dma_start3A_961 : memref<51200x8xf32, #tpu.memory_space<hbm>>) target(%dma_start3A_951 : memref<100x8xf32, #tpu.memory_space<vmem>>) offsets(%dma_start3A_958 : memref<100xi32, #tpu.memory_space<vmem>>) semaphore(%arg10 : memref<!tpu.dma_semaphore, #tpu.memory_space<semaphore_mem>>)
        %dma_start3A_962 = arith.constant 9 : i32
        %dma_start3A_963 = arith.constant 0 : i32
        %dma_start3A_964 = arith.constant 0 : i32
        %dma_start3A_965 = tpu.memref_slice %arg8[%sub3A_424, %dma_start3A_963, %dma_start3A_964] : memref<2x1000x8xf32, #tpu.memory_space<vmem>> -> memref<1x1000x8xf32, #tpu.memory_space<vmem>>
        %dma_start3A_966 = tpu.memref_squeeze %dma_start3A_965 : memref<1x1000x8xf32, #tpu.memory_space<vmem>> -> memref<1000x8xf32, #tpu.memory_space<vmem>>
        %dma_start3A_967 = arith.constant 900 : i32
        %dma_start3A_968 = arith.constant 0 : i32
        %dma_start3A_969 = tpu.memref_slice %dma_start3A_966[%dma_start3A_967, %dma_start3A_968] : memref<1000x8xf32, #tpu.memory_space<vmem>> -> memref<100x8xf32, #tpu.memory_space<vmem>>
        %dma_start3A_970 = arith.constant 0 : i32
        %dma_start3A_971 = arith.constant 0 : i32
        %dma_start3A_972 = tpu.memref_slice %arg6[%sub3A_424, %dma_start3A_970, %dma_start3A_971] : memref<2x10x100xi32, #tpu.memory_space<vmem>> -> memref<1x10x100xi32, #tpu.memory_space<vmem>>
        %dma_start3A_973 = tpu.memref_squeeze %dma_start3A_972 : memref<1x10x100xi32, #tpu.memory_space<vmem>> -> memref<10x100xi32, #tpu.memory_space<vmem>>
        %dma_start3A_974 = arith.constant 0 : i32
        %dma_start3A_975 = tpu.memref_slice %dma_start3A_973[%dma_start3A_962, %dma_start3A_974] : memref<10x100xi32, #tpu.memory_space<vmem>> -> memref<1x100xi32, #tpu.memory_space<vmem>>
        %dma_start3A_976 = tpu.memref_squeeze %dma_start3A_975 : memref<1x100xi32, #tpu.memory_space<vmem>> -> memref<100xi32, #tpu.memory_space<vmem>>
        %dma_start3A_977 = arith.constant 0 : i32
        %dma_start3A_978 = arith.constant 0 : i32
        %dma_start3A_979 = tpu.memref_slice %arg2[%dma_start3A_977, %dma_start3A_978] : memref<51200x8xf32, #tpu.memory_space<hbm>> -> memref<51200x8xf32, #tpu.memory_space<hbm>>
        tpu.enqueue_indirect_dma source(%dma_start3A_979 : memref<51200x8xf32, #tpu.memory_space<hbm>>) target(%dma_start3A_969 : memref<100x8xf32, #tpu.memory_space<vmem>>) offsets(%dma_start3A_976 : memref<100xi32, #tpu.memory_space<vmem>>) semaphore(%arg10 : memref<!tpu.dma_semaphore, #tpu.memory_space<semaphore_mem>>)
      } else {
      }
    }
    %scan3A_217 = arith.constant 25 : i32
    %dma_wait3A = arith.constant 0 : i32
    %dma_wait3A_218 = arith.constant 0 : i32
    %dma_wait3A_219 = arith.constant 0 : i32
    %dma_wait3A_220 = arith.constant 0 : i32
    %dma_wait3A_221 = arith.constant 0 : i32
    %dma_wait3A_222 = tpu.memref_slice %arg8[%dma_wait3A, %dma_wait3A_220, %dma_wait3A_221] : memref<2x1000x8xf32, #tpu.memory_space<vmem>> -> memref<1x1000x8xf32, #tpu.memory_space<vmem>>
    %dma_wait3A_223 = tpu.memref_squeeze %dma_wait3A_222 : memref<1x1000x8xf32, #tpu.memory_space<vmem>> -> memref<1000x8xf32, #tpu.memory_space<vmem>>
    %dma_wait3A_224 = arith.constant 0 : i32
    %dma_wait3A_225 = arith.constant 0 : i32
    %dma_wait3A_226 = tpu.memref_slice %dma_wait3A_223[%dma_wait3A_224, %dma_wait3A_225] : memref<1000x8xf32, #tpu.memory_space<vmem>> -> memref<100x8xf32, #tpu.memory_space<vmem>>
    %dma_wait3A_227 = arith.constant 0 : i32
    %dma_wait3A_228 = arith.constant 0 : i32
    %dma_wait3A_229 = tpu.memref_slice %arg7[%dma_wait3A_218, %dma_wait3A_227, %dma_wait3A_228] : memref<2x10x100xi32, #tpu.memory_space<vmem>> -> memref<1x10x100xi32, #tpu.memory_space<vmem>>
    %dma_wait3A_230 = tpu.memref_squeeze %dma_wait3A_229 : memref<1x10x100xi32, #tpu.memory_space<vmem>> -> memref<10x100xi32, #tpu.memory_space<vmem>>
    %dma_wait3A_231 = arith.constant 0 : i32
    %dma_wait3A_232 = tpu.memref_slice %dma_wait3A_230[%dma_wait3A_219, %dma_wait3A_231] : memref<10x100xi32, #tpu.memory_space<vmem>> -> memref<1x100xi32, #tpu.memory_space<vmem>>
    %dma_wait3A_233 = tpu.memref_squeeze %dma_wait3A_232 : memref<1x100xi32, #tpu.memory_space<vmem>> -> memref<100xi32, #tpu.memory_space<vmem>>
    %dma_wait3A_234 = arith.constant 0 : i32
    %dma_wait3A_235 = arith.constant 0 : i32
    %dma_wait3A_236 = tpu.memref_slice %arg9[%dma_wait3A_234, %dma_wait3A_235] : memref<51200x8xf32, #tpu.memory_space<vmem_shared>> -> memref<51200x8xf32, #tpu.memory_space<vmem_shared>>
    tpu.wait_indirect_dma semaphore(%arg11 : memref<!tpu.dma_semaphore, #tpu.memory_space<semaphore_mem>>) src(%dma_wait3A_226 : memref<100x8xf32, #tpu.memory_space<vmem>>) dst(%dma_wait3A_236 : memref<51200x8xf32, #tpu.memory_space<vmem_shared>>)
    %dma_wait3A_237 = arith.constant 0 : i32
    %dma_wait3A_238 = arith.constant 0 : i32
    %dma_wait3A_239 = arith.constant 1 : i32
    %dma_wait3A_240 = arith.constant 0 : i32
    %dma_wait3A_241 = arith.constant 0 : i32
    %dma_wait3A_242 = tpu.memref_slice %arg8[%dma_wait3A_237, %dma_wait3A_240, %dma_wait3A_241] : memref<2x1000x8xf32, #tpu.memory_space<vmem>> -> memref<1x1000x8xf32, #tpu.memory_space<vmem>>
    %dma_wait3A_243 = tpu.memref_squeeze %dma_wait3A_242 : memref<1x1000x8xf32, #tpu.memory_space<vmem>> -> memref<1000x8xf32, #tpu.memory_space<vmem>>
    %dma_wait3A_244 = arith.constant 100 : i32
    %dma_wait3A_245 = arith.constant 0 : i32
    %dma_wait3A_246 = tpu.memref_slice %dma_wait3A_243[%dma_wait3A_244, %dma_wait3A_245] : memref<1000x8xf32, #tpu.memory_space<vmem>> -> memref<100x8xf32, #tpu.memory_space<vmem>>
    %dma_wait3A_247 = arith.constant 0 : i32
    %dma_wait3A_248 = arith.constant 0 : i32
    %dma_wait3A_249 = tpu.memref_slice %arg7[%dma_wait3A_238, %dma_wait3A_247, %dma_wait3A_248] : memref<2x10x100xi32, #tpu.memory_space<vmem>> -> memref<1x10x100xi32, #tpu.memory_space<vmem>>
    %dma_wait3A_250 = tpu.memref_squeeze %dma_wait3A_249 : memref<1x10x100xi32, #tpu.memory_space<vmem>> -> memref<10x100xi32, #tpu.memory_space<vmem>>
    %dma_wait3A_251 = arith.constant 0 : i32
    %dma_wait3A_252 = tpu.memref_slice %dma_wait3A_250[%dma_wait3A_239, %dma_wait3A_251] : memref<10x100xi32, #tpu.memory_space<vmem>> -> memref<1x100xi32, #tpu.memory_space<vmem>>
    %dma_wait3A_253 = tpu.memref_squeeze %dma_wait3A_252 : memref<1x100xi32, #tpu.memory_space<vmem>> -> memref<100xi32, #tpu.memory_space<vmem>>
    %dma_wait3A_254 = arith.constant 0 : i32
    %dma_wait3A_255 = arith.constant 0 : i32
    %dma_wait3A_256 = tpu.memref_slice %arg9[%dma_wait3A_254, %dma_wait3A_255] : memref<51200x8xf32, #tpu.memory_space<vmem_shared>> -> memref<51200x8xf32, #tpu.memory_space<vmem_shared>>
    tpu.wait_indirect_dma semaphore(%arg11 : memref<!tpu.dma_semaphore, #tpu.memory_space<semaphore_mem>>) src(%dma_wait3A_246 : memref<100x8xf32, #tpu.memory_space<vmem>>) dst(%dma_wait3A_256 : memref<51200x8xf32, #tpu.memory_space<vmem_shared>>)
    %dma_wait3A_257 = arith.constant 0 : i32
    %dma_wait3A_258 = arith.constant 0 : i32
    %dma_wait3A_259 = arith.constant 2 : i32
    %dma_wait3A_260 = arith.constant 0 : i32
    %dma_wait3A_261 = arith.constant 0 : i32
    %dma_wait3A_262 = tpu.memref_slice %arg8[%dma_wait3A_257, %dma_wait3A_260, %dma_wait3A_261] : memref<2x1000x8xf32, #tpu.memory_space<vmem>> -> memref<1x1000x8xf32, #tpu.memory_space<vmem>>
    %dma_wait3A_263 = tpu.memref_squeeze %dma_wait3A_262 : memref<1x1000x8xf32, #tpu.memory_space<vmem>> -> memref<1000x8xf32, #tpu.memory_space<vmem>>
    %dma_wait3A_264 = arith.constant 200 : i32
    %dma_wait3A_265 = arith.constant 0 : i32
    %dma_wait3A_266 = tpu.memref_slice %dma_wait3A_263[%dma_wait3A_264, %dma_wait3A_265] : memref<1000x8xf32, #tpu.memory_space<vmem>> -> memref<100x8xf32, #tpu.memory_space<vmem>>
    %dma_wait3A_267 = arith.constant 0 : i32
    %dma_wait3A_268 = arith.constant 0 : i32
    %dma_wait3A_269 = tpu.memref_slice %arg7[%dma_wait3A_258, %dma_wait3A_267, %dma_wait3A_268] : memref<2x10x100xi32, #tpu.memory_space<vmem>> -> memref<1x10x100xi32, #tpu.memory_space<vmem>>
    %dma_wait3A_270 = tpu.memref_squeeze %dma_wait3A_269 : memref<1x10x100xi32, #tpu.memory_space<vmem>> -> memref<10x100xi32, #tpu.memory_space<vmem>>
    %dma_wait3A_271 = arith.constant 0 : i32
    %dma_wait3A_272 = tpu.memref_slice %dma_wait3A_270[%dma_wait3A_259, %dma_wait3A_271] : memref<10x100xi32, #tpu.memory_space<vmem>> -> memref<1x100xi32, #tpu.memory_space<vmem>>
    %dma_wait3A_273 = tpu.memref_squeeze %dma_wait3A_272 : memref<1x100xi32, #tpu.memory_space<vmem>> -> memref<100xi32, #tpu.memory_space<vmem>>
    %dma_wait3A_274 = arith.constant 0 : i32
    %dma_wait3A_275 = arith.constant 0 : i32
    %dma_wait3A_276 = tpu.memref_slice %arg9[%dma_wait3A_274, %dma_wait3A_275] : memref<51200x8xf32, #tpu.memory_space<vmem_shared>> -> memref<51200x8xf32, #tpu.memory_space<vmem_shared>>
    tpu.wait_indirect_dma semaphore(%arg11 : memref<!tpu.dma_semaphore, #tpu.memory_space<semaphore_mem>>) src(%dma_wait3A_266 : memref<100x8xf32, #tpu.memory_space<vmem>>) dst(%dma_wait3A_276 : memref<51200x8xf32, #tpu.memory_space<vmem_shared>>)
    %dma_wait3A_277 = arith.constant 0 : i32
    %dma_wait3A_278 = arith.constant 0 : i32
    %dma_wait3A_279 = arith.constant 3 : i32
    %dma_wait3A_280 = arith.constant 0 : i32
    %dma_wait3A_281 = arith.constant 0 : i32
    %dma_wait3A_282 = tpu.memref_slice %arg8[%dma_wait3A_277, %dma_wait3A_280, %dma_wait3A_281] : memref<2x1000x8xf32, #tpu.memory_space<vmem>> -> memref<1x1000x8xf32, #tpu.memory_space<vmem>>
    %dma_wait3A_283 = tpu.memref_squeeze %dma_wait3A_282 : memref<1x1000x8xf32, #tpu.memory_space<vmem>> -> memref<1000x8xf32, #tpu.memory_space<vmem>>
    %dma_wait3A_284 = arith.constant 300 : i32
    %dma_wait3A_285 = arith.constant 0 : i32
    %dma_wait3A_286 = tpu.memref_slice %dma_wait3A_283[%dma_wait3A_284, %dma_wait3A_285] : memref<1000x8xf32, #tpu.memory_space<vmem>> -> memref<100x8xf32, #tpu.memory_space<vmem>>
    %dma_wait3A_287 = arith.constant 0 : i32
    %dma_wait3A_288 = arith.constant 0 : i32
    %dma_wait3A_289 = tpu.memref_slice %arg7[%dma_wait3A_278, %dma_wait3A_287, %dma_wait3A_288] : memref<2x10x100xi32, #tpu.memory_space<vmem>> -> memref<1x10x100xi32, #tpu.memory_space<vmem>>
    %dma_wait3A_290 = tpu.memref_squeeze %dma_wait3A_289 : memref<1x10x100xi32, #tpu.memory_space<vmem>> -> memref<10x100xi32, #tpu.memory_space<vmem>>
    %dma_wait3A_291 = arith.constant 0 : i32
    %dma_wait3A_292 = tpu.memref_slice %dma_wait3A_290[%dma_wait3A_279, %dma_wait3A_291] : memref<10x100xi32, #tpu.memory_space<vmem>> -> memref<1x100xi32, #tpu.memory_space<vmem>>
    %dma_wait3A_293 = tpu.memref_squeeze %dma_wait3A_292 : memref<1x100xi32, #tpu.memory_space<vmem>> -> memref<100xi32, #tpu.memory_space<vmem>>
    %dma_wait3A_294 = arith.constant 0 : i32
    %dma_wait3A_295 = arith.constant 0 : i32
    %dma_wait3A_296 = tpu.memref_slice %arg9[%dma_wait3A_294, %dma_wait3A_295] : memref<51200x8xf32, #tpu.memory_space<vmem_shared>> -> memref<51200x8xf32, #tpu.memory_space<vmem_shared>>
    tpu.wait_indirect_dma semaphore(%arg11 : memref<!tpu.dma_semaphore, #tpu.memory_space<semaphore_mem>>) src(%dma_wait3A_286 : memref<100x8xf32, #tpu.memory_space<vmem>>) dst(%dma_wait3A_296 : memref<51200x8xf32, #tpu.memory_space<vmem_shared>>)
    %dma_wait3A_297 = arith.constant 0 : i32
    %dma_wait3A_298 = arith.constant 0 : i32
    %dma_wait3A_299 = arith.constant 4 : i32
    %dma_wait3A_300 = arith.constant 0 : i32
    %dma_wait3A_301 = arith.constant 0 : i32
    %dma_wait3A_302 = tpu.memref_slice %arg8[%dma_wait3A_297, %dma_wait3A_300, %dma_wait3A_301] : memref<2x1000x8xf32, #tpu.memory_space<vmem>> -> memref<1x1000x8xf32, #tpu.memory_space<vmem>>
    %dma_wait3A_303 = tpu.memref_squeeze %dma_wait3A_302 : memref<1x1000x8xf32, #tpu.memory_space<vmem>> -> memref<1000x8xf32, #tpu.memory_space<vmem>>
    %dma_wait3A_304 = arith.constant 400 : i32
    %dma_wait3A_305 = arith.constant 0 : i32
    %dma_wait3A_306 = tpu.memref_slice %dma_wait3A_303[%dma_wait3A_304, %dma_wait3A_305] : memref<1000x8xf32, #tpu.memory_space<vmem>> -> memref<100x8xf32, #tpu.memory_space<vmem>>
    %dma_wait3A_307 = arith.constant 0 : i32
    %dma_wait3A_308 = arith.constant 0 : i32
    %dma_wait3A_309 = tpu.memref_slice %arg7[%dma_wait3A_298, %dma_wait3A_307, %dma_wait3A_308] : memref<2x10x100xi32, #tpu.memory_space<vmem>> -> memref<1x10x100xi32, #tpu.memory_space<vmem>>
    %dma_wait3A_310 = tpu.memref_squeeze %dma_wait3A_309 : memref<1x10x100xi32, #tpu.memory_space<vmem>> -> memref<10x100xi32, #tpu.memory_space<vmem>>
    %dma_wait3A_311 = arith.constant 0 : i32
    %dma_wait3A_312 = tpu.memref_slice %dma_wait3A_310[%dma_wait3A_299, %dma_wait3A_311] : memref<10x100xi32, #tpu.memory_space<vmem>> -> memref<1x100xi32, #tpu.memory_space<vmem>>
    %dma_wait3A_313 = tpu.memref_squeeze %dma_wait3A_312 : memref<1x100xi32, #tpu.memory_space<vmem>> -> memref<100xi32, #tpu.memory_space<vmem>>
    %dma_wait3A_314 = arith.constant 0 : i32
    %dma_wait3A_315 = arith.constant 0 : i32
    %dma_wait3A_316 = tpu.memref_slice %arg9[%dma_wait3A_314, %dma_wait3A_315] : memref<51200x8xf32, #tpu.memory_space<vmem_shared>> -> memref<51200x8xf32, #tpu.memory_space<vmem_shared>>
    tpu.wait_indirect_dma semaphore(%arg11 : memref<!tpu.dma_semaphore, #tpu.memory_space<semaphore_mem>>) src(%dma_wait3A_306 : memref<100x8xf32, #tpu.memory_space<vmem>>) dst(%dma_wait3A_316 : memref<51200x8xf32, #tpu.memory_space<vmem_shared>>)
    %dma_wait3A_317 = arith.constant 0 : i32
    %dma_wait3A_318 = arith.constant 0 : i32
    %dma_wait3A_319 = arith.constant 5 : i32
    %dma_wait3A_320 = arith.constant 0 : i32
    %dma_wait3A_321 = arith.constant 0 : i32
    %dma_wait3A_322 = tpu.memref_slice %arg8[%dma_wait3A_317, %dma_wait3A_320, %dma_wait3A_321] : memref<2x1000x8xf32, #tpu.memory_space<vmem>> -> memref<1x1000x8xf32, #tpu.memory_space<vmem>>
    %dma_wait3A_323 = tpu.memref_squeeze %dma_wait3A_322 : memref<1x1000x8xf32, #tpu.memory_space<vmem>> -> memref<1000x8xf32, #tpu.memory_space<vmem>>
    %dma_wait3A_324 = arith.constant 500 : i32
    %dma_wait3A_325 = arith.constant 0 : i32
    %dma_wait3A_326 = tpu.memref_slice %dma_wait3A_323[%dma_wait3A_324, %dma_wait3A_325] : memref<1000x8xf32, #tpu.memory_space<vmem>> -> memref<100x8xf32, #tpu.memory_space<vmem>>
    %dma_wait3A_327 = arith.constant 0 : i32
    %dma_wait3A_328 = arith.constant 0 : i32
    %dma_wait3A_329 = tpu.memref_slice %arg7[%dma_wait3A_318, %dma_wait3A_327, %dma_wait3A_328] : memref<2x10x100xi32, #tpu.memory_space<vmem>> -> memref<1x10x100xi32, #tpu.memory_space<vmem>>
    %dma_wait3A_330 = tpu.memref_squeeze %dma_wait3A_329 : memref<1x10x100xi32, #tpu.memory_space<vmem>> -> memref<10x100xi32, #tpu.memory_space<vmem>>
    %dma_wait3A_331 = arith.constant 0 : i32
    %dma_wait3A_332 = tpu.memref_slice %dma_wait3A_330[%dma_wait3A_319, %dma_wait3A_331] : memref<10x100xi32, #tpu.memory_space<vmem>> -> memref<1x100xi32, #tpu.memory_space<vmem>>
    %dma_wait3A_333 = tpu.memref_squeeze %dma_wait3A_332 : memref<1x100xi32, #tpu.memory_space<vmem>> -> memref<100xi32, #tpu.memory_space<vmem>>
    %dma_wait3A_334 = arith.constant 0 : i32
    %dma_wait3A_335 = arith.constant 0 : i32
    %dma_wait3A_336 = tpu.memref_slice %arg9[%dma_wait3A_334, %dma_wait3A_335] : memref<51200x8xf32, #tpu.memory_space<vmem_shared>> -> memref<51200x8xf32, #tpu.memory_space<vmem_shared>>
    tpu.wait_indirect_dma semaphore(%arg11 : memref<!tpu.dma_semaphore, #tpu.memory_space<semaphore_mem>>) src(%dma_wait3A_326 : memref<100x8xf32, #tpu.memory_space<vmem>>) dst(%dma_wait3A_336 : memref<51200x8xf32, #tpu.memory_space<vmem_shared>>)
    %dma_wait3A_337 = arith.constant 0 : i32
    %dma_wait3A_338 = arith.constant 0 : i32
    %dma_wait3A_339 = arith.constant 6 : i32
    %dma_wait3A_340 = arith.constant 0 : i32
    %dma_wait3A_341 = arith.constant 0 : i32
    %dma_wait3A_342 = tpu.memref_slice %arg8[%dma_wait3A_337, %dma_wait3A_340, %dma_wait3A_341] : memref<2x1000x8xf32, #tpu.memory_space<vmem>> -> memref<1x1000x8xf32, #tpu.memory_space<vmem>>
    %dma_wait3A_343 = tpu.memref_squeeze %dma_wait3A_342 : memref<1x1000x8xf32, #tpu.memory_space<vmem>> -> memref<1000x8xf32, #tpu.memory_space<vmem>>
    %dma_wait3A_344 = arith.constant 600 : i32
    %dma_wait3A_345 = arith.constant 0 : i32
    %dma_wait3A_346 = tpu.memref_slice %dma_wait3A_343[%dma_wait3A_344, %dma_wait3A_345] : memref<1000x8xf32, #tpu.memory_space<vmem>> -> memref<100x8xf32, #tpu.memory_space<vmem>>
    %dma_wait3A_347 = arith.constant 0 : i32
    %dma_wait3A_348 = arith.constant 0 : i32
    %dma_wait3A_349 = tpu.memref_slice %arg7[%dma_wait3A_338, %dma_wait3A_347, %dma_wait3A_348] : memref<2x10x100xi32, #tpu.memory_space<vmem>> -> memref<1x10x100xi32, #tpu.memory_space<vmem>>
    %dma_wait3A_350 = tpu.memref_squeeze %dma_wait3A_349 : memref<1x10x100xi32, #tpu.memory_space<vmem>> -> memref<10x100xi32, #tpu.memory_space<vmem>>
    %dma_wait3A_351 = arith.constant 0 : i32
    %dma_wait3A_352 = tpu.memref_slice %dma_wait3A_350[%dma_wait3A_339, %dma_wait3A_351] : memref<10x100xi32, #tpu.memory_space<vmem>> -> memref<1x100xi32, #tpu.memory_space<vmem>>
    %dma_wait3A_353 = tpu.memref_squeeze %dma_wait3A_352 : memref<1x100xi32, #tpu.memory_space<vmem>> -> memref<100xi32, #tpu.memory_space<vmem>>
    %dma_wait3A_354 = arith.constant 0 : i32
    %dma_wait3A_355 = arith.constant 0 : i32
    %dma_wait3A_356 = tpu.memref_slice %arg9[%dma_wait3A_354, %dma_wait3A_355] : memref<51200x8xf32, #tpu.memory_space<vmem_shared>> -> memref<51200x8xf32, #tpu.memory_space<vmem_shared>>
    tpu.wait_indirect_dma semaphore(%arg11 : memref<!tpu.dma_semaphore, #tpu.memory_space<semaphore_mem>>) src(%dma_wait3A_346 : memref<100x8xf32, #tpu.memory_space<vmem>>) dst(%dma_wait3A_356 : memref<51200x8xf32, #tpu.memory_space<vmem_shared>>)
    %dma_wait3A_357 = arith.constant 0 : i32
    %dma_wait3A_358 = arith.constant 0 : i32
    %dma_wait3A_359 = arith.constant 7 : i32
    %dma_wait3A_360 = arith.constant 0 : i32
    %dma_wait3A_361 = arith.constant 0 : i32
    %dma_wait3A_362 = tpu.memref_slice %arg8[%dma_wait3A_357, %dma_wait3A_360, %dma_wait3A_361] : memref<2x1000x8xf32, #tpu.memory_space<vmem>> -> memref<1x1000x8xf32, #tpu.memory_space<vmem>>
    %dma_wait3A_363 = tpu.memref_squeeze %dma_wait3A_362 : memref<1x1000x8xf32, #tpu.memory_space<vmem>> -> memref<1000x8xf32, #tpu.memory_space<vmem>>
    %dma_wait3A_364 = arith.constant 700 : i32
    %dma_wait3A_365 = arith.constant 0 : i32
    %dma_wait3A_366 = tpu.memref_slice %dma_wait3A_363[%dma_wait3A_364, %dma_wait3A_365] : memref<1000x8xf32, #tpu.memory_space<vmem>> -> memref<100x8xf32, #tpu.memory_space<vmem>>
    %dma_wait3A_367 = arith.constant 0 : i32
    %dma_wait3A_368 = arith.constant 0 : i32
    %dma_wait3A_369 = tpu.memref_slice %arg7[%dma_wait3A_358, %dma_wait3A_367, %dma_wait3A_368] : memref<2x10x100xi32, #tpu.memory_space<vmem>> -> memref<1x10x100xi32, #tpu.memory_space<vmem>>
    %dma_wait3A_370 = tpu.memref_squeeze %dma_wait3A_369 : memref<1x10x100xi32, #tpu.memory_space<vmem>> -> memref<10x100xi32, #tpu.memory_space<vmem>>
    %dma_wait3A_371 = arith.constant 0 : i32
    %dma_wait3A_372 = tpu.memref_slice %dma_wait3A_370[%dma_wait3A_359, %dma_wait3A_371] : memref<10x100xi32, #tpu.memory_space<vmem>> -> memref<1x100xi32, #tpu.memory_space<vmem>>
    %dma_wait3A_373 = tpu.memref_squeeze %dma_wait3A_372 : memref<1x100xi32, #tpu.memory_space<vmem>> -> memref<100xi32, #tpu.memory_space<vmem>>
    %dma_wait3A_374 = arith.constant 0 : i32
    %dma_wait3A_375 = arith.constant 0 : i32
    %dma_wait3A_376 = tpu.memref_slice %arg9[%dma_wait3A_374, %dma_wait3A_375] : memref<51200x8xf32, #tpu.memory_space<vmem_shared>> -> memref<51200x8xf32, #tpu.memory_space<vmem_shared>>
    tpu.wait_indirect_dma semaphore(%arg11 : memref<!tpu.dma_semaphore, #tpu.memory_space<semaphore_mem>>) src(%dma_wait3A_366 : memref<100x8xf32, #tpu.memory_space<vmem>>) dst(%dma_wait3A_376 : memref<51200x8xf32, #tpu.memory_space<vmem_shared>>)
    %dma_wait3A_377 = arith.constant 0 : i32
    %dma_wait3A_378 = arith.constant 0 : i32
    %dma_wait3A_379 = arith.constant 8 : i32
    %dma_wait3A_380 = arith.constant 0 : i32
    %dma_wait3A_381 = arith.constant 0 : i32
    %dma_wait3A_382 = tpu.memref_slice %arg8[%dma_wait3A_377, %dma_wait3A_380, %dma_wait3A_381] : memref<2x1000x8xf32, #tpu.memory_space<vmem>> -> memref<1x1000x8xf32, #tpu.memory_space<vmem>>
    %dma_wait3A_383 = tpu.memref_squeeze %dma_wait3A_382 : memref<1x1000x8xf32, #tpu.memory_space<vmem>> -> memref<1000x8xf32, #tpu.memory_space<vmem>>
    %dma_wait3A_384 = arith.constant 800 : i32
    %dma_wait3A_385 = arith.constant 0 : i32
    %dma_wait3A_386 = tpu.memref_slice %dma_wait3A_383[%dma_wait3A_384, %dma_wait3A_385] : memref<1000x8xf32, #tpu.memory_space<vmem>> -> memref<100x8xf32, #tpu.memory_space<vmem>>
    %dma_wait3A_387 = arith.constant 0 : i32
    %dma_wait3A_388 = arith.constant 0 : i32
    %dma_wait3A_389 = tpu.memref_slice %arg7[%dma_wait3A_378, %dma_wait3A_387, %dma_wait3A_388] : memref<2x10x100xi32, #tpu.memory_space<vmem>> -> memref<1x10x100xi32, #tpu.memory_space<vmem>>
    %dma_wait3A_390 = tpu.memref_squeeze %dma_wait3A_389 : memref<1x10x100xi32, #tpu.memory_space<vmem>> -> memref<10x100xi32, #tpu.memory_space<vmem>>
    %dma_wait3A_391 = arith.constant 0 : i32
    %dma_wait3A_392 = tpu.memref_slice %dma_wait3A_390[%dma_wait3A_379, %dma_wait3A_391] : memref<10x100xi32, #tpu.memory_space<vmem>> -> memref<1x100xi32, #tpu.memory_space<vmem>>
    %dma_wait3A_393 = tpu.memref_squeeze %dma_wait3A_392 : memref<1x100xi32, #tpu.memory_space<vmem>> -> memref<100xi32, #tpu.memory_space<vmem>>
    %dma_wait3A_394 = arith.constant 0 : i32
    %dma_wait3A_395 = arith.constant 0 : i32
    %dma_wait3A_396 = tpu.memref_slice %arg9[%dma_wait3A_394, %dma_wait3A_395] : memref<51200x8xf32, #tpu.memory_space<vmem_shared>> -> memref<51200x8xf32, #tpu.memory_space<vmem_shared>>
    tpu.wait_indirect_dma semaphore(%arg11 : memref<!tpu.dma_semaphore, #tpu.memory_space<semaphore_mem>>) src(%dma_wait3A_386 : memref<100x8xf32, #tpu.memory_space<vmem>>) dst(%dma_wait3A_396 : memref<51200x8xf32, #tpu.memory_space<vmem_shared>>)
    %dma_wait3A_397 = arith.constant 0 : i32
    %dma_wait3A_398 = arith.constant 0 : i32
    %dma_wait3A_399 = arith.constant 9 : i32
    %dma_wait3A_400 = arith.constant 0 : i32
    %dma_wait3A_401 = arith.constant 0 : i32
    %dma_wait3A_402 = tpu.memref_slice %arg8[%dma_wait3A_397, %dma_wait3A_400, %dma_wait3A_401] : memref<2x1000x8xf32, #tpu.memory_space<vmem>> -> memref<1x1000x8xf32, #tpu.memory_space<vmem>>
    %dma_wait3A_403 = tpu.memref_squeeze %dma_wait3A_402 : memref<1x1000x8xf32, #tpu.memory_space<vmem>> -> memref<1000x8xf32, #tpu.memory_space<vmem>>
    %dma_wait3A_404 = arith.constant 900 : i32
    %dma_wait3A_405 = arith.constant 0 : i32
    %dma_wait3A_406 = tpu.memref_slice %dma_wait3A_403[%dma_wait3A_404, %dma_wait3A_405] : memref<1000x8xf32, #tpu.memory_space<vmem>> -> memref<100x8xf32, #tpu.memory_space<vmem>>
    %dma_wait3A_407 = arith.constant 0 : i32
    %dma_wait3A_408 = arith.constant 0 : i32
    %dma_wait3A_409 = tpu.memref_slice %arg7[%dma_wait3A_398, %dma_wait3A_407, %dma_wait3A_408] : memref<2x10x100xi32, #tpu.memory_space<vmem>> -> memref<1x10x100xi32, #tpu.memory_space<vmem>>
    %dma_wait3A_410 = tpu.memref_squeeze %dma_wait3A_409 : memref<1x10x100xi32, #tpu.memory_space<vmem>> -> memref<10x100xi32, #tpu.memory_space<vmem>>
    %dma_wait3A_411 = arith.constant 0 : i32
    %dma_wait3A_412 = tpu.memref_slice %dma_wait3A_410[%dma_wait3A_399, %dma_wait3A_411] : memref<10x100xi32, #tpu.memory_space<vmem>> -> memref<1x100xi32, #tpu.memory_space<vmem>>
    %dma_wait3A_413 = tpu.memref_squeeze %dma_wait3A_412 : memref<1x100xi32, #tpu.memory_space<vmem>> -> memref<100xi32, #tpu.memory_space<vmem>>
    %dma_wait3A_414 = arith.constant 0 : i32
    %dma_wait3A_415 = arith.constant 0 : i32
    %dma_wait3A_416 = tpu.memref_slice %arg9[%dma_wait3A_414, %dma_wait3A_415] : memref<51200x8xf32, #tpu.memory_space<vmem_shared>> -> memref<51200x8xf32, #tpu.memory_space<vmem_shared>>
    tpu.wait_indirect_dma semaphore(%arg11 : memref<!tpu.dma_semaphore, #tpu.memory_space<semaphore_mem>>) src(%dma_wait3A_406 : memref<100x8xf32, #tpu.memory_space<vmem>>) dst(%dma_wait3A_416 : memref<51200x8xf32, #tpu.memory_space<vmem_shared>>)
    %barrier3A_417 = arith.constant 0 : index
    tpu.barrier barrier_id(%barrier3A_417)
    %mul3A_418 = arith.constant 3200 : i32
    %mul3A_419 = arith.muli %arg1, %mul3A_418 : i32
    %mul3A_420 = arith.constant 3200 : i32
    %mul3A_421 = arith.muli %arg1, %mul3A_420 : i32
    "tpu.region"() ({
      %run_scoped3A_422 = tpu.sem_alloc : memref<!tpu.dma_semaphore, #tpu.memory_space<semaphore_mem>>
      %dma_start3A_423 = arith.constant 0 : i32
      %dma_start3A_424 = tpu.memref_slice %arg5[%arg0, %mul3A_421, %dma_start3A_423] : memref<2x51200x8xf32, #tpu.memory_space<hbm>> -> memref<1x3200x8xf32, #tpu.memory_space<hbm>>
      %dma_start3A_425 = tpu.memref_squeeze %dma_start3A_424 : memref<1x3200x8xf32, #tpu.memory_space<hbm>> -> memref<3200x8xf32, #tpu.memory_space<hbm>>
      %dma_start3A_426 = arith.constant 0 : i32
      %dma_start3A_427 = tpu.memref_slice %arg9[%mul3A_419, %dma_start3A_426] : memref<51200x8xf32, #tpu.memory_space<vmem_shared>> -> memref<3200x8xf32, #tpu.memory_space<vmem_shared>>
      tpu.enqueue_dma source(%dma_start3A_427 : memref<3200x8xf32, #tpu.memory_space<vmem_shared>>) target(%dma_start3A_425 : memref<3200x8xf32, #tpu.memory_space<hbm>>) target_semaphore(%run_scoped3A_422 : memref<!tpu.dma_semaphore, #tpu.memory_space<semaphore_mem>>)
      %dma_wait3A_428 = arith.constant 0 : i32
      %dma_wait3A_429 = tpu.memref_slice %arg5[%arg0, %mul3A_421, %dma_wait3A_428] : memref<2x51200x8xf32, #tpu.memory_space<hbm>> -> memref<1x3200x8xf32, #tpu.memory_space<hbm>>
      %dma_wait3A_430 = tpu.memref_squeeze %dma_wait3A_429 : memref<1x3200x8xf32, #tpu.memory_space<hbm>> -> memref<3200x8xf32, #tpu.memory_space<hbm>>
      %dma_wait3A_431 = arith.constant 0 : i32
      %dma_wait3A_432 = tpu.memref_slice %arg9[%mul3A_419, %dma_wait3A_431] : memref<51200x8xf32, #tpu.memory_space<vmem_shared>> -> memref<3200x8xf32, #tpu.memory_space<vmem_shared>>
      tpu.wait_dma2 semaphore(%run_scoped3A_422 : memref<!tpu.dma_semaphore, #tpu.memory_space<semaphore_mem>>) src(%dma_wait3A_432 : memref<3200x8xf32, #tpu.memory_space<vmem_shared>>) dst(%dma_wait3A_430 : memref<3200x8xf32, #tpu.memory_space<hbm>>)
      tpu.yield
    }) : () -> ()
    return
  }
}

module attributes {stable_mosaic.version = 14 : i64} {
  func.func @_tab_body(%arg0: i32, %arg1: memref<256x128xf32, #tpu.memory_space<vmem>>, %arg2: memref<320x256xf32, #tpu.memory_space<vmem>>, %arg3: memref<320x128xf32, #tpu.memory_space<vmem>>) attributes {dimension_semantics = [#tpu.dimension_semantics<arbitrary>], iteration_bounds = array<i64: 10>, scalar_prefetch = 0 : i64, scratch_operands = 0 : i64, tpu.core_type = #tpu.core_type<tc>, window_params = [{pipeline_mode = #tpu.pipeline_mode<synchronous>, transform_indices = @transform_0, window_bounds = array<i64: 256, 128>}, {transform_indices = @transform_1, window_bounds = array<i64: 320, 256>}, {transform_indices = @transform_2, window_bounds = array<i64: 320, 128>}]} {
    %get3A = arith.constant 0 : index
    %get3A_0 = arith.constant 0 : index
    %get3A_1 = vector.load %arg2[%get3A, %get3A_0] : memref<320x256xf32, #tpu.memory_space<vmem>>, vector<320x256xf32>
    %get3A_2 = arith.constant 0 : index
    %get3A_3 = arith.constant 0 : index
    %get3A_4 = vector.load %arg1[%get3A_2, %get3A_3] : memref<256x128xf32, #tpu.memory_space<vmem>>, vector<256x128xf32>
    %dot_general3A = arith.constant dense<0.000000e+00> : vector<320x128xf32>
    %dot_general3A_5 = tpu.matmul %get3A_1, %get3A_4, %dot_general3A {dimension_numbers = #tpu.dot_dimension_numbers<[1], [0], [0], [1], [0, 0, 1, 1], [], []>, transpose_lhs_hint = false} : vector<320x256xf32>, vector<256x128xf32>, vector<320x128xf32> -> vector<320x128xf32>
    %swap3A = arith.constant 0 : index
    %swap3A_6 = arith.constant 0 : index
    %swap3A_7 = vector.load %arg3[%swap3A, %swap3A_6] : memref<320x128xf32, #tpu.memory_space<vmem>>, vector<320x128xf32>
    tpu.vector_store %arg3[%swap3A, %swap3A_6], %dot_general3A_5 {strides = array<i32>} : memref<320x128xf32, #tpu.memory_space<vmem>>, vector<320x128xf32>,
    return
  }
  func.func @transform_0(%arg0: i32) -> (i32, i32) {
    %c0_i32 = arith.constant 0 : i32
    %c0_i32_0 = arith.constant 0 : i32
    %c0_i32_1 = arith.constant 0 : i32
    return %c0_i32, %c0_i32_0 : i32, i32
  }
  func.func @transform_1(%arg0: i32) -> (i32, i32) {
    %c0_i32 = arith.constant 0 : i32
    %c0_i32_0 = arith.constant 0 : i32
    return %arg0, %c0_i32 : i32, i32
  }
  func.func @transform_2(%arg0: i32) -> (i32, i32) {
    %c0_i32 = arith.constant 0 : i32
    %c0_i32_0 = arith.constant 0 : i32
    return %arg0, %c0_i32 : i32, i32
  }
}

module attributes {stable_mosaic.version = 14 : i64} {
  func.func @_u_body(%arg0: i32, %arg1: memref<5x128x128xf32, #tpu.memory_space<vmem>>, %arg2: memref<1x128xf32, #tpu.memory_space<vmem>>, %arg3: memref<320x128xf32, #tpu.memory_space<vmem>>, %arg4: memref<1x320x128xf32, #tpu.memory_space<vmem>>, %arg5: memref<1x320x128xf32, #tpu.memory_space<vmem>>, %arg6: memref<320x128xf32, #tpu.memory_space<vmem>>) attributes {dimension_semantics = [#tpu.dimension_semantics<arbitrary>], iteration_bounds = array<i64: 10>, scalar_prefetch = 0 : i64, scratch_operands = 0 : i64, tpu.core_type = #tpu.core_type<tc>, window_params = [{pipeline_mode = #tpu.pipeline_mode<synchronous>, transform_indices = @transform_0, window_bounds = array<i64: 5, 128, 128>}, {pipeline_mode = #tpu.pipeline_mode<synchronous>, transform_indices = @transform_1, window_bounds = array<i64: 1, 128>}, {transform_indices = @transform_2, window_bounds = array<i64: 320, 128>}, {transform_indices = @transform_3, window_bounds = array<i64: 1, 320, 128>}, {transform_indices = @transform_4, window_bounds = array<i64: 1, 320, 128>}, {transform_indices = @transform_5, window_bounds = array<i64: 320, 128>}]} {
    %get3A = arith.constant 0 : index
    %get3A_0 = arith.constant 0 : index
    %get3A_1 = arith.constant 0 : index
    %get3A_2 = vector.load %arg4[%get3A, %get3A_0, %get3A_1] : memref<1x320x128xf32, #tpu.memory_space<vmem>>, vector<1x320x128xf32>
    %get3A_3 = vector.shape_cast %get3A_2 : vector<1x320x128xf32> to vector<320x128xf32>
    %get3A_4 = arith.constant 0 : index
    %get3A_5 = arith.constant 0 : index
    %get3A_6 = arith.constant 0 : index
    %get3A_7 = vector.load %arg5[%get3A_4, %get3A_5, %get3A_6] : memref<1x320x128xf32, #tpu.memory_space<vmem>>, vector<1x320x128xf32>
    %get3A_8 = vector.shape_cast %get3A_7 : vector<1x320x128xf32> to vector<320x128xf32>
    %add3A = arith.addf %get3A_3, %get3A_8 : vector<320x128xf32>
    %get3A_9 = arith.constant 0 : index
    %get3A_10 = arith.constant 0 : index
    %get3A_11 = arith.constant 0 : index
    %get3A_12 = vector.load %arg1[%get3A_9, %get3A_10, %get3A_11] : memref<5x128x128xf32, #tpu.memory_space<vmem>>, vector<1x128x128xf32>
    %get3A_13 = vector.shape_cast %get3A_12 : vector<1x128x128xf32> to vector<128x128xf32>
    %get3A_14 = arith.constant 1 : index
    %get3A_15 = arith.constant 0 : index
    %get3A_16 = arith.constant 0 : index
    %get3A_17 = vector.load %arg1[%get3A_14, %get3A_15, %get3A_16] : memref<5x128x128xf32, #tpu.memory_space<vmem>>, vector<1x128x128xf32>
    %get3A_18 = vector.shape_cast %get3A_17 : vector<1x128x128xf32> to vector<128x128xf32>
    %get3A_19 = arith.constant 2 : index
    %get3A_20 = arith.constant 0 : index
    %get3A_21 = arith.constant 0 : index
    %get3A_22 = vector.load %arg1[%get3A_19, %get3A_20, %get3A_21] : memref<5x128x128xf32, #tpu.memory_space<vmem>>, vector<1x128x128xf32>
    %get3A_23 = vector.shape_cast %get3A_22 : vector<1x128x128xf32> to vector<128x128xf32>
    %get3A_24 = arith.constant 0 : index
    %get3A_25 = arith.constant 0 : index
    %get3A_26 = vector.load %arg2[%get3A_24, %get3A_25] : memref<1x128xf32, #tpu.memory_space<vmem>>, vector<1x1xf32>
    %dot_general3A = arith.constant dense<0.000000e+00> : vector<320x128xf32>
    %dot_general3A_27 = tpu.matmul %add3A, %get3A_13, %dot_general3A {dimension_numbers = #tpu.dot_dimension_numbers<[1], [0], [0], [1], [0, 0, 1, 1], [], []>, transpose_lhs_hint = false} : vector<320x128xf32>, vector<128x128xf32>, vector<320x128xf32> -> vector<320x128xf32>
    %max3A = arith.constant 1.000000e+00 : f32
    %max3A_28 = vector.broadcast %max3A : f32 to vector<320x128xf32>
    %max3A_29 = arith.maximumf %dot_general3A_27, %max3A_28 : vector<320x128xf32>
    %div3A = arith.constant 1.000000e+00 : f32
    %div3A_30 = vector.broadcast %div3A : f32 to vector<320x128xf32>
    %div3A_31 = arith.divf %div3A_30, %max3A_29 : vector<320x128xf32>
    %ge3A = arith.constant 5.000000e-01 : f32
    %ge3A_32 = vector.broadcast %ge3A : f32 to vector<320x128xf32>
    %ge3A_33 = arith.cmpf oge, %dot_general3A_27, %ge3A_32 : vector<320x128xf32>
    %convert_element_type3A = arith.extui %ge3A_33 : vector<320x128xi1> to vector<320x128xi32>
    %convert_element_type3A_34 = arith.sitofp %convert_element_type3A : vector<320x128xi32> to vector<320x128xf32>
    %dot_general3A_35 = arith.constant dense<0.000000e+00> : vector<320x128xf32>
    %dot_general3A_36 = tpu.matmul %add3A, %get3A_18, %dot_general3A_35 {dimension_numbers = #tpu.dot_dimension_numbers<[1], [0], [0], [1], [0, 0, 1, 1], [], []>, transpose_lhs_hint = false} : vector<320x128xf32>, vector<128x128xf32>, vector<320x128xf32> -> vector<320x128xf32>
    %get3A_37 = arith.constant 0 : index
    %get3A_38 = arith.constant 0 : index
    %get3A_39 = vector.load %arg3[%get3A_37, %get3A_38] : memref<320x128xf32, #tpu.memory_space<vmem>>, vector<320x128xf32>
    %dot_general3A_40 = arith.constant dense<0.000000e+00> : vector<320x128xf32>
    %dot_general3A_41 = tpu.matmul %get3A_39, %get3A_23, %dot_general3A_40 {dimension_numbers = #tpu.dot_dimension_numbers<[1], [0], [0], [1], [0, 0, 1, 1], [], []>, transpose_lhs_hint = false} : vector<320x128xf32>, vector<128x128xf32>, vector<320x128xf32> -> vector<320x128xf32>
    %mul3A = arith.mulf %convert_element_type3A_34, %dot_general3A_41 : vector<320x128xf32>
    %mul3A_42 = arith.mulf %div3A_31, %dot_general3A_36 : vector<320x128xf32>
    %add3A_43 = arith.addf %mul3A, %mul3A_42 : vector<320x128xf32>
    %add3A_44 = vector.broadcast %get3A_26 : vector<1x1xf32> to vector<320x128xf32>
    %add3A_45 = arith.addf %add3A_43, %add3A_44 : vector<320x128xf32>
    %swap3A = arith.constant 0 : index
    %swap3A_46 = arith.constant 0 : index
    %swap3A_47 = vector.load %arg6[%swap3A, %swap3A_46] : memref<320x128xf32, #tpu.memory_space<vmem>>, vector<320x128xf32>
    tpu.vector_store %arg6[%swap3A, %swap3A_46], %add3A_45 {strides = array<i32>} : memref<320x128xf32, #tpu.memory_space<vmem>>, vector<320x128xf32>,
    return
  }
  func.func @transform_0(%arg0: i32) -> (i32, i32, i32) {
    %c0_i32 = arith.constant 0 : i32
    %c0_i32_0 = arith.constant 0 : i32
    %c0_i32_1 = arith.constant 0 : i32
    %c0_i32_2 = arith.constant 0 : i32
    return %c0_i32, %c0_i32_0, %c0_i32_1 : i32, i32, i32
  }
  func.func @transform_1(%arg0: i32) -> (i32, i32) {
    %c0_i32 = arith.constant 0 : i32
    %c0_i32_0 = arith.constant 0 : i32
    %c0_i32_1 = arith.constant 0 : i32
    return %c0_i32, %c0_i32_0 : i32, i32
  }
  func.func @transform_2(%arg0: i32) -> (i32, i32) {
    %c0_i32 = arith.constant 0 : i32
    %c0_i32_0 = arith.constant 0 : i32
    return %arg0, %c0_i32 : i32, i32
  }
  func.func @transform_3(%arg0: i32) -> (i32, i32, i32) {
    %c0_i32 = arith.constant 0 : i32
    %c0_i32_0 = arith.constant 0 : i32
    %c0_i32_1 = arith.constant 0 : i32
    return %c0_i32, %arg0, %c0_i32_0 : i32, i32, i32
  }
  func.func @transform_4(%arg0: i32) -> (i32, i32, i32) {
    %c1_i32 = arith.constant 1 : i32
    %c0_i32 = arith.constant 0 : i32
    %c0_i32_0 = arith.constant 0 : i32
    return %c1_i32, %arg0, %c0_i32 : i32, i32, i32
  }
  func.func @transform_5(%arg0: i32) -> (i32, i32) {
    %c0_i32 = arith.constant 0 : i32
    %c0_i32_0 = arith.constant 0 : i32
    return %arg0, %c0_i32 : i32, i32
  }
}

module attributes {stable_mosaic.version = 14 : i64} {
  func.func @_out_body(%arg0: i32, %arg1: memref<5x128x128xf32, #tpu.memory_space<vmem>>, %arg2: memref<1x128xf32, #tpu.memory_space<vmem>>, %arg3: memref<8x128x128xf32, #tpu.memory_space<vmem>>, %arg4: memref<8x40x320xf32, #tpu.memory_space<vmem>>, %arg5: memref<320x128xf32, #tpu.memory_space<vmem>>, %arg6: memref<1x320x128xf32, #tpu.memory_space<vmem>>, %arg7: memref<1x320x128xf32, #tpu.memory_space<vmem>>, %arg8: memref<1x320x128xf32, #tpu.memory_space<vmem>>, %arg9: memref<1x320x128xf32, #tpu.memory_space<vmem>>, %arg10: memref<40x128xf32, #tpu.memory_space<vmem>>) attributes {dimension_semantics = [#tpu.dimension_semantics<arbitrary>], iteration_bounds = array<i64: 10>, scalar_prefetch = 0 : i64, scratch_operands = 0 : i64, tpu.core_type = #tpu.core_type<tc>, window_params = [{pipeline_mode = #tpu.pipeline_mode<synchronous>, transform_indices = @transform_0, window_bounds = array<i64: 5, 128, 128>}, {pipeline_mode = #tpu.pipeline_mode<synchronous>, transform_indices = @transform_1, window_bounds = array<i64: 1, 128>}, {pipeline_mode = #tpu.pipeline_mode<synchronous>, transform_indices = @transform_2, window_bounds = array<i64: 8, 128, 128>}, {pipeline_mode = #tpu.pipeline_mode<synchronous>, transform_indices = @transform_3, window_bounds = array<i64: 8, 40, 320>}, {transform_indices = @transform_4, window_bounds = array<i64: 320, 128>}, {transform_indices = @transform_5, window_bounds = array<i64: 1, 320, 128>}, {transform_indices = @transform_6, window_bounds = array<i64: 1, 320, 128>}, {transform_indices = @transform_7, window_bounds = array<i64: 1, 320, 128>}, {transform_indices = @transform_8, window_bounds = array<i64: 1, 320, 128>}, {transform_indices = @transform_9, window_bounds = array<i64: 40, 128>}]} {
    %get3A = arith.constant 0 : index
    %get3A_0 = arith.constant 0 : index
    %get3A_1 = arith.constant 0 : index
    %get3A_2 = vector.load %arg6[%get3A, %get3A_0, %get3A_1] : memref<1x320x128xf32, #tpu.memory_space<vmem>>, vector<1x320x128xf32>
    %get3A_3 = vector.shape_cast %get3A_2 : vector<1x320x128xf32> to vector<320x128xf32>
    %get3A_4 = arith.constant 0 : index
    %get3A_5 = arith.constant 0 : index
    %get3A_6 = arith.constant 0 : index
    %get3A_7 = vector.load %arg7[%get3A_4, %get3A_5, %get3A_6] : memref<1x320x128xf32, #tpu.memory_space<vmem>>, vector<1x320x128xf32>
    %get3A_8 = vector.shape_cast %get3A_7 : vector<1x320x128xf32> to vector<320x128xf32>
    %add3A = arith.addf %get3A_3, %get3A_8 : vector<320x128xf32>
    %get3A_9 = arith.constant 0 : index
    %get3A_10 = arith.constant 0 : index
    %get3A_11 = arith.constant 0 : index
    %get3A_12 = vector.load %arg8[%get3A_9, %get3A_10, %get3A_11] : memref<1x320x128xf32, #tpu.memory_space<vmem>>, vector<1x320x128xf32>
    %get3A_13 = vector.shape_cast %get3A_12 : vector<1x320x128xf32> to vector<320x128xf32>
    %get3A_14 = arith.constant 0 : index
    %get3A_15 = arith.constant 0 : index
    %get3A_16 = arith.constant 0 : index
    %get3A_17 = vector.load %arg9[%get3A_14, %get3A_15, %get3A_16] : memref<1x320x128xf32, #tpu.memory_space<vmem>>, vector<1x320x128xf32>
    %get3A_18 = vector.shape_cast %get3A_17 : vector<1x320x128xf32> to vector<320x128xf32>
    %add3A_19 = arith.addf %get3A_13, %get3A_18 : vector<320x128xf32>
    %get3A_20 = arith.constant 0 : index
    %get3A_21 = arith.constant 0 : index
    %get3A_22 = arith.constant 0 : index
    %get3A_23 = vector.load %arg1[%get3A_20, %get3A_21, %get3A_22] : memref<5x128x128xf32, #tpu.memory_space<vmem>>, vector<1x128x128xf32>
    %get3A_24 = vector.shape_cast %get3A_23 : vector<1x128x128xf32> to vector<128x128xf32>
    %get3A_25 = arith.constant 1 : index
    %get3A_26 = arith.constant 0 : index
    %get3A_27 = arith.constant 0 : index
    %get3A_28 = vector.load %arg1[%get3A_25, %get3A_26, %get3A_27] : memref<5x128x128xf32, #tpu.memory_space<vmem>>, vector<1x128x128xf32>
    %get3A_29 = vector.shape_cast %get3A_28 : vector<1x128x128xf32> to vector<128x128xf32>
    %get3A_30 = arith.constant 3 : index
    %get3A_31 = arith.constant 0 : index
    %get3A_32 = arith.constant 0 : index
    %get3A_33 = vector.load %arg1[%get3A_30, %get3A_31, %get3A_32] : memref<5x128x128xf32, #tpu.memory_space<vmem>>, vector<1x128x128xf32>
    %get3A_34 = vector.shape_cast %get3A_33 : vector<1x128x128xf32> to vector<128x128xf32>
    %get3A_35 = arith.constant 4 : index
    %get3A_36 = arith.constant 0 : index
    %get3A_37 = arith.constant 0 : index
    %get3A_38 = vector.load %arg1[%get3A_35, %get3A_36, %get3A_37] : memref<5x128x128xf32, #tpu.memory_space<vmem>>, vector<1x128x128xf32>
    %get3A_39 = vector.shape_cast %get3A_38 : vector<1x128x128xf32> to vector<128x128xf32>
    %get3A_40 = arith.constant 0 : index
    %get3A_41 = arith.constant 1 : index
    %get3A_42 = vector.load %arg2[%get3A_40, %get3A_41] : memref<1x128xf32, #tpu.memory_space<vmem>>, vector<1x1xf32>
    %get3A_43 = arith.constant 0 : index
    %get3A_44 = arith.constant 2 : index
    %get3A_45 = vector.load %arg2[%get3A_43, %get3A_44] : memref<1x128xf32, #tpu.memory_space<vmem>>, vector<1x1xf32>
    %dot_general3A = arith.constant dense<0.000000e+00> : vector<320x128xf32>
    %dot_general3A_46 = tpu.matmul %add3A, %get3A_24, %dot_general3A {dimension_numbers = #tpu.dot_dimension_numbers<[1], [0], [0], [1], [0, 0, 1, 1], [], []>, transpose_lhs_hint = false} : vector<320x128xf32>, vector<128x128xf32>, vector<320x128xf32> -> vector<320x128xf32>
    %max3A = arith.constant 1.000000e+00 : f32
    %max3A_47 = vector.broadcast %max3A : f32 to vector<320x128xf32>
    %max3A_48 = arith.maximumf %dot_general3A_46, %max3A_47 : vector<320x128xf32>
    %div3A = arith.constant 1.000000e+00 : f32
    %div3A_49 = vector.broadcast %div3A : f32 to vector<320x128xf32>
    %div3A_50 = arith.divf %div3A_49, %max3A_48 : vector<320x128xf32>
    %ge3A = arith.constant 5.000000e-01 : f32
    %ge3A_51 = vector.broadcast %ge3A : f32 to vector<320x128xf32>
    %ge3A_52 = arith.cmpf oge, %dot_general3A_46, %ge3A_51 : vector<320x128xf32>
    %convert_element_type3A = arith.extui %ge3A_52 : vector<320x128xi1> to vector<320x128xi32>
    %convert_element_type3A_53 = arith.sitofp %convert_element_type3A : vector<320x128xi32> to vector<320x128xf32>
    %dot_general3A_54 = arith.constant dense<0.000000e+00> : vector<320x128xf32>
    %dot_general3A_55 = tpu.matmul %add3A, %get3A_34, %dot_general3A_54 {dimension_numbers = #tpu.dot_dimension_numbers<[1], [0], [0], [1], [0, 0, 1, 1], [], []>, transpose_lhs_hint = false} : vector<320x128xf32>, vector<128x128xf32>, vector<320x128xf32> -> vector<320x128xf32>
    %get3A_56 = arith.constant 0 : index
    %get3A_57 = arith.constant 0 : index
    %get3A_58 = vector.load %arg5[%get3A_56, %get3A_57] : memref<320x128xf32, #tpu.memory_space<vmem>>, vector<320x128xf32>
    %dot_general3A_59 = arith.constant dense<0.000000e+00> : vector<320x128xf32>
    %dot_general3A_60 = tpu.matmul %get3A_58, %get3A_39, %dot_general3A_59 {dimension_numbers = #tpu.dot_dimension_numbers<[1], [0], [0], [1], [0, 0, 1, 1], [], []>, transpose_lhs_hint = false} : vector<320x128xf32>, vector<128x128xf32>, vector<320x128xf32> -> vector<320x128xf32>
    %dot_general3A_61 = arith.constant dense<0.000000e+00> : vector<320x128xf32>
    %dot_general3A_62 = tpu.matmul %add3A_19, %get3A_29, %dot_general3A_61 {dimension_numbers = #tpu.dot_dimension_numbers<[1], [0], [0], [1], [0, 0, 1, 1], [], []>, transpose_lhs_hint = false} : vector<320x128xf32>, vector<128x128xf32>, vector<320x128xf32> -> vector<320x128xf32>
    %mul3A = arith.mulf %convert_element_type3A_53, %dot_general3A_60 : vector<320x128xf32>
    %mul3A_63 = arith.mulf %div3A_50, %dot_general3A_55 : vector<320x128xf32>
    %add3A_64 = arith.addf %mul3A, %mul3A_63 : vector<320x128xf32>
    %mul3A_65 = vector.broadcast %get3A_42 : vector<1x1xf32> to vector<320x128xf32>
    %mul3A_66 = arith.mulf %convert_element_type3A_53, %mul3A_65 : vector<320x128xf32>
    %add3A_67 = arith.addf %add3A_64, %mul3A_66 : vector<320x128xf32>
    %mul3A_68 = arith.mulf %div3A_50, %dot_general3A_62 : vector<320x128xf32>
    %add3A_69 = arith.addf %add3A_67, %mul3A_68 : vector<320x128xf32>
    %add3A_70 = vector.broadcast %get3A_45 : vector<1x1xf32> to vector<320x128xf32>
    %add3A_71 = arith.addf %add3A_69, %add3A_70 : vector<320x128xf32>
    %broadcast_in_dim3A = arith.constant 0.000000e+00 : f32
    %broadcast_in_dim3A_72 = vector.broadcast %broadcast_in_dim3A : f32 to vector<40x128xf32>
    %get3A_73 = arith.constant 0 : index
    %get3A_74 = arith.constant 0 : index
    %get3A_75 = arith.constant 0 : index
    %get3A_76 = vector.load %arg4[%get3A_73, %get3A_74, %get3A_75] : memref<8x40x320xf32, #tpu.memory_space<vmem>>, vector<1x40x320xf32>
    %get3A_77 = vector.shape_cast %get3A_76 : vector<1x40x320xf32> to vector<40x320xf32>
    %get3A_78 = arith.constant 0 : index
    %get3A_79 = arith.constant 0 : index
    %get3A_80 = arith.constant 0 : index
    %get3A_81 = vector.load %arg3[%get3A_78, %get3A_79, %get3A_80] : memref<8x128x128xf32, #tpu.memory_space<vmem>>, vector<1x128x128xf32>
    %get3A_82 = vector.shape_cast %get3A_81 : vector<1x128x128xf32> to vector<128x128xf32>
    %dot_general3A_83 = arith.constant dense<0.000000e+00> : vector<320x128xf32>
    %dot_general3A_84 = tpu.matmul %add3A_71, %get3A_82, %dot_general3A_83 {dimension_numbers = #tpu.dot_dimension_numbers<[1], [0], [0], [1], [0, 0, 1, 1], [], []>, transpose_lhs_hint = false} : vector<320x128xf32>, vector<128x128xf32>, vector<320x128xf32> -> vector<320x128xf32>
    %dot_general3A_85 = arith.constant dense<0.000000e+00> : vector<40x128xf32>
    %dot_general3A_86 = tpu.matmul %get3A_77, %dot_general3A_84, %dot_general3A_85 {dimension_numbers = #tpu.dot_dimension_numbers<[1], [0], [0], [1], [0, 0, 1, 1], [], []>, transpose_lhs_hint = false} : vector<40x320xf32>, vector<320x128xf32>, vector<40x128xf32> -> vector<40x128xf32>
    %add3A_87 = arith.addf %broadcast_in_dim3A_72, %dot_general3A_86 : vector<40x128xf32>
    %get3A_88 = arith.constant 1 : index
    %get3A_89 = arith.constant 0 : index
    %get3A_90 = arith.constant 0 : index
    %get3A_91 = vector.load %arg4[%get3A_88, %get3A_89, %get3A_90] : memref<8x40x320xf32, #tpu.memory_space<vmem>>, vector<1x40x320xf32>
    %get3A_92 = vector.shape_cast %get3A_91 : vector<1x40x320xf32> to vector<40x320xf32>
    %get3A_93 = arith.constant 1 : index
    %get3A_94 = arith.constant 0 : index
    %get3A_95 = arith.constant 0 : index
    %get3A_96 = vector.load %arg3[%get3A_93, %get3A_94, %get3A_95] : memref<8x128x128xf32, #tpu.memory_space<vmem>>, vector<1x128x128xf32>
    %get3A_97 = vector.shape_cast %get3A_96 : vector<1x128x128xf32> to vector<128x128xf32>
    %dot_general3A_98 = arith.constant dense<0.000000e+00> : vector<320x128xf32>
    %dot_general3A_99 = tpu.matmul %add3A_71, %get3A_97, %dot_general3A_98 {dimension_numbers = #tpu.dot_dimension_numbers<[1], [0], [0], [1], [0, 0, 1, 1], [], []>, transpose_lhs_hint = false} : vector<320x128xf32>, vector<128x128xf32>, vector<320x128xf32> -> vector<320x128xf32>
    %dot_general3A_100 = arith.constant dense<0.000000e+00> : vector<40x128xf32>
    %dot_general3A_101 = tpu.matmul %get3A_92, %dot_general3A_99, %dot_general3A_100 {dimension_numbers = #tpu.dot_dimension_numbers<[1], [0], [0], [1], [0, 0, 1, 1], [], []>, transpose_lhs_hint = false} : vector<40x320xf32>, vector<320x128xf32>, vector<40x128xf32> -> vector<40x128xf32>
    %add3A_102 = arith.addf %add3A_87, %dot_general3A_101 : vector<40x128xf32>
    %get3A_103 = arith.constant 2 : index
    %get3A_104 = arith.constant 0 : index
    %get3A_105 = arith.constant 0 : index
    %get3A_106 = vector.load %arg4[%get3A_103, %get3A_104, %get3A_105] : memref<8x40x320xf32, #tpu.memory_space<vmem>>, vector<1x40x320xf32>
    %get3A_107 = vector.shape_cast %get3A_106 : vector<1x40x320xf32> to vector<40x320xf32>
    %get3A_108 = arith.constant 2 : index
    %get3A_109 = arith.constant 0 : index
    %get3A_110 = arith.constant 0 : index
    %get3A_111 = vector.load %arg3[%get3A_108, %get3A_109, %get3A_110] : memref<8x128x128xf32, #tpu.memory_space<vmem>>, vector<1x128x128xf32>
    %get3A_112 = vector.shape_cast %get3A_111 : vector<1x128x128xf32> to vector<128x128xf32>
    %dot_general3A_113 = arith.constant dense<0.000000e+00> : vector<320x128xf32>
    %dot_general3A_114 = tpu.matmul %add3A_71, %get3A_112, %dot_general3A_113 {dimension_numbers = #tpu.dot_dimension_numbers<[1], [0], [0], [1], [0, 0, 1, 1], [], []>, transpose_lhs_hint = false} : vector<320x128xf32>, vector<128x128xf32>, vector<320x128xf32> -> vector<320x128xf32>
    %dot_general3A_115 = arith.constant dense<0.000000e+00> : vector<40x128xf32>
    %dot_general3A_116 = tpu.matmul %get3A_107, %dot_general3A_114, %dot_general3A_115 {dimension_numbers = #tpu.dot_dimension_numbers<[1], [0], [0], [1], [0, 0, 1, 1], [], []>, transpose_lhs_hint = false} : vector<40x320xf32>, vector<320x128xf32>, vector<40x128xf32> -> vector<40x128xf32>
    %add3A_117 = arith.addf %add3A_102, %dot_general3A_116 : vector<40x128xf32>
    %get3A_118 = arith.constant 3 : index
    %get3A_119 = arith.constant 0 : index
    %get3A_120 = arith.constant 0 : index
    %get3A_121 = vector.load %arg4[%get3A_118, %get3A_119, %get3A_120] : memref<8x40x320xf32, #tpu.memory_space<vmem>>, vector<1x40x320xf32>
    %get3A_122 = vector.shape_cast %get3A_121 : vector<1x40x320xf32> to vector<40x320xf32>
    %get3A_123 = arith.constant 3 : index
    %get3A_124 = arith.constant 0 : index
    %get3A_125 = arith.constant 0 : index
    %get3A_126 = vector.load %arg3[%get3A_123, %get3A_124, %get3A_125] : memref<8x128x128xf32, #tpu.memory_space<vmem>>, vector<1x128x128xf32>
    %get3A_127 = vector.shape_cast %get3A_126 : vector<1x128x128xf32> to vector<128x128xf32>
    %dot_general3A_128 = arith.constant dense<0.000000e+00> : vector<320x128xf32>
    %dot_general3A_129 = tpu.matmul %add3A_71, %get3A_127, %dot_general3A_128 {dimension_numbers = #tpu.dot_dimension_numbers<[1], [0], [0], [1], [0, 0, 1, 1], [], []>, transpose_lhs_hint = false} : vector<320x128xf32>, vector<128x128xf32>, vector<320x128xf32> -> vector<320x128xf32>
    %dot_general3A_130 = arith.constant dense<0.000000e+00> : vector<40x128xf32>
    %dot_general3A_131 = tpu.matmul %get3A_122, %dot_general3A_129, %dot_general3A_130 {dimension_numbers = #tpu.dot_dimension_numbers<[1], [0], [0], [1], [0, 0, 1, 1], [], []>, transpose_lhs_hint = false} : vector<40x320xf32>, vector<320x128xf32>, vector<40x128xf32> -> vector<40x128xf32>
    %add3A_132 = arith.addf %add3A_117, %dot_general3A_131 : vector<40x128xf32>
    %get3A_133 = arith.constant 4 : index
    %get3A_134 = arith.constant 0 : index
    %get3A_135 = arith.constant 0 : index
    %get3A_136 = vector.load %arg4[%get3A_133, %get3A_134, %get3A_135] : memref<8x40x320xf32, #tpu.memory_space<vmem>>, vector<1x40x320xf32>
    %get3A_137 = vector.shape_cast %get3A_136 : vector<1x40x320xf32> to vector<40x320xf32>
    %get3A_138 = arith.constant 4 : index
    %get3A_139 = arith.constant 0 : index
    %get3A_140 = arith.constant 0 : index
    %get3A_141 = vector.load %arg3[%get3A_138, %get3A_139, %get3A_140] : memref<8x128x128xf32, #tpu.memory_space<vmem>>, vector<1x128x128xf32>
    %get3A_142 = vector.shape_cast %get3A_141 : vector<1x128x128xf32> to vector<128x128xf32>
    %dot_general3A_143 = arith.constant dense<0.000000e+00> : vector<320x128xf32>
    %dot_general3A_144 = tpu.matmul %add3A_71, %get3A_142, %dot_general3A_143 {dimension_numbers = #tpu.dot_dimension_numbers<[1], [0], [0], [1], [0, 0, 1, 1], [], []>, transpose_lhs_hint = false} : vector<320x128xf32>, vector<128x128xf32>, vector<320x128xf32> -> vector<320x128xf32>
    %dot_general3A_145 = arith.constant dense<0.000000e+00> : vector<40x128xf32>
    %dot_general3A_146 = tpu.matmul %get3A_137, %dot_general3A_144, %dot_general3A_145 {dimension_numbers = #tpu.dot_dimension_numbers<[1], [0], [0], [1], [0, 0, 1, 1], [], []>, transpose_lhs_hint = false} : vector<40x320xf32>, vector<320x128xf32>, vector<40x128xf32> -> vector<40x128xf32>
    %add3A_147 = arith.addf %add3A_132, %dot_general3A_146 : vector<40x128xf32>
    %get3A_148 = arith.constant 5 : index
    %get3A_149 = arith.constant 0 : index
    %get3A_150 = arith.constant 0 : index
    %get3A_151 = vector.load %arg4[%get3A_148, %get3A_149, %get3A_150] : memref<8x40x320xf32, #tpu.memory_space<vmem>>, vector<1x40x320xf32>
    %get3A_152 = vector.shape_cast %get3A_151 : vector<1x40x320xf32> to vector<40x320xf32>
    %get3A_153 = arith.constant 5 : index
    %get3A_154 = arith.constant 0 : index
    %get3A_155 = arith.constant 0 : index
    %get3A_156 = vector.load %arg3[%get3A_153, %get3A_154, %get3A_155] : memref<8x128x128xf32, #tpu.memory_space<vmem>>, vector<1x128x128xf32>
    %get3A_157 = vector.shape_cast %get3A_156 : vector<1x128x128xf32> to vector<128x128xf32>
    %dot_general3A_158 = arith.constant dense<0.000000e+00> : vector<320x128xf32>
    %dot_general3A_159 = tpu.matmul %add3A_71, %get3A_157, %dot_general3A_158 {dimension_numbers = #tpu.dot_dimension_numbers<[1], [0], [0], [1], [0, 0, 1, 1], [], []>, transpose_lhs_hint = false} : vector<320x128xf32>, vector<128x128xf32>, vector<320x128xf32> -> vector<320x128xf32>
    %dot_general3A_160 = arith.constant dense<0.000000e+00> : vector<40x128xf32>
    %dot_general3A_161 = tpu.matmul %get3A_152, %dot_general3A_159, %dot_general3A_160 {dimension_numbers = #tpu.dot_dimension_numbers<[1], [0], [0], [1], [0, 0, 1, 1], [], []>, transpose_lhs_hint = false} : vector<40x320xf32>, vector<320x128xf32>, vector<40x128xf32> -> vector<40x128xf32>
    %add3A_162 = arith.addf %add3A_147, %dot_general3A_161 : vector<40x128xf32>
    %get3A_163 = arith.constant 6 : index
    %get3A_164 = arith.constant 0 : index
    %get3A_165 = arith.constant 0 : index
    %get3A_166 = vector.load %arg4[%get3A_163, %get3A_164, %get3A_165] : memref<8x40x320xf32, #tpu.memory_space<vmem>>, vector<1x40x320xf32>
    %get3A_167 = vector.shape_cast %get3A_166 : vector<1x40x320xf32> to vector<40x320xf32>
    %get3A_168 = arith.constant 6 : index
    %get3A_169 = arith.constant 0 : index
    %get3A_170 = arith.constant 0 : index
    %get3A_171 = vector.load %arg3[%get3A_168, %get3A_169, %get3A_170] : memref<8x128x128xf32, #tpu.memory_space<vmem>>, vector<1x128x128xf32>
    %get3A_172 = vector.shape_cast %get3A_171 : vector<1x128x128xf32> to vector<128x128xf32>
    %dot_general3A_173 = arith.constant dense<0.000000e+00> : vector<320x128xf32>
    %dot_general3A_174 = tpu.matmul %add3A_71, %get3A_172, %dot_general3A_173 {dimension_numbers = #tpu.dot_dimension_numbers<[1], [0], [0], [1], [0, 0, 1, 1], [], []>, transpose_lhs_hint = false} : vector<320x128xf32>, vector<128x128xf32>, vector<320x128xf32> -> vector<320x128xf32>
    %dot_general3A_175 = arith.constant dense<0.000000e+00> : vector<40x128xf32>
    %dot_general3A_176 = tpu.matmul %get3A_167, %dot_general3A_174, %dot_general3A_175 {dimension_numbers = #tpu.dot_dimension_numbers<[1], [0], [0], [1], [0, 0, 1, 1], [], []>, transpose_lhs_hint = false} : vector<40x320xf32>, vector<320x128xf32>, vector<40x128xf32> -> vector<40x128xf32>
    %add3A_177 = arith.addf %add3A_162, %dot_general3A_176 : vector<40x128xf32>
    %get3A_178 = arith.constant 7 : index
    %get3A_179 = arith.constant 0 : index
    %get3A_180 = arith.constant 0 : index
    %get3A_181 = vector.load %arg4[%get3A_178, %get3A_179, %get3A_180] : memref<8x40x320xf32, #tpu.memory_space<vmem>>, vector<1x40x320xf32>
    %get3A_182 = vector.shape_cast %get3A_181 : vector<1x40x320xf32> to vector<40x320xf32>
    %get3A_183 = arith.constant 7 : index
    %get3A_184 = arith.constant 0 : index
    %get3A_185 = arith.constant 0 : index
    %get3A_186 = vector.load %arg3[%get3A_183, %get3A_184, %get3A_185] : memref<8x128x128xf32, #tpu.memory_space<vmem>>, vector<1x128x128xf32>
    %get3A_187 = vector.shape_cast %get3A_186 : vector<1x128x128xf32> to vector<128x128xf32>
    %dot_general3A_188 = arith.constant dense<0.000000e+00> : vector<320x128xf32>
    %dot_general3A_189 = tpu.matmul %add3A_71, %get3A_187, %dot_general3A_188 {dimension_numbers = #tpu.dot_dimension_numbers<[1], [0], [0], [1], [0, 0, 1, 1], [], []>, transpose_lhs_hint = false} : vector<320x128xf32>, vector<128x128xf32>, vector<320x128xf32> -> vector<320x128xf32>
    %dot_general3A_190 = arith.constant dense<0.000000e+00> : vector<40x128xf32>
    %dot_general3A_191 = tpu.matmul %get3A_182, %dot_general3A_189, %dot_general3A_190 {dimension_numbers = #tpu.dot_dimension_numbers<[1], [0], [0], [1], [0, 0, 1, 1], [], []>, transpose_lhs_hint = false} : vector<40x320xf32>, vector<320x128xf32>, vector<40x128xf32> -> vector<40x128xf32>
    %add3A_192 = arith.addf %add3A_177, %dot_general3A_191 : vector<40x128xf32>
    %swap3A = arith.constant 0 : index
    %swap3A_193 = arith.constant 0 : index
    %swap3A_194 = vector.load %arg10[%swap3A, %swap3A_193] : memref<40x128xf32, #tpu.memory_space<vmem>>, vector<40x128xf32>
    tpu.vector_store %arg10[%swap3A, %swap3A_193], %add3A_192 {strides = array<i32>} : memref<40x128xf32, #tpu.memory_space<vmem>>, vector<40x128xf32>,
    return
  }
  func.func @transform_0(%arg0: i32) -> (i32, i32, i32) {
    %c0_i32 = arith.constant 0 : i32
    %c0_i32_0 = arith.constant 0 : i32
    %c0_i32_1 = arith.constant 0 : i32
    %c0_i32_2 = arith.constant 0 : i32
    return %c0_i32, %c0_i32_0, %c0_i32_1 : i32, i32, i32
  }
  func.func @transform_1(%arg0: i32) -> (i32, i32) {
    %c0_i32 = arith.constant 0 : i32
    %c0_i32_0 = arith.constant 0 : i32
    %c0_i32_1 = arith.constant 0 : i32
    return %c0_i32, %c0_i32_0 : i32, i32
  }
  func.func @transform_2(%arg0: i32) -> (i32, i32, i32) {
    %c0_i32 = arith.constant 0 : i32
    %c0_i32_0 = arith.constant 0 : i32
    %c0_i32_1 = arith.constant 0 : i32
    %c0_i32_2 = arith.constant 0 : i32
    return %c0_i32, %c0_i32_0, %c0_i32_1 : i32, i32, i32
  }
  func.func @transform_3(%arg0: i32) -> (i32, i32, i32) {
    %c0_i32 = arith.constant 0 : i32
    %c0_i32_0 = arith.constant 0 : i32
    %c0_i32_1 = arith.constant 0 : i32
    %c0_i32_2 = arith.constant 0 : i32
    return %c0_i32, %c0_i32_0, %c0_i32_1 : i32, i32, i32
  }
  func.func @transform_4(%arg0: i32) -> (i32, i32) {
    %c0_i32 = arith.constant 0 : i32
    %c0_i32_0 = arith.constant 0 : i32
    return %arg0, %c0_i32 : i32, i32
  }
  func.func @transform_5(%arg0: i32) -> (i32, i32, i32) {
    %c0_i32 = arith.constant 0 : i32
    %c0_i32_0 = arith.constant 0 : i32
    %c0_i32_1 = arith.constant 0 : i32
    return %c0_i32, %arg0, %c0_i32_0 : i32, i32, i32
  }
  func.func @transform_6(%arg0: i32) -> (i32, i32, i32) {
    %c1_i32 = arith.constant 1 : i32
    %c0_i32 = arith.constant 0 : i32
    %c0_i32_0 = arith.constant 0 : i32
    return %c1_i32, %arg0, %c0_i32 : i32, i32, i32
  }
  func.func @transform_7(%arg0: i32) -> (i32, i32, i32) {
    %c0_i32 = arith.constant 0 : i32
    %c0_i32_0 = arith.constant 0 : i32
    %c0_i32_1 = arith.constant 0 : i32
    return %c0_i32, %arg0, %c0_i32_0 : i32, i32, i32
  }
  func.func @transform_8(%arg0: i32) -> (i32, i32, i32) {
    %c1_i32 = arith.constant 1 : i32
    %c0_i32 = arith.constant 0 : i32
    %c0_i32_0 = arith.constant 0 : i32
    return %c1_i32, %arg0, %c0_i32 : i32, i32, i32
  }
  func.func @transform_9(%arg0: i32) -> (i32, i32) {
    %c0_i32 = arith.constant 0 : i32
    %c0_i32_0 = arith.constant 0 : i32
    return %arg0, %c0_i32 : i32, i32
  }
}

</mosaic_0001>

<sc_bundles>
// kernel: kernel.10.cloned.1.call-start
scs
__scs_entry_jumppad:
0x0: {  	(pc) =	sbr.rel $0x88, $3  }
0x1: {  	(tag) =	ssettag $0x0;
	lr =	simm.s32 $0x1  }
0x2: {  	[smem:$0x3F8F] =	sst lr;
	_ =	strace $0xD0000000  }
0x3: {  	_ = 	snop  }
0x4: {  	_ = 	snop  }
0x5: {  	_ = 	snop  }
0x6: {  	_ = 	snop  }
0x7: {  	_ = 	snop  }
__scs_overlays_trampoline_lowered:
0x8: {  	[smem:$0x3F9E] =	sst s0  }
0x9: {  	[smem:$0x3F9F] =	sst s1  }
0xa: {  	[smem:$0x3FA0] =	sst s2  }
0xb: {  	[smem:$0x3FA1] =	sst s3  }
0xc: {  	[smem:$0x3FA2] =	sst s4  }
0xd: {  	[smem:$0x3FA3] =	sst s5  }
0xe: {  	[smem:$0x3FA4] =	sst s6  }
0xf: {  	[smem:$0x3FA5] =	sst s7  }
0x10: {  	[smem:$0x3FA6] =	sst s8  }
0x11: {  	[smem:$0x3FA7] =	sst s9;
	s0 =	simm.s32 @!p0 $0x0  }
0x12: {  	s1 =	sld [smem:$0x3F8D];
	s0 =	simm.s32 @p0 $0x1  }
0x13: {  	[smem:$0x3FA8] =	sst s0;
	s0 =	simm.s32 @!p1 $0x0  }
0x14: {  	s2 =	sld [smem:$0x3F8C];
	s0 =	simm.s32 @p1 $0x1  }
0x15: {  	[smem:$0x3FA9] =	sst s0;
	s0 =	simm.s32 @!p2 $0x0  }
0x16: {  	s3 =	sld [smem:$0x3FDB];
	s0 =	simm.s32 @p2 $0x1  }
0x17: {  	s4 =	simm.s32 $0x1BF5;
	[smem:$0x3FAB] =	sst s0  }
0x18: {  	s0 =	sld [smem:$0x3F8E];
	_ =	swait.ge [sflag:s4], $0x0  }
0x19: {  	s7 =	sld [smem:$0x3F8F]  }
0x1a: {  	s8 =	sadd.s32 $0xFFFFE003, lr  }
0x1b: {  	s9 =	sadd.s32 $0xFFFFFEF7, lr;
	s5 =	simm.s32 $0xFFFFFFFF;
	p2 =	slt.u32 s8, $0xFFFFF086  }
0x1c: {  	p1 =	slt.u32 s9, $0xF7A;
	s5 =	simm.s32 @!p2 $0x0  }
0x1d: {  	s5 =	simm.s32 @p1 $0x1;
	p0 =	seq.s32 s7, s2  }
0x1e: {  	s7 =	smul.u32 @!p0 $0xF7A, s2;
	p2 =	seq.s32 @!p0 s5, $0x0  }
0x1f: {  	s9 =	smul.u32 $0xF7A, s1;
	s8 =	simm.s32 @!p0 $0x1BF5;
	p2 =	por !p2, p0  }
0x20: {  	[sflag:s8] =	ssyncset.s32 @!p0 $0xFFFFF086;
	s6 =	sadd.s32 @!p0 s3, s7;
	s7 =	simm.s32 @!p0 $0x108  }
0x21: {  	s3 =	sadd.s32 s3, s9;
	s6 =	sadd.s32 @!p0 $0x88, s6;
	s7 =	simm.s32 @p2 $0x1082  }
0x22: {  	[simem:s7], [sflag:s8] =	dma.local @!p0 [hbm:s6], $0xF7A  }
0x23: {  	s9 =	sor.u32 $0xD0000000, s2;
	s6 =	simm.s32 $0x108;
	_ =	swait.ge @!p0 [sflag:s8], $0x0  }
0x24: {  	s3 =	sadd.s32 $0x88, s3;
	s6 =	simm.s32 @!p1 $0x1082;
	[sflag:s4] =	ssyncset.s32 $0xFFFFF086  }
0x25: {  	[simem:s6], [sflag:s4] =	dma.local [hbm:s3], $0xF7A  }
0x26: {  	[smem:$0x3F8F] =	sst s1;
	(tag) =	ssettag s2;
	_ =	strace s9  }
0x27: {  	s1 =	sld [smem:$0x3F9F]  }
0x28: {  	s2 =	sld [smem:$0x3FA0]  }
0x29: {  	s4 =	sld [smem:$0x3FA2]  }
0x2a: {  	p0 =	seq.s32 s5, $0x0;
	s5 =	sld [smem:$0x3FA3]  }
0x2b: {  	s6 =	sld [smem:$0x3FA4]  }
0x2c: {  	s7 =	sld [smem:$0x3FA5]  }
0x2d: {  	s3 =	simm.s32 $0x108;
	s8 =	sld [smem:$0x3FA6]  }
0x2e: {  	s3 =	simm.s32 @!p0 $0x1082;
	s9 =	sld [smem:$0x3FA7]  }
0x2f: {  	lr =	sadd.s32 s0, s3;
	s0 =	sld [smem:$0x3F9E]  }
0x30: {  	s3 =	sld [smem:$0x3FA1]  }
0x31: {  	[smem:$0x3FAA] =	sst s10  }
0x32: {  	s10 =	sld [smem:$0x3FA8];
	_ =	sdelay $0x3  }
0x33: {  	p0 =	seq.s32 s10, $0x1;
	s10 =	sld [smem:$0x3FAA];
	_ =	sdelay $0x3  }
0x34: {  	[smem:$0x3FAA] =	sst s10  }
0x35: {  	s10 =	sld [smem:$0x3FA9];
	_ =	sdelay $0x3  }
0x36: {  	p1 =	seq.s32 s10, $0x1;
	s10 =	sld [smem:$0x3FAA];
	_ =	sdelay $0x3  }
0x37: {  	[smem:$0x3FAA] =	sst s10  }
0x38: {  	s10 =	sld [smem:$0x3FAB]  }
0x39: {  	_ = 	snop;
	(pc) =	sbr.ind lr, $3  }
0x3a: {  	_ = 	snop  }
0x3b: {  	_ = 	snop  }
0x3c: {  	p2 =	seq.s32 s10, $0x1;
	s10 =	sld [smem:$0x3FAA]  }
0x3d: {  	_ =	shalt  }
0x3e: {  	_ =	shalt  }
0x3f: {  	_ =	shalt  }
0x40: {  	_ =	shalt  }
0x41: {  	_ =	shalt  }
0x42: {  	_ =	shalt  }
0x43: {  	_ =	shalt  }
0x44: {  	_ =	shalt  }
0x45: {  	_ =	shalt  }
0x46: {  	_ =	shalt  }
0x47: {  	_ =	shalt  }
0x48: {  	_ =	shalt  }
0x49: {  	_ =	shalt  }
0x4a: {  	_ =	shalt  }
0x4b: {  	_ =	shalt  }
0x4c: {  	_ =	shalt  }
0x4d: {  	_ =	shalt  }
0x4e: {  	_ =	shalt  }
0x4f: {  	_ =	shalt  }
0x50: {  	_ =	shalt  }
0x51: {  	_ =	shalt  }
0x52: {  	_ =	shalt  }
0x53: {  	_ =	shalt  }
0x54: {  	_ =	shalt  }
0x55: {  	_ =	shalt  }
0x56: {  	_ =	shalt  }
0x57: {  	_ =	shalt  }
0x58: {  	_ =	shalt  }
0x59: {  	_ =	shalt  }
0x5a: {  	_ =	shalt  }
0x5b: {  	_ =	shalt  }
0x5c: {  	_ =	shalt  }
0x5d: {  	_ =	shalt  }
0x5e: {  	_ =	shalt  }
0x5f: {  	_ =	shalt  }
0x60: {  	_ =	shalt  }
0x61: {  	_ =	shalt  }
0x62: {  	_ =	shalt  }
0x63: {  	_ =	shalt  }
0x64: {  	_ =	shalt  }
0x65: {  	_ =	shalt  }
0x66: {  	_ =	shalt  }
0x67: {  	_ =	shalt  }
0x68: {  	_ =	shalt  }
0x69: {  	_ =	shalt  }
0x6a: {  	_ =	shalt  }
0x6b: {  	_ =	shalt  }
0x6c: {  	_ =	shalt  }
0x6d: {  	_ =	shalt  }
0x6e: {  	_ =	shalt  }
0x6f: {  	_ =	shalt  }
0x70: {  	_ =	shalt  }
0x71: {  	_ =	shalt  }
0x72: {  	_ =	shalt  }
0x73: {  	_ =	shalt  }
0x74: {  	_ =	shalt  }
0x75: {  	_ =	shalt  }
0x76: {  	_ =	shalt  }
0x77: {  	_ =	shalt  }
0x78: {  	_ =	shalt  }
0x79: {  	_ =	shalt  }
0x7a: {  	_ =	shalt  }
0x7b: {  	_ =	shalt  }
0x7c: {  	_ =	shalt  }
0x7d: {  	_ =	shalt  }
0x7e: {  	_ =	shalt  }
0x7f: {  	_ =	shalt  }
0x80: {  	_ =	shalt  }
0x81: {  	_ =	shalt  }
0x82: {  	_ =	shalt  }
0x83: {  	_ =	shalt  }
0x84: {  	_ =	shalt  }
0x85: {  	_ =	shalt  }
0x86: {  	_ =	shalt  }
0x87: {  	_ =	shalt  }
.Lfunc_end0:
.L_simem_size_0:
called_computation.1_lowered:
.L_overlay_start_0:
0x88: {  	s2 =	sld [smem:$0x3FD9]  }
0x89: {  	s3 =	sld [smem:$0x3FFE];
	_ =	sdelay $0x1  }
0x8a: {  	s1 =	srdreg.scid  }
0x8b: {  	s0 =	sand.u32 $0x1, s1  }
0x8c: {  	s17 =	sshll.u32 s0, $0xA;
	s2 =	sadd.s32 s3, s2  }
0x8d: {  	s2 =	sadd.s32 s2, s17  }
0x8e: {  	[smem:$0x3FB6] =	sst s2  }
0x8f: {  	_ = 	snop  }
0x90: {  	s2 =	sld [smem:$0x3FD0];
	(tm) =	ssettm $0x1  }
0x91: {  	s18 =	sld [smem:$0x3FFB];
	_ =	sdelay $0x3  }
0x92: {  	_ =	strace s18  }
0x93: {  	s3 =	sld [smem:$0x3FFC];
	_ =	sdelay $0x3  }
0x94: {  	_ =	strace s3  }
0x95: {  	s3 =	sld [smem:$0x3FFD];
	_ =	sdelay $0x3  }
0x96: {  	_ =	strace s3  }
0x97: {  	_ =	strace $0x8FFFFFFF  }
0x98: {  	s19 =	sld [smem:$0x3FDB];
	_ =	sdelay $0x1  }
0x99: {  	s4 =	simm.s32 $_scs_section_size  }
0x9a: {  	s5 =	simm.s32 $_size__tile_overlayer_lowered;
	s6 =	simm.s32 $_tile_overlayer_lowered  }
0x9b: {  	s22 =	simm.s32 $0x1BFF;
	s21 =	sshll.u32 s6, $0x1;
	s3 =	sadd.s32 s4, s19  }
0x9c: {  	s7 =	simm.s32 $0x0;
	s20 =	sshll.u32 s5, $0x1;
	s5 =	sadd.s32 s21, s3  }
0x9d: {  	[timem:s7], [sflag:s22] =	dma.local [hbm:s5], s20  }
0x9e: {  	_ =	swait.ge [sflag:s22], s20  }
0x9f: {  	s4 =	ssub.s32 $0x0, s20;
	[sflag:s22] =	ssyncset.done $0x0  }
0xa0: {  	[sflag:s22] =	ssyncadd.s32 s4;
	_ =	sdelay $0x1  }
0xa1: {  	s23 =	simm.s32 $0x1B8B  }
0xa2: {  	_ =	swait.ge [sflag:s23], $0x1  }
0xa3: {  	[sflag:s23] =	ssyncset.done $0x0  }
0xa4: {  	s25 =	simm.s32 $0x1B8E;
	s24 =	sld [smem:$0x3FFE];
	[sflag:s23] =	ssyncadd.s32 $0xFFFFFFFF  }
0xa5: {  	s26 =	simm.s32 $execute0_lowered;
	[smem:$0x3FD2] =	sst s25  }
0xa6: {  	s5 =	sshll.u32 s26, $0x1;
	_ =	strace $0x80000049;
	[dreg:$0x1] =	wrdreg $0xFFFFFFFF  }
0xa7: {  	s28 =	simm.s32 $_size_execute0_lowered;
	s3 =	sadd.s32 s3, s5;
	[dreg:$0x0] =	wrdreg $0x0  }
0xa8: {  	s5 =	sshll.u32 s28, $0x1;
	[dreg:$0x2] =	wrdreg s3  }
0xa9: {  	[dreg:$0x3] =	wrdreg s5  }
0xaa: {  	[dreg:$0x4] =	wrdreg $0xC0  }
0xab: {  	_ =	task [dreg:s7], $0x5FFFF  }
0xac: {  	[dreg:$0x1] =	wrdreg $0xFFFFFFFF  }
0xad: {  	[dreg:$0x0] =	wrdreg $0x60  }
0xae: {  	[dreg:$0x2] =	wrdreg s24  }
0xaf: {  	[dreg:$0x3] =	wrdreg s2  }
0xb0: {  	[dreg:$0x4] =	wrdreg $0x4EC00  }
0xb1: {  	[dreg:$0x5] =	wrdreg $0x9  }
0xb2: {  	_ =	task.clear_ibuf [dreg:s7], $0x6FFFF;
	_ =	strace $0x90000049  }
0xb3: {  	s29 =	simm.s32 $0x9;
	_ =	strace $0x8000004B  }
0xb4: {  	_ =	swait.ge [sflag:s29], $0x1  }
0xb5: {  	[sflag:s29] =	ssyncadd.s32 $0xFFFFFFFF  }
0xb6: {  	_ =	strace $0x9000004B  }
0xb7: {  	_ =	sfence  }
0xb8: {  	s30 =	sld [smem:$0x0];
	_ =	sdelay $0x2  }
0xb9: {  	s31 =	sshll.u32 s1, $0xD;
	s1 =	sshrl.u32 s1, $0x2  }
0xba: {  	s3 =	sand.u32 $0x4000, s31;
	s1 =	sadd.s32 s1, s30  }
0xbb: {  	s0 =	sor.u32 s3, s0;
	s1 =	sshll.u32 s1, $0x11  }
0xbc: {  	s0 =	sor.u32 s1, s0  }
0xbd: {  	s0 =	sadd.s32 $0x8F2B, s0  }
0xbe: {  	[sflag:s0] =	ssyncadd.remote.s32 $0x1  }
0xbf: {  	_ =	sfence.sel $0xFFFF  }
0xc0: {  	[dreg:$0x0] =	wrdreg $0xFFFFFFFF;
	(pc) =	sbr.abs _section_cstart, $3  }
0xc1: {  	[dreg:$0x1] =	wrdreg $0xFFFFFFFF  }
0xc2: {  	_ =	task.clear_ibuf [dreg:s7], $0x2FFFF;
	_ =	strace $0x9FFFFFFF  }
0xc3: {  	(tm) =	ssettm $0x7FFFFFFF  }
tec
execute0_lowered:
.L_overlay_start_1:
0x0: {  	(tag) =	ssettag $0x1  }
0x1: {  	s0 =	rddreg [dreg:$0x0]  }
0x2: {  	s1 =	rddreg [dreg:$0x1];
	s20 =	stileid.u32  }
0x3: {  	s2 =	rddreg [dreg:$0x2];
	s10 =	smul.u32 $0x6400, s20  }
0x4: {  	s3 =	srdreg.scid;
	s12 =	smul.u32 $0x19000, s20  }
0x5: {  	s4 =	simm.s32 $0x0;
	s28 =	simm.s32 $0x2;
	s14 =	smul.u32 $0x6590, s20  }
0x6: {  	s29 =	simm.s32 $0x0;
	s3 =	sand.u32 $0x1, s3;
	s30 =	smul.u32 $0xCB2, s20  }
0x7: {  	[smem:$0x7FF] =	sst s4;
	s11 =	sadd.s32 $0x400, s0;
	s6 =	smul.u32 $0x64000, s3  }
0x8: {  	s22 =	sshll.u32 s20, $0x6;
	s5 =	sshll.u32 s3, $0x4;
	s26 =	smul.u32 $0x65900, s3  }
0x9: {  	_ =	strace $0x8000004A;
	s8 =	ssub.s32 $0x2, s3;
	s3 =	smul.u32 $0xCB20, s3  }
0xa: {  	s7 =	sor.u32 s20, s5;
	s5 =	sadd.s32 $0x33200, s0;
	s9 =	sshrl.u32 s8, $0x1  }
0xb: {  	s24 =	sadd.s32 s10, s2;
	s12 =	sshrl.u32 s12, $0x2;
	s6 =	sadd.s32 s10, s6  }
0xc: {  	s7 =	smul.u32 $0x6590, s7;
	s13 =	ssub.s32 s8, s9;
	s25 =	sadd.s32 s12, s2  }
0xd: {  	s12 =	sadd.s32 s14, s26;
	s3 =	sadd.s32 s3, s11;
	s14 =	simm.s32 $0x3  }
0xe: {  	s26 =	simm.s32 $0x1;
	s6 =	sshrl.u32 s6, $0x3;
	s10 =	smax.u32 s13, $0x1  }
0xf: {  	s15 =	sadd.s32 $0xC80, s25;
	s16 =	sadd.s32 $0x1900, s25;
	s17 =	sadd.s32 $0x2580, s25  }
0x10: {  	s18 =	sadd.s32 $0x3200, s25;
	s19 =	sadd.s32 $0x3E80, s25;
	s31 =	sadd.s32 $0x4B00, s25  }
0x11: {  	s12 =	sadd.s32 $0xCB610, s12;
	s3 =	sadd.s32 s30, s3;
	s13 =	sshrl.u32 s25, $0x3  }
0x12: {  	s0 =	sadd.s32 s6, s0;
	s21 =	sshrl.u32 s7, $0x3;
	s7 =	sor.u32 $0x1C03, s22  }
0x13: {  	s12 =	sshrl.u32 s12, $0x3;
	s15 =	sshrl.u32 s15, $0x3;
	s16 =	sshrl.u32 s16, $0x3  }
0x14: {  	s17 =	sshrl.u32 s17, $0x3;
	s18 =	sshrl.u32 s18, $0x3;
	s19 =	sshrl.u32 s19, $0x3  }
0x15: {  	s20 =	sshrl.u32 s31, $0x3;
	s6 =	sadd.s32 s11, s21;
	s0 =	sadd.s32 $0x3FA00, s0  }
0x16: {  	s21 =	sadd.s32 $0x5780, s25;
	s11 =	sadd.s32 s12, s11;
	s12 =	sadd.s32 $0x82, s3  }
0x17: {  	s25 =	sshrl.u32 s24, $0x3;
	s23 =	sadd.s32 $0x19640, s6;
	[dreg:$0x5] =	wrdreg s0  }
0x18: {  	s21 =	sshrl.u32 s21, $0x3;
	[dreg:$0x4] =	wrdreg s23;
	s23 =	simm.s32 $0x64  }
.LBB2_1:
0x19: {  	[spmem:s13], [sflag:s7] =	dma.local [hbm:s1], $0x190  }
0x1a: {  	_ =	swait.ge [sflag:s14], $0x190  }
0x1b: {  	[sflag:s14] =	ssyncset.done $0x0  }
0x1c: {  	[sflag:s14] =	ssyncadd.s32 $0xFFFFFE70  }
0x1d: {  	[spmem:s15], [sflag:s7] =	dma.local [hbm:s1], $0x190  }
0x1e: {  	_ =	swait.ge [sflag:s14], $0x190  }
0x1f: {  	[sflag:s14] =	ssyncset.done $0x0  }
0x20: {  	[sflag:s14] =	ssyncadd.s32 $0xFFFFFE70  }
0x21: {  	[spmem:s16], [sflag:s7] =	dma.local [hbm:s1], $0x190  }
0x22: {  	_ =	swait.ge [sflag:s14], $0x190  }
0x23: {  	[sflag:s14] =	ssyncset.done $0x0  }
0x24: {  	[sflag:s14] =	ssyncadd.s32 $0xFFFFFE70  }
0x25: {  	[spmem:s17], [sflag:s7] =	dma.local [hbm:s1], $0x190  }
0x26: {  	_ =	swait.ge [sflag:s14], $0x190  }
0x27: {  	[sflag:s14] =	ssyncset.done $0x0  }
0x28: {  	[sflag:s14] =	ssyncadd.s32 $0xFFFFFE70  }
0x29: {  	[spmem:s18], [sflag:s7] =	dma.local [hbm:s1], $0x190  }
0x2a: {  	_ =	swait.ge [sflag:s14], $0x190  }
0x2b: {  	[sflag:s14] =	ssyncset.done $0x0  }
0x2c: {  	[sflag:s14] =	ssyncadd.s32 $0xFFFFFE70  }
0x2d: {  	[spmem:s19], [sflag:s7] =	dma.local [hbm:s1], $0x190  }
0x2e: {  	_ =	swait.ge [sflag:s14], $0x190  }
0x2f: {  	[sflag:s14] =	ssyncset.done $0x0  }
0x30: {  	[sflag:s14] =	ssyncadd.s32 $0xFFFFFE70  }
0x31: {  	[spmem:s20], [sflag:s7] =	dma.local [hbm:s1], $0x190  }
0x32: {  	_ =	swait.ge [sflag:s14], $0x190  }
0x33: {  	[sflag:s14] =	ssyncset.done $0x0  }
0x34: {  	[sflag:s14] =	ssyncadd.s32 $0xFFFFFE70  }
0x35: {  	[spmem:s21], [sflag:s7] =	dma.local [hbm:s1], $0x190  }
0x36: {  	_ =	swait.ge [sflag:s14], $0x190  }
0x37: {  	[sflag:s14] =	ssyncset.done $0x0  }
0x38: {  	[sflag:s14] =	ssyncadd.s32 $0xFFFFFE70  }
0x39: {  	[bflag:$0x0] =	sbarrier.arrive $0xFFFF  }
0x3a: {  	[tilespmem:s4], [sflag:$0x3] =	stream.linear.gather [hbm4b:s6+s4], $0x410, $0x38;
	[tilespmem:$0xB2C0] =	vst v63  }
0x3b: {  	_ =	swait.ge [sflag:s14], $0x410  }
0x3c: {  	[sflag:s14] =	ssyncset.done $0x0  }
0x3d: {  	s3 =	simm.s32 $0x820;
	s0 =	rddreg [dreg:$0x4];
	[sflag:s14] =	ssyncadd.s32 $0xFFFFFBF0  }
0x3e: {  	[tilespmem:s3], [sflag:$0x3] =	stream.linear.gather [hbm4b:s0+s4], $0x410, $0x38;
	[tilespmem:$0xB2C0] =	vst v63  }
0x3f: {  	_ =	swait.ge [sflag:s14], $0x410  }
0x40: {  	[sflag:s14] =	ssyncset.done $0x0  }
0x41: {  	s9 =	simm.s32 $0x1040;
	[sflag:s14] =	ssyncadd.s32 $0xFFFFFBF0  }
0x42: {  	[tilespmem:s9], [sflag:$0x1] =	stream.indirect.gather [hbm4b:s5+s23], $0x8, s4, s23, $0xb8;
	[tilespmem:$0xB2C0] =	vst v63  }
0x43: {  	s22 =	simm.s32 $0x68;
	s24 =	simm.s32 $0x1360  }
0x44: {  	[tilespmem:s24], [sflag:$0x1] =	stream.indirect.gather [hbm4b:s5+s23], $0x8, s22, s23, $0xb8;
	[tilespmem:$0xB2C0] =	vst v63  }
0x45: {  	s8 =	simm.s32 $0xD0;
	s9 =	simm.s32 $0x1680  }
0x46: {  	[tilespmem:s9], [sflag:$0x1] =	stream.indirect.gather [hbm4b:s5+s23], $0x8, s8, s23, $0xb8;
	[tilespmem:$0xB2C0] =	vst v63  }
0x47: {  	s22 =	simm.s32 $0x138;
	s24 =	simm.s32 $0x19A0  }
0x48: {  	[tilespmem:s24], [sflag:$0x1] =	stream.indirect.gather [hbm4b:s5+s23], $0x8, s22, s23, $0xb8;
	[tilespmem:$0xB2C0] =	vst v63  }
0x49: {  	s8 =	simm.s32 $0x1A0;
	s9 =	simm.s32 $0x1CC0  }
0x4a: {  	[tilespmem:s9], [sflag:$0x1] =	stream.indirect.gather [hbm4b:s5+s23], $0x8, s8, s23, $0xb8;
	[tilespmem:$0xB2C0] =	vst v63  }
0x4b: {  	s22 =	simm.s32 $0x208;
	s24 =	simm.s32 $0x1FE0  }
0x4c: {  	[tilespmem:s24], [sflag:$0x1] =	stream.indirect.gather [hbm4b:s5+s23], $0x8, s22, s23, $0xb8;
	[tilespmem:$0xB2C0] =	vst v63  }
0x4d: {  	s8 =	simm.s32 $0x270;
	s9 =	simm.s32 $0x2300  }
0x4e: {  	[tilespmem:s9], [sflag:$0x1] =	stream.indirect.gather [hbm4b:s5+s23], $0x8, s8, s23, $0xb8;
	[tilespmem:$0xB2C0] =	vst v63  }
0x4f: {  	s22 =	simm.s32 $0x2D8;
	s24 =	simm.s32 $0x2620  }
0x50: {  	[tilespmem:s24], [sflag:$0x1] =	stream.indirect.gather [hbm4b:s5+s23], $0x8, s22, s23, $0xb8;
	[tilespmem:$0xB2C0] =	vst v63  }
0x51: {  	s30 =	simm.s32 $0x0;
	s8 =	simm.s32 $0x340;
	s9 =	simm.s32 $0x2940  }
0x52: {  	[tilespmem:s9], [sflag:$0x1] =	stream.indirect.gather [hbm4b:s5+s23], $0x8, s8, s23, $0xb8;
	[tilespmem:$0xB2C0] =	vst v63  }
0x53: {  	s31 =	simm.s32 $0x0;
	s22 =	simm.s32 $0x3A8;
	s24 =	simm.s32 $0x2C60  }
0x54: {  	[tilespmem:s24], [sflag:$0x1] =	stream.indirect.gather [hbm4b:s5+s23], $0x8, s22, s23, $0xb8;
	[tilespmem:$0xB2C0] =	vst v63  }
.LBB2_2:
0x55: {  	s3 =	sand.u32 $0x1, s31  }
0x56: {  	p0 =	seq.s32 s30, $0xC30;
	s0 =	sxor.u32 $0x1, s3  }
0x57: {  	s22 =	smul.u32 @!p0 $0x410, s0  }
0x58: {  	s24 =	sadd.s32 @!p0 s30, s12;
	s8 =	simm.s32 @!p0 $0x0  }
0x59: {  	[tilespmem:s22], [sflag:$0x3] =	stream.linear.gather @!p0 [hbm4b:s24+s8], $0x410, $0x38;
	[tilespmem:$0xB2C0] =	vst v63  }
0x5a: {  	s24 =	simm.s32 @!p0 $0x3  }
0x5b: {  	_ =	swait.ge @!p0 [sflag:s24], $0x410  }
0x5c: {  	[sflag:s24] =	ssyncset.done @!p0 $0x0  }
0x5d: {  	s9 =	sadd.s32 @!p0 s30, s11;
	s22 =	sadd.s32 @!p0 $0x820, s22;
	[sflag:s24] =	ssyncadd.s32 @!p0 $0xFFFFFBF0  }
0x5e: {  	[tilespmem:s22], [sflag:$0x3] =	stream.linear.gather @!p0 [hbm4b:s9+s8], $0x410, $0x38;
	[tilespmem:$0xB2C0] =	vst v63  }
0x5f: {  	_ =	swait.ge @!p0 [sflag:s24], $0x410  }
0x60: {  	[sflag:s24] =	ssyncset.done @!p0 $0x0  }
0x61: {  	[sflag:s24] =	ssyncadd.s32 @!p0 $0xFFFFFBF0  }
0x62: {  	_ =	swait.ge [sflag:s26], $0x320  }
0x63: {  	[sflag:s26] =	ssyncset.done $0x0  }
0x64: {  	[sflag:s26] =	ssyncadd.s32 $0xFFFFFCE0  }
0x65: {  	_ =	swait.ge [sflag:s26], $0x320  }
0x66: {  	[sflag:s26] =	ssyncset.done $0x0  }
0x67: {  	[sflag:s26] =	ssyncadd.s32 $0xFFFFFCE0  }
0x68: {  	_ =	swait.ge [sflag:s26], $0x320  }
0x69: {  	[sflag:s26] =	ssyncset.done $0x0  }
0x6a: {  	[sflag:s26] =	ssyncadd.s32 $0xFFFFFCE0  }
0x6b: {  	_ =	swait.ge [sflag:s26], $0x320  }
0x6c: {  	[sflag:s26] =	ssyncset.done $0x0  }
0x6d: {  	[sflag:s26] =	ssyncadd.s32 $0xFFFFFCE0  }
0x6e: {  	_ =	swait.ge [sflag:s26], $0x320  }
0x6f: {  	[sflag:s26] =	ssyncset.done $0x0  }
0x70: {  	[sflag:s26] =	ssyncadd.s32 $0xFFFFFCE0  }
0x71: {  	_ =	swait.ge [sflag:s26], $0x320  }
0x72: {  	[sflag:s26] =	ssyncset.done $0x0  }
0x73: {  	[sflag:s26] =	ssyncadd.s32 $0xFFFFFCE0  }
0x74: {  	_ =	swait.ge [sflag:s26], $0x320  }
0x75: {  	[sflag:s26] =	ssyncset.done $0x0  }
0x76: {  	[sflag:s26] =	ssyncadd.s32 $0xFFFFFCE0  }
0x77: {  	_ =	swait.ge [sflag:s26], $0x320  }
0x78: {  	[sflag:s26] =	ssyncset.done $0x0  }
0x79: {  	[sflag:s26] =	ssyncadd.s32 $0xFFFFFCE0  }
0x7a: {  	_ =	swait.ge [sflag:s26], $0x320  }
0x7b: {  	[sflag:s26] =	ssyncset.done $0x0  }
0x7c: {  	[sflag:s26] =	ssyncadd.s32 $0xFFFFFCE0  }
0x7d: {  	_ =	swait.ge [sflag:s26], $0x320  }
0x7e: {  	p1 =	seq.s32 s30, $0x0;
	[sflag:s26] =	ssyncset.done $0x0  }
0x7f: {  	s8 =	simm.s32 @!p1 $0x2;
	[sflag:s26] =	ssyncadd.s32 $0xFFFFFCE0  }
0x80: {  	_ =	swait.ge @!p1 [sflag:s8], $0x320  }
0x81: {  	[sflag:s8] =	ssyncset.done @!p1 $0x0  }
0x82: {  	[sflag:s8] =	ssyncadd.s32 @!p1 $0xFFFFFCE0  }
0x83: {  	_ =	swait.ge @!p1 [sflag:s8], $0x320  }
0x84: {  	[sflag:s8] =	ssyncset.done @!p1 $0x0  }
0x85: {  	[sflag:s8] =	ssyncadd.s32 @!p1 $0xFFFFFCE0  }
0x86: {  	_ =	swait.ge @!p1 [sflag:s8], $0x320  }
0x87: {  	[sflag:s8] =	ssyncset.done @!p1 $0x0  }
0x88: {  	[sflag:s8] =	ssyncadd.s32 @!p1 $0xFFFFFCE0  }
0x89: {  	_ =	swait.ge @!p1 [sflag:s8], $0x320  }
0x8a: {  	[sflag:s8] =	ssyncset.done @!p1 $0x0  }
0x8b: {  	[sflag:s8] =	ssyncadd.s32 @!p1 $0xFFFFFCE0  }
0x8c: {  	_ =	swait.ge @!p1 [sflag:s8], $0x320  }
0x8d: {  	[sflag:s8] =	ssyncset.done @!p1 $0x0  }
0x8e: {  	[sflag:s8] =	ssyncadd.s32 @!p1 $0xFFFFFCE0  }
0x8f: {  	_ =	swait.ge @!p1 [sflag:s8], $0x320  }
0x90: {  	[sflag:s8] =	ssyncset.done @!p1 $0x0  }
0x91: {  	[sflag:s8] =	ssyncadd.s32 @!p1 $0xFFFFFCE0  }
0x92: {  	_ =	swait.ge @!p1 [sflag:s8], $0x320  }
0x93: {  	[sflag:s8] =	ssyncset.done @!p1 $0x0  }
0x94: {  	[sflag:s8] =	ssyncadd.s32 @!p1 $0xFFFFFCE0  }
0x95: {  	_ =	swait.ge @!p1 [sflag:s8], $0x320  }
0x96: {  	[sflag:s8] =	ssyncset.done @!p1 $0x0  }
0x97: {  	[sflag:s8] =	ssyncadd.s32 @!p1 $0xFFFFFCE0  }
0x98: {  	_ =	swait.ge @!p1 [sflag:s8], $0x320  }
0x99: {  	s22 =	smul.u32 $0x7D00, s3;
	[sflag:s8] =	ssyncset.done @!p1 $0x0  }
0x9a: {  	s3 =	smul.u32 $0x1040, s3;
	[sflag:s8] =	ssyncadd.s32 @!p1 $0xFFFFFCE0  }
0x9b: {  	_ =	swait.ge @!p1 [sflag:s8], $0x320  }
0x9c: {  	s9 =	sshrl.u32 s22, $0x2;
	s3 =	sshrl.u32 s3, $0x2;
	[sflag:s8] =	ssyncset.done @!p1 $0x0  }
0x9d: {  	s22 =	sadd.s32 $0x1040, s9;
	s24 =	sadd.s32 $0x820, s3;
	[sflag:s8] =	ssyncadd.s32 @!p1 $0xFFFFFCE0  }
0x9e: {  	[spmem:s2] =	stream.indirect.scatter.add.f32 [tilespmem:s22], [sflag:$0x2], $0x8, s24, s23, $0xb8;
	[tilespmem:$0xB2C0] =	vst v63  }
0x9f: {  	s22 =	sadd.s32 $0x1360, s9;
	s24 =	sadd.s32 $0x888, s3  }
0xa0: {  	[spmem:s2] =	stream.indirect.scatter.add.f32 [tilespmem:s22], [sflag:$0x2], $0x8, s24, s23, $0xb8;
	[tilespmem:$0xB2C0] =	vst v63  }
0xa1: {  	s22 =	sadd.s32 $0x1680, s9;
	s24 =	sadd.s32 $0x8F0, s3  }
0xa2: {  	[spmem:s2] =	stream.indirect.scatter.add.f32 [tilespmem:s22], [sflag:$0x2], $0x8, s24, s23, $0xb8;
	[tilespmem:$0xB2C0] =	vst v63  }
0xa3: {  	s22 =	sadd.s32 $0x19A0, s9;
	s24 =	sadd.s32 $0x958, s3  }
0xa4: {  	[spmem:s2] =	stream.indirect.scatter.add.f32 [tilespmem:s22], [sflag:$0x2], $0x8, s24, s23, $0xb8;
	[tilespmem:$0xB2C0] =	vst v63  }
0xa5: {  	s22 =	sadd.s32 $0x1CC0, s9;
	s24 =	sadd.s32 $0x9C0, s3  }
0xa6: {  	[spmem:s2] =	stream.indirect.scatter.add.f32 [tilespmem:s22], [sflag:$0x2], $0x8, s24, s23, $0xb8;
	[tilespmem:$0xB2C0] =	vst v63  }
0xa7: {  	s22 =	sadd.s32 $0x1FE0, s9;
	s24 =	sadd.s32 $0xA28, s3  }
0xa8: {  	[spmem:s2] =	stream.indirect.scatter.add.f32 [tilespmem:s22], [sflag:$0x2], $0x8, s24, s23, $0xb8;
	[tilespmem:$0xB2C0] =	vst v63  }
0xa9: {  	s22 =	sadd.s32 $0x2300, s9;
	s24 =	sadd.s32 $0xA90, s3  }
0xaa: {  	[spmem:s2] =	stream.indirect.scatter.add.f32 [tilespmem:s22], [sflag:$0x2], $0x8, s24, s23, $0xb8;
	[tilespmem:$0xB2C0] =	vst v63  }
0xab: {  	s22 =	sadd.s32 $0x2620, s9;
	s24 =	sadd.s32 $0xAF8, s3  }
0xac: {  	[spmem:s2] =	stream.indirect.scatter.add.f32 [tilespmem:s22], [sflag:$0x2], $0x8, s24, s23, $0xb8;
	[tilespmem:$0xB2C0] =	vst v63  }
0xad: {  	s22 =	sadd.s32 $0x2940, s9;
	s24 =	sadd.s32 $0xB60, s3  }
0xae: {  	[spmem:s2] =	stream.indirect.scatter.add.f32 [tilespmem:s22], [sflag:$0x2], $0x8, s24, s23, $0xb8;
	[tilespmem:$0xB2C0] =	vst v63  }
0xaf: {  	s3 =	sadd.s32 $0xBC8, s3;
	s24 =	sadd.s32 $0x2C60, s9  }
0xb0: {  	[spmem:s2] =	stream.indirect.scatter.add.f32 [tilespmem:s24], [sflag:$0x2], $0x8, s3, s23, $0xb8;
	[tilespmem:$0xB2C0] =	vst v63  }
0xb1: {  	s3 =	smul.u32 @!p0 $0x7D00, s0  }
0xb2: {  	s0 =	smul.u32 @!p0 $0x1040, s0  }
0xb3: {  	s3 =	sshrl.u32 @!p0 s3, $0x2  }
0xb4: {  	s9 =	simm.s32 @!p0 $0x64;
	s0 =	sshrl.u32 @!p0 s0, $0x2;
	s8 =	sadd.s32 @!p0 $0x1040, s3  }
0xb5: {  	[tilespmem:s8], [sflag:$0x1] =	stream.indirect.gather @!p0 [hbm4b:s5+s9], $0x8, s0, s9, $0xb8;
	[tilespmem:$0xB2C0] =	vst v63  }
0xb6: {  	s22 =	sadd.s32 @!p0 $0x68, s0;
	s8 =	sadd.s32 @!p0 $0x1360, s3  }
0xb7: {  	[tilespmem:s8], [sflag:$0x1] =	stream.indirect.gather @!p0 [hbm4b:s5+s9], $0x8, s22, s9, $0xb8;
	[tilespmem:$0xB2C0] =	vst v63  }
0xb8: {  	s8 =	sadd.s32 @!p0 $0x1680, s3;
	s22 =	sadd.s32 @!p0 $0xD0, s0  }
0xb9: {  	[tilespmem:s8], [sflag:$0x1] =	stream.indirect.gather @!p0 [hbm4b:s5+s9], $0x8, s22, s9, $0xb8;
	[tilespmem:$0xB2C0] =	vst v63  }
0xba: {  	s8 =	sadd.s32 @!p0 $0x19A0, s3;
	s22 =	sadd.s32 @!p0 $0x138, s0  }
0xbb: {  	[tilespmem:s8], [sflag:$0x1] =	stream.indirect.gather @!p0 [hbm4b:s5+s9], $0x8, s22, s9, $0xb8;
	[tilespmem:$0xB2C0] =	vst v63  }
0xbc: {  	s8 =	sadd.s32 @!p0 $0x1CC0, s3;
	s22 =	sadd.s32 @!p0 $0x1A0, s0  }
0xbd: {  	[tilespmem:s8], [sflag:$0x1] =	stream.indirect.gather @!p0 [hbm4b:s5+s9], $0x8, s22, s9, $0xb8;
	[tilespmem:$0xB2C0] =	vst v63  }
0xbe: {  	s30 =	sadd.s32 @!p0 $0x82, s30;
	s8 =	sadd.s32 @!p0 $0x1FE0, s3;
	s22 =	sadd.s32 @!p0 $0x208, s0  }
0xbf: {  	[tilespmem:s8], [sflag:$0x1] =	stream.indirect.gather @!p0 [hbm4b:s5+s9], $0x8, s22, s9, $0xb8;
	[tilespmem:$0xB2C0] =	vst v63  }
0xc0: {  	p1 =	sne.s32 @!p0 s30, $0xCB2;
	s8 =	sadd.s32 @!p0 $0x2300, s3;
	s22 =	sadd.s32 @!p0 $0x270, s0  }
0xc1: {  	[tilespmem:s8], [sflag:$0x1] =	stream.indirect.gather @!p0 [hbm4b:s5+s9], $0x8, s22, s9, $0xb8;
	[tilespmem:$0xB2C0] =	vst v63  }
0xc2: {  	p1 =	por p0, !p1;
	s8 =	sadd.s32 @!p0 $0x2620, s3;
	s22 =	sadd.s32 @!p0 $0x2D8, s0  }
0xc3: {  	[tilespmem:s8], [sflag:$0x1] =	stream.indirect.gather @!p0 [hbm4b:s5+s9], $0x8, s22, s9, $0xb8;
	[tilespmem:$0xB2C0] =	vst v63  }
.Ltmp0:
0xc4: {  	_ = 	snop;
	(pc) =	sbr.rel @!p1 .LBB2_2-.Ltmp0, $4  }
0xc5: {  	s8 =	sadd.s32 @!p0 $0x2940, s3;
	s22 =	sadd.s32 @!p0 $0x340, s0  }
0xc6: {  	[tilespmem:s8], [sflag:$0x1] =	stream.indirect.gather @!p0 [hbm4b:s5+s9], $0x8, s22, s9, $0xb8;
	[tilespmem:$0xB2C0] =	vst v63  }
0xc7: {  	s31 =	sadd.s32 @!p0 $0x1, s31;
	s3 =	sadd.s32 @!p0 $0x2C60, s3;
	s0 =	sadd.s32 @!p0 $0x3A8, s0  }
0xc8: {  	[tilespmem:s3], [sflag:$0x1] =	stream.indirect.gather @!p0 [hbm4b:s5+s9], $0x8, s0, s9, $0xb8;
	[tilespmem:$0xB2C0] =	vst v63  }
0xc9: {  	_ =	swait.ge [sflag:s28], $0x320  }
0xca: {  	[sflag:s28] =	ssyncset.done $0x0  }
0xcb: {  	[sflag:s28] =	ssyncadd.s32 $0xFFFFFCE0  }
0xcc: {  	_ =	swait.ge [sflag:s28], $0x320  }
0xcd: {  	[sflag:s28] =	ssyncset.done $0x0  }
0xce: {  	[sflag:s28] =	ssyncadd.s32 $0xFFFFFCE0  }
0xcf: {  	_ =	swait.ge [sflag:s28], $0x320  }
0xd0: {  	[sflag:s28] =	ssyncset.done $0x0  }
0xd1: {  	[sflag:s28] =	ssyncadd.s32 $0xFFFFFCE0  }
0xd2: {  	_ =	swait.ge [sflag:s28], $0x320  }
0xd3: {  	[sflag:s28] =	ssyncset.done $0x0  }
0xd4: {  	[sflag:s28] =	ssyncadd.s32 $0xFFFFFCE0  }
0xd5: {  	_ =	swait.ge [sflag:s28], $0x320  }
0xd6: {  	[sflag:s28] =	ssyncset.done $0x0  }
0xd7: {  	[sflag:s28] =	ssyncadd.s32 $0xFFFFFCE0  }
0xd8: {  	_ =	swait.ge [sflag:s28], $0x320  }
0xd9: {  	[sflag:s28] =	ssyncset.done $0x0  }
0xda: {  	[sflag:s28] =	ssyncadd.s32 $0xFFFFFCE0  }
0xdb: {  	_ =	swait.ge [sflag:s28], $0x320  }
0xdc: {  	[sflag:s28] =	ssyncset.done $0x0  }
0xdd: {  	[sflag:s28] =	ssyncadd.s32 $0xFFFFFCE0  }
0xde: {  	_ =	swait.ge [sflag:s28], $0x320  }
0xdf: {  	[sflag:s28] =	ssyncset.done $0x0  }
0xe0: {  	[sflag:s28] =	ssyncadd.s32 $0xFFFFFCE0  }
0xe1: {  	_ =	swait.ge [sflag:s28], $0x320  }
0xe2: {  	[sflag:s28] =	ssyncset.done $0x0  }
0xe3: {  	[sflag:s28] =	ssyncadd.s32 $0xFFFFFCE0  }
0xe4: {  	_ =	swait.ge [sflag:s28], $0x320  }
0xe5: {  	[sflag:s28] =	ssyncset.done $0x0  }
0xe6: {  	s29 =	sadd.s32 $0x1, s29;
	[sflag:s28] =	ssyncadd.s32 $0xFFFFFCE0  }
0xe7: {  	p0 =	sne.s32 s29, s10;
	[bflag:$0x0] =	sbarrier.arrive $0xFFFF  }
.Ltmp1:
0xe8: {  	s0 =	rddreg [dreg:$0x5];
	(pc) =	sbr.rel @p0 .LBB2_1-.Ltmp1, $4  }
0xe9: {  	[hbm:s0], [sflag:s7] =	dma.local [spmem:s25], $0xC80  }
0xea: {  	_ =	swait.ge [sflag:s14], $0xC80  }
0xeb: {  	[sflag:s14] =	ssyncset.done $0x0  }
0xec: {  	[sflag:s14] =	ssyncadd.s32 $0xFFFFF380  }
0xed: {  	_ =	sfence.sel $0x180000  }
0xee: {  	[bflag:$0x0] =	sbarrier.arrive $0xFFFF  }
0xef: {  	_ =	strace $0x9000004A  }
0xf0: {  	s0 =	stileid.u32;
	[bflag:$0x2] =	sbarrier.arrive $0xFFFF  }
0xf1: {  	p0 =	sne.s32 s0, $0x0;
	s0 =	rddreg [dreg:$0x3]  }
0xf2: {  	s0 =	sadd.s32 @!p0 $0x100000, s0  }
0xf3: {  	[sflag:s0] =	ssyncadd.tile.s32 @!p0 $0x1;
	_ =	shalt  }
.Lfunc_end2:
_tile_overlayer_lowered:
.L_overlay_start_2:
0xf4: {  	(tag) =	ssettag $0x2  }
0xf5: {  	s0 =	rddreg [dreg:$0x0];
	s2 =	stileid.u32  }
0xf6: {  	s1 =	rddreg [dreg:$0x1];
	p0 =	sne.s32 s2, $0x0  }
0xf7: {  	s3 =	rddreg [dreg:$0x2];
	[bflag:$0x3] =	sbarrier.arrive $0xFFFF;
	s2 =	simm.s32 @!p0 $0x1C03  }
0xf8: {  	[timem:s3], [sflag:s2] =	dma.local @!p0 [hbm:s0], s1  }
0xf9: {  	s0 =	simm.s32 @!p0 $0x3  }
0xfa: {  	_ =	swait.ge @!p0 [sflag:s0], s1  }
0xfb: {  	s1 =	ssub.s32 @!p0 $0x0, s1;
	[sflag:s0] =	ssyncset.done @!p0 $0x0  }
0xfc: {  	[sflag:s0] =	ssyncadd.s32 @!p0 s1  }
0xfd: {  	[bflag:$0x3] =	sbarrier.arrive $0xFFFF  }
0xfe: {  	_ =	shalt  }

// kernel: kernel.7.cloned.1.call-start
scs
__scs_entry_jumppad:
0x0: {  	(pc) =	sbr.rel $0x88, $3  }
0x1: {  	(tag) =	ssettag $0x0;
	lr =	simm.s32 $0x1  }
0x2: {  	[smem:$0x3F8F] =	sst lr;
	_ =	strace $0xD0000000  }
0x3: {  	_ = 	snop  }
0x4: {  	_ = 	snop  }
0x5: {  	_ = 	snop  }
0x6: {  	_ = 	snop  }
0x7: {  	_ = 	snop  }
__scs_overlays_trampoline_lowered:
0x8: {  	[smem:$0x3F9E] =	sst s0  }
0x9: {  	[smem:$0x3F9F] =	sst s1  }
0xa: {  	[smem:$0x3FA0] =	sst s2  }
0xb: {  	[smem:$0x3FA1] =	sst s3  }
0xc: {  	[smem:$0x3FA2] =	sst s4  }
0xd: {  	[smem:$0x3FA3] =	sst s5  }
0xe: {  	[smem:$0x3FA4] =	sst s6  }
0xf: {  	[smem:$0x3FA5] =	sst s7  }
0x10: {  	[smem:$0x3FA6] =	sst s8  }
0x11: {  	[smem:$0x3FA7] =	sst s9;
	s0 =	simm.s32 @!p0 $0x0  }
0x12: {  	s1 =	sld [smem:$0x3F8D];
	s0 =	simm.s32 @p0 $0x1  }
0x13: {  	[smem:$0x3FA8] =	sst s0;
	s0 =	simm.s32 @!p1 $0x0  }
0x14: {  	s2 =	sld [smem:$0x3F8C];
	s0 =	simm.s32 @p1 $0x1  }
0x15: {  	[smem:$0x3FA9] =	sst s0;
	s0 =	simm.s32 @!p2 $0x0  }
0x16: {  	s3 =	sld [smem:$0x3FDB];
	s0 =	simm.s32 @p2 $0x1  }
0x17: {  	s4 =	simm.s32 $0x1BF5;
	[smem:$0x3FAB] =	sst s0  }
0x18: {  	s0 =	sld [smem:$0x3F8E];
	_ =	swait.ge [sflag:s4], $0x0  }
0x19: {  	s7 =	sld [smem:$0x3F8F]  }
0x1a: {  	s8 =	sadd.s32 $0xFFFFE003, lr  }
0x1b: {  	s9 =	sadd.s32 $0xFFFFFEF7, lr;
	s5 =	simm.s32 $0xFFFFFFFF;
	p2 =	slt.u32 s8, $0xFFFFF086  }
0x1c: {  	p1 =	slt.u32 s9, $0xF7A;
	s5 =	simm.s32 @!p2 $0x0  }
0x1d: {  	s5 =	simm.s32 @p1 $0x1;
	p0 =	seq.s32 s7, s2  }
0x1e: {  	s7 =	smul.u32 @!p0 $0xF7A, s2;
	p2 =	seq.s32 @!p0 s5, $0x0  }
0x1f: {  	s9 =	smul.u32 $0xF7A, s1;
	s8 =	simm.s32 @!p0 $0x1BF5;
	p2 =	por !p2, p0  }
0x20: {  	[sflag:s8] =	ssyncset.s32 @!p0 $0xFFFFF086;
	s6 =	sadd.s32 @!p0 s3, s7;
	s7 =	simm.s32 @!p0 $0x108  }
0x21: {  	s3 =	sadd.s32 s3, s9;
	s6 =	sadd.s32 @!p0 $0x88, s6;
	s7 =	simm.s32 @p2 $0x1082  }
0x22: {  	[simem:s7], [sflag:s8] =	dma.local @!p0 [hbm:s6], $0xF7A  }
0x23: {  	s9 =	sor.u32 $0xD0000000, s2;
	s6 =	simm.s32 $0x108;
	_ =	swait.ge @!p0 [sflag:s8], $0x0  }
0x24: {  	s3 =	sadd.s32 $0x88, s3;
	s6 =	simm.s32 @!p1 $0x1082;
	[sflag:s4] =	ssyncset.s32 $0xFFFFF086  }
0x25: {  	[simem:s6], [sflag:s4] =	dma.local [hbm:s3], $0xF7A  }
0x26: {  	[smem:$0x3F8F] =	sst s1;
	(tag) =	ssettag s2;
	_ =	strace s9  }
0x27: {  	s1 =	sld [smem:$0x3F9F]  }
0x28: {  	s2 =	sld [smem:$0x3FA0]  }
0x29: {  	s4 =	sld [smem:$0x3FA2]  }
0x2a: {  	p0 =	seq.s32 s5, $0x0;
	s5 =	sld [smem:$0x3FA3]  }
0x2b: {  	s6 =	sld [smem:$0x3FA4]  }
0x2c: {  	s7 =	sld [smem:$0x3FA5]  }
0x2d: {  	s3 =	simm.s32 $0x108;
	s8 =	sld [smem:$0x3FA6]  }
0x2e: {  	s3 =	simm.s32 @!p0 $0x1082;
	s9 =	sld [smem:$0x3FA7]  }
0x2f: {  	lr =	sadd.s32 s0, s3;
	s0 =	sld [smem:$0x3F9E]  }
0x30: {  	s3 =	sld [smem:$0x3FA1]  }
0x31: {  	[smem:$0x3FAA] =	sst s10  }
0x32: {  	s10 =	sld [smem:$0x3FA8];
	_ =	sdelay $0x3  }
0x33: {  	p0 =	seq.s32 s10, $0x1;
	s10 =	sld [smem:$0x3FAA];
	_ =	sdelay $0x3  }
0x34: {  	[smem:$0x3FAA] =	sst s10  }
0x35: {  	s10 =	sld [smem:$0x3FA9];
	_ =	sdelay $0x3  }
0x36: {  	p1 =	seq.s32 s10, $0x1;
	s10 =	sld [smem:$0x3FAA];
	_ =	sdelay $0x3  }
0x37: {  	[smem:$0x3FAA] =	sst s10  }
0x38: {  	s10 =	sld [smem:$0x3FAB]  }
0x39: {  	_ = 	snop;
	(pc) =	sbr.ind lr, $3  }
0x3a: {  	_ = 	snop  }
0x3b: {  	_ = 	snop  }
0x3c: {  	p2 =	seq.s32 s10, $0x1;
	s10 =	sld [smem:$0x3FAA]  }
0x3d: {  	_ =	shalt  }
0x3e: {  	_ =	shalt  }
0x3f: {  	_ =	shalt  }
0x40: {  	_ =	shalt  }
0x41: {  	_ =	shalt  }
0x42: {  	_ =	shalt  }
0x43: {  	_ =	shalt  }
0x44: {  	_ =	shalt  }
0x45: {  	_ =	shalt  }
0x46: {  	_ =	shalt  }
0x47: {  	_ =	shalt  }
0x48: {  	_ =	shalt  }
0x49: {  	_ =	shalt  }
0x4a: {  	_ =	shalt  }
0x4b: {  	_ =	shalt  }
0x4c: {  	_ =	shalt  }
0x4d: {  	_ =	shalt  }
0x4e: {  	_ =	shalt  }
0x4f: {  	_ =	shalt  }
0x50: {  	_ =	shalt  }
0x51: {  	_ =	shalt  }
0x52: {  	_ =	shalt  }
0x53: {  	_ =	shalt  }
0x54: {  	_ =	shalt  }
0x55: {  	_ =	shalt  }
0x56: {  	_ =	shalt  }
0x57: {  	_ =	shalt  }
0x58: {  	_ =	shalt  }
0x59: {  	_ =	shalt  }
0x5a: {  	_ =	shalt  }
0x5b: {  	_ =	shalt  }
0x5c: {  	_ =	shalt  }
0x5d: {  	_ =	shalt  }
0x5e: {  	_ =	shalt  }
0x5f: {  	_ =	shalt  }
0x60: {  	_ =	shalt  }
0x61: {  	_ =	shalt  }
0x62: {  	_ =	shalt  }
0x63: {  	_ =	shalt  }
0x64: {  	_ =	shalt  }
0x65: {  	_ =	shalt  }
0x66: {  	_ =	shalt  }
0x67: {  	_ =	shalt  }
0x68: {  	_ =	shalt  }
0x69: {  	_ =	shalt  }
0x6a: {  	_ =	shalt  }
0x6b: {  	_ =	shalt  }
0x6c: {  	_ =	shalt  }
0x6d: {  	_ =	shalt  }
0x6e: {  	_ =	shalt  }
0x6f: {  	_ =	shalt  }
0x70: {  	_ =	shalt  }
0x71: {  	_ =	shalt  }
0x72: {  	_ =	shalt  }
0x73: {  	_ =	shalt  }
0x74: {  	_ =	shalt  }
0x75: {  	_ =	shalt  }
0x76: {  	_ =	shalt  }
0x77: {  	_ =	shalt  }
0x78: {  	_ =	shalt  }
0x79: {  	_ =	shalt  }
0x7a: {  	_ =	shalt  }
0x7b: {  	_ =	shalt  }
0x7c: {  	_ =	shalt  }
0x7d: {  	_ =	shalt  }
0x7e: {  	_ =	shalt  }
0x7f: {  	_ =	shalt  }
0x80: {  	_ =	shalt  }
0x81: {  	_ =	shalt  }
0x82: {  	_ =	shalt  }
0x83: {  	_ =	shalt  }
0x84: {  	_ =	shalt  }
0x85: {  	_ =	shalt  }
0x86: {  	_ =	shalt  }
0x87: {  	_ =	shalt  }
.Lfunc_end0:
.L_simem_size_0:
called_computation_lowered:
.L_overlay_start_0:
0x88: {  	s2 =	sld [smem:$0x3FD9]  }
0x89: {  	s3 =	sld [smem:$0x3FFE];
	_ =	sdelay $0x1  }
0x8a: {  	s1 =	srdreg.scid  }
0x8b: {  	s0 =	sand.u32 $0x1, s1  }
0x8c: {  	s17 =	sshll.u32 s0, $0xA;
	s2 =	sadd.s32 s3, s2  }
0x8d: {  	s2 =	sadd.s32 s2, s17  }
0x8e: {  	[smem:$0x3FB6] =	sst s2  }
0x8f: {  	_ = 	snop  }
0x90: {  	s2 =	sld [smem:$0x3FD0];
	(tm) =	ssettm $0x1  }
0x91: {  	s18 =	sld [smem:$0x3FFB];
	_ =	sdelay $0x3  }
0x92: {  	_ =	strace s18  }
0x93: {  	s3 =	sld [smem:$0x3FFC];
	_ =	sdelay $0x3  }
0x94: {  	_ =	strace s3  }
0x95: {  	s3 =	sld [smem:$0x3FFD];
	_ =	sdelay $0x3  }
0x96: {  	_ =	strace s3  }
0x97: {  	_ =	strace $0x8FFFFFFF  }
0x98: {  	s19 =	sld [smem:$0x3FDB];
	_ =	sdelay $0x1  }
0x99: {  	s4 =	simm.s32 $_scs_section_size  }
0x9a: {  	s5 =	simm.s32 $_size__tile_overlayer_lowered;
	s6 =	simm.s32 $_tile_overlayer_lowered  }
0x9b: {  	s22 =	simm.s32 $0x1BFF;
	s21 =	sshll.u32 s6, $0x1;
	s3 =	sadd.s32 s4, s19  }
0x9c: {  	s7 =	simm.s32 $0x0;
	s20 =	sshll.u32 s5, $0x1;
	s5 =	sadd.s32 s21, s3  }
0x9d: {  	[timem:s7], [sflag:s22] =	dma.local [hbm:s5], s20  }
0x9e: {  	_ =	swait.ge [sflag:s22], s20  }
0x9f: {  	s4 =	ssub.s32 $0x0, s20;
	[sflag:s22] =	ssyncset.done $0x0  }
0xa0: {  	[sflag:s22] =	ssyncadd.s32 s4;
	_ =	sdelay $0x1  }
0xa1: {  	s23 =	simm.s32 $0x1B8B  }
0xa2: {  	_ =	swait.ge [sflag:s23], $0x1  }
0xa3: {  	[sflag:s23] =	ssyncset.done $0x0  }
0xa4: {  	s25 =	simm.s32 $0x1B8E;
	s24 =	sld [smem:$0x3FFE];
	[sflag:s23] =	ssyncadd.s32 $0xFFFFFFFF  }
0xa5: {  	s26 =	simm.s32 $execute0_lowered;
	[smem:$0x3FD2] =	sst s25  }
0xa6: {  	s5 =	sshll.u32 s26, $0x1;
	_ =	strace $0x80000046;
	[dreg:$0x1] =	wrdreg $0xFFFFFFFF  }
0xa7: {  	s28 =	simm.s32 $_size_execute0_lowered;
	s3 =	sadd.s32 s3, s5;
	[dreg:$0x0] =	wrdreg $0x0  }
0xa8: {  	s5 =	sshll.u32 s28, $0x1;
	[dreg:$0x2] =	wrdreg s3  }
0xa9: {  	[dreg:$0x3] =	wrdreg s5  }
0xaa: {  	[dreg:$0x4] =	wrdreg $0xC0  }
0xab: {  	_ =	task [dreg:s7], $0x5FFFF  }
0xac: {  	[dreg:$0x1] =	wrdreg $0xFFFFFFFF  }
0xad: {  	[dreg:$0x0] =	wrdreg $0x60  }
0xae: {  	[dreg:$0x2] =	wrdreg s24  }
0xaf: {  	[dreg:$0x3] =	wrdreg s2  }
0xb0: {  	[dreg:$0x4] =	wrdreg $0x4EC00  }
0xb1: {  	[dreg:$0x5] =	wrdreg $0x9  }
0xb2: {  	_ =	task.clear_ibuf [dreg:s7], $0x6FFFF;
	_ =	strace $0x90000046  }
0xb3: {  	s29 =	simm.s32 $0x9;
	_ =	strace $0x80000048  }
0xb4: {  	_ =	swait.ge [sflag:s29], $0x1  }
0xb5: {  	[sflag:s29] =	ssyncadd.s32 $0xFFFFFFFF  }
0xb6: {  	_ =	strace $0x90000048  }
0xb7: {  	_ =	sfence  }
0xb8: {  	s30 =	sld [smem:$0x0];
	_ =	sdelay $0x2  }
0xb9: {  	s31 =	sshll.u32 s1, $0xD;
	s1 =	sshrl.u32 s1, $0x2  }
0xba: {  	s3 =	sand.u32 $0x4000, s31;
	s1 =	sadd.s32 s1, s30  }
0xbb: {  	s0 =	sor.u32 s3, s0;
	s1 =	sshll.u32 s1, $0x11  }
0xbc: {  	s0 =	sor.u32 s1, s0  }
0xbd: {  	s0 =	sadd.s32 $0x8F2B, s0  }
0xbe: {  	[sflag:s0] =	ssyncadd.remote.s32 $0x1  }
0xbf: {  	_ =	sfence.sel $0xFFFF  }
0xc0: {  	[dreg:$0x0] =	wrdreg $0xFFFFFFFF;
	(pc) =	sbr.abs _section_cstart, $3  }
0xc1: {  	[dreg:$0x1] =	wrdreg $0xFFFFFFFF  }
0xc2: {  	_ =	task.clear_ibuf [dreg:s7], $0x2FFFF;
	_ =	strace $0x9FFFFFFF  }
0xc3: {  	(tm) =	ssettm $0x7FFFFFFF  }
tec
execute0_lowered:
.L_overlay_start_1:
0x0: {  	(tag) =	ssettag $0x1  }
0x1: {  	s0 =	rddreg [dreg:$0x0]  }
0x2: {  	s1 =	rddreg [dreg:$0x1];
	s20 =	stileid.u32  }
0x3: {  	s2 =	rddreg [dreg:$0x2];
	s10 =	smul.u32 $0x6400, s20  }
0x4: {  	s3 =	srdreg.scid;
	s12 =	smul.u32 $0x19000, s20  }
0x5: {  	s4 =	simm.s32 $0x0;
	s28 =	simm.s32 $0x2;
	s14 =	smul.u32 $0x6590, s20  }
0x6: {  	s29 =	simm.s32 $0x0;
	s3 =	sand.u32 $0x1, s3;
	s30 =	smul.u32 $0xCB2, s20  }
0x7: {  	[smem:$0x7FF] =	sst s4;
	s11 =	sadd.s32 $0x400, s0;
	s6 =	smul.u32 $0x64000, s3  }
0x8: {  	s22 =	sshll.u32 s20, $0x6;
	s5 =	sshll.u32 s3, $0x4;
	s26 =	smul.u32 $0x65900, s3  }
0x9: {  	_ =	strace $0x80000047;
	s8 =	ssub.s32 $0x2, s3;
	s3 =	smul.u32 $0xCB20, s3  }
0xa: {  	s7 =	sor.u32 s20, s5;
	s5 =	sadd.s32 $0x33200, s0;
	s9 =	sshrl.u32 s8, $0x1  }
0xb: {  	s24 =	sadd.s32 s10, s2;
	s12 =	sshrl.u32 s12, $0x2;
	s6 =	sadd.s32 s10, s6  }
0xc: {  	s7 =	smul.u32 $0x6590, s7;
	s13 =	ssub.s32 s8, s9;
	s25 =	sadd.s32 s12, s2  }
0xd: {  	s12 =	sadd.s32 s14, s26;
	s3 =	sadd.s32 s3, s11;
	s14 =	simm.s32 $0x3  }
0xe: {  	s26 =	simm.s32 $0x1;
	s6 =	sshrl.u32 s6, $0x3;
	s10 =	smax.u32 s13, $0x1  }
0xf: {  	s15 =	sadd.s32 $0xC80, s25;
	s16 =	sadd.s32 $0x1900, s25;
	s17 =	sadd.s32 $0x2580, s25  }
0x10: {  	s18 =	sadd.s32 $0x3200, s25;
	s19 =	sadd.s32 $0x3E80, s25;
	s31 =	sadd.s32 $0x4B00, s25  }
0x11: {  	s12 =	sadd.s32 $0xCB610, s12;
	s3 =	sadd.s32 s30, s3;
	s13 =	sshrl.u32 s25, $0x3  }
0x12: {  	s0 =	sadd.s32 s6, s0;
	s21 =	sshrl.u32 s7, $0x3;
	s7 =	sor.u32 $0x1C03, s22  }
0x13: {  	s12 =	sshrl.u32 s12, $0x3;
	s15 =	sshrl.u32 s15, $0x3;
	s16 =	sshrl.u32 s16, $0x3  }
0x14: {  	s17 =	sshrl.u32 s17, $0x3;
	s18 =	sshrl.u32 s18, $0x3;
	s19 =	sshrl.u32 s19, $0x3  }
0x15: {  	s20 =	sshrl.u32 s31, $0x3;
	s6 =	sadd.s32 s11, s21;
	s0 =	sadd.s32 $0x3FA00, s0  }
0x16: {  	s21 =	sadd.s32 $0x5780, s25;
	s11 =	sadd.s32 s12, s11;
	s12 =	sadd.s32 $0x82, s3  }
0x17: {  	s25 =	sshrl.u32 s24, $0x3;
	s23 =	sadd.s32 $0x19640, s6;
	[dreg:$0x5] =	wrdreg s0  }
0x18: {  	s21 =	sshrl.u32 s21, $0x3;
	[dreg:$0x4] =	wrdreg s23;
	s23 =	simm.s32 $0x64  }
.LBB2_1:
0x19: {  	[spmem:s13], [sflag:s7] =	dma.local [hbm:s1], $0x190  }
0x1a: {  	_ =	swait.ge [sflag:s14], $0x190  }
0x1b: {  	[sflag:s14] =	ssyncset.done $0x0  }
0x1c: {  	[sflag:s14] =	ssyncadd.s32 $0xFFFFFE70  }
0x1d: {  	[spmem:s15], [sflag:s7] =	dma.local [hbm:s1], $0x190  }
0x1e: {  	_ =	swait.ge [sflag:s14], $0x190  }
0x1f: {  	[sflag:s14] =	ssyncset.done $0x0  }
0x20: {  	[sflag:s14] =	ssyncadd.s32 $0xFFFFFE70  }
0x21: {  	[spmem:s16], [sflag:s7] =	dma.local [hbm:s1], $0x190  }
0x22: {  	_ =	swait.ge [sflag:s14], $0x190  }
0x23: {  	[sflag:s14] =	ssyncset.done $0x0  }
0x24: {  	[sflag:s14] =	ssyncadd.s32 $0xFFFFFE70  }
0x25: {  	[spmem:s17], [sflag:s7] =	dma.local [hbm:s1], $0x190  }
0x26: {  	_ =	swait.ge [sflag:s14], $0x190  }
0x27: {  	[sflag:s14] =	ssyncset.done $0x0  }
0x28: {  	[sflag:s14] =	ssyncadd.s32 $0xFFFFFE70  }
0x29: {  	[spmem:s18], [sflag:s7] =	dma.local [hbm:s1], $0x190  }
0x2a: {  	_ =	swait.ge [sflag:s14], $0x190  }
0x2b: {  	[sflag:s14] =	ssyncset.done $0x0  }
0x2c: {  	[sflag:s14] =	ssyncadd.s32 $0xFFFFFE70  }
0x2d: {  	[spmem:s19], [sflag:s7] =	dma.local [hbm:s1], $0x190  }
0x2e: {  	_ =	swait.ge [sflag:s14], $0x190  }
0x2f: {  	[sflag:s14] =	ssyncset.done $0x0  }
0x30: {  	[sflag:s14] =	ssyncadd.s32 $0xFFFFFE70  }
0x31: {  	[spmem:s20], [sflag:s7] =	dma.local [hbm:s1], $0x190  }
0x32: {  	_ =	swait.ge [sflag:s14], $0x190  }
0x33: {  	[sflag:s14] =	ssyncset.done $0x0  }
0x34: {  	[sflag:s14] =	ssyncadd.s32 $0xFFFFFE70  }
0x35: {  	[spmem:s21], [sflag:s7] =	dma.local [hbm:s1], $0x190  }
0x36: {  	_ =	swait.ge [sflag:s14], $0x190  }
0x37: {  	[sflag:s14] =	ssyncset.done $0x0  }
0x38: {  	[sflag:s14] =	ssyncadd.s32 $0xFFFFFE70  }
0x39: {  	[bflag:$0x0] =	sbarrier.arrive $0xFFFF  }
0x3a: {  	[tilespmem:s4], [sflag:$0x3] =	stream.linear.gather [hbm4b:s6+s4], $0x410, $0x38;
	[tilespmem:$0xB2C0] =	vst v63  }
0x3b: {  	_ =	swait.ge [sflag:s14], $0x410  }
0x3c: {  	[sflag:s14] =	ssyncset.done $0x0  }
0x3d: {  	s3 =	simm.s32 $0x820;
	s0 =	rddreg [dreg:$0x4];
	[sflag:s14] =	ssyncadd.s32 $0xFFFFFBF0  }
0x3e: {  	[tilespmem:s3], [sflag:$0x3] =	stream.linear.gather [hbm4b:s0+s4], $0x410, $0x38;
	[tilespmem:$0xB2C0] =	vst v63  }
0x3f: {  	_ =	swait.ge [sflag:s14], $0x410  }
0x40: {  	[sflag:s14] =	ssyncset.done $0x0  }
0x41: {  	s9 =	simm.s32 $0x1040;
	[sflag:s14] =	ssyncadd.s32 $0xFFFFFBF0  }
0x42: {  	[tilespmem:s9], [sflag:$0x1] =	stream.indirect.gather [hbm4b:s5+s23], $0x8, s4, s23, $0xb8;
	[tilespmem:$0xB2C0] =	vst v63  }
0x43: {  	s22 =	simm.s32 $0x68;
	s24 =	simm.s32 $0x1360  }
0x44: {  	[tilespmem:s24], [sflag:$0x1] =	stream.indirect.gather [hbm4b:s5+s23], $0x8, s22, s23, $0xb8;
	[tilespmem:$0xB2C0] =	vst v63  }
0x45: {  	s8 =	simm.s32 $0xD0;
	s9 =	simm.s32 $0x1680  }
0x46: {  	[tilespmem:s9], [sflag:$0x1] =	stream.indirect.gather [hbm4b:s5+s23], $0x8, s8, s23, $0xb8;
	[tilespmem:$0xB2C0] =	vst v63  }
0x47: {  	s22 =	simm.s32 $0x138;
	s24 =	simm.s32 $0x19A0  }
0x48: {  	[tilespmem:s24], [sflag:$0x1] =	stream.indirect.gather [hbm4b:s5+s23], $0x8, s22, s23, $0xb8;
	[tilespmem:$0xB2C0] =	vst v63  }
0x49: {  	s8 =	simm.s32 $0x1A0;
	s9 =	simm.s32 $0x1CC0  }
0x4a: {  	[tilespmem:s9], [sflag:$0x1] =	stream.indirect.gather [hbm4b:s5+s23], $0x8, s8, s23, $0xb8;
	[tilespmem:$0xB2C0] =	vst v63  }
0x4b: {  	s22 =	simm.s32 $0x208;
	s24 =	simm.s32 $0x1FE0  }
0x4c: {  	[tilespmem:s24], [sflag:$0x1] =	stream.indirect.gather [hbm4b:s5+s23], $0x8, s22, s23, $0xb8;
	[tilespmem:$0xB2C0] =	vst v63  }
0x4d: {  	s8 =	simm.s32 $0x270;
	s9 =	simm.s32 $0x2300  }
0x4e: {  	[tilespmem:s9], [sflag:$0x1] =	stream.indirect.gather [hbm4b:s5+s23], $0x8, s8, s23, $0xb8;
	[tilespmem:$0xB2C0] =	vst v63  }
0x4f: {  	s22 =	simm.s32 $0x2D8;
	s24 =	simm.s32 $0x2620  }
0x50: {  	[tilespmem:s24], [sflag:$0x1] =	stream.indirect.gather [hbm4b:s5+s23], $0x8, s22, s23, $0xb8;
	[tilespmem:$0xB2C0] =	vst v63  }
0x51: {  	s30 =	simm.s32 $0x0;
	s8 =	simm.s32 $0x340;
	s9 =	simm.s32 $0x2940  }
0x52: {  	[tilespmem:s9], [sflag:$0x1] =	stream.indirect.gather [hbm4b:s5+s23], $0x8, s8, s23, $0xb8;
	[tilespmem:$0xB2C0] =	vst v63  }
0x53: {  	s31 =	simm.s32 $0x0;
	s22 =	simm.s32 $0x3A8;
	s24 =	simm.s32 $0x2C60  }
0x54: {  	[tilespmem:s24], [sflag:$0x1] =	stream.indirect.gather [hbm4b:s5+s23], $0x8, s22, s23, $0xb8;
	[tilespmem:$0xB2C0] =	vst v63  }
.LBB2_2:
0x55: {  	s3 =	sand.u32 $0x1, s31  }
0x56: {  	p0 =	seq.s32 s30, $0xC30;
	s0 =	sxor.u32 $0x1, s3  }
0x57: {  	s22 =	smul.u32 @!p0 $0x410, s0  }
0x58: {  	s24 =	sadd.s32 @!p0 s30, s12;
	s8 =	simm.s32 @!p0 $0x0  }
0x59: {  	[tilespmem:s22], [sflag:$0x3] =	stream.linear.gather @!p0 [hbm4b:s24+s8], $0x410, $0x38;
	[tilespmem:$0xB2C0] =	vst v63  }
0x5a: {  	s24 =	simm.s32 @!p0 $0x3  }
0x5b: {  	_ =	swait.ge @!p0 [sflag:s24], $0x410  }
0x5c: {  	[sflag:s24] =	ssyncset.done @!p0 $0x0  }
0x5d: {  	s9 =	sadd.s32 @!p0 s30, s11;
	s22 =	sadd.s32 @!p0 $0x820, s22;
	[sflag:s24] =	ssyncadd.s32 @!p0 $0xFFFFFBF0  }
0x5e: {  	[tilespmem:s22], [sflag:$0x3] =	stream.linear.gather @!p0 [hbm4b:s9+s8], $0x410, $0x38;
	[tilespmem:$0xB2C0] =	vst v63  }
0x5f: {  	_ =	swait.ge @!p0 [sflag:s24], $0x410  }
0x60: {  	[sflag:s24] =	ssyncset.done @!p0 $0x0  }
0x61: {  	[sflag:s24] =	ssyncadd.s32 @!p0 $0xFFFFFBF0  }
0x62: {  	_ =	swait.ge [sflag:s26], $0x320  }
0x63: {  	[sflag:s26] =	ssyncset.done $0x0  }
0x64: {  	[sflag:s26] =	ssyncadd.s32 $0xFFFFFCE0  }
0x65: {  	_ =	swait.ge [sflag:s26], $0x320  }
0x66: {  	[sflag:s26] =	ssyncset.done $0x0  }
0x67: {  	[sflag:s26] =	ssyncadd.s32 $0xFFFFFCE0  }
0x68: {  	_ =	swait.ge [sflag:s26], $0x320  }
0x69: {  	[sflag:s26] =	ssyncset.done $0x0  }
0x6a: {  	[sflag:s26] =	ssyncadd.s32 $0xFFFFFCE0  }
0x6b: {  	_ =	swait.ge [sflag:s26], $0x320  }
0x6c: {  	[sflag:s26] =	ssyncset.done $0x0  }
0x6d: {  	[sflag:s26] =	ssyncadd.s32 $0xFFFFFCE0  }
0x6e: {  	_ =	swait.ge [sflag:s26], $0x320  }
0x6f: {  	[sflag:s26] =	ssyncset.done $0x0  }
0x70: {  	[sflag:s26] =	ssyncadd.s32 $0xFFFFFCE0  }
0x71: {  	_ =	swait.ge [sflag:s26], $0x320  }
0x72: {  	[sflag:s26] =	ssyncset.done $0x0  }
0x73: {  	[sflag:s26] =	ssyncadd.s32 $0xFFFFFCE0  }
0x74: {  	_ =	swait.ge [sflag:s26], $0x320  }
0x75: {  	[sflag:s26] =	ssyncset.done $0x0  }
0x76: {  	[sflag:s26] =	ssyncadd.s32 $0xFFFFFCE0  }
0x77: {  	_ =	swait.ge [sflag:s26], $0x320  }
0x78: {  	[sflag:s26] =	ssyncset.done $0x0  }
0x79: {  	[sflag:s26] =	ssyncadd.s32 $0xFFFFFCE0  }
0x7a: {  	_ =	swait.ge [sflag:s26], $0x320  }
0x7b: {  	[sflag:s26] =	ssyncset.done $0x0  }
0x7c: {  	[sflag:s26] =	ssyncadd.s32 $0xFFFFFCE0  }
0x7d: {  	_ =	swait.ge [sflag:s26], $0x320  }
0x7e: {  	p1 =	seq.s32 s30, $0x0;
	[sflag:s26] =	ssyncset.done $0x0  }
0x7f: {  	s8 =	simm.s32 @!p1 $0x2;
	[sflag:s26] =	ssyncadd.s32 $0xFFFFFCE0  }
0x80: {  	_ =	swait.ge @!p1 [sflag:s8], $0x320  }
0x81: {  	[sflag:s8] =	ssyncset.done @!p1 $0x0  }
0x82: {  	[sflag:s8] =	ssyncadd.s32 @!p1 $0xFFFFFCE0  }
0x83: {  	_ =	swait.ge @!p1 [sflag:s8], $0x320  }
0x84: {  	[sflag:s8] =	ssyncset.done @!p1 $0x0  }
0x85: {  	[sflag:s8] =	ssyncadd.s32 @!p1 $0xFFFFFCE0  }
0x86: {  	_ =	swait.ge @!p1 [sflag:s8], $0x320  }
0x87: {  	[sflag:s8] =	ssyncset.done @!p1 $0x0  }
0x88: {  	[sflag:s8] =	ssyncadd.s32 @!p1 $0xFFFFFCE0  }
0x89: {  	_ =	swait.ge @!p1 [sflag:s8], $0x320  }
0x8a: {  	[sflag:s8] =	ssyncset.done @!p1 $0x0  }
0x8b: {  	[sflag:s8] =	ssyncadd.s32 @!p1 $0xFFFFFCE0  }
0x8c: {  	_ =	swait.ge @!p1 [sflag:s8], $0x320  }
0x8d: {  	[sflag:s8] =	ssyncset.done @!p1 $0x0  }
0x8e: {  	[sflag:s8] =	ssyncadd.s32 @!p1 $0xFFFFFCE0  }
0x8f: {  	_ =	swait.ge @!p1 [sflag:s8], $0x320  }
0x90: {  	[sflag:s8] =	ssyncset.done @!p1 $0x0  }
0x91: {  	[sflag:s8] =	ssyncadd.s32 @!p1 $0xFFFFFCE0  }
0x92: {  	_ =	swait.ge @!p1 [sflag:s8], $0x320  }
0x93: {  	[sflag:s8] =	ssyncset.done @!p1 $0x0  }
0x94: {  	[sflag:s8] =	ssyncadd.s32 @!p1 $0xFFFFFCE0  }
0x95: {  	_ =	swait.ge @!p1 [sflag:s8], $0x320  }
0x96: {  	[sflag:s8] =	ssyncset.done @!p1 $0x0  }
0x97: {  	[sflag:s8] =	ssyncadd.s32 @!p1 $0xFFFFFCE0  }
0x98: {  	_ =	swait.ge @!p1 [sflag:s8], $0x320  }
0x99: {  	s22 =	smul.u32 $0x7D00, s3;
	[sflag:s8] =	ssyncset.done @!p1 $0x0  }
0x9a: {  	s3 =	smul.u32 $0x1040, s3;
	[sflag:s8] =	ssyncadd.s32 @!p1 $0xFFFFFCE0  }
0x9b: {  	_ =	swait.ge @!p1 [sflag:s8], $0x320  }
0x9c: {  	s9 =	sshrl.u32 s22, $0x2;
	s3 =	sshrl.u32 s3, $0x2;
	[sflag:s8] =	ssyncset.done @!p1 $0x0  }
0x9d: {  	s22 =	sadd.s32 $0x1040, s9;
	s24 =	sadd.s32 $0x820, s3;
	[sflag:s8] =	ssyncadd.s32 @!p1 $0xFFFFFCE0  }
0x9e: {  	[spmem:s2] =	stream.indirect.scatter.add.f32 [tilespmem:s22], [sflag:$0x2], $0x8, s24, s23, $0xb8;
	[tilespmem:$0xB2C0] =	vst v63  }
0x9f: {  	s22 =	sadd.s32 $0x1360, s9;
	s24 =	sadd.s32 $0x888, s3  }
0xa0: {  	[spmem:s2] =	stream.indirect.scatter.add.f32 [tilespmem:s22], [sflag:$0x2], $0x8, s24, s23, $0xb8;
	[tilespmem:$0xB2C0] =	vst v63  }
0xa1: {  	s22 =	sadd.s32 $0x1680, s9;
	s24 =	sadd.s32 $0x8F0, s3  }
0xa2: {  	[spmem:s2] =	stream.indirect.scatter.add.f32 [tilespmem:s22], [sflag:$0x2], $0x8, s24, s23, $0xb8;
	[tilespmem:$0xB2C0] =	vst v63  }
0xa3: {  	s22 =	sadd.s32 $0x19A0, s9;
	s24 =	sadd.s32 $0x958, s3  }
0xa4: {  	[spmem:s2] =	stream.indirect.scatter.add.f32 [tilespmem:s22], [sflag:$0x2], $0x8, s24, s23, $0xb8;
	[tilespmem:$0xB2C0] =	vst v63  }
0xa5: {  	s22 =	sadd.s32 $0x1CC0, s9;
	s24 =	sadd.s32 $0x9C0, s3  }
0xa6: {  	[spmem:s2] =	stream.indirect.scatter.add.f32 [tilespmem:s22], [sflag:$0x2], $0x8, s24, s23, $0xb8;
	[tilespmem:$0xB2C0] =	vst v63  }
0xa7: {  	s22 =	sadd.s32 $0x1FE0, s9;
	s24 =	sadd.s32 $0xA28, s3  }
0xa8: {  	[spmem:s2] =	stream.indirect.scatter.add.f32 [tilespmem:s22], [sflag:$0x2], $0x8, s24, s23, $0xb8;
	[tilespmem:$0xB2C0] =	vst v63  }
0xa9: {  	s22 =	sadd.s32 $0x2300, s9;
	s24 =	sadd.s32 $0xA90, s3  }
0xaa: {  	[spmem:s2] =	stream.indirect.scatter.add.f32 [tilespmem:s22], [sflag:$0x2], $0x8, s24, s23, $0xb8;
	[tilespmem:$0xB2C0] =	vst v63  }
0xab: {  	s22 =	sadd.s32 $0x2620, s9;
	s24 =	sadd.s32 $0xAF8, s3  }
0xac: {  	[spmem:s2] =	stream.indirect.scatter.add.f32 [tilespmem:s22], [sflag:$0x2], $0x8, s24, s23, $0xb8;
	[tilespmem:$0xB2C0] =	vst v63  }
0xad: {  	s22 =	sadd.s32 $0x2940, s9;
	s24 =	sadd.s32 $0xB60, s3  }
0xae: {  	[spmem:s2] =	stream.indirect.scatter.add.f32 [tilespmem:s22], [sflag:$0x2], $0x8, s24, s23, $0xb8;
	[tilespmem:$0xB2C0] =	vst v63  }
0xaf: {  	s3 =	sadd.s32 $0xBC8, s3;
	s24 =	sadd.s32 $0x2C60, s9  }
0xb0: {  	[spmem:s2] =	stream.indirect.scatter.add.f32 [tilespmem:s24], [sflag:$0x2], $0x8, s3, s23, $0xb8;
	[tilespmem:$0xB2C0] =	vst v63  }
0xb1: {  	s3 =	smul.u32 @!p0 $0x7D00, s0  }
0xb2: {  	s0 =	smul.u32 @!p0 $0x1040, s0  }
0xb3: {  	s3 =	sshrl.u32 @!p0 s3, $0x2  }
0xb4: {  	s9 =	simm.s32 @!p0 $0x64;
	s0 =	sshrl.u32 @!p0 s0, $0x2;
	s8 =	sadd.s32 @!p0 $0x1040, s3  }
0xb5: {  	[tilespmem:s8], [sflag:$0x1] =	stream.indirect.gather @!p0 [hbm4b:s5+s9], $0x8, s0, s9, $0xb8;
	[tilespmem:$0xB2C0] =	vst v63  }
0xb6: {  	s22 =	sadd.s32 @!p0 $0x68, s0;
	s8 =	sadd.s32 @!p0 $0x1360, s3  }
0xb7: {  	[tilespmem:s8], [sflag:$0x1] =	stream.indirect.gather @!p0 [hbm4b:s5+s9], $0x8, s22, s9, $0xb8;
	[tilespmem:$0xB2C0] =	vst v63  }
0xb8: {  	s8 =	sadd.s32 @!p0 $0x1680, s3;
	s22 =	sadd.s32 @!p0 $0xD0, s0  }
0xb9: {  	[tilespmem:s8], [sflag:$0x1] =	stream.indirect.gather @!p0 [hbm4b:s5+s9], $0x8, s22, s9, $0xb8;
	[tilespmem:$0xB2C0] =	vst v63  }
0xba: {  	s8 =	sadd.s32 @!p0 $0x19A0, s3;
	s22 =	sadd.s32 @!p0 $0x138, s0  }
0xbb: {  	[tilespmem:s8], [sflag:$0x1] =	stream.indirect.gather @!p0 [hbm4b:s5+s9], $0x8, s22, s9, $0xb8;
	[tilespmem:$0xB2C0] =	vst v63  }
0xbc: {  	s8 =	sadd.s32 @!p0 $0x1CC0, s3;
	s22 =	sadd.s32 @!p0 $0x1A0, s0  }
0xbd: {  	[tilespmem:s8], [sflag:$0x1] =	stream.indirect.gather @!p0 [hbm4b:s5+s9], $0x8, s22, s9, $0xb8;
	[tilespmem:$0xB2C0] =	vst v63  }
0xbe: {  	s30 =	sadd.s32 @!p0 $0x82, s30;
	s8 =	sadd.s32 @!p0 $0x1FE0, s3;
	s22 =	sadd.s32 @!p0 $0x208, s0  }
0xbf: {  	[tilespmem:s8], [sflag:$0x1] =	stream.indirect.gather @!p0 [hbm4b:s5+s9], $0x8, s22, s9, $0xb8;
	[tilespmem:$0xB2C0] =	vst v63  }
0xc0: {  	p1 =	sne.s32 @!p0 s30, $0xCB2;
	s8 =	sadd.s32 @!p0 $0x2300, s3;
	s22 =	sadd.s32 @!p0 $0x270, s0  }
0xc1: {  	[tilespmem:s8], [sflag:$0x1] =	stream.indirect.gather @!p0 [hbm4b:s5+s9], $0x8, s22, s9, $0xb8;
	[tilespmem:$0xB2C0] =	vst v63  }
0xc2: {  	p1 =	por p0, !p1;
	s8 =	sadd.s32 @!p0 $0x2620, s3;
	s22 =	sadd.s32 @!p0 $0x2D8, s0  }
0xc3: {  	[tilespmem:s8], [sflag:$0x1] =	stream.indirect.gather @!p0 [hbm4b:s5+s9], $0x8, s22, s9, $0xb8;
	[tilespmem:$0xB2C0] =	vst v63  }
.Ltmp0:
0xc4: {  	_ = 	snop;
	(pc) =	sbr.rel @!p1 .LBB2_2-.Ltmp0, $4  }
0xc5: {  	s8 =	sadd.s32 @!p0 $0x2940, s3;
	s22 =	sadd.s32 @!p0 $0x340, s0  }
0xc6: {  	[tilespmem:s8], [sflag:$0x1] =	stream.indirect.gather @!p0 [hbm4b:s5+s9], $0x8, s22, s9, $0xb8;
	[tilespmem:$0xB2C0] =	vst v63  }
0xc7: {  	s31 =	sadd.s32 @!p0 $0x1, s31;
	s3 =	sadd.s32 @!p0 $0x2C60, s3;
	s0 =	sadd.s32 @!p0 $0x3A8, s0  }
0xc8: {  	[tilespmem:s3], [sflag:$0x1] =	stream.indirect.gather @!p0 [hbm4b:s5+s9], $0x8, s0, s9, $0xb8;
	[tilespmem:$0xB2C0] =	vst v63  }
0xc9: {  	_ =	swait.ge [sflag:s28], $0x320  }
0xca: {  	[sflag:s28] =	ssyncset.done $0x0  }
0xcb: {  	[sflag:s28] =	ssyncadd.s32 $0xFFFFFCE0  }
0xcc: {  	_ =	swait.ge [sflag:s28], $0x320  }
0xcd: {  	[sflag:s28] =	ssyncset.done $0x0  }
0xce: {  	[sflag:s28] =	ssyncadd.s32 $0xFFFFFCE0  }
0xcf: {  	_ =	swait.ge [sflag:s28], $0x320  }
0xd0: {  	[sflag:s28] =	ssyncset.done $0x0  }
0xd1: {  	[sflag:s28] =	ssyncadd.s32 $0xFFFFFCE0  }
0xd2: {  	_ =	swait.ge [sflag:s28], $0x320  }
0xd3: {  	[sflag:s28] =	ssyncset.done $0x0  }
0xd4: {  	[sflag:s28] =	ssyncadd.s32 $0xFFFFFCE0  }
0xd5: {  	_ =	swait.ge [sflag:s28], $0x320  }
0xd6: {  	[sflag:s28] =	ssyncset.done $0x0  }
0xd7: {  	[sflag:s28] =	ssyncadd.s32 $0xFFFFFCE0  }
0xd8: {  	_ =	swait.ge [sflag:s28], $0x320  }
0xd9: {  	[sflag:s28] =	ssyncset.done $0x0  }
0xda: {  	[sflag:s28] =	ssyncadd.s32 $0xFFFFFCE0  }
0xdb: {  	_ =	swait.ge [sflag:s28], $0x320  }
0xdc: {  	[sflag:s28] =	ssyncset.done $0x0  }
0xdd: {  	[sflag:s28] =	ssyncadd.s32 $0xFFFFFCE0  }
0xde: {  	_ =	swait.ge [sflag:s28], $0x320  }
0xdf: {  	[sflag:s28] =	ssyncset.done $0x0  }
0xe0: {  	[sflag:s28] =	ssyncadd.s32 $0xFFFFFCE0  }
0xe1: {  	_ =	swait.ge [sflag:s28], $0x320  }
0xe2: {  	[sflag:s28] =	ssyncset.done $0x0  }
0xe3: {  	[sflag:s28] =	ssyncadd.s32 $0xFFFFFCE0  }
0xe4: {  	_ =	swait.ge [sflag:s28], $0x320  }
0xe5: {  	[sflag:s28] =	ssyncset.done $0x0  }
0xe6: {  	s29 =	sadd.s32 $0x1, s29;
	[sflag:s28] =	ssyncadd.s32 $0xFFFFFCE0  }
0xe7: {  	p0 =	sne.s32 s29, s10;
	[bflag:$0x0] =	sbarrier.arrive $0xFFFF  }
.Ltmp1:
0xe8: {  	s0 =	rddreg [dreg:$0x5];
	(pc) =	sbr.rel @p0 .LBB2_1-.Ltmp1, $4  }
0xe9: {  	[hbm:s0], [sflag:s7] =	dma.local [spmem:s25], $0xC80  }
0xea: {  	_ =	swait.ge [sflag:s14], $0xC80  }
0xeb: {  	[sflag:s14] =	ssyncset.done $0x0  }
0xec: {  	[sflag:s14] =	ssyncadd.s32 $0xFFFFF380  }
0xed: {  	_ =	sfence.sel $0x180000  }
0xee: {  	[bflag:$0x0] =	sbarrier.arrive $0xFFFF  }
0xef: {  	_ =	strace $0x90000047  }
0xf0: {  	s0 =	stileid.u32;
	[bflag:$0x2] =	sbarrier.arrive $0xFFFF  }
0xf1: {  	p0 =	sne.s32 s0, $0x0;
	s0 =	rddreg [dreg:$0x3]  }
0xf2: {  	s0 =	sadd.s32 @!p0 $0x100000, s0  }
0xf3: {  	[sflag:s0] =	ssyncadd.tile.s32 @!p0 $0x1;
	_ =	shalt  }
.Lfunc_end2:
_tile_overlayer_lowered:
.L_overlay_start_2:
0xf4: {  	(tag) =	ssettag $0x2  }
0xf5: {  	s0 =	rddreg [dreg:$0x0];
	s2 =	stileid.u32  }
0xf6: {  	s1 =	rddreg [dreg:$0x1];
	p0 =	sne.s32 s2, $0x0  }
0xf7: {  	s3 =	rddreg [dreg:$0x2];
	[bflag:$0x3] =	sbarrier.arrive $0xFFFF;
	s2 =	simm.s32 @!p0 $0x1C03  }
0xf8: {  	[timem:s3], [sflag:s2] =	dma.local @!p0 [hbm:s0], s1  }
0xf9: {  	s0 =	simm.s32 @!p0 $0x3  }
0xfa: {  	_ =	swait.ge @!p0 [sflag:s0], s1  }
0xfb: {  	s1 =	ssub.s32 @!p0 $0x0, s1;
	[sflag:s0] =	ssyncset.done @!p0 $0x0  }
0xfc: {  	[sflag:s0] =	ssyncadd.s32 @!p0 s1  }
0xfd: {  	[bflag:$0x3] =	sbarrier.arrive $0xFFFF  }
0xfe: {  	_ =	shalt  }

</sc_bundles>
